<compile_context>
chip_gen: v7x
topology: tpu7x:2x2x1
jax: 0.10.2.dev20260603
libtpu: 0.0.44.dev20260713+nightly
codegen_flags: <defaults>
</compile_context>

<pallas_src>
import jax
import jax.numpy as jnp
from jax import lax
from jax.experimental import pallas as pl
from jax.experimental.pallas import tpu as pltpu
from jax.experimental.pallas import tpu_sc as plsc

_VOCAB = 1000000
_D = 64
_BATCH = 16384
_HIST = 200

_NC = 2
_NS = 16
_NW = _NC * _NS
_BPW = _BATCH // _NW
_TC = 128
_NTC = _BPW // _TC
_TR = _HIST // 8
_NBLK = _NTC * _TR
_NH = 2 * _NBLK
_HPC = 2 * _TR
_NSTEP = _NH // 8
_HR = 512
_LN = _D // 16


def _body(xP_hbm, table_hbm, out_hbm, idx_v, rows_v, acc, out_s,
          si0, si1, si2, si3, sr0, sr1, so):
    wid = lax.axis_index("s") * _NC + lax.axis_index("c")
    base = wid * _BPW
    tc0 = wid * _NTC
    sems_i = (si0, si1, si2, si3)
    sems_r = (sr0, sr1)
    inv = jnp.float32(1.0 / _HIST)

    def blk_src(beta):
        tr = beta % _TR
        tci = tc0 + beta // _TR
        return xP_hbm.at[tr, tci]

    def idx_dma(beta, q):
        pltpu.async_copy(blk_src(beta), idx_v.at[q], sems_i[q])

    def idx_wait(beta, q):
        pltpu.make_async_copy(blk_src(beta), idx_v.at[q], sems_i[q]).wait()

    def double_idx(q):
        def db(i, carry):
            v = idx_v[q, pl.ds(i * 16, 16)]
            idx_v[q, pl.ds(i * 16, 16)] = v + v
            return carry

        lax.fori_loop(0, (8 * _TC) // 16, db, 0)

    def gather(h, q, p):
        off = _HR * (h % 2)
        pltpu.async_copy(
            table_hbm.at[idx_v.at[q, pl.ds(off, _HR)]], rows_v.at[p],
            sems_r[p])

    def gather_wait(q, p):
        pltpu.make_async_copy(
            table_hbm.at[idx_v.at[q, pl.ds(0, _HR)]], rows_v.at[p],
            sems_r[p]).wait()

    def out_dst(h):
        return out_hbm.at[pl.ds(base + (h // _HPC) * _TC, _TC)]

    def out_write(h):
        pltpu.async_copy(out_s, out_dst(h), so)

    def out_wait(h):
        pltpu.make_async_copy(out_s, out_dst(h), so).wait()

    def zero_acc():
        z = jnp.zeros((16,), jnp.float32)

        def zb(s, carry):
            for t in range(_LN):
                acc[s, pl.ds(t * 16, 16)] = z
            return carry

        lax.fori_loop(0, _TC, zb, 0)

    def accumulate(p):
        def ab(s, carry):
            for t in range(_LN):
                a = acc[s, pl.ds(t * 16, 16)]
                for r in range(4):
                    a = a + rows_v[p, r * _TC + s, pl.ds(t * 16, 16)]
                acc[s, pl.ds(t * 16, 16)] = a
            return carry

        lax.fori_loop(0, _TC, ab, 0)

    def scale_out():
        def sb(s, carry):
            for t in range(_LN):
                out_s[s, pl.ds(t * 16, 16)] = acc[s, pl.ds(t * 16, 16)] * inv
            return carry

        lax.fori_loop(0, _TC, sb, 0)

    def slot(step, u):
        h = 8 * step + u
        p = u % 2
        q0 = (u // 2) % 4
        b2 = 4 * step + (u + 2) // 2
        q2 = ((u + 2) // 2) % 4
        bi = 4 * step + u // 2 + 2
        qi = (u // 2 + 2) % 4

        gather_wait(q0, p)

        @pl.when(h % _HPC == 0)
        def _():
            zero_acc()

        accumulate(p)

        @pl.when(jnp.logical_and(h % _HPC == _HPC - 1, h > _HPC))
        def _():
            out_wait(h - _HPC)

        @pl.when(h % _HPC == _HPC - 1)
        def _():
            scale_out()
            out_write(h)

        if u % 2 == 0:
            if u == 6:
                @pl.when(step < _NSTEP - 1)
                def _():
                    idx_wait(b2, q2)
                    double_idx(q2)
                    gather(h + 2, q2, p)
            else:
                idx_wait(b2, q2)
                double_idx(q2)
                gather(h + 2, q2, p)
        else:
            if u == 7:
                @pl.when(step < _NSTEP - 1)
                def _():
                    gather(h + 2, q2, p)
                    idx_dma(bi, qi)
            elif u == 5:
                gather(h + 2, q2, p)

                @pl.when(step < _NSTEP - 1)
                def _():
                    idx_dma(bi, qi)
            elif u == 1:
                gather(h + 2, q2, p)

                @pl.when(step > 0)
                def _():
                    idx_dma(bi, qi)
            else:
                gather(h + 2, q2, p)

                @pl.when(step > 0)
                def _():
                    idx_dma(bi, qi)

    for q in range(4):
        idx_dma(q, q)
    idx_wait(0, 0)
    double_idx(0)
    gather(0, 0, 0)
    gather(1, 0, 1)

    def step_body(step, carry):
        for u in range(8):
            slot(step, u)
        return carry

    lax.fori_loop(0, _NSTEP, step_body, 0)

    out_wait(_NH - 1)


@jax.jit
def kernel(x, table):
    xP = (x.T.astype(jnp.int32)
          .reshape(_TR, 8, _BATCH // _TC, _TC)
          .transpose(0, 2, 1, 3)
          .reshape(_TR, _BATCH // _TC, 8 * _TC))
    tableP = jnp.pad(table, ((0, 0), (0, 64))).reshape(2 * _VOCAB, _D)
    mesh = plsc.VectorSubcoreMesh(core_axis_name="c", subcore_axis_name="s")
    f = pl.kernel(
        _body,
        out_type=jax.ShapeDtypeStruct((_BATCH, _D), jnp.float32),
        mesh=mesh,
        scratch_types=[
            pltpu.VMEM((4, 8 * _TC), jnp.int32),
            pltpu.VMEM((2, _HR, _D), jnp.float32),
            pltpu.VMEM((_TC, _D), jnp.float32),
            pltpu.VMEM((_TC, _D), jnp.float32),
            pltpu.SemaphoreType.DMA,
            pltpu.SemaphoreType.DMA,
            pltpu.SemaphoreType.DMA,
            pltpu.SemaphoreType.DMA,
            pltpu.SemaphoreType.DMA,
            pltpu.SemaphoreType.DMA,
            pltpu.SemaphoreType.DMA,
        ],
        compiler_params=pltpu.CompilerParams(
            use_tc_tiling_on_sc=False, needs_layout_passes=False),
    )
    return f(xP, tableP)

# --- scband reference (transcript-rebuilt; emitter-appended) ---
"""Pipeline reference for scband-text-adapter-68788196213208 (READ-ONLY COPY).

The authoritative reference and input builder live on the scoring server;
editing this copy changes nothing except your own understanding.
"""

import jax, jax.numpy as jnp
import numpy as np

VOCAB = 1000000
D_MODEL = 64
BATCH = 16384
HIST = 200

def setup_inputs(seed: int = 0) -> dict:
    key = jax.random.key(seed)
    k_idx, k_tab = jax.random.split(key)
    x = jax.random.randint(k_idx, (BATCH, HIST), 0, VOCAB, dtype=jnp.int64 if jax.config.jax_enable_x64 else jnp.int32)
    table = jax.random.normal(k_tab, (VOCAB, D_MODEL), dtype=jnp.float32) * 0.02
    return {"x": x, "table": table}

def reference(x, table):
    # nn.Embedding lookup: gather rows from table
    embeddings = jnp.take(table, x, axis=0)  # [B, L, D]
    # mean over sequence dim (dim=1)
    return embeddings.mean(axis=1)  # [B, D]

if __name__ == "__main__":
    import jax
    _d = setup_inputs()
    print(jax.jit(kernel)(*tuple(_d.values())))

</pallas_src>

<mosaic_0001>
#map = affine_map<(d0, d1) -> (0, 0, 0)>
#map1 = affine_map<(d0, d1) -> (0, 0)>
module attributes {stable_mosaic.version = 14 : i64} {
  func.func @_body(%arg0: i32, %arg1: i32, %arg2: memref<25x128x1024xi32, #tpu.memory_space<hbm>>, %arg3: memref<2000000x64xf32, #tpu.memory_space<hbm>>, %arg4: memref<16384x64xf32, #tpu.memory_space<hbm>>, %arg5: memref<4x1024xi32, #tpu.memory_space<vmem>>, %arg6: memref<2x512x64xf32, #tpu.memory_space<vmem>>, %arg7: memref<128x64xf32, #tpu.memory_space<vmem>>, %arg8: memref<128x64xf32, #tpu.memory_space<vmem>>, %arg9: memref<!tpu.dma_semaphore, #tpu.memory_space<semaphore_mem>>, %arg10: memref<!tpu.dma_semaphore, #tpu.memory_space<semaphore_mem>>, %arg11: memref<!tpu.dma_semaphore, #tpu.memory_space<semaphore_mem>>, %arg12: memref<!tpu.dma_semaphore, #tpu.memory_space<semaphore_mem>>, %arg13: memref<!tpu.dma_semaphore, #tpu.memory_space<semaphore_mem>>, %arg14: memref<!tpu.dma_semaphore, #tpu.memory_space<semaphore_mem>>, %arg15: memref<!tpu.dma_semaphore, #tpu.memory_space<semaphore_mem>>) attributes {dimension_semantics = [#tpu.dimension_semantics<core_parallel>, #tpu.dimension_semantics<subcore_parallel>], iteration_bounds = array<i64: 2, 16>, scalar_prefetch = 0 : i64, scratch_operands = 11 : i64, tpu.core_type = #tpu.core_type<sc_vector_subcore>, window_params = [{transform_indices = #map}, {transform_indices = #map1}, {transform_indices = #map1}]} {
    %mul3A = arith.constant 2 : i32
    %mul3A_0 = arith.muli %arg1, %mul3A : i32
    %add3A = arith.addi %mul3A_0, %arg0 : i32
    %mul3A_1 = arith.constant 512 : i32
    %mul3A_2 = arith.muli %add3A, %mul3A_1 : i32
    %mul3A_3 = arith.constant 4 : i32
    %mul3A_4 = arith.muli %add3A, %mul3A_3 : i32
    %add3A_5 = arith.constant 0 : i32
    %add3A_6 = arith.addi %mul3A_4, %add3A_5 : i32
    %dma_start3A = arith.constant 0 : i32
    %dma_start3A_7 = arith.constant 0 : i32
    %dma_start3A_8 = arith.constant 0 : i32
    %dma_start3A_9 = tpu.memref_slice %arg5[%dma_start3A_7, %dma_start3A_8] : memref<4x1024xi32, #tpu.memory_space<vmem>> -> memref<1x1024xi32, #tpu.memory_space<vmem>>
    %dma_start3A_10 = tpu.memref_squeeze %dma_start3A_9 : memref<1x1024xi32, #tpu.memory_space<vmem>> -> memref<1024xi32, #tpu.memory_space<vmem>>
    %dma_start3A_11 = arith.constant 0 : i32
    %dma_start3A_12 = tpu.memref_slice %arg2[%dma_start3A, %add3A_6, %dma_start3A_11] : memref<25x128x1024xi32, #tpu.memory_space<hbm>> -> memref<1x1x1024xi32, #tpu.memory_space<hbm>>
    %dma_start3A_13 = tpu.memref_squeeze %dma_start3A_12 : memref<1x1x1024xi32, #tpu.memory_space<hbm>> -> memref<1024xi32, #tpu.memory_space<hbm>>
    %dma_start3A_14 = arith.constant 0 : i32
    %dma_start3A_15 = tpu.memref_slice %arg5[%dma_start3A_7, %dma_start3A_14] : memref<4x1024xi32, #tpu.memory_space<vmem>> -> memref<1x1024xi32, #tpu.memory_space<vmem>>
    %dma_start3A_16 = tpu.memref_squeeze %dma_start3A_15 : memref<1x1024xi32, #tpu.memory_space<vmem>> -> memref<1024xi32, #tpu.memory_space<vmem>>
    %dma_start3A_17 = arith.constant 0 : i32
    %dma_start3A_18 = tpu.memref_slice %arg2[%dma_start3A, %add3A_6, %dma_start3A_17] : memref<25x128x1024xi32, #tpu.memory_space<hbm>> -> memref<1x1x1024xi32, #tpu.memory_space<hbm>>
    %dma_start3A_19 = tpu.memref_squeeze %dma_start3A_18 : memref<1x1x1024xi32, #tpu.memory_space<hbm>> -> memref<1024xi32, #tpu.memory_space<hbm>>
    tpu.enqueue_dma source(%dma_start3A_19 : memref<1024xi32, #tpu.memory_space<hbm>>) target(%dma_start3A_16 : memref<1024xi32, #tpu.memory_space<vmem>>) target_semaphore(%arg9 : memref<!tpu.dma_semaphore, #tpu.memory_space<semaphore_mem>>)
    %add3A_20 = arith.constant 0 : i32
    %add3A_21 = arith.addi %mul3A_4, %add3A_20 : i32
    %dma_start3A_22 = arith.constant 1 : i32
    %dma_start3A_23 = arith.constant 1 : i32
    %dma_start3A_24 = arith.constant 0 : i32
    %dma_start3A_25 = tpu.memref_slice %arg5[%dma_start3A_23, %dma_start3A_24] : memref<4x1024xi32, #tpu.memory_space<vmem>> -> memref<1x1024xi32, #tpu.memory_space<vmem>>
    %dma_start3A_26 = tpu.memref_squeeze %dma_start3A_25 : memref<1x1024xi32, #tpu.memory_space<vmem>> -> memref<1024xi32, #tpu.memory_space<vmem>>
    %dma_start3A_27 = arith.constant 0 : i32
    %dma_start3A_28 = tpu.memref_slice %arg2[%dma_start3A_22, %add3A_21, %dma_start3A_27] : memref<25x128x1024xi32, #tpu.memory_space<hbm>> -> memref<1x1x1024xi32, #tpu.memory_space<hbm>>
    %dma_start3A_29 = tpu.memref_squeeze %dma_start3A_28 : memref<1x1x1024xi32, #tpu.memory_space<hbm>> -> memref<1024xi32, #tpu.memory_space<hbm>>
    %dma_start3A_30 = arith.constant 0 : i32
    %dma_start3A_31 = tpu.memref_slice %arg5[%dma_start3A_23, %dma_start3A_30] : memref<4x1024xi32, #tpu.memory_space<vmem>> -> memref<1x1024xi32, #tpu.memory_space<vmem>>
    %dma_start3A_32 = tpu.memref_squeeze %dma_start3A_31 : memref<1x1024xi32, #tpu.memory_space<vmem>> -> memref<1024xi32, #tpu.memory_space<vmem>>
    %dma_start3A_33 = arith.constant 0 : i32
    %dma_start3A_34 = tpu.memref_slice %arg2[%dma_start3A_22, %add3A_21, %dma_start3A_33] : memref<25x128x1024xi32, #tpu.memory_space<hbm>> -> memref<1x1x1024xi32, #tpu.memory_space<hbm>>
    %dma_start3A_35 = tpu.memref_squeeze %dma_start3A_34 : memref<1x1x1024xi32, #tpu.memory_space<hbm>> -> memref<1024xi32, #tpu.memory_space<hbm>>
    tpu.enqueue_dma source(%dma_start3A_35 : memref<1024xi32, #tpu.memory_space<hbm>>) target(%dma_start3A_32 : memref<1024xi32, #tpu.memory_space<vmem>>) target_semaphore(%arg10 : memref<!tpu.dma_semaphore, #tpu.memory_space<semaphore_mem>>)
    %add3A_36 = arith.constant 0 : i32
    %add3A_37 = arith.addi %mul3A_4, %add3A_36 : i32
    %dma_start3A_38 = arith.constant 2 : i32
    %dma_start3A_39 = arith.constant 2 : i32
    %dma_start3A_40 = arith.constant 0 : i32
    %dma_start3A_41 = tpu.memref_slice %arg5[%dma_start3A_39, %dma_start3A_40] : memref<4x1024xi32, #tpu.memory_space<vmem>> -> memref<1x1024xi32, #tpu.memory_space<vmem>>
    %dma_start3A_42 = tpu.memref_squeeze %dma_start3A_41 : memref<1x1024xi32, #tpu.memory_space<vmem>> -> memref<1024xi32, #tpu.memory_space<vmem>>
    %dma_start3A_43 = arith.constant 0 : i32
    %dma_start3A_44 = tpu.memref_slice %arg2[%dma_start3A_38, %add3A_37, %dma_start3A_43] : memref<25x128x1024xi32, #tpu.memory_space<hbm>> -> memref<1x1x1024xi32, #tpu.memory_space<hbm>>
    %dma_start3A_45 = tpu.memref_squeeze %dma_start3A_44 : memref<1x1x1024xi32, #tpu.memory_space<hbm>> -> memref<1024xi32, #tpu.memory_space<hbm>>
    %dma_start3A_46 = arith.constant 0 : i32
    %dma_start3A_47 = tpu.memref_slice %arg5[%dma_start3A_39, %dma_start3A_46] : memref<4x1024xi32, #tpu.memory_space<vmem>> -> memref<1x1024xi32, #tpu.memory_space<vmem>>
    %dma_start3A_48 = tpu.memref_squeeze %dma_start3A_47 : memref<1x1024xi32, #tpu.memory_space<vmem>> -> memref<1024xi32, #tpu.memory_space<vmem>>
    %dma_start3A_49 = arith.constant 0 : i32
    %dma_start3A_50 = tpu.memref_slice %arg2[%dma_start3A_38, %add3A_37, %dma_start3A_49] : memref<25x128x1024xi32, #tpu.memory_space<hbm>> -> memref<1x1x1024xi32, #tpu.memory_space<hbm>>
    %dma_start3A_51 = tpu.memref_squeeze %dma_start3A_50 : memref<1x1x1024xi32, #tpu.memory_space<hbm>> -> memref<1024xi32, #tpu.memory_space<hbm>>
    tpu.enqueue_dma source(%dma_start3A_51 : memref<1024xi32, #tpu.memory_space<hbm>>) target(%dma_start3A_48 : memref<1024xi32, #tpu.memory_space<vmem>>) target_semaphore(%arg11 : memref<!tpu.dma_semaphore, #tpu.memory_space<semaphore_mem>>)
    %add3A_52 = arith.constant 0 : i32
    %add3A_53 = arith.addi %mul3A_4, %add3A_52 : i32
    %dma_start3A_54 = arith.constant 3 : i32
    %dma_start3A_55 = arith.constant 3 : i32
    %dma_start3A_56 = arith.constant 0 : i32
    %dma_start3A_57 = tpu.memref_slice %arg5[%dma_start3A_55, %dma_start3A_56] : memref<4x1024xi32, #tpu.memory_space<vmem>> -> memref<1x1024xi32, #tpu.memory_space<vmem>>
    %dma_start3A_58 = tpu.memref_squeeze %dma_start3A_57 : memref<1x1024xi32, #tpu.memory_space<vmem>> -> memref<1024xi32, #tpu.memory_space<vmem>>
    %dma_start3A_59 = arith.constant 0 : i32
    %dma_start3A_60 = tpu.memref_slice %arg2[%dma_start3A_54, %add3A_53, %dma_start3A_59] : memref<25x128x1024xi32, #tpu.memory_space<hbm>> -> memref<1x1x1024xi32, #tpu.memory_space<hbm>>
    %dma_start3A_61 = tpu.memref_squeeze %dma_start3A_60 : memref<1x1x1024xi32, #tpu.memory_space<hbm>> -> memref<1024xi32, #tpu.memory_space<hbm>>
    %dma_start3A_62 = arith.constant 0 : i32
    %dma_start3A_63 = tpu.memref_slice %arg5[%dma_start3A_55, %dma_start3A_62] : memref<4x1024xi32, #tpu.memory_space<vmem>> -> memref<1x1024xi32, #tpu.memory_space<vmem>>
    %dma_start3A_64 = tpu.memref_squeeze %dma_start3A_63 : memref<1x1024xi32, #tpu.memory_space<vmem>> -> memref<1024xi32, #tpu.memory_space<vmem>>
    %dma_start3A_65 = arith.constant 0 : i32
    %dma_start3A_66 = tpu.memref_slice %arg2[%dma_start3A_54, %add3A_53, %dma_start3A_65] : memref<25x128x1024xi32, #tpu.memory_space<hbm>> -> memref<1x1x1024xi32, #tpu.memory_space<hbm>>
    %dma_start3A_67 = tpu.memref_squeeze %dma_start3A_66 : memref<1x1x1024xi32, #tpu.memory_space<hbm>> -> memref<1024xi32, #tpu.memory_space<hbm>>
    tpu.enqueue_dma source(%dma_start3A_67 : memref<1024xi32, #tpu.memory_space<hbm>>) target(%dma_start3A_64 : memref<1024xi32, #tpu.memory_space<vmem>>) target_semaphore(%arg12 : memref<!tpu.dma_semaphore, #tpu.memory_space<semaphore_mem>>)
    %add3A_68 = arith.constant 0 : i32
    %add3A_69 = arith.addi %mul3A_4, %add3A_68 : i32
    %dma_wait3A = arith.constant 0 : i32
    %dma_wait3A_70 = arith.constant 0 : i32
    %dma_wait3A_71 = arith.constant 0 : i32
    %dma_wait3A_72 = tpu.memref_slice %arg5[%dma_wait3A_70, %dma_wait3A_71] : memref<4x1024xi32, #tpu.memory_space<vmem>> -> memref<1x1024xi32, #tpu.memory_space<vmem>>
    %dma_wait3A_73 = tpu.memref_squeeze %dma_wait3A_72 : memref<1x1024xi32, #tpu.memory_space<vmem>> -> memref<1024xi32, #tpu.memory_space<vmem>>
    %dma_wait3A_74 = arith.constant 0 : i32
    %dma_wait3A_75 = tpu.memref_slice %arg2[%dma_wait3A, %add3A_69, %dma_wait3A_74] : memref<25x128x1024xi32, #tpu.memory_space<hbm>> -> memref<1x1x1024xi32, #tpu.memory_space<hbm>>
    %dma_wait3A_76 = tpu.memref_squeeze %dma_wait3A_75 : memref<1x1x1024xi32, #tpu.memory_space<hbm>> -> memref<1024xi32, #tpu.memory_space<hbm>>
    %dma_wait3A_77 = arith.constant 0 : i32
    %dma_wait3A_78 = tpu.memref_slice %arg5[%dma_wait3A_70, %dma_wait3A_77] : memref<4x1024xi32, #tpu.memory_space<vmem>> -> memref<1x1024xi32, #tpu.memory_space<vmem>>
    %dma_wait3A_79 = tpu.memref_squeeze %dma_wait3A_78 : memref<1x1024xi32, #tpu.memory_space<vmem>> -> memref<1024xi32, #tpu.memory_space<vmem>>
    %dma_wait3A_80 = arith.constant 0 : i32
    %dma_wait3A_81 = tpu.memref_slice %arg2[%dma_wait3A, %add3A_69, %dma_wait3A_80] : memref<25x128x1024xi32, #tpu.memory_space<hbm>> -> memref<1x1x1024xi32, #tpu.memory_space<hbm>>
    %dma_wait3A_82 = tpu.memref_squeeze %dma_wait3A_81 : memref<1x1x1024xi32, #tpu.memory_space<hbm>> -> memref<1024xi32, #tpu.memory_space<hbm>>
    tpu.wait_dma2 semaphore(%arg9 : memref<!tpu.dma_semaphore, #tpu.memory_space<semaphore_mem>>) src(%dma_wait3A_82 : memref<1024xi32, #tpu.memory_space<hbm>>) dst(%dma_wait3A_79 : memref<1024xi32, #tpu.memory_space<vmem>>)
    %scan3A = arith.constant 0 : i32
    %scan3A_83 = arith.constant 0 : i32
    %scan3A_84 = arith.constant 64 : i32
    %scan3A_85 = arith.addi %scan3A_83, %scan3A_84 : i32
    %scan3A_86 = arith.constant 1 : i32
    scf.for %scan3A_125 = %scan3A_83 to %scan3A_85 step %scan3A_86  : i32 {
      %mul3A_126 = arith.constant 16 : i32
      %mul3A_127 = arith.muli %scan3A_125, %mul3A_126 : i32
      %get3A = arith.constant 0 : i32
      %get3A_128 = arith.index_cast %get3A : i32 to index
      %get3A_129 = arith.index_cast %mul3A_127 : i32 to index
      %get3A_130 = tpu.vector_load %arg5[%get3A_128, %get3A_129] {strides = array<i32>} : memref<4x1024xi32, #tpu.memory_space<vmem>>, vector<16xi32>,
      %add3A_131 = arith.addi %get3A_130, %get3A_130 : vector<16xi32>
      %mul3A_132 = arith.constant 16 : i32
      %mul3A_133 = arith.muli %scan3A_125, %mul3A_132 : i32
      %swap3A = arith.constant 0 : i32
      %swap3A_134 = arith.index_cast %swap3A : i32 to index
      %swap3A_135 = arith.index_cast %mul3A_133 : i32 to index
      %swap3A_136 = tpu.vector_load %arg5[%swap3A_134, %swap3A_135] {strides = array<i32>} : memref<4x1024xi32, #tpu.memory_space<vmem>>, vector<16xi32>,
      tpu.vector_store %arg5[%swap3A_134, %swap3A_135], %add3A_131 {strides = array<i32>} : memref<4x1024xi32, #tpu.memory_space<vmem>>, vector<16xi32>,
    }
    %scan3A_87 = arith.constant 64 : i32
    %dma_start3A_88 = arith.constant 0 : i32
    %dma_start3A_89 = arith.constant 0 : i32
    %dma_start3A_90 = arith.constant 0 : i32
    %dma_start3A_91 = arith.constant 0 : i32
    %dma_start3A_92 = tpu.memref_slice %arg6[%dma_start3A_89, %dma_start3A_90, %dma_start3A_91] : memref<2x512x64xf32, #tpu.memory_space<vmem>> -> memref<1x512x64xf32, #tpu.memory_space<vmem>>
    %dma_start3A_93 = tpu.memref_squeeze %dma_start3A_92 : memref<1x512x64xf32, #tpu.memory_space<vmem>> -> memref<512x64xf32, #tpu.memory_space<vmem>>
    %dma_start3A_94 = arith.constant 0 : i32
    %dma_start3A_95 = tpu.memref_slice %arg5[%dma_start3A_88, %dma_start3A_94] : memref<4x1024xi32, #tpu.memory_space<vmem>> -> memref<1x512xi32, #tpu.memory_space<vmem>>
    %dma_start3A_96 = tpu.memref_squeeze %dma_start3A_95 : memref<1x512xi32, #tpu.memory_space<vmem>> -> memref<512xi32, #tpu.memory_space<vmem>>
    %dma_start3A_97 = arith.constant 0 : i32
    %dma_start3A_98 = arith.constant 0 : i32
    %dma_start3A_99 = tpu.memref_slice %arg3[%dma_start3A_97, %dma_start3A_98] : memref<2000000x64xf32, #tpu.memory_space<hbm>> -> memref<2000000x64xf32, #tpu.memory_space<hbm>>
    tpu.enqueue_indirect_dma source(%dma_start3A_99 : memref<2000000x64xf32, #tpu.memory_space<hbm>>) target(%dma_start3A_93 : memref<512x64xf32, #tpu.memory_space<vmem>>) offsets(%dma_start3A_96 : memref<512xi32, #tpu.memory_space<vmem>>) semaphore(%arg13 : memref<!tpu.dma_semaphore, #tpu.memory_space<semaphore_mem>>)
    %dma_start3A_100 = arith.constant 0 : i32
    %dma_start3A_101 = arith.constant 1 : i32
    %dma_start3A_102 = arith.constant 0 : i32
    %dma_start3A_103 = arith.constant 0 : i32
    %dma_start3A_104 = tpu.memref_slice %arg6[%dma_start3A_101, %dma_start3A_102, %dma_start3A_103] : memref<2x512x64xf32, #tpu.memory_space<vmem>> -> memref<1x512x64xf32, #tpu.memory_space<vmem>>
    %dma_start3A_105 = tpu.memref_squeeze %dma_start3A_104 : memref<1x512x64xf32, #tpu.memory_space<vmem>> -> memref<512x64xf32, #tpu.memory_space<vmem>>
    %dma_start3A_106 = arith.constant 512 : i32
    %dma_start3A_107 = tpu.memref_slice %arg5[%dma_start3A_100, %dma_start3A_106] : memref<4x1024xi32, #tpu.memory_space<vmem>> -> memref<1x512xi32, #tpu.memory_space<vmem>>
    %dma_start3A_108 = tpu.memref_squeeze %dma_start3A_107 : memref<1x512xi32, #tpu.memory_space<vmem>> -> memref<512xi32, #tpu.memory_space<vmem>>
    %dma_start3A_109 = arith.constant 0 : i32
    %dma_start3A_110 = arith.constant 0 : i32
    %dma_start3A_111 = tpu.memref_slice %arg3[%dma_start3A_109, %dma_start3A_110] : memref<2000000x64xf32, #tpu.memory_space<hbm>> -> memref<2000000x64xf32, #tpu.memory_space<hbm>>
    tpu.enqueue_indirect_dma source(%dma_start3A_111 : memref<2000000x64xf32, #tpu.memory_space<hbm>>) target(%dma_start3A_105 : memref<512x64xf32, #tpu.memory_space<vmem>>) offsets(%dma_start3A_108 : memref<512xi32, #tpu.memory_space<vmem>>) semaphore(%arg14 : memref<!tpu.dma_semaphore, #tpu.memory_space<semaphore_mem>>)
    %scan3A_112 = arith.constant 0 : i32
    %scan3A_113 = arith.constant 5.000000e-03 : f32
    %scan3A_114 = arith.constant 0 : i32
    %scan3A_115 = arith.constant 25 : i32
    %scan3A_116 = arith.addi %scan3A_114, %scan3A_115 : i32
    %scan3A_117 = arith.constant 1 : i32
    scf.for %scan3A_125 = %scan3A_114 to %scan3A_116 step %scan3A_117  : i32 {
      %mul3A_126 = arith.constant 8 : i32
      %mul3A_127 = arith.muli %mul3A_126, %scan3A_125 : i32
      %add3A_128 = arith.constant 0 : i32
      %add3A_129 = arith.addi %mul3A_127, %add3A_128 : i32
      %mul3A_130 = arith.constant 4 : i32
      %mul3A_131 = arith.muli %mul3A_130, %scan3A_125 : i32
      %add3A_132 = arith.constant 1 : i32
      %add3A_133 = arith.addi %mul3A_131, %add3A_132 : i32
      %mul3A_134 = arith.constant 4 : i32
      %mul3A_135 = arith.muli %mul3A_134, %scan3A_125 : i32
      %add3A_136 = arith.constant 0 : i32
      %add3A_137 = arith.addi %mul3A_135, %add3A_136 : i32
      %add3A_138 = arith.constant 2 : i32
      %add3A_139 = arith.addi %add3A_137, %add3A_138 : i32
      %dma_wait3A_140 = arith.constant 0 : i32
      %dma_wait3A_141 = arith.constant 0 : i32
      %dma_wait3A_142 = arith.constant 0 : i32
      %dma_wait3A_143 = arith.constant 0 : i32
      %dma_wait3A_144 = tpu.memref_slice %arg6[%dma_wait3A_141, %dma_wait3A_142, %dma_wait3A_143] : memref<2x512x64xf32, #tpu.memory_space<vmem>> -> memref<1x512x64xf32, #tpu.memory_space<vmem>>
      %dma_wait3A_145 = tpu.memref_squeeze %dma_wait3A_144 : memref<1x512x64xf32, #tpu.memory_space<vmem>> -> memref<512x64xf32, #tpu.memory_space<vmem>>
      %dma_wait3A_146 = arith.constant 0 : i32
      %dma_wait3A_147 = tpu.memref_slice %arg5[%dma_wait3A_140, %dma_wait3A_146] : memref<4x1024xi32, #tpu.memory_space<vmem>> -> memref<1x512xi32, #tpu.memory_space<vmem>>
      %dma_wait3A_148 = tpu.memref_squeeze %dma_wait3A_147 : memref<1x512xi32, #tpu.memory_space<vmem>> -> memref<512xi32, #tpu.memory_space<vmem>>
      %dma_wait3A_149 = arith.constant 0 : i32
      %dma_wait3A_150 = arith.constant 0 : i32
      %dma_wait3A_151 = tpu.memref_slice %arg3[%dma_wait3A_149, %dma_wait3A_150] : memref<2000000x64xf32, #tpu.memory_space<hbm>> -> memref<2000000x64xf32, #tpu.memory_space<hbm>>
      tpu.wait_indirect_dma semaphore(%arg13 : memref<!tpu.dma_semaphore, #tpu.memory_space<semaphore_mem>>) src(%dma_wait3A_151 : memref<2000000x64xf32, #tpu.memory_space<hbm>>) dst(%dma_wait3A_145 : memref<512x64xf32, #tpu.memory_space<vmem>>)
      %jit3A = arith.constant 50 : i32
      %eq3A = arith.constant 0 : i32
      %eq3A_152 = arith.cmpi eq, %jit3A, %eq3A : i32
      %jit3A_153 = arith.constant 1 : i32
      %select_n3A = arith.select %eq3A_152, %jit3A_153, %jit3A : i32
      %rem3A = arith.remsi %add3A_129, %select_n3A : i32
      %ne3A = arith.constant 0 : i32
      %ne3A_154 = arith.cmpi ne, %rem3A, %ne3A : i32
      %lt3A = arith.constant 0 : i32
      %lt3A_155 = arith.cmpi slt, %rem3A, %lt3A : i32
      %lt3A_156 = arith.constant 0 : i32
      %lt3A_157 = arith.cmpi slt, %select_n3A, %lt3A_156 : i32
      %ne3A_158 = arith.xori %lt3A_155, %lt3A_157 : i1
      %and3A = arith.andi %ne3A_158, %ne3A_154 : i1
      %add3A_159 = arith.addi %rem3A, %select_n3A : i32
      %select_n3A_160 = arith.select %and3A, %add3A_159, %rem3A : i32
      %eq3A_161 = arith.constant 0 : i32
      %eq3A_162 = arith.cmpi eq, %select_n3A_160, %eq3A_161 : i32
      %convert_element_type3A = arith.extui %eq3A_162 : i1 to i32
      %cond3A = arith.constant 0 : i32
      %cond3A_163 = arith.cmpi ne, %convert_element_type3A, %cond3A : i32
      scf.if %cond3A_163 {
        %broadcast_in_dim3A = arith.constant 0.000000e+00 : f32
        %broadcast_in_dim3A_1288 = vector.broadcast %broadcast_in_dim3A : f32 to vector<16xf32>
        %scan3A_1289 = arith.constant 0 : i32
        %scan3A_1290 = arith.constant 0 : i32
        %scan3A_1291 = arith.constant 128 : i32
        %scan3A_1292 = arith.addi %scan3A_1290, %scan3A_1291 : i32
        %scan3A_1293 = arith.constant 1 : i32
        scf.for %scan3A_1295 = %scan3A_1290 to %scan3A_1292 step %scan3A_1293  : i32 {
          %swap3A = arith.index_cast %scan3A_1295 : i32 to index
          %swap3A_1296 = arith.constant 0 : index
          %swap3A_1297 = tpu.vector_load %arg7[%swap3A, %swap3A_1296] {strides = array<i32>} : memref<128x64xf32, #tpu.memory_space<vmem>>, vector<16xf32>,
          tpu.vector_store %arg7[%swap3A, %swap3A_1296], %broadcast_in_dim3A_1288 {strides = array<i32>} : memref<128x64xf32, #tpu.memory_space<vmem>>, vector<16xf32>,
          %swap3A_1298 = arith.index_cast %scan3A_1295 : i32 to index
          %swap3A_1299 = arith.constant 16 : index
          %swap3A_1300 = tpu.vector_load %arg7[%swap3A_1298, %swap3A_1299] {strides = array<i32>} : memref<128x64xf32, #tpu.memory_space<vmem>>, vector<16xf32>,
          tpu.vector_store %arg7[%swap3A_1298, %swap3A_1299], %broadcast_in_dim3A_1288 {strides = array<i32>} : memref<128x64xf32, #tpu.memory_space<vmem>>, vector<16xf32>,
          %swap3A_1301 = arith.index_cast %scan3A_1295 : i32 to index
          %swap3A_1302 = arith.constant 32 : index
          %swap3A_1303 = tpu.vector_load %arg7[%swap3A_1301, %swap3A_1302] {strides = array<i32>} : memref<128x64xf32, #tpu.memory_space<vmem>>, vector<16xf32>,
          tpu.vector_store %arg7[%swap3A_1301, %swap3A_1302], %broadcast_in_dim3A_1288 {strides = array<i32>} : memref<128x64xf32, #tpu.memory_space<vmem>>, vector<16xf32>,
          %swap3A_1304 = arith.index_cast %scan3A_1295 : i32 to index
          %swap3A_1305 = arith.constant 48 : index
          %swap3A_1306 = tpu.vector_load %arg7[%swap3A_1304, %swap3A_1305] {strides = array<i32>} : memref<128x64xf32, #tpu.memory_space<vmem>>, vector<16xf32>,
          tpu.vector_store %arg7[%swap3A_1304, %swap3A_1305], %broadcast_in_dim3A_1288 {strides = array<i32>} : memref<128x64xf32, #tpu.memory_space<vmem>>, vector<16xf32>,
        }
        %scan3A_1294 = arith.constant 128 : i32
      } else {
      }
      %scan3A_164 = arith.constant 0 : i32
      %scan3A_165 = arith.constant 0 : i32
      %scan3A_166 = arith.constant 128 : i32
      %scan3A_167 = arith.addi %scan3A_165, %scan3A_166 : i32
      %scan3A_168 = arith.constant 1 : i32
      scf.for %scan3A_1288 = %scan3A_165 to %scan3A_167 step %scan3A_168  : i32 {
        %get3A = arith.index_cast %scan3A_1288 : i32 to index
        %get3A_1289 = arith.constant 0 : index
        %get3A_1290 = tpu.vector_load %arg7[%get3A, %get3A_1289] {strides = array<i32>} : memref<128x64xf32, #tpu.memory_space<vmem>>, vector<16xf32>,
        %add3A_1291 = arith.constant 0 : i32
        %add3A_1292 = arith.addi %add3A_1291, %scan3A_1288 : i32
        %get3A_1293 = arith.constant 0 : i32
        %get3A_1294 = arith.index_cast %get3A_1293 : i32 to index
        %get3A_1295 = arith.index_cast %add3A_1292 : i32 to index
        %get3A_1296 = arith.constant 0 : index
        %get3A_1297 = tpu.vector_load %arg6[%get3A_1294, %get3A_1295, %get3A_1296] {strides = array<i32>} : memref<2x512x64xf32, #tpu.memory_space<vmem>>, vector<16xf32>,
        %add3A_1298 = arith.addf %get3A_1290, %get3A_1297 : vector<16xf32>
        %add3A_1299 = arith.constant 128 : i32
        %add3A_1300 = arith.addi %add3A_1299, %scan3A_1288 : i32
        %get3A_1301 = arith.constant 0 : i32
        %get3A_1302 = arith.index_cast %get3A_1301 : i32 to index
        %get3A_1303 = arith.index_cast %add3A_1300 : i32 to index
        %get3A_1304 = arith.constant 0 : index
        %get3A_1305 = tpu.vector_load %arg6[%get3A_1302, %get3A_1303, %get3A_1304] {strides = array<i32>} : memref<2x512x64xf32, #tpu.memory_space<vmem>>, vector<16xf32>,
        %add3A_1306 = arith.addf %add3A_1298, %get3A_1305 : vector<16xf32>
        %add3A_1307 = arith.constant 256 : i32
        %add3A_1308 = arith.addi %add3A_1307, %scan3A_1288 : i32
        %get3A_1309 = arith.constant 0 : i32
        %get3A_1310 = arith.index_cast %get3A_1309 : i32 to index
        %get3A_1311 = arith.index_cast %add3A_1308 : i32 to index
        %get3A_1312 = arith.constant 0 : index
        %get3A_1313 = tpu.vector_load %arg6[%get3A_1310, %get3A_1311, %get3A_1312] {strides = array<i32>} : memref<2x512x64xf32, #tpu.memory_space<vmem>>, vector<16xf32>,
        %add3A_1314 = arith.addf %add3A_1306, %get3A_1313 : vector<16xf32>
        %add3A_1315 = arith.constant 384 : i32
        %add3A_1316 = arith.addi %add3A_1315, %scan3A_1288 : i32
        %get3A_1317 = arith.constant 0 : i32
        %get3A_1318 = arith.index_cast %get3A_1317 : i32 to index
        %get3A_1319 = arith.index_cast %add3A_1316 : i32 to index
        %get3A_1320 = arith.constant 0 : index
        %get3A_1321 = tpu.vector_load %arg6[%get3A_1318, %get3A_1319, %get3A_1320] {strides = array<i32>} : memref<2x512x64xf32, #tpu.memory_space<vmem>>, vector<16xf32>,
        %add3A_1322 = arith.addf %add3A_1314, %get3A_1321 : vector<16xf32>
        %swap3A = arith.index_cast %scan3A_1288 : i32 to index
        %swap3A_1323 = arith.constant 0 : index
        %swap3A_1324 = tpu.vector_load %arg7[%swap3A, %swap3A_1323] {strides = array<i32>} : memref<128x64xf32, #tpu.memory_space<vmem>>, vector<16xf32>,
        tpu.vector_store %arg7[%swap3A, %swap3A_1323], %add3A_1322 {strides = array<i32>} : memref<128x64xf32, #tpu.memory_space<vmem>>, vector<16xf32>,
        %get3A_1325 = arith.index_cast %scan3A_1288 : i32 to index
        %get3A_1326 = arith.constant 16 : index
        %get3A_1327 = tpu.vector_load %arg7[%get3A_1325, %get3A_1326] {strides = array<i32>} : memref<128x64xf32, #tpu.memory_space<vmem>>, vector<16xf32>,
        %add3A_1328 = arith.constant 0 : i32
        %add3A_1329 = arith.addi %add3A_1328, %scan3A_1288 : i32
        %get3A_1330 = arith.constant 0 : i32
        %get3A_1331 = arith.index_cast %get3A_1330 : i32 to index
        %get3A_1332 = arith.index_cast %add3A_1329 : i32 to index
        %get3A_1333 = arith.constant 16 : index
        %get3A_1334 = tpu.vector_load %arg6[%get3A_1331, %get3A_1332, %get3A_1333] {strides = array<i32>} : memref<2x512x64xf32, #tpu.memory_space<vmem>>, vector<16xf32>,
        %add3A_1335 = arith.addf %get3A_1327, %get3A_1334 : vector<16xf32>
        %add3A_1336 = arith.constant 128 : i32
        %add3A_1337 = arith.addi %add3A_1336, %scan3A_1288 : i32
        %get3A_1338 = arith.constant 0 : i32
        %get3A_1339 = arith.index_cast %get3A_1338 : i32 to index
        %get3A_1340 = arith.index_cast %add3A_1337 : i32 to index
        %get3A_1341 = arith.constant 16 : index
        %get3A_1342 = tpu.vector_load %arg6[%get3A_1339, %get3A_1340, %get3A_1341] {strides = array<i32>} : memref<2x512x64xf32, #tpu.memory_space<vmem>>, vector<16xf32>,
        %add3A_1343 = arith.addf %add3A_1335, %get3A_1342 : vector<16xf32>
        %add3A_1344 = arith.constant 256 : i32
        %add3A_1345 = arith.addi %add3A_1344, %scan3A_1288 : i32
        %get3A_1346 = arith.constant 0 : i32
        %get3A_1347 = arith.index_cast %get3A_1346 : i32 to index
        %get3A_1348 = arith.index_cast %add3A_1345 : i32 to index
        %get3A_1349 = arith.constant 16 : index
        %get3A_1350 = tpu.vector_load %arg6[%get3A_1347, %get3A_1348, %get3A_1349] {strides = array<i32>} : memref<2x512x64xf32, #tpu.memory_space<vmem>>, vector<16xf32>,
        %add3A_1351 = arith.addf %add3A_1343, %get3A_1350 : vector<16xf32>
        %add3A_1352 = arith.constant 384 : i32
        %add3A_1353 = arith.addi %add3A_1352, %scan3A_1288 : i32
        %get3A_1354 = arith.constant 0 : i32
        %get3A_1355 = arith.index_cast %get3A_1354 : i32 to index
        %get3A_1356 = arith.index_cast %add3A_1353 : i32 to index
        %get3A_1357 = arith.constant 16 : index
        %get3A_1358 = tpu.vector_load %arg6[%get3A_1355, %get3A_1356, %get3A_1357] {strides = array<i32>} : memref<2x512x64xf32, #tpu.memory_space<vmem>>, vector<16xf32>,
        %add3A_1359 = arith.addf %add3A_1351, %get3A_1358 : vector<16xf32>
        %swap3A_1360 = arith.index_cast %scan3A_1288 : i32 to index
        %swap3A_1361 = arith.constant 16 : index
        %swap3A_1362 = tpu.vector_load %arg7[%swap3A_1360, %swap3A_1361] {strides = array<i32>} : memref<128x64xf32, #tpu.memory_space<vmem>>, vector<16xf32>,
        tpu.vector_store %arg7[%swap3A_1360, %swap3A_1361], %add3A_1359 {strides = array<i32>} : memref<128x64xf32, #tpu.memory_space<vmem>>, vector<16xf32>,
        %get3A_1363 = arith.index_cast %scan3A_1288 : i32 to index
        %get3A_1364 = arith.constant 32 : index
        %get3A_1365 = tpu.vector_load %arg7[%get3A_1363, %get3A_1364] {strides = array<i32>} : memref<128x64xf32, #tpu.memory_space<vmem>>, vector<16xf32>,
        %add3A_1366 = arith.constant 0 : i32
        %add3A_1367 = arith.addi %add3A_1366, %scan3A_1288 : i32
        %get3A_1368 = arith.constant 0 : i32
        %get3A_1369 = arith.index_cast %get3A_1368 : i32 to index
        %get3A_1370 = arith.index_cast %add3A_1367 : i32 to index
        %get3A_1371 = arith.constant 32 : index
        %get3A_1372 = tpu.vector_load %arg6[%get3A_1369, %get3A_1370, %get3A_1371] {strides = array<i32>} : memref<2x512x64xf32, #tpu.memory_space<vmem>>, vector<16xf32>,
        %add3A_1373 = arith.addf %get3A_1365, %get3A_1372 : vector<16xf32>
        %add3A_1374 = arith.constant 128 : i32
        %add3A_1375 = arith.addi %add3A_1374, %scan3A_1288 : i32
        %get3A_1376 = arith.constant 0 : i32
        %get3A_1377 = arith.index_cast %get3A_1376 : i32 to index
        %get3A_1378 = arith.index_cast %add3A_1375 : i32 to index
        %get3A_1379 = arith.constant 32 : index
        %get3A_1380 = tpu.vector_load %arg6[%get3A_1377, %get3A_1378, %get3A_1379] {strides = array<i32>} : memref<2x512x64xf32, #tpu.memory_space<vmem>>, vector<16xf32>,
        %add3A_1381 = arith.addf %add3A_1373, %get3A_1380 : vector<16xf32>
        %add3A_1382 = arith.constant 256 : i32
        %add3A_1383 = arith.addi %add3A_1382, %scan3A_1288 : i32
        %get3A_1384 = arith.constant 0 : i32
        %get3A_1385 = arith.index_cast %get3A_1384 : i32 to index
        %get3A_1386 = arith.index_cast %add3A_1383 : i32 to index
        %get3A_1387 = arith.constant 32 : index
        %get3A_1388 = tpu.vector_load %arg6[%get3A_1385, %get3A_1386, %get3A_1387] {strides = array<i32>} : memref<2x512x64xf32, #tpu.memory_space<vmem>>, vector<16xf32>,
        %add3A_1389 = arith.addf %add3A_1381, %get3A_1388 : vector<16xf32>
        %add3A_1390 = arith.constant 384 : i32
        %add3A_1391 = arith.addi %add3A_1390, %scan3A_1288 : i32
        %get3A_1392 = arith.constant 0 : i32
        %get3A_1393 = arith.index_cast %get3A_1392 : i32 to index
        %get3A_1394 = arith.index_cast %add3A_1391 : i32 to index
        %get3A_1395 = arith.constant 32 : index
        %get3A_1396 = tpu.vector_load %arg6[%get3A_1393, %get3A_1394, %get3A_1395] {strides = array<i32>} : memref<2x512x64xf32, #tpu.memory_space<vmem>>, vector<16xf32>,
        %add3A_1397 = arith.addf %add3A_1389, %get3A_1396 : vector<16xf32>
        %swap3A_1398 = arith.index_cast %scan3A_1288 : i32 to index
        %swap3A_1399 = arith.constant 32 : index
        %swap3A_1400 = tpu.vector_load %arg7[%swap3A_1398, %swap3A_1399] {strides = array<i32>} : memref<128x64xf32, #tpu.memory_space<vmem>>, vector<16xf32>,
        tpu.vector_store %arg7[%swap3A_1398, %swap3A_1399], %add3A_1397 {strides = array<i32>} : memref<128x64xf32, #tpu.memory_space<vmem>>, vector<16xf32>,
        %get3A_1401 = arith.index_cast %scan3A_1288 : i32 to index
        %get3A_1402 = arith.constant 48 : index
        %get3A_1403 = tpu.vector_load %arg7[%get3A_1401, %get3A_1402] {strides = array<i32>} : memref<128x64xf32, #tpu.memory_space<vmem>>, vector<16xf32>,
        %add3A_1404 = arith.constant 0 : i32
        %add3A_1405 = arith.addi %add3A_1404, %scan3A_1288 : i32
        %get3A_1406 = arith.constant 0 : i32
        %get3A_1407 = arith.index_cast %get3A_1406 : i32 to index
        %get3A_1408 = arith.index_cast %add3A_1405 : i32 to index
        %get3A_1409 = arith.constant 48 : index
        %get3A_1410 = tpu.vector_load %arg6[%get3A_1407, %get3A_1408, %get3A_1409] {strides = array<i32>} : memref<2x512x64xf32, #tpu.memory_space<vmem>>, vector<16xf32>,
        %add3A_1411 = arith.addf %get3A_1403, %get3A_1410 : vector<16xf32>
        %add3A_1412 = arith.constant 128 : i32
        %add3A_1413 = arith.addi %add3A_1412, %scan3A_1288 : i32
        %get3A_1414 = arith.constant 0 : i32
        %get3A_1415 = arith.index_cast %get3A_1414 : i32 to index
        %get3A_1416 = arith.index_cast %add3A_1413 : i32 to index
        %get3A_1417 = arith.constant 48 : index
        %get3A_1418 = tpu.vector_load %arg6[%get3A_1415, %get3A_1416, %get3A_1417] {strides = array<i32>} : memref<2x512x64xf32, #tpu.memory_space<vmem>>, vector<16xf32>,
        %add3A_1419 = arith.addf %add3A_1411, %get3A_1418 : vector<16xf32>
        %add3A_1420 = arith.constant 256 : i32
        %add3A_1421 = arith.addi %add3A_1420, %scan3A_1288 : i32
        %get3A_1422 = arith.constant 0 : i32
        %get3A_1423 = arith.index_cast %get3A_1422 : i32 to index
        %get3A_1424 = arith.index_cast %add3A_1421 : i32 to index
        %get3A_1425 = arith.constant 48 : index
        %get3A_1426 = tpu.vector_load %arg6[%get3A_1423, %get3A_1424, %get3A_1425] {strides = array<i32>} : memref<2x512x64xf32, #tpu.memory_space<vmem>>, vector<16xf32>,
        %add3A_1427 = arith.addf %add3A_1419, %get3A_1426 : vector<16xf32>
        %add3A_1428 = arith.constant 384 : i32
        %add3A_1429 = arith.addi %add3A_1428, %scan3A_1288 : i32
        %get3A_1430 = arith.constant 0 : i32
        %get3A_1431 = arith.index_cast %get3A_1430 : i32 to index
        %get3A_1432 = arith.index_cast %add3A_1429 : i32 to index
        %get3A_1433 = arith.constant 48 : index
        %get3A_1434 = tpu.vector_load %arg6[%get3A_1431, %get3A_1432, %get3A_1433] {strides = array<i32>} : memref<2x512x64xf32, #tpu.memory_space<vmem>>, vector<16xf32>,
        %add3A_1435 = arith.addf %add3A_1427, %get3A_1434 : vector<16xf32>
        %swap3A_1436 = arith.index_cast %scan3A_1288 : i32 to index
        %swap3A_1437 = arith.constant 48 : index
        %swap3A_1438 = tpu.vector_load %arg7[%swap3A_1436, %swap3A_1437] {strides = array<i32>} : memref<128x64xf32, #tpu.memory_space<vmem>>, vector<16xf32>,
        tpu.vector_store %arg7[%swap3A_1436, %swap3A_1437], %add3A_1435 {strides = array<i32>} : memref<128x64xf32, #tpu.memory_space<vmem>>, vector<16xf32>,
      }
      %scan3A_169 = arith.constant 128 : i32
      %jit3A_170 = arith.constant 50 : i32
      %eq3A_171 = arith.constant 0 : i32
      %eq3A_172 = arith.cmpi eq, %jit3A_170, %eq3A_171 : i32
      %jit3A_173 = arith.constant 1 : i32
      %select_n3A_174 = arith.select %eq3A_172, %jit3A_173, %jit3A_170 : i32
      %rem3A_175 = arith.remsi %add3A_129, %select_n3A_174 : i32
      %ne3A_176 = arith.constant 0 : i32
      %ne3A_177 = arith.cmpi ne, %rem3A_175, %ne3A_176 : i32
      %lt3A_178 = arith.constant 0 : i32
      %lt3A_179 = arith.cmpi slt, %rem3A_175, %lt3A_178 : i32
      %lt3A_180 = arith.constant 0 : i32
      %lt3A_181 = arith.cmpi slt, %select_n3A_174, %lt3A_180 : i32
      %ne3A_182 = arith.xori %lt3A_179, %lt3A_181 : i1
      %and3A_183 = arith.andi %ne3A_182, %ne3A_177 : i1
      %add3A_184 = arith.addi %rem3A_175, %select_n3A_174 : i32
      %select_n3A_185 = arith.select %and3A_183, %add3A_184, %rem3A_175 : i32
      %eq3A_186 = arith.constant 49 : i32
      %eq3A_187 = arith.cmpi eq, %select_n3A_185, %eq3A_186 : i32
      %gt3A = arith.constant 50 : i32
      %gt3A_188 = arith.cmpi sgt, %add3A_129, %gt3A : i32
      %and3A_189 = arith.andi %eq3A_187, %gt3A_188 : i1
      %convert_element_type3A_190 = arith.extui %and3A_189 : i1 to i32
      %cond3A_191 = arith.constant 0 : i32
      %cond3A_192 = arith.cmpi ne, %convert_element_type3A_190, %cond3A_191 : i32
      scf.if %cond3A_192 {
        %sub3A_1288 = arith.constant 50 : i32
        %sub3A_1289 = arith.subi %add3A_129, %sub3A_1288 : i32
        %jit3A_1290 = arith.constant 50 : i32
        %div3A_1291 = arith.divsi %sub3A_1289, %jit3A_1290 : i32
        %sign3A_1292 = arith.constant 0 : i32
        %sign3A_1293 = arith.cmpi sgt, %sub3A_1289, %sign3A_1292 : i32
        %sign3A_1294 = arith.extui %sign3A_1293 : i1 to i32
        %sign3A_1295 = arith.constant 0 : i32
        %sign3A_1296 = arith.cmpi slt, %sub3A_1289, %sign3A_1295 : i32
        %sign3A_1297 = arith.extui %sign3A_1296 : i1 to i32
        %sign3A_1298 = arith.subi %sign3A_1294, %sign3A_1297 : i32
        %sign3A_1299 = arith.constant 0 : i32
        %sign3A_1300 = arith.cmpi sgt, %jit3A_1290, %sign3A_1299 : i32
        %sign3A_1301 = arith.extui %sign3A_1300 : i1 to i32
        %sign3A_1302 = arith.constant 0 : i32
        %sign3A_1303 = arith.cmpi slt, %jit3A_1290, %sign3A_1302 : i32
        %sign3A_1304 = arith.extui %sign3A_1303 : i1 to i32
        %sign3A_1305 = arith.subi %sign3A_1301, %sign3A_1304 : i32
        %ne3A_1306 = arith.cmpi ne, %sign3A_1298, %sign3A_1305 : i32
        %rem3A_1307 = arith.remsi %sub3A_1289, %jit3A_1290 : i32
        %ne3A_1308 = arith.constant 0 : i32
        %ne3A_1309 = arith.cmpi ne, %rem3A_1307, %ne3A_1308 : i32
        %and3A_1310 = arith.andi %ne3A_1306, %ne3A_1309 : i1
        %sub3A_1311 = arith.constant 1 : i32
        %sub3A_1312 = arith.subi %div3A_1291, %sub3A_1311 : i32
        %select_n3A_1313 = arith.select %and3A_1310, %sub3A_1312, %div3A_1291 : i32
        %mul3A_1314 = arith.constant 128 : i32
        %mul3A_1315 = arith.muli %select_n3A_1313, %mul3A_1314 : i32
        %add3A_1316 = arith.addi %mul3A_2, %mul3A_1315 : i32
        %dma_wait3A_1317 = arith.constant 0 : i32
        %dma_wait3A_1318 = tpu.memref_slice %arg4[%add3A_1316, %dma_wait3A_1317] : memref<16384x64xf32, #tpu.memory_space<hbm>> -> memref<128x64xf32, #tpu.memory_space<hbm>>
        %dma_wait3A_1319 = arith.constant 0 : i32
        %dma_wait3A_1320 = tpu.memref_slice %arg4[%add3A_1316, %dma_wait3A_1319] : memref<16384x64xf32, #tpu.memory_space<hbm>> -> memref<128x64xf32, #tpu.memory_space<hbm>>
        tpu.wait_dma2 semaphore(%arg15 : memref<!tpu.dma_semaphore, #tpu.memory_space<semaphore_mem>>) src(%arg8 : memref<128x64xf32, #tpu.memory_space<vmem>>) dst(%dma_wait3A_1320 : memref<128x64xf32, #tpu.memory_space<hbm>>)
      } else {
      }
      %jit3A_193 = arith.constant 50 : i32
      %eq3A_194 = arith.constant 0 : i32
      %eq3A_195 = arith.cmpi eq, %jit3A_193, %eq3A_194 : i32
      %jit3A_196 = arith.constant 1 : i32
      %select_n3A_197 = arith.select %eq3A_195, %jit3A_196, %jit3A_193 : i32
      %rem3A_198 = arith.remsi %add3A_129, %select_n3A_197 : i32
      %ne3A_199 = arith.constant 0 : i32
      %ne3A_200 = arith.cmpi ne, %rem3A_198, %ne3A_199 : i32
      %lt3A_201 = arith.constant 0 : i32
      %lt3A_202 = arith.cmpi slt, %rem3A_198, %lt3A_201 : i32
      %lt3A_203 = arith.constant 0 : i32
      %lt3A_204 = arith.cmpi slt, %select_n3A_197, %lt3A_203 : i32
      %ne3A_205 = arith.xori %lt3A_202, %lt3A_204 : i1
      %and3A_206 = arith.andi %ne3A_205, %ne3A_200 : i1
      %add3A_207 = arith.addi %rem3A_198, %select_n3A_197 : i32
      %select_n3A_208 = arith.select %and3A_206, %add3A_207, %rem3A_198 : i32
      %eq3A_209 = arith.constant 49 : i32
      %eq3A_210 = arith.cmpi eq, %select_n3A_208, %eq3A_209 : i32
      %convert_element_type3A_211 = arith.extui %eq3A_210 : i1 to i32
      %cond3A_212 = arith.constant 0 : i32
      %cond3A_213 = arith.cmpi ne, %convert_element_type3A_211, %cond3A_212 : i32
      scf.if %cond3A_213 {
        %scan3A_1288 = arith.constant 0 : i32
        %scan3A_1289 = arith.constant 0 : i32
        %scan3A_1290 = arith.constant 128 : i32
        %scan3A_1291 = arith.addi %scan3A_1289, %scan3A_1290 : i32
        %scan3A_1292 = arith.constant 1 : i32
        scf.for %scan3A_1325 = %scan3A_1289 to %scan3A_1291 step %scan3A_1292  : i32 {
          %get3A = arith.index_cast %scan3A_1325 : i32 to index
          %get3A_1326 = arith.constant 0 : index
          %get3A_1327 = tpu.vector_load %arg7[%get3A, %get3A_1326] {strides = array<i32>} : memref<128x64xf32, #tpu.memory_space<vmem>>, vector<16xf32>,
          %mul3A_1328 = vector.broadcast %scan3A_113 : f32 to vector<16xf32>
          %mul3A_1329 = arith.mulf %get3A_1327, %mul3A_1328 : vector<16xf32>
          %swap3A = arith.index_cast %scan3A_1325 : i32 to index
          %swap3A_1330 = arith.constant 0 : index
          %swap3A_1331 = tpu.vector_load %arg8[%swap3A, %swap3A_1330] {strides = array<i32>} : memref<128x64xf32, #tpu.memory_space<vmem>>, vector<16xf32>,
          tpu.vector_store %arg8[%swap3A, %swap3A_1330], %mul3A_1329 {strides = array<i32>} : memref<128x64xf32, #tpu.memory_space<vmem>>, vector<16xf32>,
          %get3A_1332 = arith.index_cast %scan3A_1325 : i32 to index
          %get3A_1333 = arith.constant 16 : index
          %get3A_1334 = tpu.vector_load %arg7[%get3A_1332, %get3A_1333] {strides = array<i32>} : memref<128x64xf32, #tpu.memory_space<vmem>>, vector<16xf32>,
          %mul3A_1335 = vector.broadcast %scan3A_113 : f32 to vector<16xf32>
          %mul3A_1336 = arith.mulf %get3A_1334, %mul3A_1335 : vector<16xf32>
          %swap3A_1337 = arith.index_cast %scan3A_1325 : i32 to index
          %swap3A_1338 = arith.constant 16 : index
          %swap3A_1339 = tpu.vector_load %arg8[%swap3A_1337, %swap3A_1338] {strides = array<i32>} : memref<128x64xf32, #tpu.memory_space<vmem>>, vector<16xf32>,
          tpu.vector_store %arg8[%swap3A_1337, %swap3A_1338], %mul3A_1336 {strides = array<i32>} : memref<128x64xf32, #tpu.memory_space<vmem>>, vector<16xf32>,
          %get3A_1340 = arith.index_cast %scan3A_1325 : i32 to index
          %get3A_1341 = arith.constant 32 : index
          %get3A_1342 = tpu.vector_load %arg7[%get3A_1340, %get3A_1341] {strides = array<i32>} : memref<128x64xf32, #tpu.memory_space<vmem>>, vector<16xf32>,
          %mul3A_1343 = vector.broadcast %scan3A_113 : f32 to vector<16xf32>
          %mul3A_1344 = arith.mulf %get3A_1342, %mul3A_1343 : vector<16xf32>
          %swap3A_1345 = arith.index_cast %scan3A_1325 : i32 to index
          %swap3A_1346 = arith.constant 32 : index
          %swap3A_1347 = tpu.vector_load %arg8[%swap3A_1345, %swap3A_1346] {strides = array<i32>} : memref<128x64xf32, #tpu.memory_space<vmem>>, vector<16xf32>,
          tpu.vector_store %arg8[%swap3A_1345, %swap3A_1346], %mul3A_1344 {strides = array<i32>} : memref<128x64xf32, #tpu.memory_space<vmem>>, vector<16xf32>,
          %get3A_1348 = arith.index_cast %scan3A_1325 : i32 to index
          %get3A_1349 = arith.constant 48 : index
          %get3A_1350 = tpu.vector_load %arg7[%get3A_1348, %get3A_1349] {strides = array<i32>} : memref<128x64xf32, #tpu.memory_space<vmem>>, vector<16xf32>,
          %mul3A_1351 = vector.broadcast %scan3A_113 : f32 to vector<16xf32>
          %mul3A_1352 = arith.mulf %get3A_1350, %mul3A_1351 : vector<16xf32>
          %swap3A_1353 = arith.index_cast %scan3A_1325 : i32 to index
          %swap3A_1354 = arith.constant 48 : index
          %swap3A_1355 = tpu.vector_load %arg8[%swap3A_1353, %swap3A_1354] {strides = array<i32>} : memref<128x64xf32, #tpu.memory_space<vmem>>, vector<16xf32>,
          tpu.vector_store %arg8[%swap3A_1353, %swap3A_1354], %mul3A_1352 {strides = array<i32>} : memref<128x64xf32, #tpu.memory_space<vmem>>, vector<16xf32>,
        }
        %scan3A_1293 = arith.constant 128 : i32
        %jit3A_1294 = arith.constant 50 : i32
        %div3A_1295 = arith.divsi %add3A_129, %jit3A_1294 : i32
        %sign3A_1296 = arith.constant 0 : i32
        %sign3A_1297 = arith.cmpi sgt, %add3A_129, %sign3A_1296 : i32
        %sign3A_1298 = arith.extui %sign3A_1297 : i1 to i32
        %sign3A_1299 = arith.constant 0 : i32
        %sign3A_1300 = arith.cmpi slt, %add3A_129, %sign3A_1299 : i32
        %sign3A_1301 = arith.extui %sign3A_1300 : i1 to i32
        %sign3A_1302 = arith.subi %sign3A_1298, %sign3A_1301 : i32
        %sign3A_1303 = arith.constant 0 : i32
        %sign3A_1304 = arith.cmpi sgt, %jit3A_1294, %sign3A_1303 : i32
        %sign3A_1305 = arith.extui %sign3A_1304 : i1 to i32
        %sign3A_1306 = arith.constant 0 : i32
        %sign3A_1307 = arith.cmpi slt, %jit3A_1294, %sign3A_1306 : i32
        %sign3A_1308 = arith.extui %sign3A_1307 : i1 to i32
        %sign3A_1309 = arith.subi %sign3A_1305, %sign3A_1308 : i32
        %ne3A_1310 = arith.cmpi ne, %sign3A_1302, %sign3A_1309 : i32
        %rem3A_1311 = arith.remsi %add3A_129, %jit3A_1294 : i32
        %ne3A_1312 = arith.constant 0 : i32
        %ne3A_1313 = arith.cmpi ne, %rem3A_1311, %ne3A_1312 : i32
        %and3A_1314 = arith.andi %ne3A_1310, %ne3A_1313 : i1
        %sub3A_1315 = arith.constant 1 : i32
        %sub3A_1316 = arith.subi %div3A_1295, %sub3A_1315 : i32
        %select_n3A_1317 = arith.select %and3A_1314, %sub3A_1316, %div3A_1295 : i32
        %mul3A_1318 = arith.constant 128 : i32
        %mul3A_1319 = arith.muli %select_n3A_1317, %mul3A_1318 : i32
        %add3A_1320 = arith.addi %mul3A_2, %mul3A_1319 : i32
        %dma_start3A_1321 = arith.constant 0 : i32
        %dma_start3A_1322 = tpu.memref_slice %arg4[%add3A_1320, %dma_start3A_1321] : memref<16384x64xf32, #tpu.memory_space<hbm>> -> memref<128x64xf32, #tpu.memory_space<hbm>>
        %dma_start3A_1323 = arith.constant 0 : i32
        %dma_start3A_1324 = tpu.memref_slice %arg4[%add3A_1320, %dma_start3A_1323] : memref<16384x64xf32, #tpu.memory_space<hbm>> -> memref<128x64xf32, #tpu.memory_space<hbm>>
        tpu.enqueue_dma source(%arg8 : memref<128x64xf32, #tpu.memory_space<vmem>>) target(%dma_start3A_1324 : memref<128x64xf32, #tpu.memory_space<hbm>>) target_semaphore(%arg15 : memref<!tpu.dma_semaphore, #tpu.memory_space<semaphore_mem>>)
      } else {
      }
      %jit3A_214 = arith.constant 25 : i32
      %eq3A_215 = arith.constant 0 : i32
      %eq3A_216 = arith.cmpi eq, %jit3A_214, %eq3A_215 : i32
      %jit3A_217 = arith.constant 1 : i32
      %select_n3A_218 = arith.select %eq3A_216, %jit3A_217, %jit3A_214 : i32
      %rem3A_219 = arith.remsi %add3A_133, %select_n3A_218 : i32
      %ne3A_220 = arith.constant 0 : i32
      %ne3A_221 = arith.cmpi ne, %rem3A_219, %ne3A_220 : i32
      %lt3A_222 = arith.constant 0 : i32
      %lt3A_223 = arith.cmpi slt, %rem3A_219, %lt3A_222 : i32
      %lt3A_224 = arith.constant 0 : i32
      %lt3A_225 = arith.cmpi slt, %select_n3A_218, %lt3A_224 : i32
      %ne3A_226 = arith.xori %lt3A_223, %lt3A_225 : i1
      %and3A_227 = arith.andi %ne3A_226, %ne3A_221 : i1
      %add3A_228 = arith.addi %rem3A_219, %select_n3A_218 : i32
      %select_n3A_229 = arith.select %and3A_227, %add3A_228, %rem3A_219 : i32
      %jit3A_230 = arith.constant 25 : i32
      %div3A = arith.divsi %add3A_133, %jit3A_230 : i32
      %sign3A = arith.constant 0 : i32
      %sign3A_231 = arith.cmpi sgt, %add3A_133, %sign3A : i32
      %sign3A_232 = arith.extui %sign3A_231 : i1 to i32
      %sign3A_233 = arith.constant 0 : i32
      %sign3A_234 = arith.cmpi slt, %add3A_133, %sign3A_233 : i32
      %sign3A_235 = arith.extui %sign3A_234 : i1 to i32
      %sign3A_236 = arith.subi %sign3A_232, %sign3A_235 : i32
      %sign3A_237 = arith.constant 0 : i32
      %sign3A_238 = arith.cmpi sgt, %jit3A_230, %sign3A_237 : i32
      %sign3A_239 = arith.extui %sign3A_238 : i1 to i32
      %sign3A_240 = arith.constant 0 : i32
      %sign3A_241 = arith.cmpi slt, %jit3A_230, %sign3A_240 : i32
      %sign3A_242 = arith.extui %sign3A_241 : i1 to i32
      %sign3A_243 = arith.subi %sign3A_239, %sign3A_242 : i32
      %ne3A_244 = arith.cmpi ne, %sign3A_236, %sign3A_243 : i32
      %rem3A_245 = arith.remsi %add3A_133, %jit3A_230 : i32
      %ne3A_246 = arith.constant 0 : i32
      %ne3A_247 = arith.cmpi ne, %rem3A_245, %ne3A_246 : i32
      %and3A_248 = arith.andi %ne3A_244, %ne3A_247 : i1
      %sub3A = arith.constant 1 : i32
      %sub3A_249 = arith.subi %div3A, %sub3A : i32
      %select_n3A_250 = arith.select %and3A_248, %sub3A_249, %div3A : i32
      %add3A_251 = arith.addi %mul3A_4, %select_n3A_250 : i32
      %dma_wait3A_252 = arith.constant 1 : i32
      %dma_wait3A_253 = arith.constant 0 : i32
      %dma_wait3A_254 = tpu.memref_slice %arg5[%dma_wait3A_252, %dma_wait3A_253] : memref<4x1024xi32, #tpu.memory_space<vmem>> -> memref<1x1024xi32, #tpu.memory_space<vmem>>
      %dma_wait3A_255 = tpu.memref_squeeze %dma_wait3A_254 : memref<1x1024xi32, #tpu.memory_space<vmem>> -> memref<1024xi32, #tpu.memory_space<vmem>>
      %dma_wait3A_256 = arith.constant 0 : i32
      %dma_wait3A_257 = tpu.memref_slice %arg2[%select_n3A_229, %add3A_251, %dma_wait3A_256] : memref<25x128x1024xi32, #tpu.memory_space<hbm>> -> memref<1x1x1024xi32, #tpu.memory_space<hbm>>
      %dma_wait3A_258 = tpu.memref_squeeze %dma_wait3A_257 : memref<1x1x1024xi32, #tpu.memory_space<hbm>> -> memref<1024xi32, #tpu.memory_space<hbm>>
      %dma_wait3A_259 = arith.constant 0 : i32
      %dma_wait3A_260 = tpu.memref_slice %arg5[%dma_wait3A_252, %dma_wait3A_259] : memref<4x1024xi32, #tpu.memory_space<vmem>> -> memref<1x1024xi32, #tpu.memory_space<vmem>>
      %dma_wait3A_261 = tpu.memref_squeeze %dma_wait3A_260 : memref<1x1024xi32, #tpu.memory_space<vmem>> -> memref<1024xi32, #tpu.memory_space<vmem>>
      %dma_wait3A_262 = arith.constant 0 : i32
      %dma_wait3A_263 = tpu.memref_slice %arg2[%select_n3A_229, %add3A_251, %dma_wait3A_262] : memref<25x128x1024xi32, #tpu.memory_space<hbm>> -> memref<1x1x1024xi32, #tpu.memory_space<hbm>>
      %dma_wait3A_264 = tpu.memref_squeeze %dma_wait3A_263 : memref<1x1x1024xi32, #tpu.memory_space<hbm>> -> memref<1024xi32, #tpu.memory_space<hbm>>
      tpu.wait_dma2 semaphore(%arg10 : memref<!tpu.dma_semaphore, #tpu.memory_space<semaphore_mem>>) src(%dma_wait3A_264 : memref<1024xi32, #tpu.memory_space<hbm>>) dst(%dma_wait3A_261 : memref<1024xi32, #tpu.memory_space<vmem>>)
      %scan3A_265 = arith.constant 0 : i32
      %scan3A_266 = arith.constant 0 : i32
      %scan3A_267 = arith.constant 64 : i32
      %scan3A_268 = arith.addi %scan3A_266, %scan3A_267 : i32
      %scan3A_269 = arith.constant 1 : i32
      scf.for %scan3A_1288 = %scan3A_266 to %scan3A_268 step %scan3A_269  : i32 {
        %mul3A_1289 = arith.constant 16 : i32
        %mul3A_1290 = arith.muli %scan3A_1288, %mul3A_1289 : i32
        %get3A = arith.constant 1 : i32
        %get3A_1291 = arith.index_cast %get3A : i32 to index
        %get3A_1292 = arith.index_cast %mul3A_1290 : i32 to index
        %get3A_1293 = tpu.vector_load %arg5[%get3A_1291, %get3A_1292] {strides = array<i32>} : memref<4x1024xi32, #tpu.memory_space<vmem>>, vector<16xi32>,
        %add3A_1294 = arith.addi %get3A_1293, %get3A_1293 : vector<16xi32>
        %mul3A_1295 = arith.constant 16 : i32
        %mul3A_1296 = arith.muli %scan3A_1288, %mul3A_1295 : i32
        %swap3A = arith.constant 1 : i32
        %swap3A_1297 = arith.index_cast %swap3A : i32 to index
        %swap3A_1298 = arith.index_cast %mul3A_1296 : i32 to index
        %swap3A_1299 = tpu.vector_load %arg5[%swap3A_1297, %swap3A_1298] {strides = array<i32>} : memref<4x1024xi32, #tpu.memory_space<vmem>>, vector<16xi32>,
        tpu.vector_store %arg5[%swap3A_1297, %swap3A_1298], %add3A_1294 {strides = array<i32>} : memref<4x1024xi32, #tpu.memory_space<vmem>>, vector<16xi32>,
      }
      %scan3A_270 = arith.constant 64 : i32
      %add3A_271 = arith.constant 2 : i32
      %add3A_272 = arith.addi %add3A_129, %add3A_271 : i32
      %jit3A_273 = arith.constant 2 : i32
      %eq3A_274 = arith.constant 0 : i32
      %eq3A_275 = arith.cmpi eq, %jit3A_273, %eq3A_274 : i32
      %jit3A_276 = arith.constant 1 : i32
      %select_n3A_277 = arith.select %eq3A_275, %jit3A_276, %jit3A_273 : i32
      %rem3A_278 = arith.remsi %add3A_272, %select_n3A_277 : i32
      %ne3A_279 = arith.constant 0 : i32
      %ne3A_280 = arith.cmpi ne, %rem3A_278, %ne3A_279 : i32
      %lt3A_281 = arith.constant 0 : i32
      %lt3A_282 = arith.cmpi slt, %rem3A_278, %lt3A_281 : i32
      %lt3A_283 = arith.constant 0 : i32
      %lt3A_284 = arith.cmpi slt, %select_n3A_277, %lt3A_283 : i32
      %ne3A_285 = arith.xori %lt3A_282, %lt3A_284 : i1
      %and3A_286 = arith.andi %ne3A_285, %ne3A_280 : i1
      %add3A_287 = arith.addi %rem3A_278, %select_n3A_277 : i32
      %select_n3A_288 = arith.select %and3A_286, %add3A_287, %rem3A_278 : i32
      %mul3A_289 = arith.constant 512 : i32
      %mul3A_290 = arith.muli %mul3A_289, %select_n3A_288 : i32
      %dma_start3A_291 = arith.constant 1 : i32
      %dma_start3A_292 = arith.constant 0 : i32
      %dma_start3A_293 = arith.constant 0 : i32
      %dma_start3A_294 = arith.constant 0 : i32
      %dma_start3A_295 = tpu.memref_slice %arg6[%dma_start3A_292, %dma_start3A_293, %dma_start3A_294] : memref<2x512x64xf32, #tpu.memory_space<vmem>> -> memref<1x512x64xf32, #tpu.memory_space<vmem>>
      %dma_start3A_296 = tpu.memref_squeeze %dma_start3A_295 : memref<1x512x64xf32, #tpu.memory_space<vmem>> -> memref<512x64xf32, #tpu.memory_space<vmem>>
      %dma_start3A_297 = tpu.memref_slice %arg5[%dma_start3A_291, %mul3A_290] : memref<4x1024xi32, #tpu.memory_space<vmem>> -> memref<1x512xi32, #tpu.memory_space<vmem>>
      %dma_start3A_298 = tpu.memref_squeeze %dma_start3A_297 : memref<1x512xi32, #tpu.memory_space<vmem>> -> memref<512xi32, #tpu.memory_space<vmem>>
      %dma_start3A_299 = arith.constant 0 : i32
      %dma_start3A_300 = arith.constant 0 : i32
      %dma_start3A_301 = tpu.memref_slice %arg3[%dma_start3A_299, %dma_start3A_300] : memref<2000000x64xf32, #tpu.memory_space<hbm>> -> memref<2000000x64xf32, #tpu.memory_space<hbm>>
      tpu.enqueue_indirect_dma source(%dma_start3A_301 : memref<2000000x64xf32, #tpu.memory_space<hbm>>) target(%dma_start3A_296 : memref<512x64xf32, #tpu.memory_space<vmem>>) offsets(%dma_start3A_298 : memref<512xi32, #tpu.memory_space<vmem>>) semaphore(%arg13 : memref<!tpu.dma_semaphore, #tpu.memory_space<semaphore_mem>>)
      %mul3A_302 = arith.constant 8 : i32
      %mul3A_303 = arith.muli %mul3A_302, %scan3A_125 : i32
      %add3A_304 = arith.constant 1 : i32
      %add3A_305 = arith.addi %mul3A_303, %add3A_304 : i32
      %mul3A_306 = arith.constant 4 : i32
      %mul3A_307 = arith.muli %mul3A_306, %scan3A_125 : i32
      %add3A_308 = arith.constant 1 : i32
      %add3A_309 = arith.addi %mul3A_307, %add3A_308 : i32
      %mul3A_310 = arith.constant 4 : i32
      %mul3A_311 = arith.muli %mul3A_310, %scan3A_125 : i32
      %add3A_312 = arith.constant 0 : i32
      %add3A_313 = arith.addi %mul3A_311, %add3A_312 : i32
      %add3A_314 = arith.constant 2 : i32
      %add3A_315 = arith.addi %add3A_313, %add3A_314 : i32
      %dma_wait3A_316 = arith.constant 0 : i32
      %dma_wait3A_317 = arith.constant 1 : i32
      %dma_wait3A_318 = arith.constant 0 : i32
      %dma_wait3A_319 = arith.constant 0 : i32
      %dma_wait3A_320 = tpu.memref_slice %arg6[%dma_wait3A_317, %dma_wait3A_318, %dma_wait3A_319] : memref<2x512x64xf32, #tpu.memory_space<vmem>> -> memref<1x512x64xf32, #tpu.memory_space<vmem>>
      %dma_wait3A_321 = tpu.memref_squeeze %dma_wait3A_320 : memref<1x512x64xf32, #tpu.memory_space<vmem>> -> memref<512x64xf32, #tpu.memory_space<vmem>>
      %dma_wait3A_322 = arith.constant 0 : i32
      %dma_wait3A_323 = tpu.memref_slice %arg5[%dma_wait3A_316, %dma_wait3A_322] : memref<4x1024xi32, #tpu.memory_space<vmem>> -> memref<1x512xi32, #tpu.memory_space<vmem>>
      %dma_wait3A_324 = tpu.memref_squeeze %dma_wait3A_323 : memref<1x512xi32, #tpu.memory_space<vmem>> -> memref<512xi32, #tpu.memory_space<vmem>>
      %dma_wait3A_325 = arith.constant 0 : i32
      %dma_wait3A_326 = arith.constant 0 : i32
      %dma_wait3A_327 = tpu.memref_slice %arg3[%dma_wait3A_325, %dma_wait3A_326] : memref<2000000x64xf32, #tpu.memory_space<hbm>> -> memref<2000000x64xf32, #tpu.memory_space<hbm>>
      tpu.wait_indirect_dma semaphore(%arg14 : memref<!tpu.dma_semaphore, #tpu.memory_space<semaphore_mem>>) src(%dma_wait3A_327 : memref<2000000x64xf32, #tpu.memory_space<hbm>>) dst(%dma_wait3A_321 : memref<512x64xf32, #tpu.memory_space<vmem>>)
      %jit3A_328 = arith.constant 50 : i32
      %eq3A_329 = arith.constant 0 : i32
      %eq3A_330 = arith.cmpi eq, %jit3A_328, %eq3A_329 : i32
      %jit3A_331 = arith.constant 1 : i32
      %select_n3A_332 = arith.select %eq3A_330, %jit3A_331, %jit3A_328 : i32
      %rem3A_333 = arith.remsi %add3A_305, %select_n3A_332 : i32
      %ne3A_334 = arith.constant 0 : i32
      %ne3A_335 = arith.cmpi ne, %rem3A_333, %ne3A_334 : i32
      %lt3A_336 = arith.constant 0 : i32
      %lt3A_337 = arith.cmpi slt, %rem3A_333, %lt3A_336 : i32
      %lt3A_338 = arith.constant 0 : i32
      %lt3A_339 = arith.cmpi slt, %select_n3A_332, %lt3A_338 : i32
      %ne3A_340 = arith.xori %lt3A_337, %lt3A_339 : i1
      %and3A_341 = arith.andi %ne3A_340, %ne3A_335 : i1
      %add3A_342 = arith.addi %rem3A_333, %select_n3A_332 : i32
      %select_n3A_343 = arith.select %and3A_341, %add3A_342, %rem3A_333 : i32
      %eq3A_344 = arith.constant 0 : i32
      %eq3A_345 = arith.cmpi eq, %select_n3A_343, %eq3A_344 : i32
      %convert_element_type3A_346 = arith.extui %eq3A_345 : i1 to i32
      %cond3A_347 = arith.constant 0 : i32
      %cond3A_348 = arith.cmpi ne, %convert_element_type3A_346, %cond3A_347 : i32
      scf.if %cond3A_348 {
        %broadcast_in_dim3A = arith.constant 0.000000e+00 : f32
        %broadcast_in_dim3A_1288 = vector.broadcast %broadcast_in_dim3A : f32 to vector<16xf32>
        %scan3A_1289 = arith.constant 0 : i32
        %scan3A_1290 = arith.constant 0 : i32
        %scan3A_1291 = arith.constant 128 : i32
        %scan3A_1292 = arith.addi %scan3A_1290, %scan3A_1291 : i32
        %scan3A_1293 = arith.constant 1 : i32
        scf.for %scan3A_1295 = %scan3A_1290 to %scan3A_1292 step %scan3A_1293  : i32 {
          %swap3A = arith.index_cast %scan3A_1295 : i32 to index
          %swap3A_1296 = arith.constant 0 : index
          %swap3A_1297 = tpu.vector_load %arg7[%swap3A, %swap3A_1296] {strides = array<i32>} : memref<128x64xf32, #tpu.memory_space<vmem>>, vector<16xf32>,
          tpu.vector_store %arg7[%swap3A, %swap3A_1296], %broadcast_in_dim3A_1288 {strides = array<i32>} : memref<128x64xf32, #tpu.memory_space<vmem>>, vector<16xf32>,
          %swap3A_1298 = arith.index_cast %scan3A_1295 : i32 to index
          %swap3A_1299 = arith.constant 16 : index
          %swap3A_1300 = tpu.vector_load %arg7[%swap3A_1298, %swap3A_1299] {strides = array<i32>} : memref<128x64xf32, #tpu.memory_space<vmem>>, vector<16xf32>,
          tpu.vector_store %arg7[%swap3A_1298, %swap3A_1299], %broadcast_in_dim3A_1288 {strides = array<i32>} : memref<128x64xf32, #tpu.memory_space<vmem>>, vector<16xf32>,
          %swap3A_1301 = arith.index_cast %scan3A_1295 : i32 to index
          %swap3A_1302 = arith.constant 32 : index
          %swap3A_1303 = tpu.vector_load %arg7[%swap3A_1301, %swap3A_1302] {strides = array<i32>} : memref<128x64xf32, #tpu.memory_space<vmem>>, vector<16xf32>,
          tpu.vector_store %arg7[%swap3A_1301, %swap3A_1302], %broadcast_in_dim3A_1288 {strides = array<i32>} : memref<128x64xf32, #tpu.memory_space<vmem>>, vector<16xf32>,
          %swap3A_1304 = arith.index_cast %scan3A_1295 : i32 to index
          %swap3A_1305 = arith.constant 48 : index
          %swap3A_1306 = tpu.vector_load %arg7[%swap3A_1304, %swap3A_1305] {strides = array<i32>} : memref<128x64xf32, #tpu.memory_space<vmem>>, vector<16xf32>,
          tpu.vector_store %arg7[%swap3A_1304, %swap3A_1305], %broadcast_in_dim3A_1288 {strides = array<i32>} : memref<128x64xf32, #tpu.memory_space<vmem>>, vector<16xf32>,
        }
        %scan3A_1294 = arith.constant 128 : i32
      } else {
      }
      %scan3A_349 = arith.constant 0 : i32
      %scan3A_350 = arith.constant 0 : i32
      %scan3A_351 = arith.constant 128 : i32
      %scan3A_352 = arith.addi %scan3A_350, %scan3A_351 : i32
      %scan3A_353 = arith.constant 1 : i32
      scf.for %scan3A_1288 = %scan3A_350 to %scan3A_352 step %scan3A_353  : i32 {
        %get3A = arith.index_cast %scan3A_1288 : i32 to index
        %get3A_1289 = arith.constant 0 : index
        %get3A_1290 = tpu.vector_load %arg7[%get3A, %get3A_1289] {strides = array<i32>} : memref<128x64xf32, #tpu.memory_space<vmem>>, vector<16xf32>,
        %add3A_1291 = arith.constant 0 : i32
        %add3A_1292 = arith.addi %add3A_1291, %scan3A_1288 : i32
        %get3A_1293 = arith.constant 1 : i32
        %get3A_1294 = arith.index_cast %get3A_1293 : i32 to index
        %get3A_1295 = arith.index_cast %add3A_1292 : i32 to index
        %get3A_1296 = arith.constant 0 : index
        %get3A_1297 = tpu.vector_load %arg6[%get3A_1294, %get3A_1295, %get3A_1296] {strides = array<i32>} : memref<2x512x64xf32, #tpu.memory_space<vmem>>, vector<16xf32>,
        %add3A_1298 = arith.addf %get3A_1290, %get3A_1297 : vector<16xf32>
        %add3A_1299 = arith.constant 128 : i32
        %add3A_1300 = arith.addi %add3A_1299, %scan3A_1288 : i32
        %get3A_1301 = arith.constant 1 : i32
        %get3A_1302 = arith.index_cast %get3A_1301 : i32 to index
        %get3A_1303 = arith.index_cast %add3A_1300 : i32 to index
        %get3A_1304 = arith.constant 0 : index
        %get3A_1305 = tpu.vector_load %arg6[%get3A_1302, %get3A_1303, %get3A_1304] {strides = array<i32>} : memref<2x512x64xf32, #tpu.memory_space<vmem>>, vector<16xf32>,
        %add3A_1306 = arith.addf %add3A_1298, %get3A_1305 : vector<16xf32>
        %add3A_1307 = arith.constant 256 : i32
        %add3A_1308 = arith.addi %add3A_1307, %scan3A_1288 : i32
        %get3A_1309 = arith.constant 1 : i32
        %get3A_1310 = arith.index_cast %get3A_1309 : i32 to index
        %get3A_1311 = arith.index_cast %add3A_1308 : i32 to index
        %get3A_1312 = arith.constant 0 : index
        %get3A_1313 = tpu.vector_load %arg6[%get3A_1310, %get3A_1311, %get3A_1312] {strides = array<i32>} : memref<2x512x64xf32, #tpu.memory_space<vmem>>, vector<16xf32>,
        %add3A_1314 = arith.addf %add3A_1306, %get3A_1313 : vector<16xf32>
        %add3A_1315 = arith.constant 384 : i32
        %add3A_1316 = arith.addi %add3A_1315, %scan3A_1288 : i32
        %get3A_1317 = arith.constant 1 : i32
        %get3A_1318 = arith.index_cast %get3A_1317 : i32 to index
        %get3A_1319 = arith.index_cast %add3A_1316 : i32 to index
        %get3A_1320 = arith.constant 0 : index
        %get3A_1321 = tpu.vector_load %arg6[%get3A_1318, %get3A_1319, %get3A_1320] {strides = array<i32>} : memref<2x512x64xf32, #tpu.memory_space<vmem>>, vector<16xf32>,
        %add3A_1322 = arith.addf %add3A_1314, %get3A_1321 : vector<16xf32>
        %swap3A = arith.index_cast %scan3A_1288 : i32 to index
        %swap3A_1323 = arith.constant 0 : index
        %swap3A_1324 = tpu.vector_load %arg7[%swap3A, %swap3A_1323] {strides = array<i32>} : memref<128x64xf32, #tpu.memory_space<vmem>>, vector<16xf32>,
        tpu.vector_store %arg7[%swap3A, %swap3A_1323], %add3A_1322 {strides = array<i32>} : memref<128x64xf32, #tpu.memory_space<vmem>>, vector<16xf32>,
        %get3A_1325 = arith.index_cast %scan3A_1288 : i32 to index
        %get3A_1326 = arith.constant 16 : index
        %get3A_1327 = tpu.vector_load %arg7[%get3A_1325, %get3A_1326] {strides = array<i32>} : memref<128x64xf32, #tpu.memory_space<vmem>>, vector<16xf32>,
        %add3A_1328 = arith.constant 0 : i32
        %add3A_1329 = arith.addi %add3A_1328, %scan3A_1288 : i32
        %get3A_1330 = arith.constant 1 : i32
        %get3A_1331 = arith.index_cast %get3A_1330 : i32 to index
        %get3A_1332 = arith.index_cast %add3A_1329 : i32 to index
        %get3A_1333 = arith.constant 16 : index
        %get3A_1334 = tpu.vector_load %arg6[%get3A_1331, %get3A_1332, %get3A_1333] {strides = array<i32>} : memref<2x512x64xf32, #tpu.memory_space<vmem>>, vector<16xf32>,
        %add3A_1335 = arith.addf %get3A_1327, %get3A_1334 : vector<16xf32>
        %add3A_1336 = arith.constant 128 : i32
        %add3A_1337 = arith.addi %add3A_1336, %scan3A_1288 : i32
        %get3A_1338 = arith.constant 1 : i32
        %get3A_1339 = arith.index_cast %get3A_1338 : i32 to index
        %get3A_1340 = arith.index_cast %add3A_1337 : i32 to index
        %get3A_1341 = arith.constant 16 : index
        %get3A_1342 = tpu.vector_load %arg6[%get3A_1339, %get3A_1340, %get3A_1341] {strides = array<i32>} : memref<2x512x64xf32, #tpu.memory_space<vmem>>, vector<16xf32>,
        %add3A_1343 = arith.addf %add3A_1335, %get3A_1342 : vector<16xf32>
        %add3A_1344 = arith.constant 256 : i32
        %add3A_1345 = arith.addi %add3A_1344, %scan3A_1288 : i32
        %get3A_1346 = arith.constant 1 : i32
        %get3A_1347 = arith.index_cast %get3A_1346 : i32 to index
        %get3A_1348 = arith.index_cast %add3A_1345 : i32 to index
        %get3A_1349 = arith.constant 16 : index
        %get3A_1350 = tpu.vector_load %arg6[%get3A_1347, %get3A_1348, %get3A_1349] {strides = array<i32>} : memref<2x512x64xf32, #tpu.memory_space<vmem>>, vector<16xf32>,
        %add3A_1351 = arith.addf %add3A_1343, %get3A_1350 : vector<16xf32>
        %add3A_1352 = arith.constant 384 : i32
        %add3A_1353 = arith.addi %add3A_1352, %scan3A_1288 : i32
        %get3A_1354 = arith.constant 1 : i32
        %get3A_1355 = arith.index_cast %get3A_1354 : i32 to index
        %get3A_1356 = arith.index_cast %add3A_1353 : i32 to index
        %get3A_1357 = arith.constant 16 : index
        %get3A_1358 = tpu.vector_load %arg6[%get3A_1355, %get3A_1356, %get3A_1357] {strides = array<i32>} : memref<2x512x64xf32, #tpu.memory_space<vmem>>, vector<16xf32>,
        %add3A_1359 = arith.addf %add3A_1351, %get3A_1358 : vector<16xf32>
        %swap3A_1360 = arith.index_cast %scan3A_1288 : i32 to index
        %swap3A_1361 = arith.constant 16 : index
        %swap3A_1362 = tpu.vector_load %arg7[%swap3A_1360, %swap3A_1361] {strides = array<i32>} : memref<128x64xf32, #tpu.memory_space<vmem>>, vector<16xf32>,
        tpu.vector_store %arg7[%swap3A_1360, %swap3A_1361], %add3A_1359 {strides = array<i32>} : memref<128x64xf32, #tpu.memory_space<vmem>>, vector<16xf32>,
        %get3A_1363 = arith.index_cast %scan3A_1288 : i32 to index
        %get3A_1364 = arith.constant 32 : index
        %get3A_1365 = tpu.vector_load %arg7[%get3A_1363, %get3A_1364] {strides = array<i32>} : memref<128x64xf32, #tpu.memory_space<vmem>>, vector<16xf32>,
        %add3A_1366 = arith.constant 0 : i32
        %add3A_1367 = arith.addi %add3A_1366, %scan3A_1288 : i32
        %get3A_1368 = arith.constant 1 : i32
        %get3A_1369 = arith.index_cast %get3A_1368 : i32 to index
        %get3A_1370 = arith.index_cast %add3A_1367 : i32 to index
        %get3A_1371 = arith.constant 32 : index
        %get3A_1372 = tpu.vector_load %arg6[%get3A_1369, %get3A_1370, %get3A_1371] {strides = array<i32>} : memref<2x512x64xf32, #tpu.memory_space<vmem>>, vector<16xf32>,
        %add3A_1373 = arith.addf %get3A_1365, %get3A_1372 : vector<16xf32>
        %add3A_1374 = arith.constant 128 : i32
        %add3A_1375 = arith.addi %add3A_1374, %scan3A_1288 : i32
        %get3A_1376 = arith.constant 1 : i32
        %get3A_1377 = arith.index_cast %get3A_1376 : i32 to index
        %get3A_1378 = arith.index_cast %add3A_1375 : i32 to index
        %get3A_1379 = arith.constant 32 : index
        %get3A_1380 = tpu.vector_load %arg6[%get3A_1377, %get3A_1378, %get3A_1379] {strides = array<i32>} : memref<2x512x64xf32, #tpu.memory_space<vmem>>, vector<16xf32>,
        %add3A_1381 = arith.addf %add3A_1373, %get3A_1380 : vector<16xf32>
        %add3A_1382 = arith.constant 256 : i32
        %add3A_1383 = arith.addi %add3A_1382, %scan3A_1288 : i32
        %get3A_1384 = arith.constant 1 : i32
        %get3A_1385 = arith.index_cast %get3A_1384 : i32 to index
        %get3A_1386 = arith.index_cast %add3A_1383 : i32 to index
        %get3A_1387 = arith.constant 32 : index
        %get3A_1388 = tpu.vector_load %arg6[%get3A_1385, %get3A_1386, %get3A_1387] {strides = array<i32>} : memref<2x512x64xf32, #tpu.memory_space<vmem>>, vector<16xf32>,
        %add3A_1389 = arith.addf %add3A_1381, %get3A_1388 : vector<16xf32>
        %add3A_1390 = arith.constant 384 : i32
        %add3A_1391 = arith.addi %add3A_1390, %scan3A_1288 : i32
        %get3A_1392 = arith.constant 1 : i32
        %get3A_1393 = arith.index_cast %get3A_1392 : i32 to index
        %get3A_1394 = arith.index_cast %add3A_1391 : i32 to index
        %get3A_1395 = arith.constant 32 : index
        %get3A_1396 = tpu.vector_load %arg6[%get3A_1393, %get3A_1394, %get3A_1395] {strides = array<i32>} : memref<2x512x64xf32, #tpu.memory_space<vmem>>, vector<16xf32>,
        %add3A_1397 = arith.addf %add3A_1389, %get3A_1396 : vector<16xf32>
        %swap3A_1398 = arith.index_cast %scan3A_1288 : i32 to index
        %swap3A_1399 = arith.constant 32 : index
        %swap3A_1400 = tpu.vector_load %arg7[%swap3A_1398, %swap3A_1399] {strides = array<i32>} : memref<128x64xf32, #tpu.memory_space<vmem>>, vector<16xf32>,
        tpu.vector_store %arg7[%swap3A_1398, %swap3A_1399], %add3A_1397 {strides = array<i32>} : memref<128x64xf32, #tpu.memory_space<vmem>>, vector<16xf32>,
        %get3A_1401 = arith.index_cast %scan3A_1288 : i32 to index
        %get3A_1402 = arith.constant 48 : index
        %get3A_1403 = tpu.vector_load %arg7[%get3A_1401, %get3A_1402] {strides = array<i32>} : memref<128x64xf32, #tpu.memory_space<vmem>>, vector<16xf32>,
        %add3A_1404 = arith.constant 0 : i32
        %add3A_1405 = arith.addi %add3A_1404, %scan3A_1288 : i32
        %get3A_1406 = arith.constant 1 : i32
        %get3A_1407 = arith.index_cast %get3A_1406 : i32 to index
        %get3A_1408 = arith.index_cast %add3A_1405 : i32 to index
        %get3A_1409 = arith.constant 48 : index
        %get3A_1410 = tpu.vector_load %arg6[%get3A_1407, %get3A_1408, %get3A_1409] {strides = array<i32>} : memref<2x512x64xf32, #tpu.memory_space<vmem>>, vector<16xf32>,
        %add3A_1411 = arith.addf %get3A_1403, %get3A_1410 : vector<16xf32>
        %add3A_1412 = arith.constant 128 : i32
        %add3A_1413 = arith.addi %add3A_1412, %scan3A_1288 : i32
        %get3A_1414 = arith.constant 1 : i32
        %get3A_1415 = arith.index_cast %get3A_1414 : i32 to index
        %get3A_1416 = arith.index_cast %add3A_1413 : i32 to index
        %get3A_1417 = arith.constant 48 : index
        %get3A_1418 = tpu.vector_load %arg6[%get3A_1415, %get3A_1416, %get3A_1417] {strides = array<i32>} : memref<2x512x64xf32, #tpu.memory_space<vmem>>, vector<16xf32>,
        %add3A_1419 = arith.addf %add3A_1411, %get3A_1418 : vector<16xf32>
        %add3A_1420 = arith.constant 256 : i32
        %add3A_1421 = arith.addi %add3A_1420, %scan3A_1288 : i32
        %get3A_1422 = arith.constant 1 : i32
        %get3A_1423 = arith.index_cast %get3A_1422 : i32 to index
        %get3A_1424 = arith.index_cast %add3A_1421 : i32 to index
        %get3A_1425 = arith.constant 48 : index
        %get3A_1426 = tpu.vector_load %arg6[%get3A_1423, %get3A_1424, %get3A_1425] {strides = array<i32>} : memref<2x512x64xf32, #tpu.memory_space<vmem>>, vector<16xf32>,
        %add3A_1427 = arith.addf %add3A_1419, %get3A_1426 : vector<16xf32>
        %add3A_1428 = arith.constant 384 : i32
        %add3A_1429 = arith.addi %add3A_1428, %scan3A_1288 : i32
        %get3A_1430 = arith.constant 1 : i32
        %get3A_1431 = arith.index_cast %get3A_1430 : i32 to index
        %get3A_1432 = arith.index_cast %add3A_1429 : i32 to index
        %get3A_1433 = arith.constant 48 : index
        %get3A_1434 = tpu.vector_load %arg6[%get3A_1431, %get3A_1432, %get3A_1433] {strides = array<i32>} : memref<2x512x64xf32, #tpu.memory_space<vmem>>, vector<16xf32>,
        %add3A_1435 = arith.addf %add3A_1427, %get3A_1434 : vector<16xf32>
        %swap3A_1436 = arith.index_cast %scan3A_1288 : i32 to index
        %swap3A_1437 = arith.constant 48 : index
        %swap3A_1438 = tpu.vector_load %arg7[%swap3A_1436, %swap3A_1437] {strides = array<i32>} : memref<128x64xf32, #tpu.memory_space<vmem>>, vector<16xf32>,
        tpu.vector_store %arg7[%swap3A_1436, %swap3A_1437], %add3A_1435 {strides = array<i32>} : memref<128x64xf32, #tpu.memory_space<vmem>>, vector<16xf32>,
      }
      %scan3A_354 = arith.constant 128 : i32
      %jit3A_355 = arith.constant 50 : i32
      %eq3A_356 = arith.constant 0 : i32
      %eq3A_357 = arith.cmpi eq, %jit3A_355, %eq3A_356 : i32
      %jit3A_358 = arith.constant 1 : i32
      %select_n3A_359 = arith.select %eq3A_357, %jit3A_358, %jit3A_355 : i32
      %rem3A_360 = arith.remsi %add3A_305, %select_n3A_359 : i32
      %ne3A_361 = arith.constant 0 : i32
      %ne3A_362 = arith.cmpi ne, %rem3A_360, %ne3A_361 : i32
      %lt3A_363 = arith.constant 0 : i32
      %lt3A_364 = arith.cmpi slt, %rem3A_360, %lt3A_363 : i32
      %lt3A_365 = arith.constant 0 : i32
      %lt3A_366 = arith.cmpi slt, %select_n3A_359, %lt3A_365 : i32
      %ne3A_367 = arith.xori %lt3A_364, %lt3A_366 : i1
      %and3A_368 = arith.andi %ne3A_367, %ne3A_362 : i1
      %add3A_369 = arith.addi %rem3A_360, %select_n3A_359 : i32
      %select_n3A_370 = arith.select %and3A_368, %add3A_369, %rem3A_360 : i32
      %eq3A_371 = arith.constant 49 : i32
      %eq3A_372 = arith.cmpi eq, %select_n3A_370, %eq3A_371 : i32
      %gt3A_373 = arith.constant 50 : i32
      %gt3A_374 = arith.cmpi sgt, %add3A_305, %gt3A_373 : i32
      %and3A_375 = arith.andi %eq3A_372, %gt3A_374 : i1
      %convert_element_type3A_376 = arith.extui %and3A_375 : i1 to i32
      %cond3A_377 = arith.constant 0 : i32
      %cond3A_378 = arith.cmpi ne, %convert_element_type3A_376, %cond3A_377 : i32
      scf.if %cond3A_378 {
        %sub3A_1288 = arith.constant 50 : i32
        %sub3A_1289 = arith.subi %add3A_305, %sub3A_1288 : i32
        %jit3A_1290 = arith.constant 50 : i32
        %div3A_1291 = arith.divsi %sub3A_1289, %jit3A_1290 : i32
        %sign3A_1292 = arith.constant 0 : i32
        %sign3A_1293 = arith.cmpi sgt, %sub3A_1289, %sign3A_1292 : i32
        %sign3A_1294 = arith.extui %sign3A_1293 : i1 to i32
        %sign3A_1295 = arith.constant 0 : i32
        %sign3A_1296 = arith.cmpi slt, %sub3A_1289, %sign3A_1295 : i32
        %sign3A_1297 = arith.extui %sign3A_1296 : i1 to i32
        %sign3A_1298 = arith.subi %sign3A_1294, %sign3A_1297 : i32
        %sign3A_1299 = arith.constant 0 : i32
        %sign3A_1300 = arith.cmpi sgt, %jit3A_1290, %sign3A_1299 : i32
        %sign3A_1301 = arith.extui %sign3A_1300 : i1 to i32
        %sign3A_1302 = arith.constant 0 : i32
        %sign3A_1303 = arith.cmpi slt, %jit3A_1290, %sign3A_1302 : i32
        %sign3A_1304 = arith.extui %sign3A_1303 : i1 to i32
        %sign3A_1305 = arith.subi %sign3A_1301, %sign3A_1304 : i32
        %ne3A_1306 = arith.cmpi ne, %sign3A_1298, %sign3A_1305 : i32
        %rem3A_1307 = arith.remsi %sub3A_1289, %jit3A_1290 : i32
        %ne3A_1308 = arith.constant 0 : i32
        %ne3A_1309 = arith.cmpi ne, %rem3A_1307, %ne3A_1308 : i32
        %and3A_1310 = arith.andi %ne3A_1306, %ne3A_1309 : i1
        %sub3A_1311 = arith.constant 1 : i32
        %sub3A_1312 = arith.subi %div3A_1291, %sub3A_1311 : i32
        %select_n3A_1313 = arith.select %and3A_1310, %sub3A_1312, %div3A_1291 : i32
        %mul3A_1314 = arith.constant 128 : i32
        %mul3A_1315 = arith.muli %select_n3A_1313, %mul3A_1314 : i32
        %add3A_1316 = arith.addi %mul3A_2, %mul3A_1315 : i32
        %dma_wait3A_1317 = arith.constant 0 : i32
        %dma_wait3A_1318 = tpu.memref_slice %arg4[%add3A_1316, %dma_wait3A_1317] : memref<16384x64xf32, #tpu.memory_space<hbm>> -> memref<128x64xf32, #tpu.memory_space<hbm>>
        %dma_wait3A_1319 = arith.constant 0 : i32
        %dma_wait3A_1320 = tpu.memref_slice %arg4[%add3A_1316, %dma_wait3A_1319] : memref<16384x64xf32, #tpu.memory_space<hbm>> -> memref<128x64xf32, #tpu.memory_space<hbm>>
        tpu.wait_dma2 semaphore(%arg15 : memref<!tpu.dma_semaphore, #tpu.memory_space<semaphore_mem>>) src(%arg8 : memref<128x64xf32, #tpu.memory_space<vmem>>) dst(%dma_wait3A_1320 : memref<128x64xf32, #tpu.memory_space<hbm>>)
      } else {
      }
      %jit3A_379 = arith.constant 50 : i32
      %eq3A_380 = arith.constant 0 : i32
      %eq3A_381 = arith.cmpi eq, %jit3A_379, %eq3A_380 : i32
      %jit3A_382 = arith.constant 1 : i32
      %select_n3A_383 = arith.select %eq3A_381, %jit3A_382, %jit3A_379 : i32
      %rem3A_384 = arith.remsi %add3A_305, %select_n3A_383 : i32
      %ne3A_385 = arith.constant 0 : i32
      %ne3A_386 = arith.cmpi ne, %rem3A_384, %ne3A_385 : i32
      %lt3A_387 = arith.constant 0 : i32
      %lt3A_388 = arith.cmpi slt, %rem3A_384, %lt3A_387 : i32
      %lt3A_389 = arith.constant 0 : i32
      %lt3A_390 = arith.cmpi slt, %select_n3A_383, %lt3A_389 : i32
      %ne3A_391 = arith.xori %lt3A_388, %lt3A_390 : i1
      %and3A_392 = arith.andi %ne3A_391, %ne3A_386 : i1
      %add3A_393 = arith.addi %rem3A_384, %select_n3A_383 : i32
      %select_n3A_394 = arith.select %and3A_392, %add3A_393, %rem3A_384 : i32
      %eq3A_395 = arith.constant 49 : i32
      %eq3A_396 = arith.cmpi eq, %select_n3A_394, %eq3A_395 : i32
      %convert_element_type3A_397 = arith.extui %eq3A_396 : i1 to i32
      %cond3A_398 = arith.constant 0 : i32
      %cond3A_399 = arith.cmpi ne, %convert_element_type3A_397, %cond3A_398 : i32
      scf.if %cond3A_399 {
        %scan3A_1288 = arith.constant 0 : i32
        %scan3A_1289 = arith.constant 0 : i32
        %scan3A_1290 = arith.constant 128 : i32
        %scan3A_1291 = arith.addi %scan3A_1289, %scan3A_1290 : i32
        %scan3A_1292 = arith.constant 1 : i32
        scf.for %scan3A_1325 = %scan3A_1289 to %scan3A_1291 step %scan3A_1292  : i32 {
          %get3A = arith.index_cast %scan3A_1325 : i32 to index
          %get3A_1326 = arith.constant 0 : index
          %get3A_1327 = tpu.vector_load %arg7[%get3A, %get3A_1326] {strides = array<i32>} : memref<128x64xf32, #tpu.memory_space<vmem>>, vector<16xf32>,
          %mul3A_1328 = vector.broadcast %scan3A_113 : f32 to vector<16xf32>
          %mul3A_1329 = arith.mulf %get3A_1327, %mul3A_1328 : vector<16xf32>
          %swap3A = arith.index_cast %scan3A_1325 : i32 to index
          %swap3A_1330 = arith.constant 0 : index
          %swap3A_1331 = tpu.vector_load %arg8[%swap3A, %swap3A_1330] {strides = array<i32>} : memref<128x64xf32, #tpu.memory_space<vmem>>, vector<16xf32>,
          tpu.vector_store %arg8[%swap3A, %swap3A_1330], %mul3A_1329 {strides = array<i32>} : memref<128x64xf32, #tpu.memory_space<vmem>>, vector<16xf32>,
          %get3A_1332 = arith.index_cast %scan3A_1325 : i32 to index
          %get3A_1333 = arith.constant 16 : index
          %get3A_1334 = tpu.vector_load %arg7[%get3A_1332, %get3A_1333] {strides = array<i32>} : memref<128x64xf32, #tpu.memory_space<vmem>>, vector<16xf32>,
          %mul3A_1335 = vector.broadcast %scan3A_113 : f32 to vector<16xf32>
          %mul3A_1336 = arith.mulf %get3A_1334, %mul3A_1335 : vector<16xf32>
          %swap3A_1337 = arith.index_cast %scan3A_1325 : i32 to index
          %swap3A_1338 = arith.constant 16 : index
          %swap3A_1339 = tpu.vector_load %arg8[%swap3A_1337, %swap3A_1338] {strides = array<i32>} : memref<128x64xf32, #tpu.memory_space<vmem>>, vector<16xf32>,
          tpu.vector_store %arg8[%swap3A_1337, %swap3A_1338], %mul3A_1336 {strides = array<i32>} : memref<128x64xf32, #tpu.memory_space<vmem>>, vector<16xf32>,
          %get3A_1340 = arith.index_cast %scan3A_1325 : i32 to index
          %get3A_1341 = arith.constant 32 : index
          %get3A_1342 = tpu.vector_load %arg7[%get3A_1340, %get3A_1341] {strides = array<i32>} : memref<128x64xf32, #tpu.memory_space<vmem>>, vector<16xf32>,
          %mul3A_1343 = vector.broadcast %scan3A_113 : f32 to vector<16xf32>
          %mul3A_1344 = arith.mulf %get3A_1342, %mul3A_1343 : vector<16xf32>
          %swap3A_1345 = arith.index_cast %scan3A_1325 : i32 to index
          %swap3A_1346 = arith.constant 32 : index
          %swap3A_1347 = tpu.vector_load %arg8[%swap3A_1345, %swap3A_1346] {strides = array<i32>} : memref<128x64xf32, #tpu.memory_space<vmem>>, vector<16xf32>,
          tpu.vector_store %arg8[%swap3A_1345, %swap3A_1346], %mul3A_1344 {strides = array<i32>} : memref<128x64xf32, #tpu.memory_space<vmem>>, vector<16xf32>,
          %get3A_1348 = arith.index_cast %scan3A_1325 : i32 to index
          %get3A_1349 = arith.constant 48 : index
          %get3A_1350 = tpu.vector_load %arg7[%get3A_1348, %get3A_1349] {strides = array<i32>} : memref<128x64xf32, #tpu.memory_space<vmem>>, vector<16xf32>,
          %mul3A_1351 = vector.broadcast %scan3A_113 : f32 to vector<16xf32>
          %mul3A_1352 = arith.mulf %get3A_1350, %mul3A_1351 : vector<16xf32>
          %swap3A_1353 = arith.index_cast %scan3A_1325 : i32 to index
          %swap3A_1354 = arith.constant 48 : index
          %swap3A_1355 = tpu.vector_load %arg8[%swap3A_1353, %swap3A_1354] {strides = array<i32>} : memref<128x64xf32, #tpu.memory_space<vmem>>, vector<16xf32>,
          tpu.vector_store %arg8[%swap3A_1353, %swap3A_1354], %mul3A_1352 {strides = array<i32>} : memref<128x64xf32, #tpu.memory_space<vmem>>, vector<16xf32>,
        }
        %scan3A_1293 = arith.constant 128 : i32
        %jit3A_1294 = arith.constant 50 : i32
        %div3A_1295 = arith.divsi %add3A_305, %jit3A_1294 : i32
        %sign3A_1296 = arith.constant 0 : i32
        %sign3A_1297 = arith.cmpi sgt, %add3A_305, %sign3A_1296 : i32
        %sign3A_1298 = arith.extui %sign3A_1297 : i1 to i32
        %sign3A_1299 = arith.constant 0 : i32
        %sign3A_1300 = arith.cmpi slt, %add3A_305, %sign3A_1299 : i32
        %sign3A_1301 = arith.extui %sign3A_1300 : i1 to i32
        %sign3A_1302 = arith.subi %sign3A_1298, %sign3A_1301 : i32
        %sign3A_1303 = arith.constant 0 : i32
        %sign3A_1304 = arith.cmpi sgt, %jit3A_1294, %sign3A_1303 : i32
        %sign3A_1305 = arith.extui %sign3A_1304 : i1 to i32
        %sign3A_1306 = arith.constant 0 : i32
        %sign3A_1307 = arith.cmpi slt, %jit3A_1294, %sign3A_1306 : i32
        %sign3A_1308 = arith.extui %sign3A_1307 : i1 to i32
        %sign3A_1309 = arith.subi %sign3A_1305, %sign3A_1308 : i32
        %ne3A_1310 = arith.cmpi ne, %sign3A_1302, %sign3A_1309 : i32
        %rem3A_1311 = arith.remsi %add3A_305, %jit3A_1294 : i32
        %ne3A_1312 = arith.constant 0 : i32
        %ne3A_1313 = arith.cmpi ne, %rem3A_1311, %ne3A_1312 : i32
        %and3A_1314 = arith.andi %ne3A_1310, %ne3A_1313 : i1
        %sub3A_1315 = arith.constant 1 : i32
        %sub3A_1316 = arith.subi %div3A_1295, %sub3A_1315 : i32
        %select_n3A_1317 = arith.select %and3A_1314, %sub3A_1316, %div3A_1295 : i32
        %mul3A_1318 = arith.constant 128 : i32
        %mul3A_1319 = arith.muli %select_n3A_1317, %mul3A_1318 : i32
        %add3A_1320 = arith.addi %mul3A_2, %mul3A_1319 : i32
        %dma_start3A_1321 = arith.constant 0 : i32
        %dma_start3A_1322 = tpu.memref_slice %arg4[%add3A_1320, %dma_start3A_1321] : memref<16384x64xf32, #tpu.memory_space<hbm>> -> memref<128x64xf32, #tpu.memory_space<hbm>>
        %dma_start3A_1323 = arith.constant 0 : i32
        %dma_start3A_1324 = tpu.memref_slice %arg4[%add3A_1320, %dma_start3A_1323] : memref<16384x64xf32, #tpu.memory_space<hbm>> -> memref<128x64xf32, #tpu.memory_space<hbm>>
        tpu.enqueue_dma source(%arg8 : memref<128x64xf32, #tpu.memory_space<vmem>>) target(%dma_start3A_1324 : memref<128x64xf32, #tpu.memory_space<hbm>>) target_semaphore(%arg15 : memref<!tpu.dma_semaphore, #tpu.memory_space<semaphore_mem>>)
      } else {
      }
      %add3A_400 = arith.constant 2 : i32
      %add3A_401 = arith.addi %add3A_305, %add3A_400 : i32
      %jit3A_402 = arith.constant 2 : i32
      %eq3A_403 = arith.constant 0 : i32
      %eq3A_404 = arith.cmpi eq, %jit3A_402, %eq3A_403 : i32
      %jit3A_405 = arith.constant 1 : i32
      %select_n3A_406 = arith.select %eq3A_404, %jit3A_405, %jit3A_402 : i32
      %rem3A_407 = arith.remsi %add3A_401, %select_n3A_406 : i32
      %ne3A_408 = arith.constant 0 : i32
      %ne3A_409 = arith.cmpi ne, %rem3A_407, %ne3A_408 : i32
      %lt3A_410 = arith.constant 0 : i32
      %lt3A_411 = arith.cmpi slt, %rem3A_407, %lt3A_410 : i32
      %lt3A_412 = arith.constant 0 : i32
      %lt3A_413 = arith.cmpi slt, %select_n3A_406, %lt3A_412 : i32
      %ne3A_414 = arith.xori %lt3A_411, %lt3A_413 : i1
      %and3A_415 = arith.andi %ne3A_414, %ne3A_409 : i1
      %add3A_416 = arith.addi %rem3A_407, %select_n3A_406 : i32
      %select_n3A_417 = arith.select %and3A_415, %add3A_416, %rem3A_407 : i32
      %mul3A_418 = arith.constant 512 : i32
      %mul3A_419 = arith.muli %mul3A_418, %select_n3A_417 : i32
      %dma_start3A_420 = arith.constant 1 : i32
      %dma_start3A_421 = arith.constant 1 : i32
      %dma_start3A_422 = arith.constant 0 : i32
      %dma_start3A_423 = arith.constant 0 : i32
      %dma_start3A_424 = tpu.memref_slice %arg6[%dma_start3A_421, %dma_start3A_422, %dma_start3A_423] : memref<2x512x64xf32, #tpu.memory_space<vmem>> -> memref<1x512x64xf32, #tpu.memory_space<vmem>>
      %dma_start3A_425 = tpu.memref_squeeze %dma_start3A_424 : memref<1x512x64xf32, #tpu.memory_space<vmem>> -> memref<512x64xf32, #tpu.memory_space<vmem>>
      %dma_start3A_426 = tpu.memref_slice %arg5[%dma_start3A_420, %mul3A_419] : memref<4x1024xi32, #tpu.memory_space<vmem>> -> memref<1x512xi32, #tpu.memory_space<vmem>>
      %dma_start3A_427 = tpu.memref_squeeze %dma_start3A_426 : memref<1x512xi32, #tpu.memory_space<vmem>> -> memref<512xi32, #tpu.memory_space<vmem>>
      %dma_start3A_428 = arith.constant 0 : i32
      %dma_start3A_429 = arith.constant 0 : i32
      %dma_start3A_430 = tpu.memref_slice %arg3[%dma_start3A_428, %dma_start3A_429] : memref<2000000x64xf32, #tpu.memory_space<hbm>> -> memref<2000000x64xf32, #tpu.memory_space<hbm>>
      tpu.enqueue_indirect_dma source(%dma_start3A_430 : memref<2000000x64xf32, #tpu.memory_space<hbm>>) target(%dma_start3A_425 : memref<512x64xf32, #tpu.memory_space<vmem>>) offsets(%dma_start3A_427 : memref<512xi32, #tpu.memory_space<vmem>>) semaphore(%arg14 : memref<!tpu.dma_semaphore, #tpu.memory_space<semaphore_mem>>)
      %gt3A_431 = arith.constant 0 : i32
      %gt3A_432 = arith.cmpi sgt, %scan3A_125, %gt3A_431 : i32
      %convert_element_type3A_433 = arith.extui %gt3A_432 : i1 to i32
      %cond3A_434 = arith.constant 0 : i32
      %cond3A_435 = arith.cmpi ne, %convert_element_type3A_433, %cond3A_434 : i32
      scf.if %cond3A_435 {
        %jit3A_1288 = arith.constant 25 : i32
        %eq3A_1289 = arith.constant 0 : i32
        %eq3A_1290 = arith.cmpi eq, %jit3A_1288, %eq3A_1289 : i32
        %jit3A_1291 = arith.constant 1 : i32
        %select_n3A_1292 = arith.select %eq3A_1290, %jit3A_1291, %jit3A_1288 : i32
        %rem3A_1293 = arith.remsi %add3A_315, %select_n3A_1292 : i32
        %ne3A_1294 = arith.constant 0 : i32
        %ne3A_1295 = arith.cmpi ne, %rem3A_1293, %ne3A_1294 : i32
        %lt3A_1296 = arith.constant 0 : i32
        %lt3A_1297 = arith.cmpi slt, %rem3A_1293, %lt3A_1296 : i32
        %lt3A_1298 = arith.constant 0 : i32
        %lt3A_1299 = arith.cmpi slt, %select_n3A_1292, %lt3A_1298 : i32
        %ne3A_1300 = arith.xori %lt3A_1297, %lt3A_1299 : i1
        %and3A_1301 = arith.andi %ne3A_1300, %ne3A_1295 : i1
        %add3A_1302 = arith.addi %rem3A_1293, %select_n3A_1292 : i32
        %select_n3A_1303 = arith.select %and3A_1301, %add3A_1302, %rem3A_1293 : i32
        %jit3A_1304 = arith.constant 25 : i32
        %div3A_1305 = arith.divsi %add3A_315, %jit3A_1304 : i32
        %sign3A_1306 = arith.constant 0 : i32
        %sign3A_1307 = arith.cmpi sgt, %add3A_315, %sign3A_1306 : i32
        %sign3A_1308 = arith.extui %sign3A_1307 : i1 to i32
        %sign3A_1309 = arith.constant 0 : i32
        %sign3A_1310 = arith.cmpi slt, %add3A_315, %sign3A_1309 : i32
        %sign3A_1311 = arith.extui %sign3A_1310 : i1 to i32
        %sign3A_1312 = arith.subi %sign3A_1308, %sign3A_1311 : i32
        %sign3A_1313 = arith.constant 0 : i32
        %sign3A_1314 = arith.cmpi sgt, %jit3A_1304, %sign3A_1313 : i32
        %sign3A_1315 = arith.extui %sign3A_1314 : i1 to i32
        %sign3A_1316 = arith.constant 0 : i32
        %sign3A_1317 = arith.cmpi slt, %jit3A_1304, %sign3A_1316 : i32
        %sign3A_1318 = arith.extui %sign3A_1317 : i1 to i32
        %sign3A_1319 = arith.subi %sign3A_1315, %sign3A_1318 : i32
        %ne3A_1320 = arith.cmpi ne, %sign3A_1312, %sign3A_1319 : i32
        %rem3A_1321 = arith.remsi %add3A_315, %jit3A_1304 : i32
        %ne3A_1322 = arith.constant 0 : i32
        %ne3A_1323 = arith.cmpi ne, %rem3A_1321, %ne3A_1322 : i32
        %and3A_1324 = arith.andi %ne3A_1320, %ne3A_1323 : i1
        %sub3A_1325 = arith.constant 1 : i32
        %sub3A_1326 = arith.subi %div3A_1305, %sub3A_1325 : i32
        %select_n3A_1327 = arith.select %and3A_1324, %sub3A_1326, %div3A_1305 : i32
        %add3A_1328 = arith.addi %mul3A_4, %select_n3A_1327 : i32
        %dma_start3A_1329 = arith.constant 2 : i32
        %dma_start3A_1330 = arith.constant 0 : i32
        %dma_start3A_1331 = tpu.memref_slice %arg5[%dma_start3A_1329, %dma_start3A_1330] : memref<4x1024xi32, #tpu.memory_space<vmem>> -> memref<1x1024xi32, #tpu.memory_space<vmem>>
        %dma_start3A_1332 = tpu.memref_squeeze %dma_start3A_1331 : memref<1x1024xi32, #tpu.memory_space<vmem>> -> memref<1024xi32, #tpu.memory_space<vmem>>
        %dma_start3A_1333 = arith.constant 0 : i32
        %dma_start3A_1334 = tpu.memref_slice %arg2[%select_n3A_1303, %add3A_1328, %dma_start3A_1333] : memref<25x128x1024xi32, #tpu.memory_space<hbm>> -> memref<1x1x1024xi32, #tpu.memory_space<hbm>>
        %dma_start3A_1335 = tpu.memref_squeeze %dma_start3A_1334 : memref<1x1x1024xi32, #tpu.memory_space<hbm>> -> memref<1024xi32, #tpu.memory_space<hbm>>
        %dma_start3A_1336 = arith.constant 0 : i32
        %dma_start3A_1337 = tpu.memref_slice %arg5[%dma_start3A_1329, %dma_start3A_1336] : memref<4x1024xi32, #tpu.memory_space<vmem>> -> memref<1x1024xi32, #tpu.memory_space<vmem>>
        %dma_start3A_1338 = tpu.memref_squeeze %dma_start3A_1337 : memref<1x1024xi32, #tpu.memory_space<vmem>> -> memref<1024xi32, #tpu.memory_space<vmem>>
        %dma_start3A_1339 = arith.constant 0 : i32
        %dma_start3A_1340 = tpu.memref_slice %arg2[%select_n3A_1303, %add3A_1328, %dma_start3A_1339] : memref<25x128x1024xi32, #tpu.memory_space<hbm>> -> memref<1x1x1024xi32, #tpu.memory_space<hbm>>
        %dma_start3A_1341 = tpu.memref_squeeze %dma_start3A_1340 : memref<1x1x1024xi32, #tpu.memory_space<hbm>> -> memref<1024xi32, #tpu.memory_space<hbm>>
        tpu.enqueue_dma source(%dma_start3A_1341 : memref<1024xi32, #tpu.memory_space<hbm>>) target(%dma_start3A_1338 : memref<1024xi32, #tpu.memory_space<vmem>>) target_semaphore(%arg11 : memref<!tpu.dma_semaphore, #tpu.memory_space<semaphore_mem>>)
      } else {
      }
      %mul3A_436 = arith.constant 8 : i32
      %mul3A_437 = arith.muli %mul3A_436, %scan3A_125 : i32
      %add3A_438 = arith.constant 2 : i32
      %add3A_439 = arith.addi %mul3A_437, %add3A_438 : i32
      %mul3A_440 = arith.constant 4 : i32
      %mul3A_441 = arith.muli %mul3A_440, %scan3A_125 : i32
      %add3A_442 = arith.constant 2 : i32
      %add3A_443 = arith.addi %mul3A_441, %add3A_442 : i32
      %mul3A_444 = arith.constant 4 : i32
      %mul3A_445 = arith.muli %mul3A_444, %scan3A_125 : i32
      %add3A_446 = arith.constant 1 : i32
      %add3A_447 = arith.addi %mul3A_445, %add3A_446 : i32
      %add3A_448 = arith.constant 2 : i32
      %add3A_449 = arith.addi %add3A_447, %add3A_448 : i32
      %dma_wait3A_450 = arith.constant 1 : i32
      %dma_wait3A_451 = arith.constant 0 : i32
      %dma_wait3A_452 = arith.constant 0 : i32
      %dma_wait3A_453 = arith.constant 0 : i32
      %dma_wait3A_454 = tpu.memref_slice %arg6[%dma_wait3A_451, %dma_wait3A_452, %dma_wait3A_453] : memref<2x512x64xf32, #tpu.memory_space<vmem>> -> memref<1x512x64xf32, #tpu.memory_space<vmem>>
      %dma_wait3A_455 = tpu.memref_squeeze %dma_wait3A_454 : memref<1x512x64xf32, #tpu.memory_space<vmem>> -> memref<512x64xf32, #tpu.memory_space<vmem>>
      %dma_wait3A_456 = arith.constant 0 : i32
      %dma_wait3A_457 = tpu.memref_slice %arg5[%dma_wait3A_450, %dma_wait3A_456] : memref<4x1024xi32, #tpu.memory_space<vmem>> -> memref<1x512xi32, #tpu.memory_space<vmem>>
      %dma_wait3A_458 = tpu.memref_squeeze %dma_wait3A_457 : memref<1x512xi32, #tpu.memory_space<vmem>> -> memref<512xi32, #tpu.memory_space<vmem>>
      %dma_wait3A_459 = arith.constant 0 : i32
      %dma_wait3A_460 = arith.constant 0 : i32
      %dma_wait3A_461 = tpu.memref_slice %arg3[%dma_wait3A_459, %dma_wait3A_460] : memref<2000000x64xf32, #tpu.memory_space<hbm>> -> memref<2000000x64xf32, #tpu.memory_space<hbm>>
      tpu.wait_indirect_dma semaphore(%arg13 : memref<!tpu.dma_semaphore, #tpu.memory_space<semaphore_mem>>) src(%dma_wait3A_461 : memref<2000000x64xf32, #tpu.memory_space<hbm>>) dst(%dma_wait3A_455 : memref<512x64xf32, #tpu.memory_space<vmem>>)
      %jit3A_462 = arith.constant 50 : i32
      %eq3A_463 = arith.constant 0 : i32
      %eq3A_464 = arith.cmpi eq, %jit3A_462, %eq3A_463 : i32
      %jit3A_465 = arith.constant 1 : i32
      %select_n3A_466 = arith.select %eq3A_464, %jit3A_465, %jit3A_462 : i32
      %rem3A_467 = arith.remsi %add3A_439, %select_n3A_466 : i32
      %ne3A_468 = arith.constant 0 : i32
      %ne3A_469 = arith.cmpi ne, %rem3A_467, %ne3A_468 : i32
      %lt3A_470 = arith.constant 0 : i32
      %lt3A_471 = arith.cmpi slt, %rem3A_467, %lt3A_470 : i32
      %lt3A_472 = arith.constant 0 : i32
      %lt3A_473 = arith.cmpi slt, %select_n3A_466, %lt3A_472 : i32
      %ne3A_474 = arith.xori %lt3A_471, %lt3A_473 : i1
      %and3A_475 = arith.andi %ne3A_474, %ne3A_469 : i1
      %add3A_476 = arith.addi %rem3A_467, %select_n3A_466 : i32
      %select_n3A_477 = arith.select %and3A_475, %add3A_476, %rem3A_467 : i32
      %eq3A_478 = arith.constant 0 : i32
      %eq3A_479 = arith.cmpi eq, %select_n3A_477, %eq3A_478 : i32
      %convert_element_type3A_480 = arith.extui %eq3A_479 : i1 to i32
      %cond3A_481 = arith.constant 0 : i32
      %cond3A_482 = arith.cmpi ne, %convert_element_type3A_480, %cond3A_481 : i32
      scf.if %cond3A_482 {
        %broadcast_in_dim3A = arith.constant 0.000000e+00 : f32
        %broadcast_in_dim3A_1288 = vector.broadcast %broadcast_in_dim3A : f32 to vector<16xf32>
        %scan3A_1289 = arith.constant 0 : i32
        %scan3A_1290 = arith.constant 0 : i32
        %scan3A_1291 = arith.constant 128 : i32
        %scan3A_1292 = arith.addi %scan3A_1290, %scan3A_1291 : i32
        %scan3A_1293 = arith.constant 1 : i32
        scf.for %scan3A_1295 = %scan3A_1290 to %scan3A_1292 step %scan3A_1293  : i32 {
          %swap3A = arith.index_cast %scan3A_1295 : i32 to index
          %swap3A_1296 = arith.constant 0 : index
          %swap3A_1297 = tpu.vector_load %arg7[%swap3A, %swap3A_1296] {strides = array<i32>} : memref<128x64xf32, #tpu.memory_space<vmem>>, vector<16xf32>,
          tpu.vector_store %arg7[%swap3A, %swap3A_1296], %broadcast_in_dim3A_1288 {strides = array<i32>} : memref<128x64xf32, #tpu.memory_space<vmem>>, vector<16xf32>,
          %swap3A_1298 = arith.index_cast %scan3A_1295 : i32 to index
          %swap3A_1299 = arith.constant 16 : index
          %swap3A_1300 = tpu.vector_load %arg7[%swap3A_1298, %swap3A_1299] {strides = array<i32>} : memref<128x64xf32, #tpu.memory_space<vmem>>, vector<16xf32>,
          tpu.vector_store %arg7[%swap3A_1298, %swap3A_1299], %broadcast_in_dim3A_1288 {strides = array<i32>} : memref<128x64xf32, #tpu.memory_space<vmem>>, vector<16xf32>,
          %swap3A_1301 = arith.index_cast %scan3A_1295 : i32 to index
          %swap3A_1302 = arith.constant 32 : index
          %swap3A_1303 = tpu.vector_load %arg7[%swap3A_1301, %swap3A_1302] {strides = array<i32>} : memref<128x64xf32, #tpu.memory_space<vmem>>, vector<16xf32>,
          tpu.vector_store %arg7[%swap3A_1301, %swap3A_1302], %broadcast_in_dim3A_1288 {strides = array<i32>} : memref<128x64xf32, #tpu.memory_space<vmem>>, vector<16xf32>,
          %swap3A_1304 = arith.index_cast %scan3A_1295 : i32 to index
          %swap3A_1305 = arith.constant 48 : index
          %swap3A_1306 = tpu.vector_load %arg7[%swap3A_1304, %swap3A_1305] {strides = array<i32>} : memref<128x64xf32, #tpu.memory_space<vmem>>, vector<16xf32>,
          tpu.vector_store %arg7[%swap3A_1304, %swap3A_1305], %broadcast_in_dim3A_1288 {strides = array<i32>} : memref<128x64xf32, #tpu.memory_space<vmem>>, vector<16xf32>,
        }
        %scan3A_1294 = arith.constant 128 : i32
      } else {
      }
      %scan3A_483 = arith.constant 0 : i32
      %scan3A_484 = arith.constant 0 : i32
      %scan3A_485 = arith.constant 128 : i32
      %scan3A_486 = arith.addi %scan3A_484, %scan3A_485 : i32
      %scan3A_487 = arith.constant 1 : i32
      scf.for %scan3A_1288 = %scan3A_484 to %scan3A_486 step %scan3A_487  : i32 {
        %get3A = arith.index_cast %scan3A_1288 : i32 to index
        %get3A_1289 = arith.constant 0 : index
        %get3A_1290 = tpu.vector_load %arg7[%get3A, %get3A_1289] {strides = array<i32>} : memref<128x64xf32, #tpu.memory_space<vmem>>, vector<16xf32>,
        %add3A_1291 = arith.constant 0 : i32
        %add3A_1292 = arith.addi %add3A_1291, %scan3A_1288 : i32
        %get3A_1293 = arith.constant 0 : i32
        %get3A_1294 = arith.index_cast %get3A_1293 : i32 to index
        %get3A_1295 = arith.index_cast %add3A_1292 : i32 to index
        %get3A_1296 = arith.constant 0 : index
        %get3A_1297 = tpu.vector_load %arg6[%get3A_1294, %get3A_1295, %get3A_1296] {strides = array<i32>} : memref<2x512x64xf32, #tpu.memory_space<vmem>>, vector<16xf32>,
        %add3A_1298 = arith.addf %get3A_1290, %get3A_1297 : vector<16xf32>
        %add3A_1299 = arith.constant 128 : i32
        %add3A_1300 = arith.addi %add3A_1299, %scan3A_1288 : i32
        %get3A_1301 = arith.constant 0 : i32
        %get3A_1302 = arith.index_cast %get3A_1301 : i32 to index
        %get3A_1303 = arith.index_cast %add3A_1300 : i32 to index
        %get3A_1304 = arith.constant 0 : index
        %get3A_1305 = tpu.vector_load %arg6[%get3A_1302, %get3A_1303, %get3A_1304] {strides = array<i32>} : memref<2x512x64xf32, #tpu.memory_space<vmem>>, vector<16xf32>,
        %add3A_1306 = arith.addf %add3A_1298, %get3A_1305 : vector<16xf32>
        %add3A_1307 = arith.constant 256 : i32
        %add3A_1308 = arith.addi %add3A_1307, %scan3A_1288 : i32
        %get3A_1309 = arith.constant 0 : i32
        %get3A_1310 = arith.index_cast %get3A_1309 : i32 to index
        %get3A_1311 = arith.index_cast %add3A_1308 : i32 to index
        %get3A_1312 = arith.constant 0 : index
        %get3A_1313 = tpu.vector_load %arg6[%get3A_1310, %get3A_1311, %get3A_1312] {strides = array<i32>} : memref<2x512x64xf32, #tpu.memory_space<vmem>>, vector<16xf32>,
        %add3A_1314 = arith.addf %add3A_1306, %get3A_1313 : vector<16xf32>
        %add3A_1315 = arith.constant 384 : i32
        %add3A_1316 = arith.addi %add3A_1315, %scan3A_1288 : i32
        %get3A_1317 = arith.constant 0 : i32
        %get3A_1318 = arith.index_cast %get3A_1317 : i32 to index
        %get3A_1319 = arith.index_cast %add3A_1316 : i32 to index
        %get3A_1320 = arith.constant 0 : index
        %get3A_1321 = tpu.vector_load %arg6[%get3A_1318, %get3A_1319, %get3A_1320] {strides = array<i32>} : memref<2x512x64xf32, #tpu.memory_space<vmem>>, vector<16xf32>,
        %add3A_1322 = arith.addf %add3A_1314, %get3A_1321 : vector<16xf32>
        %swap3A = arith.index_cast %scan3A_1288 : i32 to index
        %swap3A_1323 = arith.constant 0 : index
        %swap3A_1324 = tpu.vector_load %arg7[%swap3A, %swap3A_1323] {strides = array<i32>} : memref<128x64xf32, #tpu.memory_space<vmem>>, vector<16xf32>,
        tpu.vector_store %arg7[%swap3A, %swap3A_1323], %add3A_1322 {strides = array<i32>} : memref<128x64xf32, #tpu.memory_space<vmem>>, vector<16xf32>,
        %get3A_1325 = arith.index_cast %scan3A_1288 : i32 to index
        %get3A_1326 = arith.constant 16 : index
        %get3A_1327 = tpu.vector_load %arg7[%get3A_1325, %get3A_1326] {strides = array<i32>} : memref<128x64xf32, #tpu.memory_space<vmem>>, vector<16xf32>,
        %add3A_1328 = arith.constant 0 : i32
        %add3A_1329 = arith.addi %add3A_1328, %scan3A_1288 : i32
        %get3A_1330 = arith.constant 0 : i32
        %get3A_1331 = arith.index_cast %get3A_1330 : i32 to index
        %get3A_1332 = arith.index_cast %add3A_1329 : i32 to index
        %get3A_1333 = arith.constant 16 : index
        %get3A_1334 = tpu.vector_load %arg6[%get3A_1331, %get3A_1332, %get3A_1333] {strides = array<i32>} : memref<2x512x64xf32, #tpu.memory_space<vmem>>, vector<16xf32>,
        %add3A_1335 = arith.addf %get3A_1327, %get3A_1334 : vector<16xf32>
        %add3A_1336 = arith.constant 128 : i32
        %add3A_1337 = arith.addi %add3A_1336, %scan3A_1288 : i32
        %get3A_1338 = arith.constant 0 : i32
        %get3A_1339 = arith.index_cast %get3A_1338 : i32 to index
        %get3A_1340 = arith.index_cast %add3A_1337 : i32 to index
        %get3A_1341 = arith.constant 16 : index
        %get3A_1342 = tpu.vector_load %arg6[%get3A_1339, %get3A_1340, %get3A_1341] {strides = array<i32>} : memref<2x512x64xf32, #tpu.memory_space<vmem>>, vector<16xf32>,
        %add3A_1343 = arith.addf %add3A_1335, %get3A_1342 : vector<16xf32>
        %add3A_1344 = arith.constant 256 : i32
        %add3A_1345 = arith.addi %add3A_1344, %scan3A_1288 : i32
        %get3A_1346 = arith.constant 0 : i32
        %get3A_1347 = arith.index_cast %get3A_1346 : i32 to index
        %get3A_1348 = arith.index_cast %add3A_1345 : i32 to index
        %get3A_1349 = arith.constant 16 : index
        %get3A_1350 = tpu.vector_load %arg6[%get3A_1347, %get3A_1348, %get3A_1349] {strides = array<i32>} : memref<2x512x64xf32, #tpu.memory_space<vmem>>, vector<16xf32>,
        %add3A_1351 = arith.addf %add3A_1343, %get3A_1350 : vector<16xf32>
        %add3A_1352 = arith.constant 384 : i32
        %add3A_1353 = arith.addi %add3A_1352, %scan3A_1288 : i32
        %get3A_1354 = arith.constant 0 : i32
        %get3A_1355 = arith.index_cast %get3A_1354 : i32 to index
        %get3A_1356 = arith.index_cast %add3A_1353 : i32 to index
        %get3A_1357 = arith.constant 16 : index
        %get3A_1358 = tpu.vector_load %arg6[%get3A_1355, %get3A_1356, %get3A_1357] {strides = array<i32>} : memref<2x512x64xf32, #tpu.memory_space<vmem>>, vector<16xf32>,
        %add3A_1359 = arith.addf %add3A_1351, %get3A_1358 : vector<16xf32>
        %swap3A_1360 = arith.index_cast %scan3A_1288 : i32 to index
        %swap3A_1361 = arith.constant 16 : index
        %swap3A_1362 = tpu.vector_load %arg7[%swap3A_1360, %swap3A_1361] {strides = array<i32>} : memref<128x64xf32, #tpu.memory_space<vmem>>, vector<16xf32>,
        tpu.vector_store %arg7[%swap3A_1360, %swap3A_1361], %add3A_1359 {strides = array<i32>} : memref<128x64xf32, #tpu.memory_space<vmem>>, vector<16xf32>,
        %get3A_1363 = arith.index_cast %scan3A_1288 : i32 to index
        %get3A_1364 = arith.constant 32 : index
        %get3A_1365 = tpu.vector_load %arg7[%get3A_1363, %get3A_1364] {strides = array<i32>} : memref<128x64xf32, #tpu.memory_space<vmem>>, vector<16xf32>,
        %add3A_1366 = arith.constant 0 : i32
        %add3A_1367 = arith.addi %add3A_1366, %scan3A_1288 : i32
        %get3A_1368 = arith.constant 0 : i32
        %get3A_1369 = arith.index_cast %get3A_1368 : i32 to index
        %get3A_1370 = arith.index_cast %add3A_1367 : i32 to index
        %get3A_1371 = arith.constant 32 : index
        %get3A_1372 = tpu.vector_load %arg6[%get3A_1369, %get3A_1370, %get3A_1371] {strides = array<i32>} : memref<2x512x64xf32, #tpu.memory_space<vmem>>, vector<16xf32>,
        %add3A_1373 = arith.addf %get3A_1365, %get3A_1372 : vector<16xf32>
        %add3A_1374 = arith.constant 128 : i32
        %add3A_1375 = arith.addi %add3A_1374, %scan3A_1288 : i32
        %get3A_1376 = arith.constant 0 : i32
        %get3A_1377 = arith.index_cast %get3A_1376 : i32 to index
        %get3A_1378 = arith.index_cast %add3A_1375 : i32 to index
        %get3A_1379 = arith.constant 32 : index
        %get3A_1380 = tpu.vector_load %arg6[%get3A_1377, %get3A_1378, %get3A_1379] {strides = array<i32>} : memref<2x512x64xf32, #tpu.memory_space<vmem>>, vector<16xf32>,
        %add3A_1381 = arith.addf %add3A_1373, %get3A_1380 : vector<16xf32>
        %add3A_1382 = arith.constant 256 : i32
        %add3A_1383 = arith.addi %add3A_1382, %scan3A_1288 : i32
        %get3A_1384 = arith.constant 0 : i32
        %get3A_1385 = arith.index_cast %get3A_1384 : i32 to index
        %get3A_1386 = arith.index_cast %add3A_1383 : i32 to index
        %get3A_1387 = arith.constant 32 : index
        %get3A_1388 = tpu.vector_load %arg6[%get3A_1385, %get3A_1386, %get3A_1387] {strides = array<i32>} : memref<2x512x64xf32, #tpu.memory_space<vmem>>, vector<16xf32>,
        %add3A_1389 = arith.addf %add3A_1381, %get3A_1388 : vector<16xf32>
        %add3A_1390 = arith.constant 384 : i32
        %add3A_1391 = arith.addi %add3A_1390, %scan3A_1288 : i32
        %get3A_1392 = arith.constant 0 : i32
        %get3A_1393 = arith.index_cast %get3A_1392 : i32 to index
        %get3A_1394 = arith.index_cast %add3A_1391 : i32 to index
        %get3A_1395 = arith.constant 32 : index
        %get3A_1396 = tpu.vector_load %arg6[%get3A_1393, %get3A_1394, %get3A_1395] {strides = array<i32>} : memref<2x512x64xf32, #tpu.memory_space<vmem>>, vector<16xf32>,
        %add3A_1397 = arith.addf %add3A_1389, %get3A_1396 : vector<16xf32>
        %swap3A_1398 = arith.index_cast %scan3A_1288 : i32 to index
        %swap3A_1399 = arith.constant 32 : index
        %swap3A_1400 = tpu.vector_load %arg7[%swap3A_1398, %swap3A_1399] {strides = array<i32>} : memref<128x64xf32, #tpu.memory_space<vmem>>, vector<16xf32>,
        tpu.vector_store %arg7[%swap3A_1398, %swap3A_1399], %add3A_1397 {strides = array<i32>} : memref<128x64xf32, #tpu.memory_space<vmem>>, vector<16xf32>,
        %get3A_1401 = arith.index_cast %scan3A_1288 : i32 to index
        %get3A_1402 = arith.constant 48 : index
        %get3A_1403 = tpu.vector_load %arg7[%get3A_1401, %get3A_1402] {strides = array<i32>} : memref<128x64xf32, #tpu.memory_space<vmem>>, vector<16xf32>,
        %add3A_1404 = arith.constant 0 : i32
        %add3A_1405 = arith.addi %add3A_1404, %scan3A_1288 : i32
        %get3A_1406 = arith.constant 0 : i32
        %get3A_1407 = arith.index_cast %get3A_1406 : i32 to index
        %get3A_1408 = arith.index_cast %add3A_1405 : i32 to index
        %get3A_1409 = arith.constant 48 : index
        %get3A_1410 = tpu.vector_load %arg6[%get3A_1407, %get3A_1408, %get3A_1409] {strides = array<i32>} : memref<2x512x64xf32, #tpu.memory_space<vmem>>, vector<16xf32>,
        %add3A_1411 = arith.addf %get3A_1403, %get3A_1410 : vector<16xf32>
        %add3A_1412 = arith.constant 128 : i32
        %add3A_1413 = arith.addi %add3A_1412, %scan3A_1288 : i32
        %get3A_1414 = arith.constant 0 : i32
        %get3A_1415 = arith.index_cast %get3A_1414 : i32 to index
        %get3A_1416 = arith.index_cast %add3A_1413 : i32 to index
        %get3A_1417 = arith.constant 48 : index
        %get3A_1418 = tpu.vector_load %arg6[%get3A_1415, %get3A_1416, %get3A_1417] {strides = array<i32>} : memref<2x512x64xf32, #tpu.memory_space<vmem>>, vector<16xf32>,
        %add3A_1419 = arith.addf %add3A_1411, %get3A_1418 : vector<16xf32>
        %add3A_1420 = arith.constant 256 : i32
        %add3A_1421 = arith.addi %add3A_1420, %scan3A_1288 : i32
        %get3A_1422 = arith.constant 0 : i32
        %get3A_1423 = arith.index_cast %get3A_1422 : i32 to index
        %get3A_1424 = arith.index_cast %add3A_1421 : i32 to index
        %get3A_1425 = arith.constant 48 : index
        %get3A_1426 = tpu.vector_load %arg6[%get3A_1423, %get3A_1424, %get3A_1425] {strides = array<i32>} : memref<2x512x64xf32, #tpu.memory_space<vmem>>, vector<16xf32>,
        %add3A_1427 = arith.addf %add3A_1419, %get3A_1426 : vector<16xf32>
        %add3A_1428 = arith.constant 384 : i32
        %add3A_1429 = arith.addi %add3A_1428, %scan3A_1288 : i32
        %get3A_1430 = arith.constant 0 : i32
        %get3A_1431 = arith.index_cast %get3A_1430 : i32 to index
        %get3A_1432 = arith.index_cast %add3A_1429 : i32 to index
        %get3A_1433 = arith.constant 48 : index
        %get3A_1434 = tpu.vector_load %arg6[%get3A_1431, %get3A_1432, %get3A_1433] {strides = array<i32>} : memref<2x512x64xf32, #tpu.memory_space<vmem>>, vector<16xf32>,
        %add3A_1435 = arith.addf %add3A_1427, %get3A_1434 : vector<16xf32>
        %swap3A_1436 = arith.index_cast %scan3A_1288 : i32 to index
        %swap3A_1437 = arith.constant 48 : index
        %swap3A_1438 = tpu.vector_load %arg7[%swap3A_1436, %swap3A_1437] {strides = array<i32>} : memref<128x64xf32, #tpu.memory_space<vmem>>, vector<16xf32>,
        tpu.vector_store %arg7[%swap3A_1436, %swap3A_1437], %add3A_1435 {strides = array<i32>} : memref<128x64xf32, #tpu.memory_space<vmem>>, vector<16xf32>,
      }
      %scan3A_488 = arith.constant 128 : i32
      %jit3A_489 = arith.constant 50 : i32
      %eq3A_490 = arith.constant 0 : i32
      %eq3A_491 = arith.cmpi eq, %jit3A_489, %eq3A_490 : i32
      %jit3A_492 = arith.constant 1 : i32
      %select_n3A_493 = arith.select %eq3A_491, %jit3A_492, %jit3A_489 : i32
      %rem3A_494 = arith.remsi %add3A_439, %select_n3A_493 : i32
      %ne3A_495 = arith.constant 0 : i32
      %ne3A_496 = arith.cmpi ne, %rem3A_494, %ne3A_495 : i32
      %lt3A_497 = arith.constant 0 : i32
      %lt3A_498 = arith.cmpi slt, %rem3A_494, %lt3A_497 : i32
      %lt3A_499 = arith.constant 0 : i32
      %lt3A_500 = arith.cmpi slt, %select_n3A_493, %lt3A_499 : i32
      %ne3A_501 = arith.xori %lt3A_498, %lt3A_500 : i1
      %and3A_502 = arith.andi %ne3A_501, %ne3A_496 : i1
      %add3A_503 = arith.addi %rem3A_494, %select_n3A_493 : i32
      %select_n3A_504 = arith.select %and3A_502, %add3A_503, %rem3A_494 : i32
      %eq3A_505 = arith.constant 49 : i32
      %eq3A_506 = arith.cmpi eq, %select_n3A_504, %eq3A_505 : i32
      %gt3A_507 = arith.constant 50 : i32
      %gt3A_508 = arith.cmpi sgt, %add3A_439, %gt3A_507 : i32
      %and3A_509 = arith.andi %eq3A_506, %gt3A_508 : i1
      %convert_element_type3A_510 = arith.extui %and3A_509 : i1 to i32
      %cond3A_511 = arith.constant 0 : i32
      %cond3A_512 = arith.cmpi ne, %convert_element_type3A_510, %cond3A_511 : i32
      scf.if %cond3A_512 {
        %sub3A_1288 = arith.constant 50 : i32
        %sub3A_1289 = arith.subi %add3A_439, %sub3A_1288 : i32
        %jit3A_1290 = arith.constant 50 : i32
        %div3A_1291 = arith.divsi %sub3A_1289, %jit3A_1290 : i32
        %sign3A_1292 = arith.constant 0 : i32
        %sign3A_1293 = arith.cmpi sgt, %sub3A_1289, %sign3A_1292 : i32
        %sign3A_1294 = arith.extui %sign3A_1293 : i1 to i32
        %sign3A_1295 = arith.constant 0 : i32
        %sign3A_1296 = arith.cmpi slt, %sub3A_1289, %sign3A_1295 : i32
        %sign3A_1297 = arith.extui %sign3A_1296 : i1 to i32
        %sign3A_1298 = arith.subi %sign3A_1294, %sign3A_1297 : i32
        %sign3A_1299 = arith.constant 0 : i32
        %sign3A_1300 = arith.cmpi sgt, %jit3A_1290, %sign3A_1299 : i32
        %sign3A_1301 = arith.extui %sign3A_1300 : i1 to i32
        %sign3A_1302 = arith.constant 0 : i32
        %sign3A_1303 = arith.cmpi slt, %jit3A_1290, %sign3A_1302 : i32
        %sign3A_1304 = arith.extui %sign3A_1303 : i1 to i32
        %sign3A_1305 = arith.subi %sign3A_1301, %sign3A_1304 : i32
        %ne3A_1306 = arith.cmpi ne, %sign3A_1298, %sign3A_1305 : i32
        %rem3A_1307 = arith.remsi %sub3A_1289, %jit3A_1290 : i32
        %ne3A_1308 = arith.constant 0 : i32
        %ne3A_1309 = arith.cmpi ne, %rem3A_1307, %ne3A_1308 : i32
        %and3A_1310 = arith.andi %ne3A_1306, %ne3A_1309 : i1
        %sub3A_1311 = arith.constant 1 : i32
        %sub3A_1312 = arith.subi %div3A_1291, %sub3A_1311 : i32
        %select_n3A_1313 = arith.select %and3A_1310, %sub3A_1312, %div3A_1291 : i32
        %mul3A_1314 = arith.constant 128 : i32
        %mul3A_1315 = arith.muli %select_n3A_1313, %mul3A_1314 : i32
        %add3A_1316 = arith.addi %mul3A_2, %mul3A_1315 : i32
        %dma_wait3A_1317 = arith.constant 0 : i32
        %dma_wait3A_1318 = tpu.memref_slice %arg4[%add3A_1316, %dma_wait3A_1317] : memref<16384x64xf32, #tpu.memory_space<hbm>> -> memref<128x64xf32, #tpu.memory_space<hbm>>
        %dma_wait3A_1319 = arith.constant 0 : i32
        %dma_wait3A_1320 = tpu.memref_slice %arg4[%add3A_1316, %dma_wait3A_1319] : memref<16384x64xf32, #tpu.memory_space<hbm>> -> memref<128x64xf32, #tpu.memory_space<hbm>>
        tpu.wait_dma2 semaphore(%arg15 : memref<!tpu.dma_semaphore, #tpu.memory_space<semaphore_mem>>) src(%arg8 : memref<128x64xf32, #tpu.memory_space<vmem>>) dst(%dma_wait3A_1320 : memref<128x64xf32, #tpu.memory_space<hbm>>)
      } else {
      }
      %jit3A_513 = arith.constant 50 : i32
      %eq3A_514 = arith.constant 0 : i32
      %eq3A_515 = arith.cmpi eq, %jit3A_513, %eq3A_514 : i32
      %jit3A_516 = arith.constant 1 : i32
      %select_n3A_517 = arith.select %eq3A_515, %jit3A_516, %jit3A_513 : i32
      %rem3A_518 = arith.remsi %add3A_439, %select_n3A_517 : i32
      %ne3A_519 = arith.constant 0 : i32
      %ne3A_520 = arith.cmpi ne, %rem3A_518, %ne3A_519 : i32
      %lt3A_521 = arith.constant 0 : i32
      %lt3A_522 = arith.cmpi slt, %rem3A_518, %lt3A_521 : i32
      %lt3A_523 = arith.constant 0 : i32
      %lt3A_524 = arith.cmpi slt, %select_n3A_517, %lt3A_523 : i32
      %ne3A_525 = arith.xori %lt3A_522, %lt3A_524 : i1
      %and3A_526 = arith.andi %ne3A_525, %ne3A_520 : i1
      %add3A_527 = arith.addi %rem3A_518, %select_n3A_517 : i32
      %select_n3A_528 = arith.select %and3A_526, %add3A_527, %rem3A_518 : i32
      %eq3A_529 = arith.constant 49 : i32
      %eq3A_530 = arith.cmpi eq, %select_n3A_528, %eq3A_529 : i32
      %convert_element_type3A_531 = arith.extui %eq3A_530 : i1 to i32
      %cond3A_532 = arith.constant 0 : i32
      %cond3A_533 = arith.cmpi ne, %convert_element_type3A_531, %cond3A_532 : i32
      scf.if %cond3A_533 {
        %scan3A_1288 = arith.constant 0 : i32
        %scan3A_1289 = arith.constant 0 : i32
        %scan3A_1290 = arith.constant 128 : i32
        %scan3A_1291 = arith.addi %scan3A_1289, %scan3A_1290 : i32
        %scan3A_1292 = arith.constant 1 : i32
        scf.for %scan3A_1325 = %scan3A_1289 to %scan3A_1291 step %scan3A_1292  : i32 {
          %get3A = arith.index_cast %scan3A_1325 : i32 to index
          %get3A_1326 = arith.constant 0 : index
          %get3A_1327 = tpu.vector_load %arg7[%get3A, %get3A_1326] {strides = array<i32>} : memref<128x64xf32, #tpu.memory_space<vmem>>, vector<16xf32>,
          %mul3A_1328 = vector.broadcast %scan3A_113 : f32 to vector<16xf32>
          %mul3A_1329 = arith.mulf %get3A_1327, %mul3A_1328 : vector<16xf32>
          %swap3A = arith.index_cast %scan3A_1325 : i32 to index
          %swap3A_1330 = arith.constant 0 : index
          %swap3A_1331 = tpu.vector_load %arg8[%swap3A, %swap3A_1330] {strides = array<i32>} : memref<128x64xf32, #tpu.memory_space<vmem>>, vector<16xf32>,
          tpu.vector_store %arg8[%swap3A, %swap3A_1330], %mul3A_1329 {strides = array<i32>} : memref<128x64xf32, #tpu.memory_space<vmem>>, vector<16xf32>,
          %get3A_1332 = arith.index_cast %scan3A_1325 : i32 to index
          %get3A_1333 = arith.constant 16 : index
          %get3A_1334 = tpu.vector_load %arg7[%get3A_1332, %get3A_1333] {strides = array<i32>} : memref<128x64xf32, #tpu.memory_space<vmem>>, vector<16xf32>,
          %mul3A_1335 = vector.broadcast %scan3A_113 : f32 to vector<16xf32>
          %mul3A_1336 = arith.mulf %get3A_1334, %mul3A_1335 : vector<16xf32>
          %swap3A_1337 = arith.index_cast %scan3A_1325 : i32 to index
          %swap3A_1338 = arith.constant 16 : index
          %swap3A_1339 = tpu.vector_load %arg8[%swap3A_1337, %swap3A_1338] {strides = array<i32>} : memref<128x64xf32, #tpu.memory_space<vmem>>, vector<16xf32>,
          tpu.vector_store %arg8[%swap3A_1337, %swap3A_1338], %mul3A_1336 {strides = array<i32>} : memref<128x64xf32, #tpu.memory_space<vmem>>, vector<16xf32>,
          %get3A_1340 = arith.index_cast %scan3A_1325 : i32 to index
          %get3A_1341 = arith.constant 32 : index
          %get3A_1342 = tpu.vector_load %arg7[%get3A_1340, %get3A_1341] {strides = array<i32>} : memref<128x64xf32, #tpu.memory_space<vmem>>, vector<16xf32>,
          %mul3A_1343 = vector.broadcast %scan3A_113 : f32 to vector<16xf32>
          %mul3A_1344 = arith.mulf %get3A_1342, %mul3A_1343 : vector<16xf32>
          %swap3A_1345 = arith.index_cast %scan3A_1325 : i32 to index
          %swap3A_1346 = arith.constant 32 : index
          %swap3A_1347 = tpu.vector_load %arg8[%swap3A_1345, %swap3A_1346] {strides = array<i32>} : memref<128x64xf32, #tpu.memory_space<vmem>>, vector<16xf32>,
          tpu.vector_store %arg8[%swap3A_1345, %swap3A_1346], %mul3A_1344 {strides = array<i32>} : memref<128x64xf32, #tpu.memory_space<vmem>>, vector<16xf32>,
          %get3A_1348 = arith.index_cast %scan3A_1325 : i32 to index
          %get3A_1349 = arith.constant 48 : index
          %get3A_1350 = tpu.vector_load %arg7[%get3A_1348, %get3A_1349] {strides = array<i32>} : memref<128x64xf32, #tpu.memory_space<vmem>>, vector<16xf32>,
          %mul3A_1351 = vector.broadcast %scan3A_113 : f32 to vector<16xf32>
          %mul3A_1352 = arith.mulf %get3A_1350, %mul3A_1351 : vector<16xf32>
          %swap3A_1353 = arith.index_cast %scan3A_1325 : i32 to index
          %swap3A_1354 = arith.constant 48 : index
          %swap3A_1355 = tpu.vector_load %arg8[%swap3A_1353, %swap3A_1354] {strides = array<i32>} : memref<128x64xf32, #tpu.memory_space<vmem>>, vector<16xf32>,
          tpu.vector_store %arg8[%swap3A_1353, %swap3A_1354], %mul3A_1352 {strides = array<i32>} : memref<128x64xf32, #tpu.memory_space<vmem>>, vector<16xf32>,
        }
        %scan3A_1293 = arith.constant 128 : i32
        %jit3A_1294 = arith.constant 50 : i32
        %div3A_1295 = arith.divsi %add3A_439, %jit3A_1294 : i32
        %sign3A_1296 = arith.constant 0 : i32
        %sign3A_1297 = arith.cmpi sgt, %add3A_439, %sign3A_1296 : i32
        %sign3A_1298 = arith.extui %sign3A_1297 : i1 to i32
        %sign3A_1299 = arith.constant 0 : i32
        %sign3A_1300 = arith.cmpi slt, %add3A_439, %sign3A_1299 : i32
        %sign3A_1301 = arith.extui %sign3A_1300 : i1 to i32
        %sign3A_1302 = arith.subi %sign3A_1298, %sign3A_1301 : i32
        %sign3A_1303 = arith.constant 0 : i32
        %sign3A_1304 = arith.cmpi sgt, %jit3A_1294, %sign3A_1303 : i32
        %sign3A_1305 = arith.extui %sign3A_1304 : i1 to i32
        %sign3A_1306 = arith.constant 0 : i32
        %sign3A_1307 = arith.cmpi slt, %jit3A_1294, %sign3A_1306 : i32
        %sign3A_1308 = arith.extui %sign3A_1307 : i1 to i32
        %sign3A_1309 = arith.subi %sign3A_1305, %sign3A_1308 : i32
        %ne3A_1310 = arith.cmpi ne, %sign3A_1302, %sign3A_1309 : i32
        %rem3A_1311 = arith.remsi %add3A_439, %jit3A_1294 : i32
        %ne3A_1312 = arith.constant 0 : i32
        %ne3A_1313 = arith.cmpi ne, %rem3A_1311, %ne3A_1312 : i32
        %and3A_1314 = arith.andi %ne3A_1310, %ne3A_1313 : i1
        %sub3A_1315 = arith.constant 1 : i32
        %sub3A_1316 = arith.subi %div3A_1295, %sub3A_1315 : i32
        %select_n3A_1317 = arith.select %and3A_1314, %sub3A_1316, %div3A_1295 : i32
        %mul3A_1318 = arith.constant 128 : i32
        %mul3A_1319 = arith.muli %select_n3A_1317, %mul3A_1318 : i32
        %add3A_1320 = arith.addi %mul3A_2, %mul3A_1319 : i32
        %dma_start3A_1321 = arith.constant 0 : i32
        %dma_start3A_1322 = tpu.memref_slice %arg4[%add3A_1320, %dma_start3A_1321] : memref<16384x64xf32, #tpu.memory_space<hbm>> -> memref<128x64xf32, #tpu.memory_space<hbm>>
        %dma_start3A_1323 = arith.constant 0 : i32
        %dma_start3A_1324 = tpu.memref_slice %arg4[%add3A_1320, %dma_start3A_1323] : memref<16384x64xf32, #tpu.memory_space<hbm>> -> memref<128x64xf32, #tpu.memory_space<hbm>>
        tpu.enqueue_dma source(%arg8 : memref<128x64xf32, #tpu.memory_space<vmem>>) target(%dma_start3A_1324 : memref<128x64xf32, #tpu.memory_space<hbm>>) target_semaphore(%arg15 : memref<!tpu.dma_semaphore, #tpu.memory_space<semaphore_mem>>)
      } else {
      }
      %jit3A_534 = arith.constant 25 : i32
      %eq3A_535 = arith.constant 0 : i32
      %eq3A_536 = arith.cmpi eq, %jit3A_534, %eq3A_535 : i32
      %jit3A_537 = arith.constant 1 : i32
      %select_n3A_538 = arith.select %eq3A_536, %jit3A_537, %jit3A_534 : i32
      %rem3A_539 = arith.remsi %add3A_443, %select_n3A_538 : i32
      %ne3A_540 = arith.constant 0 : i32
      %ne3A_541 = arith.cmpi ne, %rem3A_539, %ne3A_540 : i32
      %lt3A_542 = arith.constant 0 : i32
      %lt3A_543 = arith.cmpi slt, %rem3A_539, %lt3A_542 : i32
      %lt3A_544 = arith.constant 0 : i32
      %lt3A_545 = arith.cmpi slt, %select_n3A_538, %lt3A_544 : i32
      %ne3A_546 = arith.xori %lt3A_543, %lt3A_545 : i1
      %and3A_547 = arith.andi %ne3A_546, %ne3A_541 : i1
      %add3A_548 = arith.addi %rem3A_539, %select_n3A_538 : i32
      %select_n3A_549 = arith.select %and3A_547, %add3A_548, %rem3A_539 : i32
      %jit3A_550 = arith.constant 25 : i32
      %div3A_551 = arith.divsi %add3A_443, %jit3A_550 : i32
      %sign3A_552 = arith.constant 0 : i32
      %sign3A_553 = arith.cmpi sgt, %add3A_443, %sign3A_552 : i32
      %sign3A_554 = arith.extui %sign3A_553 : i1 to i32
      %sign3A_555 = arith.constant 0 : i32
      %sign3A_556 = arith.cmpi slt, %add3A_443, %sign3A_555 : i32
      %sign3A_557 = arith.extui %sign3A_556 : i1 to i32
      %sign3A_558 = arith.subi %sign3A_554, %sign3A_557 : i32
      %sign3A_559 = arith.constant 0 : i32
      %sign3A_560 = arith.cmpi sgt, %jit3A_550, %sign3A_559 : i32
      %sign3A_561 = arith.extui %sign3A_560 : i1 to i32
      %sign3A_562 = arith.constant 0 : i32
      %sign3A_563 = arith.cmpi slt, %jit3A_550, %sign3A_562 : i32
      %sign3A_564 = arith.extui %sign3A_563 : i1 to i32
      %sign3A_565 = arith.subi %sign3A_561, %sign3A_564 : i32
      %ne3A_566 = arith.cmpi ne, %sign3A_558, %sign3A_565 : i32
      %rem3A_567 = arith.remsi %add3A_443, %jit3A_550 : i32
      %ne3A_568 = arith.constant 0 : i32
      %ne3A_569 = arith.cmpi ne, %rem3A_567, %ne3A_568 : i32
      %and3A_570 = arith.andi %ne3A_566, %ne3A_569 : i1
      %sub3A_571 = arith.constant 1 : i32
      %sub3A_572 = arith.subi %div3A_551, %sub3A_571 : i32
      %select_n3A_573 = arith.select %and3A_570, %sub3A_572, %div3A_551 : i32
      %add3A_574 = arith.addi %mul3A_4, %select_n3A_573 : i32
      %dma_wait3A_575 = arith.constant 2 : i32
      %dma_wait3A_576 = arith.constant 0 : i32
      %dma_wait3A_577 = tpu.memref_slice %arg5[%dma_wait3A_575, %dma_wait3A_576] : memref<4x1024xi32, #tpu.memory_space<vmem>> -> memref<1x1024xi32, #tpu.memory_space<vmem>>
      %dma_wait3A_578 = tpu.memref_squeeze %dma_wait3A_577 : memref<1x1024xi32, #tpu.memory_space<vmem>> -> memref<1024xi32, #tpu.memory_space<vmem>>
      %dma_wait3A_579 = arith.constant 0 : i32
      %dma_wait3A_580 = tpu.memref_slice %arg2[%select_n3A_549, %add3A_574, %dma_wait3A_579] : memref<25x128x1024xi32, #tpu.memory_space<hbm>> -> memref<1x1x1024xi32, #tpu.memory_space<hbm>>
      %dma_wait3A_581 = tpu.memref_squeeze %dma_wait3A_580 : memref<1x1x1024xi32, #tpu.memory_space<hbm>> -> memref<1024xi32, #tpu.memory_space<hbm>>
      %dma_wait3A_582 = arith.constant 0 : i32
      %dma_wait3A_583 = tpu.memref_slice %arg5[%dma_wait3A_575, %dma_wait3A_582] : memref<4x1024xi32, #tpu.memory_space<vmem>> -> memref<1x1024xi32, #tpu.memory_space<vmem>>
      %dma_wait3A_584 = tpu.memref_squeeze %dma_wait3A_583 : memref<1x1024xi32, #tpu.memory_space<vmem>> -> memref<1024xi32, #tpu.memory_space<vmem>>
      %dma_wait3A_585 = arith.constant 0 : i32
      %dma_wait3A_586 = tpu.memref_slice %arg2[%select_n3A_549, %add3A_574, %dma_wait3A_585] : memref<25x128x1024xi32, #tpu.memory_space<hbm>> -> memref<1x1x1024xi32, #tpu.memory_space<hbm>>
      %dma_wait3A_587 = tpu.memref_squeeze %dma_wait3A_586 : memref<1x1x1024xi32, #tpu.memory_space<hbm>> -> memref<1024xi32, #tpu.memory_space<hbm>>
      tpu.wait_dma2 semaphore(%arg11 : memref<!tpu.dma_semaphore, #tpu.memory_space<semaphore_mem>>) src(%dma_wait3A_587 : memref<1024xi32, #tpu.memory_space<hbm>>) dst(%dma_wait3A_584 : memref<1024xi32, #tpu.memory_space<vmem>>)
      %scan3A_588 = arith.constant 0 : i32
      %scan3A_589 = arith.constant 0 : i32
      %scan3A_590 = arith.constant 64 : i32
      %scan3A_591 = arith.addi %scan3A_589, %scan3A_590 : i32
      %scan3A_592 = arith.constant 1 : i32
      scf.for %scan3A_1288 = %scan3A_589 to %scan3A_591 step %scan3A_592  : i32 {
        %mul3A_1289 = arith.constant 16 : i32
        %mul3A_1290 = arith.muli %scan3A_1288, %mul3A_1289 : i32
        %get3A = arith.constant 2 : i32
        %get3A_1291 = arith.index_cast %get3A : i32 to index
        %get3A_1292 = arith.index_cast %mul3A_1290 : i32 to index
        %get3A_1293 = tpu.vector_load %arg5[%get3A_1291, %get3A_1292] {strides = array<i32>} : memref<4x1024xi32, #tpu.memory_space<vmem>>, vector<16xi32>,
        %add3A_1294 = arith.addi %get3A_1293, %get3A_1293 : vector<16xi32>
        %mul3A_1295 = arith.constant 16 : i32
        %mul3A_1296 = arith.muli %scan3A_1288, %mul3A_1295 : i32
        %swap3A = arith.constant 2 : i32
        %swap3A_1297 = arith.index_cast %swap3A : i32 to index
        %swap3A_1298 = arith.index_cast %mul3A_1296 : i32 to index
        %swap3A_1299 = tpu.vector_load %arg5[%swap3A_1297, %swap3A_1298] {strides = array<i32>} : memref<4x1024xi32, #tpu.memory_space<vmem>>, vector<16xi32>,
        tpu.vector_store %arg5[%swap3A_1297, %swap3A_1298], %add3A_1294 {strides = array<i32>} : memref<4x1024xi32, #tpu.memory_space<vmem>>, vector<16xi32>,
      }
      %scan3A_593 = arith.constant 64 : i32
      %add3A_594 = arith.constant 2 : i32
      %add3A_595 = arith.addi %add3A_439, %add3A_594 : i32
      %jit3A_596 = arith.constant 2 : i32
      %eq3A_597 = arith.constant 0 : i32
      %eq3A_598 = arith.cmpi eq, %jit3A_596, %eq3A_597 : i32
      %jit3A_599 = arith.constant 1 : i32
      %select_n3A_600 = arith.select %eq3A_598, %jit3A_599, %jit3A_596 : i32
      %rem3A_601 = arith.remsi %add3A_595, %select_n3A_600 : i32
      %ne3A_602 = arith.constant 0 : i32
      %ne3A_603 = arith.cmpi ne, %rem3A_601, %ne3A_602 : i32
      %lt3A_604 = arith.constant 0 : i32
      %lt3A_605 = arith.cmpi slt, %rem3A_601, %lt3A_604 : i32
      %lt3A_606 = arith.constant 0 : i32
      %lt3A_607 = arith.cmpi slt, %select_n3A_600, %lt3A_606 : i32
      %ne3A_608 = arith.xori %lt3A_605, %lt3A_607 : i1
      %and3A_609 = arith.andi %ne3A_608, %ne3A_603 : i1
      %add3A_610 = arith.addi %rem3A_601, %select_n3A_600 : i32
      %select_n3A_611 = arith.select %and3A_609, %add3A_610, %rem3A_601 : i32
      %mul3A_612 = arith.constant 512 : i32
      %mul3A_613 = arith.muli %mul3A_612, %select_n3A_611 : i32
      %dma_start3A_614 = arith.constant 2 : i32
      %dma_start3A_615 = arith.constant 0 : i32
      %dma_start3A_616 = arith.constant 0 : i32
      %dma_start3A_617 = arith.constant 0 : i32
      %dma_start3A_618 = tpu.memref_slice %arg6[%dma_start3A_615, %dma_start3A_616, %dma_start3A_617] : memref<2x512x64xf32, #tpu.memory_space<vmem>> -> memref<1x512x64xf32, #tpu.memory_space<vmem>>
      %dma_start3A_619 = tpu.memref_squeeze %dma_start3A_618 : memref<1x512x64xf32, #tpu.memory_space<vmem>> -> memref<512x64xf32, #tpu.memory_space<vmem>>
      %dma_start3A_620 = tpu.memref_slice %arg5[%dma_start3A_614, %mul3A_613] : memref<4x1024xi32, #tpu.memory_space<vmem>> -> memref<1x512xi32, #tpu.memory_space<vmem>>
      %dma_start3A_621 = tpu.memref_squeeze %dma_start3A_620 : memref<1x512xi32, #tpu.memory_space<vmem>> -> memref<512xi32, #tpu.memory_space<vmem>>
      %dma_start3A_622 = arith.constant 0 : i32
      %dma_start3A_623 = arith.constant 0 : i32
      %dma_start3A_624 = tpu.memref_slice %arg3[%dma_start3A_622, %dma_start3A_623] : memref<2000000x64xf32, #tpu.memory_space<hbm>> -> memref<2000000x64xf32, #tpu.memory_space<hbm>>
      tpu.enqueue_indirect_dma source(%dma_start3A_624 : memref<2000000x64xf32, #tpu.memory_space<hbm>>) target(%dma_start3A_619 : memref<512x64xf32, #tpu.memory_space<vmem>>) offsets(%dma_start3A_621 : memref<512xi32, #tpu.memory_space<vmem>>) semaphore(%arg13 : memref<!tpu.dma_semaphore, #tpu.memory_space<semaphore_mem>>)
      %mul3A_625 = arith.constant 8 : i32
      %mul3A_626 = arith.muli %mul3A_625, %scan3A_125 : i32
      %add3A_627 = arith.constant 3 : i32
      %add3A_628 = arith.addi %mul3A_626, %add3A_627 : i32
      %mul3A_629 = arith.constant 4 : i32
      %mul3A_630 = arith.muli %mul3A_629, %scan3A_125 : i32
      %add3A_631 = arith.constant 2 : i32
      %add3A_632 = arith.addi %mul3A_630, %add3A_631 : i32
      %mul3A_633 = arith.constant 4 : i32
      %mul3A_634 = arith.muli %mul3A_633, %scan3A_125 : i32
      %add3A_635 = arith.constant 1 : i32
      %add3A_636 = arith.addi %mul3A_634, %add3A_635 : i32
      %add3A_637 = arith.constant 2 : i32
      %add3A_638 = arith.addi %add3A_636, %add3A_637 : i32
      %dma_wait3A_639 = arith.constant 1 : i32
      %dma_wait3A_640 = arith.constant 1 : i32
      %dma_wait3A_641 = arith.constant 0 : i32
      %dma_wait3A_642 = arith.constant 0 : i32
      %dma_wait3A_643 = tpu.memref_slice %arg6[%dma_wait3A_640, %dma_wait3A_641, %dma_wait3A_642] : memref<2x512x64xf32, #tpu.memory_space<vmem>> -> memref<1x512x64xf32, #tpu.memory_space<vmem>>
      %dma_wait3A_644 = tpu.memref_squeeze %dma_wait3A_643 : memref<1x512x64xf32, #tpu.memory_space<vmem>> -> memref<512x64xf32, #tpu.memory_space<vmem>>
      %dma_wait3A_645 = arith.constant 0 : i32
      %dma_wait3A_646 = tpu.memref_slice %arg5[%dma_wait3A_639, %dma_wait3A_645] : memref<4x1024xi32, #tpu.memory_space<vmem>> -> memref<1x512xi32, #tpu.memory_space<vmem>>
      %dma_wait3A_647 = tpu.memref_squeeze %dma_wait3A_646 : memref<1x512xi32, #tpu.memory_space<vmem>> -> memref<512xi32, #tpu.memory_space<vmem>>
      %dma_wait3A_648 = arith.constant 0 : i32
      %dma_wait3A_649 = arith.constant 0 : i32
      %dma_wait3A_650 = tpu.memref_slice %arg3[%dma_wait3A_648, %dma_wait3A_649] : memref<2000000x64xf32, #tpu.memory_space<hbm>> -> memref<2000000x64xf32, #tpu.memory_space<hbm>>
      tpu.wait_indirect_dma semaphore(%arg14 : memref<!tpu.dma_semaphore, #tpu.memory_space<semaphore_mem>>) src(%dma_wait3A_650 : memref<2000000x64xf32, #tpu.memory_space<hbm>>) dst(%dma_wait3A_644 : memref<512x64xf32, #tpu.memory_space<vmem>>)
      %jit3A_651 = arith.constant 50 : i32
      %eq3A_652 = arith.constant 0 : i32
      %eq3A_653 = arith.cmpi eq, %jit3A_651, %eq3A_652 : i32
      %jit3A_654 = arith.constant 1 : i32
      %select_n3A_655 = arith.select %eq3A_653, %jit3A_654, %jit3A_651 : i32
      %rem3A_656 = arith.remsi %add3A_628, %select_n3A_655 : i32
      %ne3A_657 = arith.constant 0 : i32
      %ne3A_658 = arith.cmpi ne, %rem3A_656, %ne3A_657 : i32
      %lt3A_659 = arith.constant 0 : i32
      %lt3A_660 = arith.cmpi slt, %rem3A_656, %lt3A_659 : i32
      %lt3A_661 = arith.constant 0 : i32
      %lt3A_662 = arith.cmpi slt, %select_n3A_655, %lt3A_661 : i32
      %ne3A_663 = arith.xori %lt3A_660, %lt3A_662 : i1
      %and3A_664 = arith.andi %ne3A_663, %ne3A_658 : i1
      %add3A_665 = arith.addi %rem3A_656, %select_n3A_655 : i32
      %select_n3A_666 = arith.select %and3A_664, %add3A_665, %rem3A_656 : i32
      %eq3A_667 = arith.constant 0 : i32
      %eq3A_668 = arith.cmpi eq, %select_n3A_666, %eq3A_667 : i32
      %convert_element_type3A_669 = arith.extui %eq3A_668 : i1 to i32
      %cond3A_670 = arith.constant 0 : i32
      %cond3A_671 = arith.cmpi ne, %convert_element_type3A_669, %cond3A_670 : i32
      scf.if %cond3A_671 {
        %broadcast_in_dim3A = arith.constant 0.000000e+00 : f32
        %broadcast_in_dim3A_1288 = vector.broadcast %broadcast_in_dim3A : f32 to vector<16xf32>
        %scan3A_1289 = arith.constant 0 : i32
        %scan3A_1290 = arith.constant 0 : i32
        %scan3A_1291 = arith.constant 128 : i32
        %scan3A_1292 = arith.addi %scan3A_1290, %scan3A_1291 : i32
        %scan3A_1293 = arith.constant 1 : i32
        scf.for %scan3A_1295 = %scan3A_1290 to %scan3A_1292 step %scan3A_1293  : i32 {
          %swap3A = arith.index_cast %scan3A_1295 : i32 to index
          %swap3A_1296 = arith.constant 0 : index
          %swap3A_1297 = tpu.vector_load %arg7[%swap3A, %swap3A_1296] {strides = array<i32>} : memref<128x64xf32, #tpu.memory_space<vmem>>, vector<16xf32>,
          tpu.vector_store %arg7[%swap3A, %swap3A_1296], %broadcast_in_dim3A_1288 {strides = array<i32>} : memref<128x64xf32, #tpu.memory_space<vmem>>, vector<16xf32>,
          %swap3A_1298 = arith.index_cast %scan3A_1295 : i32 to index
          %swap3A_1299 = arith.constant 16 : index
          %swap3A_1300 = tpu.vector_load %arg7[%swap3A_1298, %swap3A_1299] {strides = array<i32>} : memref<128x64xf32, #tpu.memory_space<vmem>>, vector<16xf32>,
          tpu.vector_store %arg7[%swap3A_1298, %swap3A_1299], %broadcast_in_dim3A_1288 {strides = array<i32>} : memref<128x64xf32, #tpu.memory_space<vmem>>, vector<16xf32>,
          %swap3A_1301 = arith.index_cast %scan3A_1295 : i32 to index
          %swap3A_1302 = arith.constant 32 : index
          %swap3A_1303 = tpu.vector_load %arg7[%swap3A_1301, %swap3A_1302] {strides = array<i32>} : memref<128x64xf32, #tpu.memory_space<vmem>>, vector<16xf32>,
          tpu.vector_store %arg7[%swap3A_1301, %swap3A_1302], %broadcast_in_dim3A_1288 {strides = array<i32>} : memref<128x64xf32, #tpu.memory_space<vmem>>, vector<16xf32>,
          %swap3A_1304 = arith.index_cast %scan3A_1295 : i32 to index
          %swap3A_1305 = arith.constant 48 : index
          %swap3A_1306 = tpu.vector_load %arg7[%swap3A_1304, %swap3A_1305] {strides = array<i32>} : memref<128x64xf32, #tpu.memory_space<vmem>>, vector<16xf32>,
          tpu.vector_store %arg7[%swap3A_1304, %swap3A_1305], %broadcast_in_dim3A_1288 {strides = array<i32>} : memref<128x64xf32, #tpu.memory_space<vmem>>, vector<16xf32>,
        }
        %scan3A_1294 = arith.constant 128 : i32
      } else {
      }
      %scan3A_672 = arith.constant 0 : i32
      %scan3A_673 = arith.constant 0 : i32
      %scan3A_674 = arith.constant 128 : i32
      %scan3A_675 = arith.addi %scan3A_673, %scan3A_674 : i32
      %scan3A_676 = arith.constant 1 : i32
      scf.for %scan3A_1288 = %scan3A_673 to %scan3A_675 step %scan3A_676  : i32 {
        %get3A = arith.index_cast %scan3A_1288 : i32 to index
        %get3A_1289 = arith.constant 0 : index
        %get3A_1290 = tpu.vector_load %arg7[%get3A, %get3A_1289] {strides = array<i32>} : memref<128x64xf32, #tpu.memory_space<vmem>>, vector<16xf32>,
        %add3A_1291 = arith.constant 0 : i32
        %add3A_1292 = arith.addi %add3A_1291, %scan3A_1288 : i32
        %get3A_1293 = arith.constant 1 : i32
        %get3A_1294 = arith.index_cast %get3A_1293 : i32 to index
        %get3A_1295 = arith.index_cast %add3A_1292 : i32 to index
        %get3A_1296 = arith.constant 0 : index
        %get3A_1297 = tpu.vector_load %arg6[%get3A_1294, %get3A_1295, %get3A_1296] {strides = array<i32>} : memref<2x512x64xf32, #tpu.memory_space<vmem>>, vector<16xf32>,
        %add3A_1298 = arith.addf %get3A_1290, %get3A_1297 : vector<16xf32>
        %add3A_1299 = arith.constant 128 : i32
        %add3A_1300 = arith.addi %add3A_1299, %scan3A_1288 : i32
        %get3A_1301 = arith.constant 1 : i32
        %get3A_1302 = arith.index_cast %get3A_1301 : i32 to index
        %get3A_1303 = arith.index_cast %add3A_1300 : i32 to index
        %get3A_1304 = arith.constant 0 : index
        %get3A_1305 = tpu.vector_load %arg6[%get3A_1302, %get3A_1303, %get3A_1304] {strides = array<i32>} : memref<2x512x64xf32, #tpu.memory_space<vmem>>, vector<16xf32>,
        %add3A_1306 = arith.addf %add3A_1298, %get3A_1305 : vector<16xf32>
        %add3A_1307 = arith.constant 256 : i32
        %add3A_1308 = arith.addi %add3A_1307, %scan3A_1288 : i32
        %get3A_1309 = arith.constant 1 : i32
        %get3A_1310 = arith.index_cast %get3A_1309 : i32 to index
        %get3A_1311 = arith.index_cast %add3A_1308 : i32 to index
        %get3A_1312 = arith.constant 0 : index
        %get3A_1313 = tpu.vector_load %arg6[%get3A_1310, %get3A_1311, %get3A_1312] {strides = array<i32>} : memref<2x512x64xf32, #tpu.memory_space<vmem>>, vector<16xf32>,
        %add3A_1314 = arith.addf %add3A_1306, %get3A_1313 : vector<16xf32>
        %add3A_1315 = arith.constant 384 : i32
        %add3A_1316 = arith.addi %add3A_1315, %scan3A_1288 : i32
        %get3A_1317 = arith.constant 1 : i32
        %get3A_1318 = arith.index_cast %get3A_1317 : i32 to index
        %get3A_1319 = arith.index_cast %add3A_1316 : i32 to index
        %get3A_1320 = arith.constant 0 : index
        %get3A_1321 = tpu.vector_load %arg6[%get3A_1318, %get3A_1319, %get3A_1320] {strides = array<i32>} : memref<2x512x64xf32, #tpu.memory_space<vmem>>, vector<16xf32>,
        %add3A_1322 = arith.addf %add3A_1314, %get3A_1321 : vector<16xf32>
        %swap3A = arith.index_cast %scan3A_1288 : i32 to index
        %swap3A_1323 = arith.constant 0 : index
        %swap3A_1324 = tpu.vector_load %arg7[%swap3A, %swap3A_1323] {strides = array<i32>} : memref<128x64xf32, #tpu.memory_space<vmem>>, vector<16xf32>,
        tpu.vector_store %arg7[%swap3A, %swap3A_1323], %add3A_1322 {strides = array<i32>} : memref<128x64xf32, #tpu.memory_space<vmem>>, vector<16xf32>,
        %get3A_1325 = arith.index_cast %scan3A_1288 : i32 to index
        %get3A_1326 = arith.constant 16 : index
        %get3A_1327 = tpu.vector_load %arg7[%get3A_1325, %get3A_1326] {strides = array<i32>} : memref<128x64xf32, #tpu.memory_space<vmem>>, vector<16xf32>,
        %add3A_1328 = arith.constant 0 : i32
        %add3A_1329 = arith.addi %add3A_1328, %scan3A_1288 : i32
        %get3A_1330 = arith.constant 1 : i32
        %get3A_1331 = arith.index_cast %get3A_1330 : i32 to index
        %get3A_1332 = arith.index_cast %add3A_1329 : i32 to index
        %get3A_1333 = arith.constant 16 : index
        %get3A_1334 = tpu.vector_load %arg6[%get3A_1331, %get3A_1332, %get3A_1333] {strides = array<i32>} : memref<2x512x64xf32, #tpu.memory_space<vmem>>, vector<16xf32>,
        %add3A_1335 = arith.addf %get3A_1327, %get3A_1334 : vector<16xf32>
        %add3A_1336 = arith.constant 128 : i32
        %add3A_1337 = arith.addi %add3A_1336, %scan3A_1288 : i32
        %get3A_1338 = arith.constant 1 : i32
        %get3A_1339 = arith.index_cast %get3A_1338 : i32 to index
        %get3A_1340 = arith.index_cast %add3A_1337 : i32 to index
        %get3A_1341 = arith.constant 16 : index
        %get3A_1342 = tpu.vector_load %arg6[%get3A_1339, %get3A_1340, %get3A_1341] {strides = array<i32>} : memref<2x512x64xf32, #tpu.memory_space<vmem>>, vector<16xf32>,
        %add3A_1343 = arith.addf %add3A_1335, %get3A_1342 : vector<16xf32>
        %add3A_1344 = arith.constant 256 : i32
        %add3A_1345 = arith.addi %add3A_1344, %scan3A_1288 : i32
        %get3A_1346 = arith.constant 1 : i32
        %get3A_1347 = arith.index_cast %get3A_1346 : i32 to index
        %get3A_1348 = arith.index_cast %add3A_1345 : i32 to index
        %get3A_1349 = arith.constant 16 : index
        %get3A_1350 = tpu.vector_load %arg6[%get3A_1347, %get3A_1348, %get3A_1349] {strides = array<i32>} : memref<2x512x64xf32, #tpu.memory_space<vmem>>, vector<16xf32>,
        %add3A_1351 = arith.addf %add3A_1343, %get3A_1350 : vector<16xf32>
        %add3A_1352 = arith.constant 384 : i32
        %add3A_1353 = arith.addi %add3A_1352, %scan3A_1288 : i32
        %get3A_1354 = arith.constant 1 : i32
        %get3A_1355 = arith.index_cast %get3A_1354 : i32 to index
        %get3A_1356 = arith.index_cast %add3A_1353 : i32 to index
        %get3A_1357 = arith.constant 16 : index
        %get3A_1358 = tpu.vector_load %arg6[%get3A_1355, %get3A_1356, %get3A_1357] {strides = array<i32>} : memref<2x512x64xf32, #tpu.memory_space<vmem>>, vector<16xf32>,
        %add3A_1359 = arith.addf %add3A_1351, %get3A_1358 : vector<16xf32>
        %swap3A_1360 = arith.index_cast %scan3A_1288 : i32 to index
        %swap3A_1361 = arith.constant 16 : index
        %swap3A_1362 = tpu.vector_load %arg7[%swap3A_1360, %swap3A_1361] {strides = array<i32>} : memref<128x64xf32, #tpu.memory_space<vmem>>, vector<16xf32>,
        tpu.vector_store %arg7[%swap3A_1360, %swap3A_1361], %add3A_1359 {strides = array<i32>} : memref<128x64xf32, #tpu.memory_space<vmem>>, vector<16xf32>,
        %get3A_1363 = arith.index_cast %scan3A_1288 : i32 to index
        %get3A_1364 = arith.constant 32 : index
        %get3A_1365 = tpu.vector_load %arg7[%get3A_1363, %get3A_1364] {strides = array<i32>} : memref<128x64xf32, #tpu.memory_space<vmem>>, vector<16xf32>,
        %add3A_1366 = arith.constant 0 : i32
        %add3A_1367 = arith.addi %add3A_1366, %scan3A_1288 : i32
        %get3A_1368 = arith.constant 1 : i32
        %get3A_1369 = arith.index_cast %get3A_1368 : i32 to index
        %get3A_1370 = arith.index_cast %add3A_1367 : i32 to index
        %get3A_1371 = arith.constant 32 : index
        %get3A_1372 = tpu.vector_load %arg6[%get3A_1369, %get3A_1370, %get3A_1371] {strides = array<i32>} : memref<2x512x64xf32, #tpu.memory_space<vmem>>, vector<16xf32>,
        %add3A_1373 = arith.addf %get3A_1365, %get3A_1372 : vector<16xf32>
        %add3A_1374 = arith.constant 128 : i32
        %add3A_1375 = arith.addi %add3A_1374, %scan3A_1288 : i32
        %get3A_1376 = arith.constant 1 : i32
        %get3A_1377 = arith.index_cast %get3A_1376 : i32 to index
        %get3A_1378 = arith.index_cast %add3A_1375 : i32 to index
        %get3A_1379 = arith.constant 32 : index
        %get3A_1380 = tpu.vector_load %arg6[%get3A_1377, %get3A_1378, %get3A_1379] {strides = array<i32>} : memref<2x512x64xf32, #tpu.memory_space<vmem>>, vector<16xf32>,
        %add3A_1381 = arith.addf %add3A_1373, %get3A_1380 : vector<16xf32>
        %add3A_1382 = arith.constant 256 : i32
        %add3A_1383 = arith.addi %add3A_1382, %scan3A_1288 : i32
        %get3A_1384 = arith.constant 1 : i32
        %get3A_1385 = arith.index_cast %get3A_1384 : i32 to index
        %get3A_1386 = arith.index_cast %add3A_1383 : i32 to index
        %get3A_1387 = arith.constant 32 : index
        %get3A_1388 = tpu.vector_load %arg6[%get3A_1385, %get3A_1386, %get3A_1387] {strides = array<i32>} : memref<2x512x64xf32, #tpu.memory_space<vmem>>, vector<16xf32>,
        %add3A_1389 = arith.addf %add3A_1381, %get3A_1388 : vector<16xf32>
        %add3A_1390 = arith.constant 384 : i32
        %add3A_1391 = arith.addi %add3A_1390, %scan3A_1288 : i32
        %get3A_1392 = arith.constant 1 : i32
        %get3A_1393 = arith.index_cast %get3A_1392 : i32 to index
        %get3A_1394 = arith.index_cast %add3A_1391 : i32 to index
        %get3A_1395 = arith.constant 32 : index
        %get3A_1396 = tpu.vector_load %arg6[%get3A_1393, %get3A_1394, %get3A_1395] {strides = array<i32>} : memref<2x512x64xf32, #tpu.memory_space<vmem>>, vector<16xf32>,
        %add3A_1397 = arith.addf %add3A_1389, %get3A_1396 : vector<16xf32>
        %swap3A_1398 = arith.index_cast %scan3A_1288 : i32 to index
        %swap3A_1399 = arith.constant 32 : index
        %swap3A_1400 = tpu.vector_load %arg7[%swap3A_1398, %swap3A_1399] {strides = array<i32>} : memref<128x64xf32, #tpu.memory_space<vmem>>, vector<16xf32>,
        tpu.vector_store %arg7[%swap3A_1398, %swap3A_1399], %add3A_1397 {strides = array<i32>} : memref<128x64xf32, #tpu.memory_space<vmem>>, vector<16xf32>,
        %get3A_1401 = arith.index_cast %scan3A_1288 : i32 to index
        %get3A_1402 = arith.constant 48 : index
        %get3A_1403 = tpu.vector_load %arg7[%get3A_1401, %get3A_1402] {strides = array<i32>} : memref<128x64xf32, #tpu.memory_space<vmem>>, vector<16xf32>,
        %add3A_1404 = arith.constant 0 : i32
        %add3A_1405 = arith.addi %add3A_1404, %scan3A_1288 : i32
        %get3A_1406 = arith.constant 1 : i32
        %get3A_1407 = arith.index_cast %get3A_1406 : i32 to index
        %get3A_1408 = arith.index_cast %add3A_1405 : i32 to index
        %get3A_1409 = arith.constant 48 : index
        %get3A_1410 = tpu.vector_load %arg6[%get3A_1407, %get3A_1408, %get3A_1409] {strides = array<i32>} : memref<2x512x64xf32, #tpu.memory_space<vmem>>, vector<16xf32>,
        %add3A_1411 = arith.addf %get3A_1403, %get3A_1410 : vector<16xf32>
        %add3A_1412 = arith.constant 128 : i32
        %add3A_1413 = arith.addi %add3A_1412, %scan3A_1288 : i32
        %get3A_1414 = arith.constant 1 : i32
        %get3A_1415 = arith.index_cast %get3A_1414 : i32 to index
        %get3A_1416 = arith.index_cast %add3A_1413 : i32 to index
        %get3A_1417 = arith.constant 48 : index
        %get3A_1418 = tpu.vector_load %arg6[%get3A_1415, %get3A_1416, %get3A_1417] {strides = array<i32>} : memref<2x512x64xf32, #tpu.memory_space<vmem>>, vector<16xf32>,
        %add3A_1419 = arith.addf %add3A_1411, %get3A_1418 : vector<16xf32>
        %add3A_1420 = arith.constant 256 : i32
        %add3A_1421 = arith.addi %add3A_1420, %scan3A_1288 : i32
        %get3A_1422 = arith.constant 1 : i32
        %get3A_1423 = arith.index_cast %get3A_1422 : i32 to index
        %get3A_1424 = arith.index_cast %add3A_1421 : i32 to index
        %get3A_1425 = arith.constant 48 : index
        %get3A_1426 = tpu.vector_load %arg6[%get3A_1423, %get3A_1424, %get3A_1425] {strides = array<i32>} : memref<2x512x64xf32, #tpu.memory_space<vmem>>, vector<16xf32>,
        %add3A_1427 = arith.addf %add3A_1419, %get3A_1426 : vector<16xf32>
        %add3A_1428 = arith.constant 384 : i32
        %add3A_1429 = arith.addi %add3A_1428, %scan3A_1288 : i32
        %get3A_1430 = arith.constant 1 : i32
        %get3A_1431 = arith.index_cast %get3A_1430 : i32 to index
        %get3A_1432 = arith.index_cast %add3A_1429 : i32 to index
        %get3A_1433 = arith.constant 48 : index
        %get3A_1434 = tpu.vector_load %arg6[%get3A_1431, %get3A_1432, %get3A_1433] {strides = array<i32>} : memref<2x512x64xf32, #tpu.memory_space<vmem>>, vector<16xf32>,
        %add3A_1435 = arith.addf %add3A_1427, %get3A_1434 : vector<16xf32>
        %swap3A_1436 = arith.index_cast %scan3A_1288 : i32 to index
        %swap3A_1437 = arith.constant 48 : index
        %swap3A_1438 = tpu.vector_load %arg7[%swap3A_1436, %swap3A_1437] {strides = array<i32>} : memref<128x64xf32, #tpu.memory_space<vmem>>, vector<16xf32>,
        tpu.vector_store %arg7[%swap3A_1436, %swap3A_1437], %add3A_1435 {strides = array<i32>} : memref<128x64xf32, #tpu.memory_space<vmem>>, vector<16xf32>,
      }
      %scan3A_677 = arith.constant 128 : i32
      %jit3A_678 = arith.constant 50 : i32
      %eq3A_679 = arith.constant 0 : i32
      %eq3A_680 = arith.cmpi eq, %jit3A_678, %eq3A_679 : i32
      %jit3A_681 = arith.constant 1 : i32
      %select_n3A_682 = arith.select %eq3A_680, %jit3A_681, %jit3A_678 : i32
      %rem3A_683 = arith.remsi %add3A_628, %select_n3A_682 : i32
      %ne3A_684 = arith.constant 0 : i32
      %ne3A_685 = arith.cmpi ne, %rem3A_683, %ne3A_684 : i32
      %lt3A_686 = arith.constant 0 : i32
      %lt3A_687 = arith.cmpi slt, %rem3A_683, %lt3A_686 : i32
      %lt3A_688 = arith.constant 0 : i32
      %lt3A_689 = arith.cmpi slt, %select_n3A_682, %lt3A_688 : i32
      %ne3A_690 = arith.xori %lt3A_687, %lt3A_689 : i1
      %and3A_691 = arith.andi %ne3A_690, %ne3A_685 : i1
      %add3A_692 = arith.addi %rem3A_683, %select_n3A_682 : i32
      %select_n3A_693 = arith.select %and3A_691, %add3A_692, %rem3A_683 : i32
      %eq3A_694 = arith.constant 49 : i32
      %eq3A_695 = arith.cmpi eq, %select_n3A_693, %eq3A_694 : i32
      %gt3A_696 = arith.constant 50 : i32
      %gt3A_697 = arith.cmpi sgt, %add3A_628, %gt3A_696 : i32
      %and3A_698 = arith.andi %eq3A_695, %gt3A_697 : i1
      %convert_element_type3A_699 = arith.extui %and3A_698 : i1 to i32
      %cond3A_700 = arith.constant 0 : i32
      %cond3A_701 = arith.cmpi ne, %convert_element_type3A_699, %cond3A_700 : i32
      scf.if %cond3A_701 {
        %sub3A_1288 = arith.constant 50 : i32
        %sub3A_1289 = arith.subi %add3A_628, %sub3A_1288 : i32
        %jit3A_1290 = arith.constant 50 : i32
        %div3A_1291 = arith.divsi %sub3A_1289, %jit3A_1290 : i32
        %sign3A_1292 = arith.constant 0 : i32
        %sign3A_1293 = arith.cmpi sgt, %sub3A_1289, %sign3A_1292 : i32
        %sign3A_1294 = arith.extui %sign3A_1293 : i1 to i32
        %sign3A_1295 = arith.constant 0 : i32
        %sign3A_1296 = arith.cmpi slt, %sub3A_1289, %sign3A_1295 : i32
        %sign3A_1297 = arith.extui %sign3A_1296 : i1 to i32
        %sign3A_1298 = arith.subi %sign3A_1294, %sign3A_1297 : i32
        %sign3A_1299 = arith.constant 0 : i32
        %sign3A_1300 = arith.cmpi sgt, %jit3A_1290, %sign3A_1299 : i32
        %sign3A_1301 = arith.extui %sign3A_1300 : i1 to i32
        %sign3A_1302 = arith.constant 0 : i32
        %sign3A_1303 = arith.cmpi slt, %jit3A_1290, %sign3A_1302 : i32
        %sign3A_1304 = arith.extui %sign3A_1303 : i1 to i32
        %sign3A_1305 = arith.subi %sign3A_1301, %sign3A_1304 : i32
        %ne3A_1306 = arith.cmpi ne, %sign3A_1298, %sign3A_1305 : i32
        %rem3A_1307 = arith.remsi %sub3A_1289, %jit3A_1290 : i32
        %ne3A_1308 = arith.constant 0 : i32
        %ne3A_1309 = arith.cmpi ne, %rem3A_1307, %ne3A_1308 : i32
        %and3A_1310 = arith.andi %ne3A_1306, %ne3A_1309 : i1
        %sub3A_1311 = arith.constant 1 : i32
        %sub3A_1312 = arith.subi %div3A_1291, %sub3A_1311 : i32
        %select_n3A_1313 = arith.select %and3A_1310, %sub3A_1312, %div3A_1291 : i32
        %mul3A_1314 = arith.constant 128 : i32
        %mul3A_1315 = arith.muli %select_n3A_1313, %mul3A_1314 : i32
        %add3A_1316 = arith.addi %mul3A_2, %mul3A_1315 : i32
        %dma_wait3A_1317 = arith.constant 0 : i32
        %dma_wait3A_1318 = tpu.memref_slice %arg4[%add3A_1316, %dma_wait3A_1317] : memref<16384x64xf32, #tpu.memory_space<hbm>> -> memref<128x64xf32, #tpu.memory_space<hbm>>
        %dma_wait3A_1319 = arith.constant 0 : i32
        %dma_wait3A_1320 = tpu.memref_slice %arg4[%add3A_1316, %dma_wait3A_1319] : memref<16384x64xf32, #tpu.memory_space<hbm>> -> memref<128x64xf32, #tpu.memory_space<hbm>>
        tpu.wait_dma2 semaphore(%arg15 : memref<!tpu.dma_semaphore, #tpu.memory_space<semaphore_mem>>) src(%arg8 : memref<128x64xf32, #tpu.memory_space<vmem>>) dst(%dma_wait3A_1320 : memref<128x64xf32, #tpu.memory_space<hbm>>)
      } else {
      }
      %jit3A_702 = arith.constant 50 : i32
      %eq3A_703 = arith.constant 0 : i32
      %eq3A_704 = arith.cmpi eq, %jit3A_702, %eq3A_703 : i32
      %jit3A_705 = arith.constant 1 : i32
      %select_n3A_706 = arith.select %eq3A_704, %jit3A_705, %jit3A_702 : i32
      %rem3A_707 = arith.remsi %add3A_628, %select_n3A_706 : i32
      %ne3A_708 = arith.constant 0 : i32
      %ne3A_709 = arith.cmpi ne, %rem3A_707, %ne3A_708 : i32
      %lt3A_710 = arith.constant 0 : i32
      %lt3A_711 = arith.cmpi slt, %rem3A_707, %lt3A_710 : i32
      %lt3A_712 = arith.constant 0 : i32
      %lt3A_713 = arith.cmpi slt, %select_n3A_706, %lt3A_712 : i32
      %ne3A_714 = arith.xori %lt3A_711, %lt3A_713 : i1
      %and3A_715 = arith.andi %ne3A_714, %ne3A_709 : i1
      %add3A_716 = arith.addi %rem3A_707, %select_n3A_706 : i32
      %select_n3A_717 = arith.select %and3A_715, %add3A_716, %rem3A_707 : i32
      %eq3A_718 = arith.constant 49 : i32
      %eq3A_719 = arith.cmpi eq, %select_n3A_717, %eq3A_718 : i32
      %convert_element_type3A_720 = arith.extui %eq3A_719 : i1 to i32
      %cond3A_721 = arith.constant 0 : i32
      %cond3A_722 = arith.cmpi ne, %convert_element_type3A_720, %cond3A_721 : i32
      scf.if %cond3A_722 {
        %scan3A_1288 = arith.constant 0 : i32
        %scan3A_1289 = arith.constant 0 : i32
        %scan3A_1290 = arith.constant 128 : i32
        %scan3A_1291 = arith.addi %scan3A_1289, %scan3A_1290 : i32
        %scan3A_1292 = arith.constant 1 : i32
        scf.for %scan3A_1325 = %scan3A_1289 to %scan3A_1291 step %scan3A_1292  : i32 {
          %get3A = arith.index_cast %scan3A_1325 : i32 to index
          %get3A_1326 = arith.constant 0 : index
          %get3A_1327 = tpu.vector_load %arg7[%get3A, %get3A_1326] {strides = array<i32>} : memref<128x64xf32, #tpu.memory_space<vmem>>, vector<16xf32>,
          %mul3A_1328 = vector.broadcast %scan3A_113 : f32 to vector<16xf32>
          %mul3A_1329 = arith.mulf %get3A_1327, %mul3A_1328 : vector<16xf32>
          %swap3A = arith.index_cast %scan3A_1325 : i32 to index
          %swap3A_1330 = arith.constant 0 : index
          %swap3A_1331 = tpu.vector_load %arg8[%swap3A, %swap3A_1330] {strides = array<i32>} : memref<128x64xf32, #tpu.memory_space<vmem>>, vector<16xf32>,
          tpu.vector_store %arg8[%swap3A, %swap3A_1330], %mul3A_1329 {strides = array<i32>} : memref<128x64xf32, #tpu.memory_space<vmem>>, vector<16xf32>,
          %get3A_1332 = arith.index_cast %scan3A_1325 : i32 to index
          %get3A_1333 = arith.constant 16 : index
          %get3A_1334 = tpu.vector_load %arg7[%get3A_1332, %get3A_1333] {strides = array<i32>} : memref<128x64xf32, #tpu.memory_space<vmem>>, vector<16xf32>,
          %mul3A_1335 = vector.broadcast %scan3A_113 : f32 to vector<16xf32>
          %mul3A_1336 = arith.mulf %get3A_1334, %mul3A_1335 : vector<16xf32>
          %swap3A_1337 = arith.index_cast %scan3A_1325 : i32 to index
          %swap3A_1338 = arith.constant 16 : index
          %swap3A_1339 = tpu.vector_load %arg8[%swap3A_1337, %swap3A_1338] {strides = array<i32>} : memref<128x64xf32, #tpu.memory_space<vmem>>, vector<16xf32>,
          tpu.vector_store %arg8[%swap3A_1337, %swap3A_1338], %mul3A_1336 {strides = array<i32>} : memref<128x64xf32, #tpu.memory_space<vmem>>, vector<16xf32>,
          %get3A_1340 = arith.index_cast %scan3A_1325 : i32 to index
          %get3A_1341 = arith.constant 32 : index
          %get3A_1342 = tpu.vector_load %arg7[%get3A_1340, %get3A_1341] {strides = array<i32>} : memref<128x64xf32, #tpu.memory_space<vmem>>, vector<16xf32>,
          %mul3A_1343 = vector.broadcast %scan3A_113 : f32 to vector<16xf32>
          %mul3A_1344 = arith.mulf %get3A_1342, %mul3A_1343 : vector<16xf32>
          %swap3A_1345 = arith.index_cast %scan3A_1325 : i32 to index
          %swap3A_1346 = arith.constant 32 : index
          %swap3A_1347 = tpu.vector_load %arg8[%swap3A_1345, %swap3A_1346] {strides = array<i32>} : memref<128x64xf32, #tpu.memory_space<vmem>>, vector<16xf32>,
          tpu.vector_store %arg8[%swap3A_1345, %swap3A_1346], %mul3A_1344 {strides = array<i32>} : memref<128x64xf32, #tpu.memory_space<vmem>>, vector<16xf32>,
          %get3A_1348 = arith.index_cast %scan3A_1325 : i32 to index
          %get3A_1349 = arith.constant 48 : index
          %get3A_1350 = tpu.vector_load %arg7[%get3A_1348, %get3A_1349] {strides = array<i32>} : memref<128x64xf32, #tpu.memory_space<vmem>>, vector<16xf32>,
          %mul3A_1351 = vector.broadcast %scan3A_113 : f32 to vector<16xf32>
          %mul3A_1352 = arith.mulf %get3A_1350, %mul3A_1351 : vector<16xf32>
          %swap3A_1353 = arith.index_cast %scan3A_1325 : i32 to index
          %swap3A_1354 = arith.constant 48 : index
          %swap3A_1355 = tpu.vector_load %arg8[%swap3A_1353, %swap3A_1354] {strides = array<i32>} : memref<128x64xf32, #tpu.memory_space<vmem>>, vector<16xf32>,
          tpu.vector_store %arg8[%swap3A_1353, %swap3A_1354], %mul3A_1352 {strides = array<i32>} : memref<128x64xf32, #tpu.memory_space<vmem>>, vector<16xf32>,
        }
        %scan3A_1293 = arith.constant 128 : i32
        %jit3A_1294 = arith.constant 50 : i32
        %div3A_1295 = arith.divsi %add3A_628, %jit3A_1294 : i32
        %sign3A_1296 = arith.constant 0 : i32
        %sign3A_1297 = arith.cmpi sgt, %add3A_628, %sign3A_1296 : i32
        %sign3A_1298 = arith.extui %sign3A_1297 : i1 to i32
        %sign3A_1299 = arith.constant 0 : i32
        %sign3A_1300 = arith.cmpi slt, %add3A_628, %sign3A_1299 : i32
        %sign3A_1301 = arith.extui %sign3A_1300 : i1 to i32
        %sign3A_1302 = arith.subi %sign3A_1298, %sign3A_1301 : i32
        %sign3A_1303 = arith.constant 0 : i32
        %sign3A_1304 = arith.cmpi sgt, %jit3A_1294, %sign3A_1303 : i32
        %sign3A_1305 = arith.extui %sign3A_1304 : i1 to i32
        %sign3A_1306 = arith.constant 0 : i32
        %sign3A_1307 = arith.cmpi slt, %jit3A_1294, %sign3A_1306 : i32
        %sign3A_1308 = arith.extui %sign3A_1307 : i1 to i32
        %sign3A_1309 = arith.subi %sign3A_1305, %sign3A_1308 : i32
        %ne3A_1310 = arith.cmpi ne, %sign3A_1302, %sign3A_1309 : i32
        %rem3A_1311 = arith.remsi %add3A_628, %jit3A_1294 : i32
        %ne3A_1312 = arith.constant 0 : i32
        %ne3A_1313 = arith.cmpi ne, %rem3A_1311, %ne3A_1312 : i32
        %and3A_1314 = arith.andi %ne3A_1310, %ne3A_1313 : i1
        %sub3A_1315 = arith.constant 1 : i32
        %sub3A_1316 = arith.subi %div3A_1295, %sub3A_1315 : i32
        %select_n3A_1317 = arith.select %and3A_1314, %sub3A_1316, %div3A_1295 : i32
        %mul3A_1318 = arith.constant 128 : i32
        %mul3A_1319 = arith.muli %select_n3A_1317, %mul3A_1318 : i32
        %add3A_1320 = arith.addi %mul3A_2, %mul3A_1319 : i32
        %dma_start3A_1321 = arith.constant 0 : i32
        %dma_start3A_1322 = tpu.memref_slice %arg4[%add3A_1320, %dma_start3A_1321] : memref<16384x64xf32, #tpu.memory_space<hbm>> -> memref<128x64xf32, #tpu.memory_space<hbm>>
        %dma_start3A_1323 = arith.constant 0 : i32
        %dma_start3A_1324 = tpu.memref_slice %arg4[%add3A_1320, %dma_start3A_1323] : memref<16384x64xf32, #tpu.memory_space<hbm>> -> memref<128x64xf32, #tpu.memory_space<hbm>>
        tpu.enqueue_dma source(%arg8 : memref<128x64xf32, #tpu.memory_space<vmem>>) target(%dma_start3A_1324 : memref<128x64xf32, #tpu.memory_space<hbm>>) target_semaphore(%arg15 : memref<!tpu.dma_semaphore, #tpu.memory_space<semaphore_mem>>)
      } else {
      }
      %add3A_723 = arith.constant 2 : i32
      %add3A_724 = arith.addi %add3A_628, %add3A_723 : i32
      %jit3A_725 = arith.constant 2 : i32
      %eq3A_726 = arith.constant 0 : i32
      %eq3A_727 = arith.cmpi eq, %jit3A_725, %eq3A_726 : i32
      %jit3A_728 = arith.constant 1 : i32
      %select_n3A_729 = arith.select %eq3A_727, %jit3A_728, %jit3A_725 : i32
      %rem3A_730 = arith.remsi %add3A_724, %select_n3A_729 : i32
      %ne3A_731 = arith.constant 0 : i32
      %ne3A_732 = arith.cmpi ne, %rem3A_730, %ne3A_731 : i32
      %lt3A_733 = arith.constant 0 : i32
      %lt3A_734 = arith.cmpi slt, %rem3A_730, %lt3A_733 : i32
      %lt3A_735 = arith.constant 0 : i32
      %lt3A_736 = arith.cmpi slt, %select_n3A_729, %lt3A_735 : i32
      %ne3A_737 = arith.xori %lt3A_734, %lt3A_736 : i1
      %and3A_738 = arith.andi %ne3A_737, %ne3A_732 : i1
      %add3A_739 = arith.addi %rem3A_730, %select_n3A_729 : i32
      %select_n3A_740 = arith.select %and3A_738, %add3A_739, %rem3A_730 : i32
      %mul3A_741 = arith.constant 512 : i32
      %mul3A_742 = arith.muli %mul3A_741, %select_n3A_740 : i32
      %dma_start3A_743 = arith.constant 2 : i32
      %dma_start3A_744 = arith.constant 1 : i32
      %dma_start3A_745 = arith.constant 0 : i32
      %dma_start3A_746 = arith.constant 0 : i32
      %dma_start3A_747 = tpu.memref_slice %arg6[%dma_start3A_744, %dma_start3A_745, %dma_start3A_746] : memref<2x512x64xf32, #tpu.memory_space<vmem>> -> memref<1x512x64xf32, #tpu.memory_space<vmem>>
      %dma_start3A_748 = tpu.memref_squeeze %dma_start3A_747 : memref<1x512x64xf32, #tpu.memory_space<vmem>> -> memref<512x64xf32, #tpu.memory_space<vmem>>
      %dma_start3A_749 = tpu.memref_slice %arg5[%dma_start3A_743, %mul3A_742] : memref<4x1024xi32, #tpu.memory_space<vmem>> -> memref<1x512xi32, #tpu.memory_space<vmem>>
      %dma_start3A_750 = tpu.memref_squeeze %dma_start3A_749 : memref<1x512xi32, #tpu.memory_space<vmem>> -> memref<512xi32, #tpu.memory_space<vmem>>
      %dma_start3A_751 = arith.constant 0 : i32
      %dma_start3A_752 = arith.constant 0 : i32
      %dma_start3A_753 = tpu.memref_slice %arg3[%dma_start3A_751, %dma_start3A_752] : memref<2000000x64xf32, #tpu.memory_space<hbm>> -> memref<2000000x64xf32, #tpu.memory_space<hbm>>
      tpu.enqueue_indirect_dma source(%dma_start3A_753 : memref<2000000x64xf32, #tpu.memory_space<hbm>>) target(%dma_start3A_748 : memref<512x64xf32, #tpu.memory_space<vmem>>) offsets(%dma_start3A_750 : memref<512xi32, #tpu.memory_space<vmem>>) semaphore(%arg14 : memref<!tpu.dma_semaphore, #tpu.memory_space<semaphore_mem>>)
      %gt3A_754 = arith.constant 0 : i32
      %gt3A_755 = arith.cmpi sgt, %scan3A_125, %gt3A_754 : i32
      %convert_element_type3A_756 = arith.extui %gt3A_755 : i1 to i32
      %cond3A_757 = arith.constant 0 : i32
      %cond3A_758 = arith.cmpi ne, %convert_element_type3A_756, %cond3A_757 : i32
      scf.if %cond3A_758 {
        %jit3A_1288 = arith.constant 25 : i32
        %eq3A_1289 = arith.constant 0 : i32
        %eq3A_1290 = arith.cmpi eq, %jit3A_1288, %eq3A_1289 : i32
        %jit3A_1291 = arith.constant 1 : i32
        %select_n3A_1292 = arith.select %eq3A_1290, %jit3A_1291, %jit3A_1288 : i32
        %rem3A_1293 = arith.remsi %add3A_638, %select_n3A_1292 : i32
        %ne3A_1294 = arith.constant 0 : i32
        %ne3A_1295 = arith.cmpi ne, %rem3A_1293, %ne3A_1294 : i32
        %lt3A_1296 = arith.constant 0 : i32
        %lt3A_1297 = arith.cmpi slt, %rem3A_1293, %lt3A_1296 : i32
        %lt3A_1298 = arith.constant 0 : i32
        %lt3A_1299 = arith.cmpi slt, %select_n3A_1292, %lt3A_1298 : i32
        %ne3A_1300 = arith.xori %lt3A_1297, %lt3A_1299 : i1
        %and3A_1301 = arith.andi %ne3A_1300, %ne3A_1295 : i1
        %add3A_1302 = arith.addi %rem3A_1293, %select_n3A_1292 : i32
        %select_n3A_1303 = arith.select %and3A_1301, %add3A_1302, %rem3A_1293 : i32
        %jit3A_1304 = arith.constant 25 : i32
        %div3A_1305 = arith.divsi %add3A_638, %jit3A_1304 : i32
        %sign3A_1306 = arith.constant 0 : i32
        %sign3A_1307 = arith.cmpi sgt, %add3A_638, %sign3A_1306 : i32
        %sign3A_1308 = arith.extui %sign3A_1307 : i1 to i32
        %sign3A_1309 = arith.constant 0 : i32
        %sign3A_1310 = arith.cmpi slt, %add3A_638, %sign3A_1309 : i32
        %sign3A_1311 = arith.extui %sign3A_1310 : i1 to i32
        %sign3A_1312 = arith.subi %sign3A_1308, %sign3A_1311 : i32
        %sign3A_1313 = arith.constant 0 : i32
        %sign3A_1314 = arith.cmpi sgt, %jit3A_1304, %sign3A_1313 : i32
        %sign3A_1315 = arith.extui %sign3A_1314 : i1 to i32
        %sign3A_1316 = arith.constant 0 : i32
        %sign3A_1317 = arith.cmpi slt, %jit3A_1304, %sign3A_1316 : i32
        %sign3A_1318 = arith.extui %sign3A_1317 : i1 to i32
        %sign3A_1319 = arith.subi %sign3A_1315, %sign3A_1318 : i32
        %ne3A_1320 = arith.cmpi ne, %sign3A_1312, %sign3A_1319 : i32
        %rem3A_1321 = arith.remsi %add3A_638, %jit3A_1304 : i32
        %ne3A_1322 = arith.constant 0 : i32
        %ne3A_1323 = arith.cmpi ne, %rem3A_1321, %ne3A_1322 : i32
        %and3A_1324 = arith.andi %ne3A_1320, %ne3A_1323 : i1
        %sub3A_1325 = arith.constant 1 : i32
        %sub3A_1326 = arith.subi %div3A_1305, %sub3A_1325 : i32
        %select_n3A_1327 = arith.select %and3A_1324, %sub3A_1326, %div3A_1305 : i32
        %add3A_1328 = arith.addi %mul3A_4, %select_n3A_1327 : i32
        %dma_start3A_1329 = arith.constant 3 : i32
        %dma_start3A_1330 = arith.constant 0 : i32
        %dma_start3A_1331 = tpu.memref_slice %arg5[%dma_start3A_1329, %dma_start3A_1330] : memref<4x1024xi32, #tpu.memory_space<vmem>> -> memref<1x1024xi32, #tpu.memory_space<vmem>>
        %dma_start3A_1332 = tpu.memref_squeeze %dma_start3A_1331 : memref<1x1024xi32, #tpu.memory_space<vmem>> -> memref<1024xi32, #tpu.memory_space<vmem>>
        %dma_start3A_1333 = arith.constant 0 : i32
        %dma_start3A_1334 = tpu.memref_slice %arg2[%select_n3A_1303, %add3A_1328, %dma_start3A_1333] : memref<25x128x1024xi32, #tpu.memory_space<hbm>> -> memref<1x1x1024xi32, #tpu.memory_space<hbm>>
        %dma_start3A_1335 = tpu.memref_squeeze %dma_start3A_1334 : memref<1x1x1024xi32, #tpu.memory_space<hbm>> -> memref<1024xi32, #tpu.memory_space<hbm>>
        %dma_start3A_1336 = arith.constant 0 : i32
        %dma_start3A_1337 = tpu.memref_slice %arg5[%dma_start3A_1329, %dma_start3A_1336] : memref<4x1024xi32, #tpu.memory_space<vmem>> -> memref<1x1024xi32, #tpu.memory_space<vmem>>
        %dma_start3A_1338 = tpu.memref_squeeze %dma_start3A_1337 : memref<1x1024xi32, #tpu.memory_space<vmem>> -> memref<1024xi32, #tpu.memory_space<vmem>>
        %dma_start3A_1339 = arith.constant 0 : i32
        %dma_start3A_1340 = tpu.memref_slice %arg2[%select_n3A_1303, %add3A_1328, %dma_start3A_1339] : memref<25x128x1024xi32, #tpu.memory_space<hbm>> -> memref<1x1x1024xi32, #tpu.memory_space<hbm>>
        %dma_start3A_1341 = tpu.memref_squeeze %dma_start3A_1340 : memref<1x1x1024xi32, #tpu.memory_space<hbm>> -> memref<1024xi32, #tpu.memory_space<hbm>>
        tpu.enqueue_dma source(%dma_start3A_1341 : memref<1024xi32, #tpu.memory_space<hbm>>) target(%dma_start3A_1338 : memref<1024xi32, #tpu.memory_space<vmem>>) target_semaphore(%arg12 : memref<!tpu.dma_semaphore, #tpu.memory_space<semaphore_mem>>)
      } else {
      }
      %mul3A_759 = arith.constant 8 : i32
      %mul3A_760 = arith.muli %mul3A_759, %scan3A_125 : i32
      %add3A_761 = arith.constant 4 : i32
      %add3A_762 = arith.addi %mul3A_760, %add3A_761 : i32
      %mul3A_763 = arith.constant 4 : i32
      %mul3A_764 = arith.muli %mul3A_763, %scan3A_125 : i32
      %add3A_765 = arith.constant 3 : i32
      %add3A_766 = arith.addi %mul3A_764, %add3A_765 : i32
      %mul3A_767 = arith.constant 4 : i32
      %mul3A_768 = arith.muli %mul3A_767, %scan3A_125 : i32
      %add3A_769 = arith.constant 2 : i32
      %add3A_770 = arith.addi %mul3A_768, %add3A_769 : i32
      %add3A_771 = arith.constant 2 : i32
      %add3A_772 = arith.addi %add3A_770, %add3A_771 : i32
      %dma_wait3A_773 = arith.constant 2 : i32
      %dma_wait3A_774 = arith.constant 0 : i32
      %dma_wait3A_775 = arith.constant 0 : i32
      %dma_wait3A_776 = arith.constant 0 : i32
      %dma_wait3A_777 = tpu.memref_slice %arg6[%dma_wait3A_774, %dma_wait3A_775, %dma_wait3A_776] : memref<2x512x64xf32, #tpu.memory_space<vmem>> -> memref<1x512x64xf32, #tpu.memory_space<vmem>>
      %dma_wait3A_778 = tpu.memref_squeeze %dma_wait3A_777 : memref<1x512x64xf32, #tpu.memory_space<vmem>> -> memref<512x64xf32, #tpu.memory_space<vmem>>
      %dma_wait3A_779 = arith.constant 0 : i32
      %dma_wait3A_780 = tpu.memref_slice %arg5[%dma_wait3A_773, %dma_wait3A_779] : memref<4x1024xi32, #tpu.memory_space<vmem>> -> memref<1x512xi32, #tpu.memory_space<vmem>>
      %dma_wait3A_781 = tpu.memref_squeeze %dma_wait3A_780 : memref<1x512xi32, #tpu.memory_space<vmem>> -> memref<512xi32, #tpu.memory_space<vmem>>
      %dma_wait3A_782 = arith.constant 0 : i32
      %dma_wait3A_783 = arith.constant 0 : i32
      %dma_wait3A_784 = tpu.memref_slice %arg3[%dma_wait3A_782, %dma_wait3A_783] : memref<2000000x64xf32, #tpu.memory_space<hbm>> -> memref<2000000x64xf32, #tpu.memory_space<hbm>>
      tpu.wait_indirect_dma semaphore(%arg13 : memref<!tpu.dma_semaphore, #tpu.memory_space<semaphore_mem>>) src(%dma_wait3A_784 : memref<2000000x64xf32, #tpu.memory_space<hbm>>) dst(%dma_wait3A_778 : memref<512x64xf32, #tpu.memory_space<vmem>>)
      %jit3A_785 = arith.constant 50 : i32
      %eq3A_786 = arith.constant 0 : i32
      %eq3A_787 = arith.cmpi eq, %jit3A_785, %eq3A_786 : i32
      %jit3A_788 = arith.constant 1 : i32
      %select_n3A_789 = arith.select %eq3A_787, %jit3A_788, %jit3A_785 : i32
      %rem3A_790 = arith.remsi %add3A_762, %select_n3A_789 : i32
      %ne3A_791 = arith.constant 0 : i32
      %ne3A_792 = arith.cmpi ne, %rem3A_790, %ne3A_791 : i32
      %lt3A_793 = arith.constant 0 : i32
      %lt3A_794 = arith.cmpi slt, %rem3A_790, %lt3A_793 : i32
      %lt3A_795 = arith.constant 0 : i32
      %lt3A_796 = arith.cmpi slt, %select_n3A_789, %lt3A_795 : i32
      %ne3A_797 = arith.xori %lt3A_794, %lt3A_796 : i1
      %and3A_798 = arith.andi %ne3A_797, %ne3A_792 : i1
      %add3A_799 = arith.addi %rem3A_790, %select_n3A_789 : i32
      %select_n3A_800 = arith.select %and3A_798, %add3A_799, %rem3A_790 : i32
      %eq3A_801 = arith.constant 0 : i32
      %eq3A_802 = arith.cmpi eq, %select_n3A_800, %eq3A_801 : i32
      %convert_element_type3A_803 = arith.extui %eq3A_802 : i1 to i32
      %cond3A_804 = arith.constant 0 : i32
      %cond3A_805 = arith.cmpi ne, %convert_element_type3A_803, %cond3A_804 : i32
      scf.if %cond3A_805 {
        %broadcast_in_dim3A = arith.constant 0.000000e+00 : f32
        %broadcast_in_dim3A_1288 = vector.broadcast %broadcast_in_dim3A : f32 to vector<16xf32>
        %scan3A_1289 = arith.constant 0 : i32
        %scan3A_1290 = arith.constant 0 : i32
        %scan3A_1291 = arith.constant 128 : i32
        %scan3A_1292 = arith.addi %scan3A_1290, %scan3A_1291 : i32
        %scan3A_1293 = arith.constant 1 : i32
        scf.for %scan3A_1295 = %scan3A_1290 to %scan3A_1292 step %scan3A_1293  : i32 {
          %swap3A = arith.index_cast %scan3A_1295 : i32 to index
          %swap3A_1296 = arith.constant 0 : index
          %swap3A_1297 = tpu.vector_load %arg7[%swap3A, %swap3A_1296] {strides = array<i32>} : memref<128x64xf32, #tpu.memory_space<vmem>>, vector<16xf32>,
          tpu.vector_store %arg7[%swap3A, %swap3A_1296], %broadcast_in_dim3A_1288 {strides = array<i32>} : memref<128x64xf32, #tpu.memory_space<vmem>>, vector<16xf32>,
          %swap3A_1298 = arith.index_cast %scan3A_1295 : i32 to index
          %swap3A_1299 = arith.constant 16 : index
          %swap3A_1300 = tpu.vector_load %arg7[%swap3A_1298, %swap3A_1299] {strides = array<i32>} : memref<128x64xf32, #tpu.memory_space<vmem>>, vector<16xf32>,
          tpu.vector_store %arg7[%swap3A_1298, %swap3A_1299], %broadcast_in_dim3A_1288 {strides = array<i32>} : memref<128x64xf32, #tpu.memory_space<vmem>>, vector<16xf32>,
          %swap3A_1301 = arith.index_cast %scan3A_1295 : i32 to index
          %swap3A_1302 = arith.constant 32 : index
          %swap3A_1303 = tpu.vector_load %arg7[%swap3A_1301, %swap3A_1302] {strides = array<i32>} : memref<128x64xf32, #tpu.memory_space<vmem>>, vector<16xf32>,
          tpu.vector_store %arg7[%swap3A_1301, %swap3A_1302], %broadcast_in_dim3A_1288 {strides = array<i32>} : memref<128x64xf32, #tpu.memory_space<vmem>>, vector<16xf32>,
          %swap3A_1304 = arith.index_cast %scan3A_1295 : i32 to index
          %swap3A_1305 = arith.constant 48 : index
          %swap3A_1306 = tpu.vector_load %arg7[%swap3A_1304, %swap3A_1305] {strides = array<i32>} : memref<128x64xf32, #tpu.memory_space<vmem>>, vector<16xf32>,
          tpu.vector_store %arg7[%swap3A_1304, %swap3A_1305], %broadcast_in_dim3A_1288 {strides = array<i32>} : memref<128x64xf32, #tpu.memory_space<vmem>>, vector<16xf32>,
        }
        %scan3A_1294 = arith.constant 128 : i32
      } else {
      }
      %scan3A_806 = arith.constant 0 : i32
      %scan3A_807 = arith.constant 0 : i32
      %scan3A_808 = arith.constant 128 : i32
      %scan3A_809 = arith.addi %scan3A_807, %scan3A_808 : i32
      %scan3A_810 = arith.constant 1 : i32
      scf.for %scan3A_1288 = %scan3A_807 to %scan3A_809 step %scan3A_810  : i32 {
        %get3A = arith.index_cast %scan3A_1288 : i32 to index
        %get3A_1289 = arith.constant 0 : index
        %get3A_1290 = tpu.vector_load %arg7[%get3A, %get3A_1289] {strides = array<i32>} : memref<128x64xf32, #tpu.memory_space<vmem>>, vector<16xf32>,
        %add3A_1291 = arith.constant 0 : i32
        %add3A_1292 = arith.addi %add3A_1291, %scan3A_1288 : i32
        %get3A_1293 = arith.constant 0 : i32
        %get3A_1294 = arith.index_cast %get3A_1293 : i32 to index
        %get3A_1295 = arith.index_cast %add3A_1292 : i32 to index
        %get3A_1296 = arith.constant 0 : index
        %get3A_1297 = tpu.vector_load %arg6[%get3A_1294, %get3A_1295, %get3A_1296] {strides = array<i32>} : memref<2x512x64xf32, #tpu.memory_space<vmem>>, vector<16xf32>,
        %add3A_1298 = arith.addf %get3A_1290, %get3A_1297 : vector<16xf32>
        %add3A_1299 = arith.constant 128 : i32
        %add3A_1300 = arith.addi %add3A_1299, %scan3A_1288 : i32
        %get3A_1301 = arith.constant 0 : i32
        %get3A_1302 = arith.index_cast %get3A_1301 : i32 to index
        %get3A_1303 = arith.index_cast %add3A_1300 : i32 to index
        %get3A_1304 = arith.constant 0 : index
        %get3A_1305 = tpu.vector_load %arg6[%get3A_1302, %get3A_1303, %get3A_1304] {strides = array<i32>} : memref<2x512x64xf32, #tpu.memory_space<vmem>>, vector<16xf32>,
        %add3A_1306 = arith.addf %add3A_1298, %get3A_1305 : vector<16xf32>
        %add3A_1307 = arith.constant 256 : i32
        %add3A_1308 = arith.addi %add3A_1307, %scan3A_1288 : i32
        %get3A_1309 = arith.constant 0 : i32
        %get3A_1310 = arith.index_cast %get3A_1309 : i32 to index
        %get3A_1311 = arith.index_cast %add3A_1308 : i32 to index
        %get3A_1312 = arith.constant 0 : index
        %get3A_1313 = tpu.vector_load %arg6[%get3A_1310, %get3A_1311, %get3A_1312] {strides = array<i32>} : memref<2x512x64xf32, #tpu.memory_space<vmem>>, vector<16xf32>,
        %add3A_1314 = arith.addf %add3A_1306, %get3A_1313 : vector<16xf32>
        %add3A_1315 = arith.constant 384 : i32
        %add3A_1316 = arith.addi %add3A_1315, %scan3A_1288 : i32
        %get3A_1317 = arith.constant 0 : i32
        %get3A_1318 = arith.index_cast %get3A_1317 : i32 to index
        %get3A_1319 = arith.index_cast %add3A_1316 : i32 to index
        %get3A_1320 = arith.constant 0 : index
        %get3A_1321 = tpu.vector_load %arg6[%get3A_1318, %get3A_1319, %get3A_1320] {strides = array<i32>} : memref<2x512x64xf32, #tpu.memory_space<vmem>>, vector<16xf32>,
        %add3A_1322 = arith.addf %add3A_1314, %get3A_1321 : vector<16xf32>
        %swap3A = arith.index_cast %scan3A_1288 : i32 to index
        %swap3A_1323 = arith.constant 0 : index
        %swap3A_1324 = tpu.vector_load %arg7[%swap3A, %swap3A_1323] {strides = array<i32>} : memref<128x64xf32, #tpu.memory_space<vmem>>, vector<16xf32>,
        tpu.vector_store %arg7[%swap3A, %swap3A_1323], %add3A_1322 {strides = array<i32>} : memref<128x64xf32, #tpu.memory_space<vmem>>, vector<16xf32>,
        %get3A_1325 = arith.index_cast %scan3A_1288 : i32 to index
        %get3A_1326 = arith.constant 16 : index
        %get3A_1327 = tpu.vector_load %arg7[%get3A_1325, %get3A_1326] {strides = array<i32>} : memref<128x64xf32, #tpu.memory_space<vmem>>, vector<16xf32>,
        %add3A_1328 = arith.constant 0 : i32
        %add3A_1329 = arith.addi %add3A_1328, %scan3A_1288 : i32
        %get3A_1330 = arith.constant 0 : i32
        %get3A_1331 = arith.index_cast %get3A_1330 : i32 to index
        %get3A_1332 = arith.index_cast %add3A_1329 : i32 to index
        %get3A_1333 = arith.constant 16 : index
        %get3A_1334 = tpu.vector_load %arg6[%get3A_1331, %get3A_1332, %get3A_1333] {strides = array<i32>} : memref<2x512x64xf32, #tpu.memory_space<vmem>>, vector<16xf32>,
        %add3A_1335 = arith.addf %get3A_1327, %get3A_1334 : vector<16xf32>
        %add3A_1336 = arith.constant 128 : i32
        %add3A_1337 = arith.addi %add3A_1336, %scan3A_1288 : i32
        %get3A_1338 = arith.constant 0 : i32
        %get3A_1339 = arith.index_cast %get3A_1338 : i32 to index
        %get3A_1340 = arith.index_cast %add3A_1337 : i32 to index
        %get3A_1341 = arith.constant 16 : index
        %get3A_1342 = tpu.vector_load %arg6[%get3A_1339, %get3A_1340, %get3A_1341] {strides = array<i32>} : memref<2x512x64xf32, #tpu.memory_space<vmem>>, vector<16xf32>,
        %add3A_1343 = arith.addf %add3A_1335, %get3A_1342 : vector<16xf32>
        %add3A_1344 = arith.constant 256 : i32
        %add3A_1345 = arith.addi %add3A_1344, %scan3A_1288 : i32
        %get3A_1346 = arith.constant 0 : i32
        %get3A_1347 = arith.index_cast %get3A_1346 : i32 to index
        %get3A_1348 = arith.index_cast %add3A_1345 : i32 to index
        %get3A_1349 = arith.constant 16 : index
        %get3A_1350 = tpu.vector_load %arg6[%get3A_1347, %get3A_1348, %get3A_1349] {strides = array<i32>} : memref<2x512x64xf32, #tpu.memory_space<vmem>>, vector<16xf32>,
        %add3A_1351 = arith.addf %add3A_1343, %get3A_1350 : vector<16xf32>
        %add3A_1352 = arith.constant 384 : i32
        %add3A_1353 = arith.addi %add3A_1352, %scan3A_1288 : i32
        %get3A_1354 = arith.constant 0 : i32
        %get3A_1355 = arith.index_cast %get3A_1354 : i32 to index
        %get3A_1356 = arith.index_cast %add3A_1353 : i32 to index
        %get3A_1357 = arith.constant 16 : index
        %get3A_1358 = tpu.vector_load %arg6[%get3A_1355, %get3A_1356, %get3A_1357] {strides = array<i32>} : memref<2x512x64xf32, #tpu.memory_space<vmem>>, vector<16xf32>,
        %add3A_1359 = arith.addf %add3A_1351, %get3A_1358 : vector<16xf32>
        %swap3A_1360 = arith.index_cast %scan3A_1288 : i32 to index
        %swap3A_1361 = arith.constant 16 : index
        %swap3A_1362 = tpu.vector_load %arg7[%swap3A_1360, %swap3A_1361] {strides = array<i32>} : memref<128x64xf32, #tpu.memory_space<vmem>>, vector<16xf32>,
        tpu.vector_store %arg7[%swap3A_1360, %swap3A_1361], %add3A_1359 {strides = array<i32>} : memref<128x64xf32, #tpu.memory_space<vmem>>, vector<16xf32>,
        %get3A_1363 = arith.index_cast %scan3A_1288 : i32 to index
        %get3A_1364 = arith.constant 32 : index
        %get3A_1365 = tpu.vector_load %arg7[%get3A_1363, %get3A_1364] {strides = array<i32>} : memref<128x64xf32, #tpu.memory_space<vmem>>, vector<16xf32>,
        %add3A_1366 = arith.constant 0 : i32
        %add3A_1367 = arith.addi %add3A_1366, %scan3A_1288 : i32
        %get3A_1368 = arith.constant 0 : i32
        %get3A_1369 = arith.index_cast %get3A_1368 : i32 to index
        %get3A_1370 = arith.index_cast %add3A_1367 : i32 to index
        %get3A_1371 = arith.constant 32 : index
        %get3A_1372 = tpu.vector_load %arg6[%get3A_1369, %get3A_1370, %get3A_1371] {strides = array<i32>} : memref<2x512x64xf32, #tpu.memory_space<vmem>>, vector<16xf32>,
        %add3A_1373 = arith.addf %get3A_1365, %get3A_1372 : vector<16xf32>
        %add3A_1374 = arith.constant 128 : i32
        %add3A_1375 = arith.addi %add3A_1374, %scan3A_1288 : i32
        %get3A_1376 = arith.constant 0 : i32
        %get3A_1377 = arith.index_cast %get3A_1376 : i32 to index
        %get3A_1378 = arith.index_cast %add3A_1375 : i32 to index
        %get3A_1379 = arith.constant 32 : index
        %get3A_1380 = tpu.vector_load %arg6[%get3A_1377, %get3A_1378, %get3A_1379] {strides = array<i32>} : memref<2x512x64xf32, #tpu.memory_space<vmem>>, vector<16xf32>,
        %add3A_1381 = arith.addf %add3A_1373, %get3A_1380 : vector<16xf32>
        %add3A_1382 = arith.constant 256 : i32
        %add3A_1383 = arith.addi %add3A_1382, %scan3A_1288 : i32
        %get3A_1384 = arith.constant 0 : i32
        %get3A_1385 = arith.index_cast %get3A_1384 : i32 to index
        %get3A_1386 = arith.index_cast %add3A_1383 : i32 to index
        %get3A_1387 = arith.constant 32 : index
        %get3A_1388 = tpu.vector_load %arg6[%get3A_1385, %get3A_1386, %get3A_1387] {strides = array<i32>} : memref<2x512x64xf32, #tpu.memory_space<vmem>>, vector<16xf32>,
        %add3A_1389 = arith.addf %add3A_1381, %get3A_1388 : vector<16xf32>
        %add3A_1390 = arith.constant 384 : i32
        %add3A_1391 = arith.addi %add3A_1390, %scan3A_1288 : i32
        %get3A_1392 = arith.constant 0 : i32
        %get3A_1393 = arith.index_cast %get3A_1392 : i32 to index
        %get3A_1394 = arith.index_cast %add3A_1391 : i32 to index
        %get3A_1395 = arith.constant 32 : index
        %get3A_1396 = tpu.vector_load %arg6[%get3A_1393, %get3A_1394, %get3A_1395] {strides = array<i32>} : memref<2x512x64xf32, #tpu.memory_space<vmem>>, vector<16xf32>,
        %add3A_1397 = arith.addf %add3A_1389, %get3A_1396 : vector<16xf32>
        %swap3A_1398 = arith.index_cast %scan3A_1288 : i32 to index
        %swap3A_1399 = arith.constant 32 : index
        %swap3A_1400 = tpu.vector_load %arg7[%swap3A_1398, %swap3A_1399] {strides = array<i32>} : memref<128x64xf32, #tpu.memory_space<vmem>>, vector<16xf32>,
        tpu.vector_store %arg7[%swap3A_1398, %swap3A_1399], %add3A_1397 {strides = array<i32>} : memref<128x64xf32, #tpu.memory_space<vmem>>, vector<16xf32>,
        %get3A_1401 = arith.index_cast %scan3A_1288 : i32 to index
        %get3A_1402 = arith.constant 48 : index
        %get3A_1403 = tpu.vector_load %arg7[%get3A_1401, %get3A_1402] {strides = array<i32>} : memref<128x64xf32, #tpu.memory_space<vmem>>, vector<16xf32>,
        %add3A_1404 = arith.constant 0 : i32
        %add3A_1405 = arith.addi %add3A_1404, %scan3A_1288 : i32
        %get3A_1406 = arith.constant 0 : i32
        %get3A_1407 = arith.index_cast %get3A_1406 : i32 to index
        %get3A_1408 = arith.index_cast %add3A_1405 : i32 to index
        %get3A_1409 = arith.constant 48 : index
        %get3A_1410 = tpu.vector_load %arg6[%get3A_1407, %get3A_1408, %get3A_1409] {strides = array<i32>} : memref<2x512x64xf32, #tpu.memory_space<vmem>>, vector<16xf32>,
        %add3A_1411 = arith.addf %get3A_1403, %get3A_1410 : vector<16xf32>
        %add3A_1412 = arith.constant 128 : i32
        %add3A_1413 = arith.addi %add3A_1412, %scan3A_1288 : i32
        %get3A_1414 = arith.constant 0 : i32
        %get3A_1415 = arith.index_cast %get3A_1414 : i32 to index
        %get3A_1416 = arith.index_cast %add3A_1413 : i32 to index
        %get3A_1417 = arith.constant 48 : index
        %get3A_1418 = tpu.vector_load %arg6[%get3A_1415, %get3A_1416, %get3A_1417] {strides = array<i32>} : memref<2x512x64xf32, #tpu.memory_space<vmem>>, vector<16xf32>,
        %add3A_1419 = arith.addf %add3A_1411, %get3A_1418 : vector<16xf32>
        %add3A_1420 = arith.constant 256 : i32
        %add3A_1421 = arith.addi %add3A_1420, %scan3A_1288 : i32
        %get3A_1422 = arith.constant 0 : i32
        %get3A_1423 = arith.index_cast %get3A_1422 : i32 to index
        %get3A_1424 = arith.index_cast %add3A_1421 : i32 to index
        %get3A_1425 = arith.constant 48 : index
        %get3A_1426 = tpu.vector_load %arg6[%get3A_1423, %get3A_1424, %get3A_1425] {strides = array<i32>} : memref<2x512x64xf32, #tpu.memory_space<vmem>>, vector<16xf32>,
        %add3A_1427 = arith.addf %add3A_1419, %get3A_1426 : vector<16xf32>
        %add3A_1428 = arith.constant 384 : i32
        %add3A_1429 = arith.addi %add3A_1428, %scan3A_1288 : i32
        %get3A_1430 = arith.constant 0 : i32
        %get3A_1431 = arith.index_cast %get3A_1430 : i32 to index
        %get3A_1432 = arith.index_cast %add3A_1429 : i32 to index
        %get3A_1433 = arith.constant 48 : index
        %get3A_1434 = tpu.vector_load %arg6[%get3A_1431, %get3A_1432, %get3A_1433] {strides = array<i32>} : memref<2x512x64xf32, #tpu.memory_space<vmem>>, vector<16xf32>,
        %add3A_1435 = arith.addf %add3A_1427, %get3A_1434 : vector<16xf32>
        %swap3A_1436 = arith.index_cast %scan3A_1288 : i32 to index
        %swap3A_1437 = arith.constant 48 : index
        %swap3A_1438 = tpu.vector_load %arg7[%swap3A_1436, %swap3A_1437] {strides = array<i32>} : memref<128x64xf32, #tpu.memory_space<vmem>>, vector<16xf32>,
        tpu.vector_store %arg7[%swap3A_1436, %swap3A_1437], %add3A_1435 {strides = array<i32>} : memref<128x64xf32, #tpu.memory_space<vmem>>, vector<16xf32>,
      }
      %scan3A_811 = arith.constant 128 : i32
      %jit3A_812 = arith.constant 50 : i32
      %eq3A_813 = arith.constant 0 : i32
      %eq3A_814 = arith.cmpi eq, %jit3A_812, %eq3A_813 : i32
      %jit3A_815 = arith.constant 1 : i32
      %select_n3A_816 = arith.select %eq3A_814, %jit3A_815, %jit3A_812 : i32
      %rem3A_817 = arith.remsi %add3A_762, %select_n3A_816 : i32
      %ne3A_818 = arith.constant 0 : i32
      %ne3A_819 = arith.cmpi ne, %rem3A_817, %ne3A_818 : i32
      %lt3A_820 = arith.constant 0 : i32
      %lt3A_821 = arith.cmpi slt, %rem3A_817, %lt3A_820 : i32
      %lt3A_822 = arith.constant 0 : i32
      %lt3A_823 = arith.cmpi slt, %select_n3A_816, %lt3A_822 : i32
      %ne3A_824 = arith.xori %lt3A_821, %lt3A_823 : i1
      %and3A_825 = arith.andi %ne3A_824, %ne3A_819 : i1
      %add3A_826 = arith.addi %rem3A_817, %select_n3A_816 : i32
      %select_n3A_827 = arith.select %and3A_825, %add3A_826, %rem3A_817 : i32
      %eq3A_828 = arith.constant 49 : i32
      %eq3A_829 = arith.cmpi eq, %select_n3A_827, %eq3A_828 : i32
      %gt3A_830 = arith.constant 50 : i32
      %gt3A_831 = arith.cmpi sgt, %add3A_762, %gt3A_830 : i32
      %and3A_832 = arith.andi %eq3A_829, %gt3A_831 : i1
      %convert_element_type3A_833 = arith.extui %and3A_832 : i1 to i32
      %cond3A_834 = arith.constant 0 : i32
      %cond3A_835 = arith.cmpi ne, %convert_element_type3A_833, %cond3A_834 : i32
      scf.if %cond3A_835 {
        %sub3A_1288 = arith.constant 50 : i32
        %sub3A_1289 = arith.subi %add3A_762, %sub3A_1288 : i32
        %jit3A_1290 = arith.constant 50 : i32
        %div3A_1291 = arith.divsi %sub3A_1289, %jit3A_1290 : i32
        %sign3A_1292 = arith.constant 0 : i32
        %sign3A_1293 = arith.cmpi sgt, %sub3A_1289, %sign3A_1292 : i32
        %sign3A_1294 = arith.extui %sign3A_1293 : i1 to i32
        %sign3A_1295 = arith.constant 0 : i32
        %sign3A_1296 = arith.cmpi slt, %sub3A_1289, %sign3A_1295 : i32
        %sign3A_1297 = arith.extui %sign3A_1296 : i1 to i32
        %sign3A_1298 = arith.subi %sign3A_1294, %sign3A_1297 : i32
        %sign3A_1299 = arith.constant 0 : i32
        %sign3A_1300 = arith.cmpi sgt, %jit3A_1290, %sign3A_1299 : i32
        %sign3A_1301 = arith.extui %sign3A_1300 : i1 to i32
        %sign3A_1302 = arith.constant 0 : i32
        %sign3A_1303 = arith.cmpi slt, %jit3A_1290, %sign3A_1302 : i32
        %sign3A_1304 = arith.extui %sign3A_1303 : i1 to i32
        %sign3A_1305 = arith.subi %sign3A_1301, %sign3A_1304 : i32
        %ne3A_1306 = arith.cmpi ne, %sign3A_1298, %sign3A_1305 : i32
        %rem3A_1307 = arith.remsi %sub3A_1289, %jit3A_1290 : i32
        %ne3A_1308 = arith.constant 0 : i32
        %ne3A_1309 = arith.cmpi ne, %rem3A_1307, %ne3A_1308 : i32
        %and3A_1310 = arith.andi %ne3A_1306, %ne3A_1309 : i1
        %sub3A_1311 = arith.constant 1 : i32
        %sub3A_1312 = arith.subi %div3A_1291, %sub3A_1311 : i32
        %select_n3A_1313 = arith.select %and3A_1310, %sub3A_1312, %div3A_1291 : i32
        %mul3A_1314 = arith.constant 128 : i32
        %mul3A_1315 = arith.muli %select_n3A_1313, %mul3A_1314 : i32
        %add3A_1316 = arith.addi %mul3A_2, %mul3A_1315 : i32
        %dma_wait3A_1317 = arith.constant 0 : i32
        %dma_wait3A_1318 = tpu.memref_slice %arg4[%add3A_1316, %dma_wait3A_1317] : memref<16384x64xf32, #tpu.memory_space<hbm>> -> memref<128x64xf32, #tpu.memory_space<hbm>>
        %dma_wait3A_1319 = arith.constant 0 : i32
        %dma_wait3A_1320 = tpu.memref_slice %arg4[%add3A_1316, %dma_wait3A_1319] : memref<16384x64xf32, #tpu.memory_space<hbm>> -> memref<128x64xf32, #tpu.memory_space<hbm>>
        tpu.wait_dma2 semaphore(%arg15 : memref<!tpu.dma_semaphore, #tpu.memory_space<semaphore_mem>>) src(%arg8 : memref<128x64xf32, #tpu.memory_space<vmem>>) dst(%dma_wait3A_1320 : memref<128x64xf32, #tpu.memory_space<hbm>>)
      } else {
      }
      %jit3A_836 = arith.constant 50 : i32
      %eq3A_837 = arith.constant 0 : i32
      %eq3A_838 = arith.cmpi eq, %jit3A_836, %eq3A_837 : i32
      %jit3A_839 = arith.constant 1 : i32
      %select_n3A_840 = arith.select %eq3A_838, %jit3A_839, %jit3A_836 : i32
      %rem3A_841 = arith.remsi %add3A_762, %select_n3A_840 : i32
      %ne3A_842 = arith.constant 0 : i32
      %ne3A_843 = arith.cmpi ne, %rem3A_841, %ne3A_842 : i32
      %lt3A_844 = arith.constant 0 : i32
      %lt3A_845 = arith.cmpi slt, %rem3A_841, %lt3A_844 : i32
      %lt3A_846 = arith.constant 0 : i32
      %lt3A_847 = arith.cmpi slt, %select_n3A_840, %lt3A_846 : i32
      %ne3A_848 = arith.xori %lt3A_845, %lt3A_847 : i1
      %and3A_849 = arith.andi %ne3A_848, %ne3A_843 : i1
      %add3A_850 = arith.addi %rem3A_841, %select_n3A_840 : i32
      %select_n3A_851 = arith.select %and3A_849, %add3A_850, %rem3A_841 : i32
      %eq3A_852 = arith.constant 49 : i32
      %eq3A_853 = arith.cmpi eq, %select_n3A_851, %eq3A_852 : i32
      %convert_element_type3A_854 = arith.extui %eq3A_853 : i1 to i32
      %cond3A_855 = arith.constant 0 : i32
      %cond3A_856 = arith.cmpi ne, %convert_element_type3A_854, %cond3A_855 : i32
      scf.if %cond3A_856 {
        %scan3A_1288 = arith.constant 0 : i32
        %scan3A_1289 = arith.constant 0 : i32
        %scan3A_1290 = arith.constant 128 : i32
        %scan3A_1291 = arith.addi %scan3A_1289, %scan3A_1290 : i32
        %scan3A_1292 = arith.constant 1 : i32
        scf.for %scan3A_1325 = %scan3A_1289 to %scan3A_1291 step %scan3A_1292  : i32 {
          %get3A = arith.index_cast %scan3A_1325 : i32 to index
          %get3A_1326 = arith.constant 0 : index
          %get3A_1327 = tpu.vector_load %arg7[%get3A, %get3A_1326] {strides = array<i32>} : memref<128x64xf32, #tpu.memory_space<vmem>>, vector<16xf32>,
          %mul3A_1328 = vector.broadcast %scan3A_113 : f32 to vector<16xf32>
          %mul3A_1329 = arith.mulf %get3A_1327, %mul3A_1328 : vector<16xf32>
          %swap3A = arith.index_cast %scan3A_1325 : i32 to index
          %swap3A_1330 = arith.constant 0 : index
          %swap3A_1331 = tpu.vector_load %arg8[%swap3A, %swap3A_1330] {strides = array<i32>} : memref<128x64xf32, #tpu.memory_space<vmem>>, vector<16xf32>,
          tpu.vector_store %arg8[%swap3A, %swap3A_1330], %mul3A_1329 {strides = array<i32>} : memref<128x64xf32, #tpu.memory_space<vmem>>, vector<16xf32>,
          %get3A_1332 = arith.index_cast %scan3A_1325 : i32 to index
          %get3A_1333 = arith.constant 16 : index
          %get3A_1334 = tpu.vector_load %arg7[%get3A_1332, %get3A_1333] {strides = array<i32>} : memref<128x64xf32, #tpu.memory_space<vmem>>, vector<16xf32>,
          %mul3A_1335 = vector.broadcast %scan3A_113 : f32 to vector<16xf32>
          %mul3A_1336 = arith.mulf %get3A_1334, %mul3A_1335 : vector<16xf32>
          %swap3A_1337 = arith.index_cast %scan3A_1325 : i32 to index
          %swap3A_1338 = arith.constant 16 : index
          %swap3A_1339 = tpu.vector_load %arg8[%swap3A_1337, %swap3A_1338] {strides = array<i32>} : memref<128x64xf32, #tpu.memory_space<vmem>>, vector<16xf32>,
          tpu.vector_store %arg8[%swap3A_1337, %swap3A_1338], %mul3A_1336 {strides = array<i32>} : memref<128x64xf32, #tpu.memory_space<vmem>>, vector<16xf32>,
          %get3A_1340 = arith.index_cast %scan3A_1325 : i32 to index
          %get3A_1341 = arith.constant 32 : index
          %get3A_1342 = tpu.vector_load %arg7[%get3A_1340, %get3A_1341] {strides = array<i32>} : memref<128x64xf32, #tpu.memory_space<vmem>>, vector<16xf32>,
          %mul3A_1343 = vector.broadcast %scan3A_113 : f32 to vector<16xf32>
          %mul3A_1344 = arith.mulf %get3A_1342, %mul3A_1343 : vector<16xf32>
          %swap3A_1345 = arith.index_cast %scan3A_1325 : i32 to index
          %swap3A_1346 = arith.constant 32 : index
          %swap3A_1347 = tpu.vector_load %arg8[%swap3A_1345, %swap3A_1346] {strides = array<i32>} : memref<128x64xf32, #tpu.memory_space<vmem>>, vector<16xf32>,
          tpu.vector_store %arg8[%swap3A_1345, %swap3A_1346], %mul3A_1344 {strides = array<i32>} : memref<128x64xf32, #tpu.memory_space<vmem>>, vector<16xf32>,
          %get3A_1348 = arith.index_cast %scan3A_1325 : i32 to index
          %get3A_1349 = arith.constant 48 : index
          %get3A_1350 = tpu.vector_load %arg7[%get3A_1348, %get3A_1349] {strides = array<i32>} : memref<128x64xf32, #tpu.memory_space<vmem>>, vector<16xf32>,
          %mul3A_1351 = vector.broadcast %scan3A_113 : f32 to vector<16xf32>
          %mul3A_1352 = arith.mulf %get3A_1350, %mul3A_1351 : vector<16xf32>
          %swap3A_1353 = arith.index_cast %scan3A_1325 : i32 to index
          %swap3A_1354 = arith.constant 48 : index
          %swap3A_1355 = tpu.vector_load %arg8[%swap3A_1353, %swap3A_1354] {strides = array<i32>} : memref<128x64xf32, #tpu.memory_space<vmem>>, vector<16xf32>,
          tpu.vector_store %arg8[%swap3A_1353, %swap3A_1354], %mul3A_1352 {strides = array<i32>} : memref<128x64xf32, #tpu.memory_space<vmem>>, vector<16xf32>,
        }
        %scan3A_1293 = arith.constant 128 : i32
        %jit3A_1294 = arith.constant 50 : i32
        %div3A_1295 = arith.divsi %add3A_762, %jit3A_1294 : i32
        %sign3A_1296 = arith.constant 0 : i32
        %sign3A_1297 = arith.cmpi sgt, %add3A_762, %sign3A_1296 : i32
        %sign3A_1298 = arith.extui %sign3A_1297 : i1 to i32
        %sign3A_1299 = arith.constant 0 : i32
        %sign3A_1300 = arith.cmpi slt, %add3A_762, %sign3A_1299 : i32
        %sign3A_1301 = arith.extui %sign3A_1300 : i1 to i32
        %sign3A_1302 = arith.subi %sign3A_1298, %sign3A_1301 : i32
        %sign3A_1303 = arith.constant 0 : i32
        %sign3A_1304 = arith.cmpi sgt, %jit3A_1294, %sign3A_1303 : i32
        %sign3A_1305 = arith.extui %sign3A_1304 : i1 to i32
        %sign3A_1306 = arith.constant 0 : i32
        %sign3A_1307 = arith.cmpi slt, %jit3A_1294, %sign3A_1306 : i32
        %sign3A_1308 = arith.extui %sign3A_1307 : i1 to i32
        %sign3A_1309 = arith.subi %sign3A_1305, %sign3A_1308 : i32
        %ne3A_1310 = arith.cmpi ne, %sign3A_1302, %sign3A_1309 : i32
        %rem3A_1311 = arith.remsi %add3A_762, %jit3A_1294 : i32
        %ne3A_1312 = arith.constant 0 : i32
        %ne3A_1313 = arith.cmpi ne, %rem3A_1311, %ne3A_1312 : i32
        %and3A_1314 = arith.andi %ne3A_1310, %ne3A_1313 : i1
        %sub3A_1315 = arith.constant 1 : i32
        %sub3A_1316 = arith.subi %div3A_1295, %sub3A_1315 : i32
        %select_n3A_1317 = arith.select %and3A_1314, %sub3A_1316, %div3A_1295 : i32
        %mul3A_1318 = arith.constant 128 : i32
        %mul3A_1319 = arith.muli %select_n3A_1317, %mul3A_1318 : i32
        %add3A_1320 = arith.addi %mul3A_2, %mul3A_1319 : i32
        %dma_start3A_1321 = arith.constant 0 : i32
        %dma_start3A_1322 = tpu.memref_slice %arg4[%add3A_1320, %dma_start3A_1321] : memref<16384x64xf32, #tpu.memory_space<hbm>> -> memref<128x64xf32, #tpu.memory_space<hbm>>
        %dma_start3A_1323 = arith.constant 0 : i32
        %dma_start3A_1324 = tpu.memref_slice %arg4[%add3A_1320, %dma_start3A_1323] : memref<16384x64xf32, #tpu.memory_space<hbm>> -> memref<128x64xf32, #tpu.memory_space<hbm>>
        tpu.enqueue_dma source(%arg8 : memref<128x64xf32, #tpu.memory_space<vmem>>) target(%dma_start3A_1324 : memref<128x64xf32, #tpu.memory_space<hbm>>) target_semaphore(%arg15 : memref<!tpu.dma_semaphore, #tpu.memory_space<semaphore_mem>>)
      } else {
      }
      %jit3A_857 = arith.constant 25 : i32
      %eq3A_858 = arith.constant 0 : i32
      %eq3A_859 = arith.cmpi eq, %jit3A_857, %eq3A_858 : i32
      %jit3A_860 = arith.constant 1 : i32
      %select_n3A_861 = arith.select %eq3A_859, %jit3A_860, %jit3A_857 : i32
      %rem3A_862 = arith.remsi %add3A_766, %select_n3A_861 : i32
      %ne3A_863 = arith.constant 0 : i32
      %ne3A_864 = arith.cmpi ne, %rem3A_862, %ne3A_863 : i32
      %lt3A_865 = arith.constant 0 : i32
      %lt3A_866 = arith.cmpi slt, %rem3A_862, %lt3A_865 : i32
      %lt3A_867 = arith.constant 0 : i32
      %lt3A_868 = arith.cmpi slt, %select_n3A_861, %lt3A_867 : i32
      %ne3A_869 = arith.xori %lt3A_866, %lt3A_868 : i1
      %and3A_870 = arith.andi %ne3A_869, %ne3A_864 : i1
      %add3A_871 = arith.addi %rem3A_862, %select_n3A_861 : i32
      %select_n3A_872 = arith.select %and3A_870, %add3A_871, %rem3A_862 : i32
      %jit3A_873 = arith.constant 25 : i32
      %div3A_874 = arith.divsi %add3A_766, %jit3A_873 : i32
      %sign3A_875 = arith.constant 0 : i32
      %sign3A_876 = arith.cmpi sgt, %add3A_766, %sign3A_875 : i32
      %sign3A_877 = arith.extui %sign3A_876 : i1 to i32
      %sign3A_878 = arith.constant 0 : i32
      %sign3A_879 = arith.cmpi slt, %add3A_766, %sign3A_878 : i32
      %sign3A_880 = arith.extui %sign3A_879 : i1 to i32
      %sign3A_881 = arith.subi %sign3A_877, %sign3A_880 : i32
      %sign3A_882 = arith.constant 0 : i32
      %sign3A_883 = arith.cmpi sgt, %jit3A_873, %sign3A_882 : i32
      %sign3A_884 = arith.extui %sign3A_883 : i1 to i32
      %sign3A_885 = arith.constant 0 : i32
      %sign3A_886 = arith.cmpi slt, %jit3A_873, %sign3A_885 : i32
      %sign3A_887 = arith.extui %sign3A_886 : i1 to i32
      %sign3A_888 = arith.subi %sign3A_884, %sign3A_887 : i32
      %ne3A_889 = arith.cmpi ne, %sign3A_881, %sign3A_888 : i32
      %rem3A_890 = arith.remsi %add3A_766, %jit3A_873 : i32
      %ne3A_891 = arith.constant 0 : i32
      %ne3A_892 = arith.cmpi ne, %rem3A_890, %ne3A_891 : i32
      %and3A_893 = arith.andi %ne3A_889, %ne3A_892 : i1
      %sub3A_894 = arith.constant 1 : i32
      %sub3A_895 = arith.subi %div3A_874, %sub3A_894 : i32
      %select_n3A_896 = arith.select %and3A_893, %sub3A_895, %div3A_874 : i32
      %add3A_897 = arith.addi %mul3A_4, %select_n3A_896 : i32
      %dma_wait3A_898 = arith.constant 3 : i32
      %dma_wait3A_899 = arith.constant 0 : i32
      %dma_wait3A_900 = tpu.memref_slice %arg5[%dma_wait3A_898, %dma_wait3A_899] : memref<4x1024xi32, #tpu.memory_space<vmem>> -> memref<1x1024xi32, #tpu.memory_space<vmem>>
      %dma_wait3A_901 = tpu.memref_squeeze %dma_wait3A_900 : memref<1x1024xi32, #tpu.memory_space<vmem>> -> memref<1024xi32, #tpu.memory_space<vmem>>
      %dma_wait3A_902 = arith.constant 0 : i32
      %dma_wait3A_903 = tpu.memref_slice %arg2[%select_n3A_872, %add3A_897, %dma_wait3A_902] : memref<25x128x1024xi32, #tpu.memory_space<hbm>> -> memref<1x1x1024xi32, #tpu.memory_space<hbm>>
      %dma_wait3A_904 = tpu.memref_squeeze %dma_wait3A_903 : memref<1x1x1024xi32, #tpu.memory_space<hbm>> -> memref<1024xi32, #tpu.memory_space<hbm>>
      %dma_wait3A_905 = arith.constant 0 : i32
      %dma_wait3A_906 = tpu.memref_slice %arg5[%dma_wait3A_898, %dma_wait3A_905] : memref<4x1024xi32, #tpu.memory_space<vmem>> -> memref<1x1024xi32, #tpu.memory_space<vmem>>
      %dma_wait3A_907 = tpu.memref_squeeze %dma_wait3A_906 : memref<1x1024xi32, #tpu.memory_space<vmem>> -> memref<1024xi32, #tpu.memory_space<vmem>>
      %dma_wait3A_908 = arith.constant 0 : i32
      %dma_wait3A_909 = tpu.memref_slice %arg2[%select_n3A_872, %add3A_897, %dma_wait3A_908] : memref<25x128x1024xi32, #tpu.memory_space<hbm>> -> memref<1x1x1024xi32, #tpu.memory_space<hbm>>
      %dma_wait3A_910 = tpu.memref_squeeze %dma_wait3A_909 : memref<1x1x1024xi32, #tpu.memory_space<hbm>> -> memref<1024xi32, #tpu.memory_space<hbm>>
      tpu.wait_dma2 semaphore(%arg12 : memref<!tpu.dma_semaphore, #tpu.memory_space<semaphore_mem>>) src(%dma_wait3A_910 : memref<1024xi32, #tpu.memory_space<hbm>>) dst(%dma_wait3A_907 : memref<1024xi32, #tpu.memory_space<vmem>>)
      %scan3A_911 = arith.constant 0 : i32
      %scan3A_912 = arith.constant 0 : i32
      %scan3A_913 = arith.constant 64 : i32
      %scan3A_914 = arith.addi %scan3A_912, %scan3A_913 : i32
      %scan3A_915 = arith.constant 1 : i32
      scf.for %scan3A_1288 = %scan3A_912 to %scan3A_914 step %scan3A_915  : i32 {
        %mul3A_1289 = arith.constant 16 : i32
        %mul3A_1290 = arith.muli %scan3A_1288, %mul3A_1289 : i32
        %get3A = arith.constant 3 : i32
        %get3A_1291 = arith.index_cast %get3A : i32 to index
        %get3A_1292 = arith.index_cast %mul3A_1290 : i32 to index
        %get3A_1293 = tpu.vector_load %arg5[%get3A_1291, %get3A_1292] {strides = array<i32>} : memref<4x1024xi32, #tpu.memory_space<vmem>>, vector<16xi32>,
        %add3A_1294 = arith.addi %get3A_1293, %get3A_1293 : vector<16xi32>
        %mul3A_1295 = arith.constant 16 : i32
        %mul3A_1296 = arith.muli %scan3A_1288, %mul3A_1295 : i32
        %swap3A = arith.constant 3 : i32
        %swap3A_1297 = arith.index_cast %swap3A : i32 to index
        %swap3A_1298 = arith.index_cast %mul3A_1296 : i32 to index
        %swap3A_1299 = tpu.vector_load %arg5[%swap3A_1297, %swap3A_1298] {strides = array<i32>} : memref<4x1024xi32, #tpu.memory_space<vmem>>, vector<16xi32>,
        tpu.vector_store %arg5[%swap3A_1297, %swap3A_1298], %add3A_1294 {strides = array<i32>} : memref<4x1024xi32, #tpu.memory_space<vmem>>, vector<16xi32>,
      }
      %scan3A_916 = arith.constant 64 : i32
      %add3A_917 = arith.constant 2 : i32
      %add3A_918 = arith.addi %add3A_762, %add3A_917 : i32
      %jit3A_919 = arith.constant 2 : i32
      %eq3A_920 = arith.constant 0 : i32
      %eq3A_921 = arith.cmpi eq, %jit3A_919, %eq3A_920 : i32
      %jit3A_922 = arith.constant 1 : i32
      %select_n3A_923 = arith.select %eq3A_921, %jit3A_922, %jit3A_919 : i32
      %rem3A_924 = arith.remsi %add3A_918, %select_n3A_923 : i32
      %ne3A_925 = arith.constant 0 : i32
      %ne3A_926 = arith.cmpi ne, %rem3A_924, %ne3A_925 : i32
      %lt3A_927 = arith.constant 0 : i32
      %lt3A_928 = arith.cmpi slt, %rem3A_924, %lt3A_927 : i32
      %lt3A_929 = arith.constant 0 : i32
      %lt3A_930 = arith.cmpi slt, %select_n3A_923, %lt3A_929 : i32
      %ne3A_931 = arith.xori %lt3A_928, %lt3A_930 : i1
      %and3A_932 = arith.andi %ne3A_931, %ne3A_926 : i1
      %add3A_933 = arith.addi %rem3A_924, %select_n3A_923 : i32
      %select_n3A_934 = arith.select %and3A_932, %add3A_933, %rem3A_924 : i32
      %mul3A_935 = arith.constant 512 : i32
      %mul3A_936 = arith.muli %mul3A_935, %select_n3A_934 : i32
      %dma_start3A_937 = arith.constant 3 : i32
      %dma_start3A_938 = arith.constant 0 : i32
      %dma_start3A_939 = arith.constant 0 : i32
      %dma_start3A_940 = arith.constant 0 : i32
      %dma_start3A_941 = tpu.memref_slice %arg6[%dma_start3A_938, %dma_start3A_939, %dma_start3A_940] : memref<2x512x64xf32, #tpu.memory_space<vmem>> -> memref<1x512x64xf32, #tpu.memory_space<vmem>>
      %dma_start3A_942 = tpu.memref_squeeze %dma_start3A_941 : memref<1x512x64xf32, #tpu.memory_space<vmem>> -> memref<512x64xf32, #tpu.memory_space<vmem>>
      %dma_start3A_943 = tpu.memref_slice %arg5[%dma_start3A_937, %mul3A_936] : memref<4x1024xi32, #tpu.memory_space<vmem>> -> memref<1x512xi32, #tpu.memory_space<vmem>>
      %dma_start3A_944 = tpu.memref_squeeze %dma_start3A_943 : memref<1x512xi32, #tpu.memory_space<vmem>> -> memref<512xi32, #tpu.memory_space<vmem>>
      %dma_start3A_945 = arith.constant 0 : i32
      %dma_start3A_946 = arith.constant 0 : i32
      %dma_start3A_947 = tpu.memref_slice %arg3[%dma_start3A_945, %dma_start3A_946] : memref<2000000x64xf32, #tpu.memory_space<hbm>> -> memref<2000000x64xf32, #tpu.memory_space<hbm>>
      tpu.enqueue_indirect_dma source(%dma_start3A_947 : memref<2000000x64xf32, #tpu.memory_space<hbm>>) target(%dma_start3A_942 : memref<512x64xf32, #tpu.memory_space<vmem>>) offsets(%dma_start3A_944 : memref<512xi32, #tpu.memory_space<vmem>>) semaphore(%arg13 : memref<!tpu.dma_semaphore, #tpu.memory_space<semaphore_mem>>)
      %mul3A_948 = arith.constant 8 : i32
      %mul3A_949 = arith.muli %mul3A_948, %scan3A_125 : i32
      %add3A_950 = arith.constant 5 : i32
      %add3A_951 = arith.addi %mul3A_949, %add3A_950 : i32
      %mul3A_952 = arith.constant 4 : i32
      %mul3A_953 = arith.muli %mul3A_952, %scan3A_125 : i32
      %add3A_954 = arith.constant 3 : i32
      %add3A_955 = arith.addi %mul3A_953, %add3A_954 : i32
      %mul3A_956 = arith.constant 4 : i32
      %mul3A_957 = arith.muli %mul3A_956, %scan3A_125 : i32
      %add3A_958 = arith.constant 2 : i32
      %add3A_959 = arith.addi %mul3A_957, %add3A_958 : i32
      %add3A_960 = arith.constant 2 : i32
      %add3A_961 = arith.addi %add3A_959, %add3A_960 : i32
      %dma_wait3A_962 = arith.constant 2 : i32
      %dma_wait3A_963 = arith.constant 1 : i32
      %dma_wait3A_964 = arith.constant 0 : i32
      %dma_wait3A_965 = arith.constant 0 : i32
      %dma_wait3A_966 = tpu.memref_slice %arg6[%dma_wait3A_963, %dma_wait3A_964, %dma_wait3A_965] : memref<2x512x64xf32, #tpu.memory_space<vmem>> -> memref<1x512x64xf32, #tpu.memory_space<vmem>>
      %dma_wait3A_967 = tpu.memref_squeeze %dma_wait3A_966 : memref<1x512x64xf32, #tpu.memory_space<vmem>> -> memref<512x64xf32, #tpu.memory_space<vmem>>
      %dma_wait3A_968 = arith.constant 0 : i32
      %dma_wait3A_969 = tpu.memref_slice %arg5[%dma_wait3A_962, %dma_wait3A_968] : memref<4x1024xi32, #tpu.memory_space<vmem>> -> memref<1x512xi32, #tpu.memory_space<vmem>>
      %dma_wait3A_970 = tpu.memref_squeeze %dma_wait3A_969 : memref<1x512xi32, #tpu.memory_space<vmem>> -> memref<512xi32, #tpu.memory_space<vmem>>
      %dma_wait3A_971 = arith.constant 0 : i32
      %dma_wait3A_972 = arith.constant 0 : i32
      %dma_wait3A_973 = tpu.memref_slice %arg3[%dma_wait3A_971, %dma_wait3A_972] : memref<2000000x64xf32, #tpu.memory_space<hbm>> -> memref<2000000x64xf32, #tpu.memory_space<hbm>>
      tpu.wait_indirect_dma semaphore(%arg14 : memref<!tpu.dma_semaphore, #tpu.memory_space<semaphore_mem>>) src(%dma_wait3A_973 : memref<2000000x64xf32, #tpu.memory_space<hbm>>) dst(%dma_wait3A_967 : memref<512x64xf32, #tpu.memory_space<vmem>>)
      %jit3A_974 = arith.constant 50 : i32
      %eq3A_975 = arith.constant 0 : i32
      %eq3A_976 = arith.cmpi eq, %jit3A_974, %eq3A_975 : i32
      %jit3A_977 = arith.constant 1 : i32
      %select_n3A_978 = arith.select %eq3A_976, %jit3A_977, %jit3A_974 : i32
      %rem3A_979 = arith.remsi %add3A_951, %select_n3A_978 : i32
      %ne3A_980 = arith.constant 0 : i32
      %ne3A_981 = arith.cmpi ne, %rem3A_979, %ne3A_980 : i32
      %lt3A_982 = arith.constant 0 : i32
      %lt3A_983 = arith.cmpi slt, %rem3A_979, %lt3A_982 : i32
      %lt3A_984 = arith.constant 0 : i32
      %lt3A_985 = arith.cmpi slt, %select_n3A_978, %lt3A_984 : i32
      %ne3A_986 = arith.xori %lt3A_983, %lt3A_985 : i1
      %and3A_987 = arith.andi %ne3A_986, %ne3A_981 : i1
      %add3A_988 = arith.addi %rem3A_979, %select_n3A_978 : i32
      %select_n3A_989 = arith.select %and3A_987, %add3A_988, %rem3A_979 : i32
      %eq3A_990 = arith.constant 0 : i32
      %eq3A_991 = arith.cmpi eq, %select_n3A_989, %eq3A_990 : i32
      %convert_element_type3A_992 = arith.extui %eq3A_991 : i1 to i32
      %cond3A_993 = arith.constant 0 : i32
      %cond3A_994 = arith.cmpi ne, %convert_element_type3A_992, %cond3A_993 : i32
      scf.if %cond3A_994 {
        %broadcast_in_dim3A = arith.constant 0.000000e+00 : f32
        %broadcast_in_dim3A_1288 = vector.broadcast %broadcast_in_dim3A : f32 to vector<16xf32>
        %scan3A_1289 = arith.constant 0 : i32
        %scan3A_1290 = arith.constant 0 : i32
        %scan3A_1291 = arith.constant 128 : i32
        %scan3A_1292 = arith.addi %scan3A_1290, %scan3A_1291 : i32
        %scan3A_1293 = arith.constant 1 : i32
        scf.for %scan3A_1295 = %scan3A_1290 to %scan3A_1292 step %scan3A_1293  : i32 {
          %swap3A = arith.index_cast %scan3A_1295 : i32 to index
          %swap3A_1296 = arith.constant 0 : index
          %swap3A_1297 = tpu.vector_load %arg7[%swap3A, %swap3A_1296] {strides = array<i32>} : memref<128x64xf32, #tpu.memory_space<vmem>>, vector<16xf32>,
          tpu.vector_store %arg7[%swap3A, %swap3A_1296], %broadcast_in_dim3A_1288 {strides = array<i32>} : memref<128x64xf32, #tpu.memory_space<vmem>>, vector<16xf32>,
          %swap3A_1298 = arith.index_cast %scan3A_1295 : i32 to index
          %swap3A_1299 = arith.constant 16 : index
          %swap3A_1300 = tpu.vector_load %arg7[%swap3A_1298, %swap3A_1299] {strides = array<i32>} : memref<128x64xf32, #tpu.memory_space<vmem>>, vector<16xf32>,
          tpu.vector_store %arg7[%swap3A_1298, %swap3A_1299], %broadcast_in_dim3A_1288 {strides = array<i32>} : memref<128x64xf32, #tpu.memory_space<vmem>>, vector<16xf32>,
          %swap3A_1301 = arith.index_cast %scan3A_1295 : i32 to index
          %swap3A_1302 = arith.constant 32 : index
          %swap3A_1303 = tpu.vector_load %arg7[%swap3A_1301, %swap3A_1302] {strides = array<i32>} : memref<128x64xf32, #tpu.memory_space<vmem>>, vector<16xf32>,
          tpu.vector_store %arg7[%swap3A_1301, %swap3A_1302], %broadcast_in_dim3A_1288 {strides = array<i32>} : memref<128x64xf32, #tpu.memory_space<vmem>>, vector<16xf32>,
          %swap3A_1304 = arith.index_cast %scan3A_1295 : i32 to index
          %swap3A_1305 = arith.constant 48 : index
          %swap3A_1306 = tpu.vector_load %arg7[%swap3A_1304, %swap3A_1305] {strides = array<i32>} : memref<128x64xf32, #tpu.memory_space<vmem>>, vector<16xf32>,
          tpu.vector_store %arg7[%swap3A_1304, %swap3A_1305], %broadcast_in_dim3A_1288 {strides = array<i32>} : memref<128x64xf32, #tpu.memory_space<vmem>>, vector<16xf32>,
        }
        %scan3A_1294 = arith.constant 128 : i32
      } else {
      }
      %scan3A_995 = arith.constant 0 : i32
      %scan3A_996 = arith.constant 0 : i32
      %scan3A_997 = arith.constant 128 : i32
      %scan3A_998 = arith.addi %scan3A_996, %scan3A_997 : i32
      %scan3A_999 = arith.constant 1 : i32
      scf.for %scan3A_1288 = %scan3A_996 to %scan3A_998 step %scan3A_999  : i32 {
        %get3A = arith.index_cast %scan3A_1288 : i32 to index
        %get3A_1289 = arith.constant 0 : index
        %get3A_1290 = tpu.vector_load %arg7[%get3A, %get3A_1289] {strides = array<i32>} : memref<128x64xf32, #tpu.memory_space<vmem>>, vector<16xf32>,
        %add3A_1291 = arith.constant 0 : i32
        %add3A_1292 = arith.addi %add3A_1291, %scan3A_1288 : i32
        %get3A_1293 = arith.constant 1 : i32
        %get3A_1294 = arith.index_cast %get3A_1293 : i32 to index
        %get3A_1295 = arith.index_cast %add3A_1292 : i32 to index
        %get3A_1296 = arith.constant 0 : index
        %get3A_1297 = tpu.vector_load %arg6[%get3A_1294, %get3A_1295, %get3A_1296] {strides = array<i32>} : memref<2x512x64xf32, #tpu.memory_space<vmem>>, vector<16xf32>,
        %add3A_1298 = arith.addf %get3A_1290, %get3A_1297 : vector<16xf32>
        %add3A_1299 = arith.constant 128 : i32
        %add3A_1300 = arith.addi %add3A_1299, %scan3A_1288 : i32
        %get3A_1301 = arith.constant 1 : i32
        %get3A_1302 = arith.index_cast %get3A_1301 : i32 to index
        %get3A_1303 = arith.index_cast %add3A_1300 : i32 to index
        %get3A_1304 = arith.constant 0 : index
        %get3A_1305 = tpu.vector_load %arg6[%get3A_1302, %get3A_1303, %get3A_1304] {strides = array<i32>} : memref<2x512x64xf32, #tpu.memory_space<vmem>>, vector<16xf32>,
        %add3A_1306 = arith.addf %add3A_1298, %get3A_1305 : vector<16xf32>
        %add3A_1307 = arith.constant 256 : i32
        %add3A_1308 = arith.addi %add3A_1307, %scan3A_1288 : i32
        %get3A_1309 = arith.constant 1 : i32
        %get3A_1310 = arith.index_cast %get3A_1309 : i32 to index
        %get3A_1311 = arith.index_cast %add3A_1308 : i32 to index
        %get3A_1312 = arith.constant 0 : index
        %get3A_1313 = tpu.vector_load %arg6[%get3A_1310, %get3A_1311, %get3A_1312] {strides = array<i32>} : memref<2x512x64xf32, #tpu.memory_space<vmem>>, vector<16xf32>,
        %add3A_1314 = arith.addf %add3A_1306, %get3A_1313 : vector<16xf32>
        %add3A_1315 = arith.constant 384 : i32
        %add3A_1316 = arith.addi %add3A_1315, %scan3A_1288 : i32
        %get3A_1317 = arith.constant 1 : i32
        %get3A_1318 = arith.index_cast %get3A_1317 : i32 to index
        %get3A_1319 = arith.index_cast %add3A_1316 : i32 to index
        %get3A_1320 = arith.constant 0 : index
        %get3A_1321 = tpu.vector_load %arg6[%get3A_1318, %get3A_1319, %get3A_1320] {strides = array<i32>} : memref<2x512x64xf32, #tpu.memory_space<vmem>>, vector<16xf32>,
        %add3A_1322 = arith.addf %add3A_1314, %get3A_1321 : vector<16xf32>
        %swap3A = arith.index_cast %scan3A_1288 : i32 to index
        %swap3A_1323 = arith.constant 0 : index
        %swap3A_1324 = tpu.vector_load %arg7[%swap3A, %swap3A_1323] {strides = array<i32>} : memref<128x64xf32, #tpu.memory_space<vmem>>, vector<16xf32>,
        tpu.vector_store %arg7[%swap3A, %swap3A_1323], %add3A_1322 {strides = array<i32>} : memref<128x64xf32, #tpu.memory_space<vmem>>, vector<16xf32>,
        %get3A_1325 = arith.index_cast %scan3A_1288 : i32 to index
        %get3A_1326 = arith.constant 16 : index
        %get3A_1327 = tpu.vector_load %arg7[%get3A_1325, %get3A_1326] {strides = array<i32>} : memref<128x64xf32, #tpu.memory_space<vmem>>, vector<16xf32>,
        %add3A_1328 = arith.constant 0 : i32
        %add3A_1329 = arith.addi %add3A_1328, %scan3A_1288 : i32
        %get3A_1330 = arith.constant 1 : i32
        %get3A_1331 = arith.index_cast %get3A_1330 : i32 to index
        %get3A_1332 = arith.index_cast %add3A_1329 : i32 to index
        %get3A_1333 = arith.constant 16 : index
        %get3A_1334 = tpu.vector_load %arg6[%get3A_1331, %get3A_1332, %get3A_1333] {strides = array<i32>} : memref<2x512x64xf32, #tpu.memory_space<vmem>>, vector<16xf32>,
        %add3A_1335 = arith.addf %get3A_1327, %get3A_1334 : vector<16xf32>
        %add3A_1336 = arith.constant 128 : i32
        %add3A_1337 = arith.addi %add3A_1336, %scan3A_1288 : i32
        %get3A_1338 = arith.constant 1 : i32
        %get3A_1339 = arith.index_cast %get3A_1338 : i32 to index
        %get3A_1340 = arith.index_cast %add3A_1337 : i32 to index
        %get3A_1341 = arith.constant 16 : index
        %get3A_1342 = tpu.vector_load %arg6[%get3A_1339, %get3A_1340, %get3A_1341] {strides = array<i32>} : memref<2x512x64xf32, #tpu.memory_space<vmem>>, vector<16xf32>,
        %add3A_1343 = arith.addf %add3A_1335, %get3A_1342 : vector<16xf32>
        %add3A_1344 = arith.constant 256 : i32
        %add3A_1345 = arith.addi %add3A_1344, %scan3A_1288 : i32
        %get3A_1346 = arith.constant 1 : i32
        %get3A_1347 = arith.index_cast %get3A_1346 : i32 to index
        %get3A_1348 = arith.index_cast %add3A_1345 : i32 to index
        %get3A_1349 = arith.constant 16 : index
        %get3A_1350 = tpu.vector_load %arg6[%get3A_1347, %get3A_1348, %get3A_1349] {strides = array<i32>} : memref<2x512x64xf32, #tpu.memory_space<vmem>>, vector<16xf32>,
        %add3A_1351 = arith.addf %add3A_1343, %get3A_1350 : vector<16xf32>
        %add3A_1352 = arith.constant 384 : i32
        %add3A_1353 = arith.addi %add3A_1352, %scan3A_1288 : i32
        %get3A_1354 = arith.constant 1 : i32
        %get3A_1355 = arith.index_cast %get3A_1354 : i32 to index
        %get3A_1356 = arith.index_cast %add3A_1353 : i32 to index
        %get3A_1357 = arith.constant 16 : index
        %get3A_1358 = tpu.vector_load %arg6[%get3A_1355, %get3A_1356, %get3A_1357] {strides = array<i32>} : memref<2x512x64xf32, #tpu.memory_space<vmem>>, vector<16xf32>,
        %add3A_1359 = arith.addf %add3A_1351, %get3A_1358 : vector<16xf32>
        %swap3A_1360 = arith.index_cast %scan3A_1288 : i32 to index
        %swap3A_1361 = arith.constant 16 : index
        %swap3A_1362 = tpu.vector_load %arg7[%swap3A_1360, %swap3A_1361] {strides = array<i32>} : memref<128x64xf32, #tpu.memory_space<vmem>>, vector<16xf32>,
        tpu.vector_store %arg7[%swap3A_1360, %swap3A_1361], %add3A_1359 {strides = array<i32>} : memref<128x64xf32, #tpu.memory_space<vmem>>, vector<16xf32>,
        %get3A_1363 = arith.index_cast %scan3A_1288 : i32 to index
        %get3A_1364 = arith.constant 32 : index
        %get3A_1365 = tpu.vector_load %arg7[%get3A_1363, %get3A_1364] {strides = array<i32>} : memref<128x64xf32, #tpu.memory_space<vmem>>, vector<16xf32>,
        %add3A_1366 = arith.constant 0 : i32
        %add3A_1367 = arith.addi %add3A_1366, %scan3A_1288 : i32
        %get3A_1368 = arith.constant 1 : i32
        %get3A_1369 = arith.index_cast %get3A_1368 : i32 to index
        %get3A_1370 = arith.index_cast %add3A_1367 : i32 to index
        %get3A_1371 = arith.constant 32 : index
        %get3A_1372 = tpu.vector_load %arg6[%get3A_1369, %get3A_1370, %get3A_1371] {strides = array<i32>} : memref<2x512x64xf32, #tpu.memory_space<vmem>>, vector<16xf32>,
        %add3A_1373 = arith.addf %get3A_1365, %get3A_1372 : vector<16xf32>
        %add3A_1374 = arith.constant 128 : i32
        %add3A_1375 = arith.addi %add3A_1374, %scan3A_1288 : i32
        %get3A_1376 = arith.constant 1 : i32
        %get3A_1377 = arith.index_cast %get3A_1376 : i32 to index
        %get3A_1378 = arith.index_cast %add3A_1375 : i32 to index
        %get3A_1379 = arith.constant 32 : index
        %get3A_1380 = tpu.vector_load %arg6[%get3A_1377, %get3A_1378, %get3A_1379] {strides = array<i32>} : memref<2x512x64xf32, #tpu.memory_space<vmem>>, vector<16xf32>,
        %add3A_1381 = arith.addf %add3A_1373, %get3A_1380 : vector<16xf32>
        %add3A_1382 = arith.constant 256 : i32
        %add3A_1383 = arith.addi %add3A_1382, %scan3A_1288 : i32
        %get3A_1384 = arith.constant 1 : i32
        %get3A_1385 = arith.index_cast %get3A_1384 : i32 to index
        %get3A_1386 = arith.index_cast %add3A_1383 : i32 to index
        %get3A_1387 = arith.constant 32 : index
        %get3A_1388 = tpu.vector_load %arg6[%get3A_1385, %get3A_1386, %get3A_1387] {strides = array<i32>} : memref<2x512x64xf32, #tpu.memory_space<vmem>>, vector<16xf32>,
        %add3A_1389 = arith.addf %add3A_1381, %get3A_1388 : vector<16xf32>
        %add3A_1390 = arith.constant 384 : i32
        %add3A_1391 = arith.addi %add3A_1390, %scan3A_1288 : i32
        %get3A_1392 = arith.constant 1 : i32
        %get3A_1393 = arith.index_cast %get3A_1392 : i32 to index
        %get3A_1394 = arith.index_cast %add3A_1391 : i32 to index
        %get3A_1395 = arith.constant 32 : index
        %get3A_1396 = tpu.vector_load %arg6[%get3A_1393, %get3A_1394, %get3A_1395] {strides = array<i32>} : memref<2x512x64xf32, #tpu.memory_space<vmem>>, vector<16xf32>,
        %add3A_1397 = arith.addf %add3A_1389, %get3A_1396 : vector<16xf32>
        %swap3A_1398 = arith.index_cast %scan3A_1288 : i32 to index
        %swap3A_1399 = arith.constant 32 : index
        %swap3A_1400 = tpu.vector_load %arg7[%swap3A_1398, %swap3A_1399] {strides = array<i32>} : memref<128x64xf32, #tpu.memory_space<vmem>>, vector<16xf32>,
        tpu.vector_store %arg7[%swap3A_1398, %swap3A_1399], %add3A_1397 {strides = array<i32>} : memref<128x64xf32, #tpu.memory_space<vmem>>, vector<16xf32>,
        %get3A_1401 = arith.index_cast %scan3A_1288 : i32 to index
        %get3A_1402 = arith.constant 48 : index
        %get3A_1403 = tpu.vector_load %arg7[%get3A_1401, %get3A_1402] {strides = array<i32>} : memref<128x64xf32, #tpu.memory_space<vmem>>, vector<16xf32>,
        %add3A_1404 = arith.constant 0 : i32
        %add3A_1405 = arith.addi %add3A_1404, %scan3A_1288 : i32
        %get3A_1406 = arith.constant 1 : i32
        %get3A_1407 = arith.index_cast %get3A_1406 : i32 to index
        %get3A_1408 = arith.index_cast %add3A_1405 : i32 to index
        %get3A_1409 = arith.constant 48 : index
        %get3A_1410 = tpu.vector_load %arg6[%get3A_1407, %get3A_1408, %get3A_1409] {strides = array<i32>} : memref<2x512x64xf32, #tpu.memory_space<vmem>>, vector<16xf32>,
        %add3A_1411 = arith.addf %get3A_1403, %get3A_1410 : vector<16xf32>
        %add3A_1412 = arith.constant 128 : i32
        %add3A_1413 = arith.addi %add3A_1412, %scan3A_1288 : i32
        %get3A_1414 = arith.constant 1 : i32
        %get3A_1415 = arith.index_cast %get3A_1414 : i32 to index
        %get3A_1416 = arith.index_cast %add3A_1413 : i32 to index
        %get3A_1417 = arith.constant 48 : index
        %get3A_1418 = tpu.vector_load %arg6[%get3A_1415, %get3A_1416, %get3A_1417] {strides = array<i32>} : memref<2x512x64xf32, #tpu.memory_space<vmem>>, vector<16xf32>,
        %add3A_1419 = arith.addf %add3A_1411, %get3A_1418 : vector<16xf32>
        %add3A_1420 = arith.constant 256 : i32
        %add3A_1421 = arith.addi %add3A_1420, %scan3A_1288 : i32
        %get3A_1422 = arith.constant 1 : i32
        %get3A_1423 = arith.index_cast %get3A_1422 : i32 to index
        %get3A_1424 = arith.index_cast %add3A_1421 : i32 to index
        %get3A_1425 = arith.constant 48 : index
        %get3A_1426 = tpu.vector_load %arg6[%get3A_1423, %get3A_1424, %get3A_1425] {strides = array<i32>} : memref<2x512x64xf32, #tpu.memory_space<vmem>>, vector<16xf32>,
        %add3A_1427 = arith.addf %add3A_1419, %get3A_1426 : vector<16xf32>
        %add3A_1428 = arith.constant 384 : i32
        %add3A_1429 = arith.addi %add3A_1428, %scan3A_1288 : i32
        %get3A_1430 = arith.constant 1 : i32
        %get3A_1431 = arith.index_cast %get3A_1430 : i32 to index
        %get3A_1432 = arith.index_cast %add3A_1429 : i32 to index
        %get3A_1433 = arith.constant 48 : index
        %get3A_1434 = tpu.vector_load %arg6[%get3A_1431, %get3A_1432, %get3A_1433] {strides = array<i32>} : memref<2x512x64xf32, #tpu.memory_space<vmem>>, vector<16xf32>,
        %add3A_1435 = arith.addf %add3A_1427, %get3A_1434 : vector<16xf32>
        %swap3A_1436 = arith.index_cast %scan3A_1288 : i32 to index
        %swap3A_1437 = arith.constant 48 : index
        %swap3A_1438 = tpu.vector_load %arg7[%swap3A_1436, %swap3A_1437] {strides = array<i32>} : memref<128x64xf32, #tpu.memory_space<vmem>>, vector<16xf32>,
        tpu.vector_store %arg7[%swap3A_1436, %swap3A_1437], %add3A_1435 {strides = array<i32>} : memref<128x64xf32, #tpu.memory_space<vmem>>, vector<16xf32>,
      }
      %scan3A_1000 = arith.constant 128 : i32
      %jit3A_1001 = arith.constant 50 : i32
      %eq3A_1002 = arith.constant 0 : i32
      %eq3A_1003 = arith.cmpi eq, %jit3A_1001, %eq3A_1002 : i32
      %jit3A_1004 = arith.constant 1 : i32
      %select_n3A_1005 = arith.select %eq3A_1003, %jit3A_1004, %jit3A_1001 : i32
      %rem3A_1006 = arith.remsi %add3A_951, %select_n3A_1005 : i32
      %ne3A_1007 = arith.constant 0 : i32
      %ne3A_1008 = arith.cmpi ne, %rem3A_1006, %ne3A_1007 : i32
      %lt3A_1009 = arith.constant 0 : i32
      %lt3A_1010 = arith.cmpi slt, %rem3A_1006, %lt3A_1009 : i32
      %lt3A_1011 = arith.constant 0 : i32
      %lt3A_1012 = arith.cmpi slt, %select_n3A_1005, %lt3A_1011 : i32
      %ne3A_1013 = arith.xori %lt3A_1010, %lt3A_1012 : i1
      %and3A_1014 = arith.andi %ne3A_1013, %ne3A_1008 : i1
      %add3A_1015 = arith.addi %rem3A_1006, %select_n3A_1005 : i32
      %select_n3A_1016 = arith.select %and3A_1014, %add3A_1015, %rem3A_1006 : i32
      %eq3A_1017 = arith.constant 49 : i32
      %eq3A_1018 = arith.cmpi eq, %select_n3A_1016, %eq3A_1017 : i32
      %gt3A_1019 = arith.constant 50 : i32
      %gt3A_1020 = arith.cmpi sgt, %add3A_951, %gt3A_1019 : i32
      %and3A_1021 = arith.andi %eq3A_1018, %gt3A_1020 : i1
      %convert_element_type3A_1022 = arith.extui %and3A_1021 : i1 to i32
      %cond3A_1023 = arith.constant 0 : i32
      %cond3A_1024 = arith.cmpi ne, %convert_element_type3A_1022, %cond3A_1023 : i32
      scf.if %cond3A_1024 {
        %sub3A_1288 = arith.constant 50 : i32
        %sub3A_1289 = arith.subi %add3A_951, %sub3A_1288 : i32
        %jit3A_1290 = arith.constant 50 : i32
        %div3A_1291 = arith.divsi %sub3A_1289, %jit3A_1290 : i32
        %sign3A_1292 = arith.constant 0 : i32
        %sign3A_1293 = arith.cmpi sgt, %sub3A_1289, %sign3A_1292 : i32
        %sign3A_1294 = arith.extui %sign3A_1293 : i1 to i32
        %sign3A_1295 = arith.constant 0 : i32
        %sign3A_1296 = arith.cmpi slt, %sub3A_1289, %sign3A_1295 : i32
        %sign3A_1297 = arith.extui %sign3A_1296 : i1 to i32
        %sign3A_1298 = arith.subi %sign3A_1294, %sign3A_1297 : i32
        %sign3A_1299 = arith.constant 0 : i32
        %sign3A_1300 = arith.cmpi sgt, %jit3A_1290, %sign3A_1299 : i32
        %sign3A_1301 = arith.extui %sign3A_1300 : i1 to i32
        %sign3A_1302 = arith.constant 0 : i32
        %sign3A_1303 = arith.cmpi slt, %jit3A_1290, %sign3A_1302 : i32
        %sign3A_1304 = arith.extui %sign3A_1303 : i1 to i32
        %sign3A_1305 = arith.subi %sign3A_1301, %sign3A_1304 : i32
        %ne3A_1306 = arith.cmpi ne, %sign3A_1298, %sign3A_1305 : i32
        %rem3A_1307 = arith.remsi %sub3A_1289, %jit3A_1290 : i32
        %ne3A_1308 = arith.constant 0 : i32
        %ne3A_1309 = arith.cmpi ne, %rem3A_1307, %ne3A_1308 : i32
        %and3A_1310 = arith.andi %ne3A_1306, %ne3A_1309 : i1
        %sub3A_1311 = arith.constant 1 : i32
        %sub3A_1312 = arith.subi %div3A_1291, %sub3A_1311 : i32
        %select_n3A_1313 = arith.select %and3A_1310, %sub3A_1312, %div3A_1291 : i32
        %mul3A_1314 = arith.constant 128 : i32
        %mul3A_1315 = arith.muli %select_n3A_1313, %mul3A_1314 : i32
        %add3A_1316 = arith.addi %mul3A_2, %mul3A_1315 : i32
        %dma_wait3A_1317 = arith.constant 0 : i32
        %dma_wait3A_1318 = tpu.memref_slice %arg4[%add3A_1316, %dma_wait3A_1317] : memref<16384x64xf32, #tpu.memory_space<hbm>> -> memref<128x64xf32, #tpu.memory_space<hbm>>
        %dma_wait3A_1319 = arith.constant 0 : i32
        %dma_wait3A_1320 = tpu.memref_slice %arg4[%add3A_1316, %dma_wait3A_1319] : memref<16384x64xf32, #tpu.memory_space<hbm>> -> memref<128x64xf32, #tpu.memory_space<hbm>>
        tpu.wait_dma2 semaphore(%arg15 : memref<!tpu.dma_semaphore, #tpu.memory_space<semaphore_mem>>) src(%arg8 : memref<128x64xf32, #tpu.memory_space<vmem>>) dst(%dma_wait3A_1320 : memref<128x64xf32, #tpu.memory_space<hbm>>)
      } else {
      }
      %jit3A_1025 = arith.constant 50 : i32
      %eq3A_1026 = arith.constant 0 : i32
      %eq3A_1027 = arith.cmpi eq, %jit3A_1025, %eq3A_1026 : i32
      %jit3A_1028 = arith.constant 1 : i32
      %select_n3A_1029 = arith.select %eq3A_1027, %jit3A_1028, %jit3A_1025 : i32
      %rem3A_1030 = arith.remsi %add3A_951, %select_n3A_1029 : i32
      %ne3A_1031 = arith.constant 0 : i32
      %ne3A_1032 = arith.cmpi ne, %rem3A_1030, %ne3A_1031 : i32
      %lt3A_1033 = arith.constant 0 : i32
      %lt3A_1034 = arith.cmpi slt, %rem3A_1030, %lt3A_1033 : i32
      %lt3A_1035 = arith.constant 0 : i32
      %lt3A_1036 = arith.cmpi slt, %select_n3A_1029, %lt3A_1035 : i32
      %ne3A_1037 = arith.xori %lt3A_1034, %lt3A_1036 : i1
      %and3A_1038 = arith.andi %ne3A_1037, %ne3A_1032 : i1
      %add3A_1039 = arith.addi %rem3A_1030, %select_n3A_1029 : i32
      %select_n3A_1040 = arith.select %and3A_1038, %add3A_1039, %rem3A_1030 : i32
      %eq3A_1041 = arith.constant 49 : i32
      %eq3A_1042 = arith.cmpi eq, %select_n3A_1040, %eq3A_1041 : i32
      %convert_element_type3A_1043 = arith.extui %eq3A_1042 : i1 to i32
      %cond3A_1044 = arith.constant 0 : i32
      %cond3A_1045 = arith.cmpi ne, %convert_element_type3A_1043, %cond3A_1044 : i32
      scf.if %cond3A_1045 {
        %scan3A_1288 = arith.constant 0 : i32
        %scan3A_1289 = arith.constant 0 : i32
        %scan3A_1290 = arith.constant 128 : i32
        %scan3A_1291 = arith.addi %scan3A_1289, %scan3A_1290 : i32
        %scan3A_1292 = arith.constant 1 : i32
        scf.for %scan3A_1325 = %scan3A_1289 to %scan3A_1291 step %scan3A_1292  : i32 {
          %get3A = arith.index_cast %scan3A_1325 : i32 to index
          %get3A_1326 = arith.constant 0 : index
          %get3A_1327 = tpu.vector_load %arg7[%get3A, %get3A_1326] {strides = array<i32>} : memref<128x64xf32, #tpu.memory_space<vmem>>, vector<16xf32>,
          %mul3A_1328 = vector.broadcast %scan3A_113 : f32 to vector<16xf32>
          %mul3A_1329 = arith.mulf %get3A_1327, %mul3A_1328 : vector<16xf32>
          %swap3A = arith.index_cast %scan3A_1325 : i32 to index
          %swap3A_1330 = arith.constant 0 : index
          %swap3A_1331 = tpu.vector_load %arg8[%swap3A, %swap3A_1330] {strides = array<i32>} : memref<128x64xf32, #tpu.memory_space<vmem>>, vector<16xf32>,
          tpu.vector_store %arg8[%swap3A, %swap3A_1330], %mul3A_1329 {strides = array<i32>} : memref<128x64xf32, #tpu.memory_space<vmem>>, vector<16xf32>,
          %get3A_1332 = arith.index_cast %scan3A_1325 : i32 to index
          %get3A_1333 = arith.constant 16 : index
          %get3A_1334 = tpu.vector_load %arg7[%get3A_1332, %get3A_1333] {strides = array<i32>} : memref<128x64xf32, #tpu.memory_space<vmem>>, vector<16xf32>,
          %mul3A_1335 = vector.broadcast %scan3A_113 : f32 to vector<16xf32>
          %mul3A_1336 = arith.mulf %get3A_1334, %mul3A_1335 : vector<16xf32>
          %swap3A_1337 = arith.index_cast %scan3A_1325 : i32 to index
          %swap3A_1338 = arith.constant 16 : index
          %swap3A_1339 = tpu.vector_load %arg8[%swap3A_1337, %swap3A_1338] {strides = array<i32>} : memref<128x64xf32, #tpu.memory_space<vmem>>, vector<16xf32>,
          tpu.vector_store %arg8[%swap3A_1337, %swap3A_1338], %mul3A_1336 {strides = array<i32>} : memref<128x64xf32, #tpu.memory_space<vmem>>, vector<16xf32>,
          %get3A_1340 = arith.index_cast %scan3A_1325 : i32 to index
          %get3A_1341 = arith.constant 32 : index
          %get3A_1342 = tpu.vector_load %arg7[%get3A_1340, %get3A_1341] {strides = array<i32>} : memref<128x64xf32, #tpu.memory_space<vmem>>, vector<16xf32>,
          %mul3A_1343 = vector.broadcast %scan3A_113 : f32 to vector<16xf32>
          %mul3A_1344 = arith.mulf %get3A_1342, %mul3A_1343 : vector<16xf32>
          %swap3A_1345 = arith.index_cast %scan3A_1325 : i32 to index
          %swap3A_1346 = arith.constant 32 : index
          %swap3A_1347 = tpu.vector_load %arg8[%swap3A_1345, %swap3A_1346] {strides = array<i32>} : memref<128x64xf32, #tpu.memory_space<vmem>>, vector<16xf32>,
          tpu.vector_store %arg8[%swap3A_1345, %swap3A_1346], %mul3A_1344 {strides = array<i32>} : memref<128x64xf32, #tpu.memory_space<vmem>>, vector<16xf32>,
          %get3A_1348 = arith.index_cast %scan3A_1325 : i32 to index
          %get3A_1349 = arith.constant 48 : index
          %get3A_1350 = tpu.vector_load %arg7[%get3A_1348, %get3A_1349] {strides = array<i32>} : memref<128x64xf32, #tpu.memory_space<vmem>>, vector<16xf32>,
          %mul3A_1351 = vector.broadcast %scan3A_113 : f32 to vector<16xf32>
          %mul3A_1352 = arith.mulf %get3A_1350, %mul3A_1351 : vector<16xf32>
          %swap3A_1353 = arith.index_cast %scan3A_1325 : i32 to index
          %swap3A_1354 = arith.constant 48 : index
          %swap3A_1355 = tpu.vector_load %arg8[%swap3A_1353, %swap3A_1354] {strides = array<i32>} : memref<128x64xf32, #tpu.memory_space<vmem>>, vector<16xf32>,
          tpu.vector_store %arg8[%swap3A_1353, %swap3A_1354], %mul3A_1352 {strides = array<i32>} : memref<128x64xf32, #tpu.memory_space<vmem>>, vector<16xf32>,
        }
        %scan3A_1293 = arith.constant 128 : i32
        %jit3A_1294 = arith.constant 50 : i32
        %div3A_1295 = arith.divsi %add3A_951, %jit3A_1294 : i32
        %sign3A_1296 = arith.constant 0 : i32
        %sign3A_1297 = arith.cmpi sgt, %add3A_951, %sign3A_1296 : i32
        %sign3A_1298 = arith.extui %sign3A_1297 : i1 to i32
        %sign3A_1299 = arith.constant 0 : i32
        %sign3A_1300 = arith.cmpi slt, %add3A_951, %sign3A_1299 : i32
        %sign3A_1301 = arith.extui %sign3A_1300 : i1 to i32
        %sign3A_1302 = arith.subi %sign3A_1298, %sign3A_1301 : i32
        %sign3A_1303 = arith.constant 0 : i32
        %sign3A_1304 = arith.cmpi sgt, %jit3A_1294, %sign3A_1303 : i32
        %sign3A_1305 = arith.extui %sign3A_1304 : i1 to i32
        %sign3A_1306 = arith.constant 0 : i32
        %sign3A_1307 = arith.cmpi slt, %jit3A_1294, %sign3A_1306 : i32
        %sign3A_1308 = arith.extui %sign3A_1307 : i1 to i32
        %sign3A_1309 = arith.subi %sign3A_1305, %sign3A_1308 : i32
        %ne3A_1310 = arith.cmpi ne, %sign3A_1302, %sign3A_1309 : i32
        %rem3A_1311 = arith.remsi %add3A_951, %jit3A_1294 : i32
        %ne3A_1312 = arith.constant 0 : i32
        %ne3A_1313 = arith.cmpi ne, %rem3A_1311, %ne3A_1312 : i32
        %and3A_1314 = arith.andi %ne3A_1310, %ne3A_1313 : i1
        %sub3A_1315 = arith.constant 1 : i32
        %sub3A_1316 = arith.subi %div3A_1295, %sub3A_1315 : i32
        %select_n3A_1317 = arith.select %and3A_1314, %sub3A_1316, %div3A_1295 : i32
        %mul3A_1318 = arith.constant 128 : i32
        %mul3A_1319 = arith.muli %select_n3A_1317, %mul3A_1318 : i32
        %add3A_1320 = arith.addi %mul3A_2, %mul3A_1319 : i32
        %dma_start3A_1321 = arith.constant 0 : i32
        %dma_start3A_1322 = tpu.memref_slice %arg4[%add3A_1320, %dma_start3A_1321] : memref<16384x64xf32, #tpu.memory_space<hbm>> -> memref<128x64xf32, #tpu.memory_space<hbm>>
        %dma_start3A_1323 = arith.constant 0 : i32
        %dma_start3A_1324 = tpu.memref_slice %arg4[%add3A_1320, %dma_start3A_1323] : memref<16384x64xf32, #tpu.memory_space<hbm>> -> memref<128x64xf32, #tpu.memory_space<hbm>>
        tpu.enqueue_dma source(%arg8 : memref<128x64xf32, #tpu.memory_space<vmem>>) target(%dma_start3A_1324 : memref<128x64xf32, #tpu.memory_space<hbm>>) target_semaphore(%arg15 : memref<!tpu.dma_semaphore, #tpu.memory_space<semaphore_mem>>)
      } else {
      }
      %add3A_1046 = arith.constant 2 : i32
      %add3A_1047 = arith.addi %add3A_951, %add3A_1046 : i32
      %jit3A_1048 = arith.constant 2 : i32
      %eq3A_1049 = arith.constant 0 : i32
      %eq3A_1050 = arith.cmpi eq, %jit3A_1048, %eq3A_1049 : i32
      %jit3A_1051 = arith.constant 1 : i32
      %select_n3A_1052 = arith.select %eq3A_1050, %jit3A_1051, %jit3A_1048 : i32
      %rem3A_1053 = arith.remsi %add3A_1047, %select_n3A_1052 : i32
      %ne3A_1054 = arith.constant 0 : i32
      %ne3A_1055 = arith.cmpi ne, %rem3A_1053, %ne3A_1054 : i32
      %lt3A_1056 = arith.constant 0 : i32
      %lt3A_1057 = arith.cmpi slt, %rem3A_1053, %lt3A_1056 : i32
      %lt3A_1058 = arith.constant 0 : i32
      %lt3A_1059 = arith.cmpi slt, %select_n3A_1052, %lt3A_1058 : i32
      %ne3A_1060 = arith.xori %lt3A_1057, %lt3A_1059 : i1
      %and3A_1061 = arith.andi %ne3A_1060, %ne3A_1055 : i1
      %add3A_1062 = arith.addi %rem3A_1053, %select_n3A_1052 : i32
      %select_n3A_1063 = arith.select %and3A_1061, %add3A_1062, %rem3A_1053 : i32
      %mul3A_1064 = arith.constant 512 : i32
      %mul3A_1065 = arith.muli %mul3A_1064, %select_n3A_1063 : i32
      %dma_start3A_1066 = arith.constant 3 : i32
      %dma_start3A_1067 = arith.constant 1 : i32
      %dma_start3A_1068 = arith.constant 0 : i32
      %dma_start3A_1069 = arith.constant 0 : i32
      %dma_start3A_1070 = tpu.memref_slice %arg6[%dma_start3A_1067, %dma_start3A_1068, %dma_start3A_1069] : memref<2x512x64xf32, #tpu.memory_space<vmem>> -> memref<1x512x64xf32, #tpu.memory_space<vmem>>
      %dma_start3A_1071 = tpu.memref_squeeze %dma_start3A_1070 : memref<1x512x64xf32, #tpu.memory_space<vmem>> -> memref<512x64xf32, #tpu.memory_space<vmem>>
      %dma_start3A_1072 = tpu.memref_slice %arg5[%dma_start3A_1066, %mul3A_1065] : memref<4x1024xi32, #tpu.memory_space<vmem>> -> memref<1x512xi32, #tpu.memory_space<vmem>>
      %dma_start3A_1073 = tpu.memref_squeeze %dma_start3A_1072 : memref<1x512xi32, #tpu.memory_space<vmem>> -> memref<512xi32, #tpu.memory_space<vmem>>
      %dma_start3A_1074 = arith.constant 0 : i32
      %dma_start3A_1075 = arith.constant 0 : i32
      %dma_start3A_1076 = tpu.memref_slice %arg3[%dma_start3A_1074, %dma_start3A_1075] : memref<2000000x64xf32, #tpu.memory_space<hbm>> -> memref<2000000x64xf32, #tpu.memory_space<hbm>>
      tpu.enqueue_indirect_dma source(%dma_start3A_1076 : memref<2000000x64xf32, #tpu.memory_space<hbm>>) target(%dma_start3A_1071 : memref<512x64xf32, #tpu.memory_space<vmem>>) offsets(%dma_start3A_1073 : memref<512xi32, #tpu.memory_space<vmem>>) semaphore(%arg14 : memref<!tpu.dma_semaphore, #tpu.memory_space<semaphore_mem>>)
      %lt3A_1077 = arith.constant 24 : i32
      %lt3A_1078 = arith.cmpi slt, %scan3A_125, %lt3A_1077 : i32
      %convert_element_type3A_1079 = arith.extui %lt3A_1078 : i1 to i32
      %cond3A_1080 = arith.constant 0 : i32
      %cond3A_1081 = arith.cmpi ne, %convert_element_type3A_1079, %cond3A_1080 : i32
      scf.if %cond3A_1081 {
        %jit3A_1288 = arith.constant 25 : i32
        %eq3A_1289 = arith.constant 0 : i32
        %eq3A_1290 = arith.cmpi eq, %jit3A_1288, %eq3A_1289 : i32
        %jit3A_1291 = arith.constant 1 : i32
        %select_n3A_1292 = arith.select %eq3A_1290, %jit3A_1291, %jit3A_1288 : i32
        %rem3A_1293 = arith.remsi %add3A_961, %select_n3A_1292 : i32
        %ne3A_1294 = arith.constant 0 : i32
        %ne3A_1295 = arith.cmpi ne, %rem3A_1293, %ne3A_1294 : i32
        %lt3A_1296 = arith.constant 0 : i32
        %lt3A_1297 = arith.cmpi slt, %rem3A_1293, %lt3A_1296 : i32
        %lt3A_1298 = arith.constant 0 : i32
        %lt3A_1299 = arith.cmpi slt, %select_n3A_1292, %lt3A_1298 : i32
        %ne3A_1300 = arith.xori %lt3A_1297, %lt3A_1299 : i1
        %and3A_1301 = arith.andi %ne3A_1300, %ne3A_1295 : i1
        %add3A_1302 = arith.addi %rem3A_1293, %select_n3A_1292 : i32
        %select_n3A_1303 = arith.select %and3A_1301, %add3A_1302, %rem3A_1293 : i32
        %jit3A_1304 = arith.constant 25 : i32
        %div3A_1305 = arith.divsi %add3A_961, %jit3A_1304 : i32
        %sign3A_1306 = arith.constant 0 : i32
        %sign3A_1307 = arith.cmpi sgt, %add3A_961, %sign3A_1306 : i32
        %sign3A_1308 = arith.extui %sign3A_1307 : i1 to i32
        %sign3A_1309 = arith.constant 0 : i32
        %sign3A_1310 = arith.cmpi slt, %add3A_961, %sign3A_1309 : i32
        %sign3A_1311 = arith.extui %sign3A_1310 : i1 to i32
        %sign3A_1312 = arith.subi %sign3A_1308, %sign3A_1311 : i32
        %sign3A_1313 = arith.constant 0 : i32
        %sign3A_1314 = arith.cmpi sgt, %jit3A_1304, %sign3A_1313 : i32
        %sign3A_1315 = arith.extui %sign3A_1314 : i1 to i32
        %sign3A_1316 = arith.constant 0 : i32
        %sign3A_1317 = arith.cmpi slt, %jit3A_1304, %sign3A_1316 : i32
        %sign3A_1318 = arith.extui %sign3A_1317 : i1 to i32
        %sign3A_1319 = arith.subi %sign3A_1315, %sign3A_1318 : i32
        %ne3A_1320 = arith.cmpi ne, %sign3A_1312, %sign3A_1319 : i32
        %rem3A_1321 = arith.remsi %add3A_961, %jit3A_1304 : i32
        %ne3A_1322 = arith.constant 0 : i32
        %ne3A_1323 = arith.cmpi ne, %rem3A_1321, %ne3A_1322 : i32
        %and3A_1324 = arith.andi %ne3A_1320, %ne3A_1323 : i1
        %sub3A_1325 = arith.constant 1 : i32
        %sub3A_1326 = arith.subi %div3A_1305, %sub3A_1325 : i32
        %select_n3A_1327 = arith.select %and3A_1324, %sub3A_1326, %div3A_1305 : i32
        %add3A_1328 = arith.addi %mul3A_4, %select_n3A_1327 : i32
        %dma_start3A_1329 = arith.constant 0 : i32
        %dma_start3A_1330 = arith.constant 0 : i32
        %dma_start3A_1331 = tpu.memref_slice %arg5[%dma_start3A_1329, %dma_start3A_1330] : memref<4x1024xi32, #tpu.memory_space<vmem>> -> memref<1x1024xi32, #tpu.memory_space<vmem>>
        %dma_start3A_1332 = tpu.memref_squeeze %dma_start3A_1331 : memref<1x1024xi32, #tpu.memory_space<vmem>> -> memref<1024xi32, #tpu.memory_space<vmem>>
        %dma_start3A_1333 = arith.constant 0 : i32
        %dma_start3A_1334 = tpu.memref_slice %arg2[%select_n3A_1303, %add3A_1328, %dma_start3A_1333] : memref<25x128x1024xi32, #tpu.memory_space<hbm>> -> memref<1x1x1024xi32, #tpu.memory_space<hbm>>
        %dma_start3A_1335 = tpu.memref_squeeze %dma_start3A_1334 : memref<1x1x1024xi32, #tpu.memory_space<hbm>> -> memref<1024xi32, #tpu.memory_space<hbm>>
        %dma_start3A_1336 = arith.constant 0 : i32
        %dma_start3A_1337 = tpu.memref_slice %arg5[%dma_start3A_1329, %dma_start3A_1336] : memref<4x1024xi32, #tpu.memory_space<vmem>> -> memref<1x1024xi32, #tpu.memory_space<vmem>>
        %dma_start3A_1338 = tpu.memref_squeeze %dma_start3A_1337 : memref<1x1024xi32, #tpu.memory_space<vmem>> -> memref<1024xi32, #tpu.memory_space<vmem>>
        %dma_start3A_1339 = arith.constant 0 : i32
        %dma_start3A_1340 = tpu.memref_slice %arg2[%select_n3A_1303, %add3A_1328, %dma_start3A_1339] : memref<25x128x1024xi32, #tpu.memory_space<hbm>> -> memref<1x1x1024xi32, #tpu.memory_space<hbm>>
        %dma_start3A_1341 = tpu.memref_squeeze %dma_start3A_1340 : memref<1x1x1024xi32, #tpu.memory_space<hbm>> -> memref<1024xi32, #tpu.memory_space<hbm>>
        tpu.enqueue_dma source(%dma_start3A_1341 : memref<1024xi32, #tpu.memory_space<hbm>>) target(%dma_start3A_1338 : memref<1024xi32, #tpu.memory_space<vmem>>) target_semaphore(%arg9 : memref<!tpu.dma_semaphore, #tpu.memory_space<semaphore_mem>>)
      } else {
      }
      %mul3A_1082 = arith.constant 8 : i32
      %mul3A_1083 = arith.muli %mul3A_1082, %scan3A_125 : i32
      %add3A_1084 = arith.constant 6 : i32
      %add3A_1085 = arith.addi %mul3A_1083, %add3A_1084 : i32
      %mul3A_1086 = arith.constant 4 : i32
      %mul3A_1087 = arith.muli %mul3A_1086, %scan3A_125 : i32
      %add3A_1088 = arith.constant 4 : i32
      %add3A_1089 = arith.addi %mul3A_1087, %add3A_1088 : i32
      %mul3A_1090 = arith.constant 4 : i32
      %mul3A_1091 = arith.muli %mul3A_1090, %scan3A_125 : i32
      %add3A_1092 = arith.constant 3 : i32
      %add3A_1093 = arith.addi %mul3A_1091, %add3A_1092 : i32
      %add3A_1094 = arith.constant 2 : i32
      %add3A_1095 = arith.addi %add3A_1093, %add3A_1094 : i32
      %dma_wait3A_1096 = arith.constant 3 : i32
      %dma_wait3A_1097 = arith.constant 0 : i32
      %dma_wait3A_1098 = arith.constant 0 : i32
      %dma_wait3A_1099 = arith.constant 0 : i32
      %dma_wait3A_1100 = tpu.memref_slice %arg6[%dma_wait3A_1097, %dma_wait3A_1098, %dma_wait3A_1099] : memref<2x512x64xf32, #tpu.memory_space<vmem>> -> memref<1x512x64xf32, #tpu.memory_space<vmem>>
      %dma_wait3A_1101 = tpu.memref_squeeze %dma_wait3A_1100 : memref<1x512x64xf32, #tpu.memory_space<vmem>> -> memref<512x64xf32, #tpu.memory_space<vmem>>
      %dma_wait3A_1102 = arith.constant 0 : i32
      %dma_wait3A_1103 = tpu.memref_slice %arg5[%dma_wait3A_1096, %dma_wait3A_1102] : memref<4x1024xi32, #tpu.memory_space<vmem>> -> memref<1x512xi32, #tpu.memory_space<vmem>>
      %dma_wait3A_1104 = tpu.memref_squeeze %dma_wait3A_1103 : memref<1x512xi32, #tpu.memory_space<vmem>> -> memref<512xi32, #tpu.memory_space<vmem>>
      %dma_wait3A_1105 = arith.constant 0 : i32
      %dma_wait3A_1106 = arith.constant 0 : i32
      %dma_wait3A_1107 = tpu.memref_slice %arg3[%dma_wait3A_1105, %dma_wait3A_1106] : memref<2000000x64xf32, #tpu.memory_space<hbm>> -> memref<2000000x64xf32, #tpu.memory_space<hbm>>
      tpu.wait_indirect_dma semaphore(%arg13 : memref<!tpu.dma_semaphore, #tpu.memory_space<semaphore_mem>>) src(%dma_wait3A_1107 : memref<2000000x64xf32, #tpu.memory_space<hbm>>) dst(%dma_wait3A_1101 : memref<512x64xf32, #tpu.memory_space<vmem>>)
      %jit3A_1108 = arith.constant 50 : i32
      %eq3A_1109 = arith.constant 0 : i32
      %eq3A_1110 = arith.cmpi eq, %jit3A_1108, %eq3A_1109 : i32
      %jit3A_1111 = arith.constant 1 : i32
      %select_n3A_1112 = arith.select %eq3A_1110, %jit3A_1111, %jit3A_1108 : i32
      %rem3A_1113 = arith.remsi %add3A_1085, %select_n3A_1112 : i32
      %ne3A_1114 = arith.constant 0 : i32
      %ne3A_1115 = arith.cmpi ne, %rem3A_1113, %ne3A_1114 : i32
      %lt3A_1116 = arith.constant 0 : i32
      %lt3A_1117 = arith.cmpi slt, %rem3A_1113, %lt3A_1116 : i32
      %lt3A_1118 = arith.constant 0 : i32
      %lt3A_1119 = arith.cmpi slt, %select_n3A_1112, %lt3A_1118 : i32
      %ne3A_1120 = arith.xori %lt3A_1117, %lt3A_1119 : i1
      %and3A_1121 = arith.andi %ne3A_1120, %ne3A_1115 : i1
      %add3A_1122 = arith.addi %rem3A_1113, %select_n3A_1112 : i32
      %select_n3A_1123 = arith.select %and3A_1121, %add3A_1122, %rem3A_1113 : i32
      %eq3A_1124 = arith.constant 0 : i32
      %eq3A_1125 = arith.cmpi eq, %select_n3A_1123, %eq3A_1124 : i32
      %convert_element_type3A_1126 = arith.extui %eq3A_1125 : i1 to i32
      %cond3A_1127 = arith.constant 0 : i32
      %cond3A_1128 = arith.cmpi ne, %convert_element_type3A_1126, %cond3A_1127 : i32
      scf.if %cond3A_1128 {
        %broadcast_in_dim3A = arith.constant 0.000000e+00 : f32
        %broadcast_in_dim3A_1288 = vector.broadcast %broadcast_in_dim3A : f32 to vector<16xf32>
        %scan3A_1289 = arith.constant 0 : i32
        %scan3A_1290 = arith.constant 0 : i32
        %scan3A_1291 = arith.constant 128 : i32
        %scan3A_1292 = arith.addi %scan3A_1290, %scan3A_1291 : i32
        %scan3A_1293 = arith.constant 1 : i32
        scf.for %scan3A_1295 = %scan3A_1290 to %scan3A_1292 step %scan3A_1293  : i32 {
          %swap3A = arith.index_cast %scan3A_1295 : i32 to index
          %swap3A_1296 = arith.constant 0 : index
          %swap3A_1297 = tpu.vector_load %arg7[%swap3A, %swap3A_1296] {strides = array<i32>} : memref<128x64xf32, #tpu.memory_space<vmem>>, vector<16xf32>,
          tpu.vector_store %arg7[%swap3A, %swap3A_1296], %broadcast_in_dim3A_1288 {strides = array<i32>} : memref<128x64xf32, #tpu.memory_space<vmem>>, vector<16xf32>,
          %swap3A_1298 = arith.index_cast %scan3A_1295 : i32 to index
          %swap3A_1299 = arith.constant 16 : index
          %swap3A_1300 = tpu.vector_load %arg7[%swap3A_1298, %swap3A_1299] {strides = array<i32>} : memref<128x64xf32, #tpu.memory_space<vmem>>, vector<16xf32>,
          tpu.vector_store %arg7[%swap3A_1298, %swap3A_1299], %broadcast_in_dim3A_1288 {strides = array<i32>} : memref<128x64xf32, #tpu.memory_space<vmem>>, vector<16xf32>,
          %swap3A_1301 = arith.index_cast %scan3A_1295 : i32 to index
          %swap3A_1302 = arith.constant 32 : index
          %swap3A_1303 = tpu.vector_load %arg7[%swap3A_1301, %swap3A_1302] {strides = array<i32>} : memref<128x64xf32, #tpu.memory_space<vmem>>, vector<16xf32>,
          tpu.vector_store %arg7[%swap3A_1301, %swap3A_1302], %broadcast_in_dim3A_1288 {strides = array<i32>} : memref<128x64xf32, #tpu.memory_space<vmem>>, vector<16xf32>,
          %swap3A_1304 = arith.index_cast %scan3A_1295 : i32 to index
          %swap3A_1305 = arith.constant 48 : index
          %swap3A_1306 = tpu.vector_load %arg7[%swap3A_1304, %swap3A_1305] {strides = array<i32>} : memref<128x64xf32, #tpu.memory_space<vmem>>, vector<16xf32>,
          tpu.vector_store %arg7[%swap3A_1304, %swap3A_1305], %broadcast_in_dim3A_1288 {strides = array<i32>} : memref<128x64xf32, #tpu.memory_space<vmem>>, vector<16xf32>,
        }
        %scan3A_1294 = arith.constant 128 : i32
      } else {
      }
      %scan3A_1129 = arith.constant 0 : i32
      %scan3A_1130 = arith.constant 0 : i32
      %scan3A_1131 = arith.constant 128 : i32
      %scan3A_1132 = arith.addi %scan3A_1130, %scan3A_1131 : i32
      %scan3A_1133 = arith.constant 1 : i32
      scf.for %scan3A_1288 = %scan3A_1130 to %scan3A_1132 step %scan3A_1133  : i32 {
        %get3A = arith.index_cast %scan3A_1288 : i32 to index
        %get3A_1289 = arith.constant 0 : index
        %get3A_1290 = tpu.vector_load %arg7[%get3A, %get3A_1289] {strides = array<i32>} : memref<128x64xf32, #tpu.memory_space<vmem>>, vector<16xf32>,
        %add3A_1291 = arith.constant 0 : i32
        %add3A_1292 = arith.addi %add3A_1291, %scan3A_1288 : i32
        %get3A_1293 = arith.constant 0 : i32
        %get3A_1294 = arith.index_cast %get3A_1293 : i32 to index
        %get3A_1295 = arith.index_cast %add3A_1292 : i32 to index
        %get3A_1296 = arith.constant 0 : index
        %get3A_1297 = tpu.vector_load %arg6[%get3A_1294, %get3A_1295, %get3A_1296] {strides = array<i32>} : memref<2x512x64xf32, #tpu.memory_space<vmem>>, vector<16xf32>,
        %add3A_1298 = arith.addf %get3A_1290, %get3A_1297 : vector<16xf32>
        %add3A_1299 = arith.constant 128 : i32
        %add3A_1300 = arith.addi %add3A_1299, %scan3A_1288 : i32
        %get3A_1301 = arith.constant 0 : i32
        %get3A_1302 = arith.index_cast %get3A_1301 : i32 to index
        %get3A_1303 = arith.index_cast %add3A_1300 : i32 to index
        %get3A_1304 = arith.constant 0 : index
        %get3A_1305 = tpu.vector_load %arg6[%get3A_1302, %get3A_1303, %get3A_1304] {strides = array<i32>} : memref<2x512x64xf32, #tpu.memory_space<vmem>>, vector<16xf32>,
        %add3A_1306 = arith.addf %add3A_1298, %get3A_1305 : vector<16xf32>
        %add3A_1307 = arith.constant 256 : i32
        %add3A_1308 = arith.addi %add3A_1307, %scan3A_1288 : i32
        %get3A_1309 = arith.constant 0 : i32
        %get3A_1310 = arith.index_cast %get3A_1309 : i32 to index
        %get3A_1311 = arith.index_cast %add3A_1308 : i32 to index
        %get3A_1312 = arith.constant 0 : index
        %get3A_1313 = tpu.vector_load %arg6[%get3A_1310, %get3A_1311, %get3A_1312] {strides = array<i32>} : memref<2x512x64xf32, #tpu.memory_space<vmem>>, vector<16xf32>,
        %add3A_1314 = arith.addf %add3A_1306, %get3A_1313 : vector<16xf32>
        %add3A_1315 = arith.constant 384 : i32
        %add3A_1316 = arith.addi %add3A_1315, %scan3A_1288 : i32
        %get3A_1317 = arith.constant 0 : i32
        %get3A_1318 = arith.index_cast %get3A_1317 : i32 to index
        %get3A_1319 = arith.index_cast %add3A_1316 : i32 to index
        %get3A_1320 = arith.constant 0 : index
        %get3A_1321 = tpu.vector_load %arg6[%get3A_1318, %get3A_1319, %get3A_1320] {strides = array<i32>} : memref<2x512x64xf32, #tpu.memory_space<vmem>>, vector<16xf32>,
        %add3A_1322 = arith.addf %add3A_1314, %get3A_1321 : vector<16xf32>
        %swap3A = arith.index_cast %scan3A_1288 : i32 to index
        %swap3A_1323 = arith.constant 0 : index
        %swap3A_1324 = tpu.vector_load %arg7[%swap3A, %swap3A_1323] {strides = array<i32>} : memref<128x64xf32, #tpu.memory_space<vmem>>, vector<16xf32>,
        tpu.vector_store %arg7[%swap3A, %swap3A_1323], %add3A_1322 {strides = array<i32>} : memref<128x64xf32, #tpu.memory_space<vmem>>, vector<16xf32>,
        %get3A_1325 = arith.index_cast %scan3A_1288 : i32 to index
        %get3A_1326 = arith.constant 16 : index
        %get3A_1327 = tpu.vector_load %arg7[%get3A_1325, %get3A_1326] {strides = array<i32>} : memref<128x64xf32, #tpu.memory_space<vmem>>, vector<16xf32>,
        %add3A_1328 = arith.constant 0 : i32
        %add3A_1329 = arith.addi %add3A_1328, %scan3A_1288 : i32
        %get3A_1330 = arith.constant 0 : i32
        %get3A_1331 = arith.index_cast %get3A_1330 : i32 to index
        %get3A_1332 = arith.index_cast %add3A_1329 : i32 to index
        %get3A_1333 = arith.constant 16 : index
        %get3A_1334 = tpu.vector_load %arg6[%get3A_1331, %get3A_1332, %get3A_1333] {strides = array<i32>} : memref<2x512x64xf32, #tpu.memory_space<vmem>>, vector<16xf32>,
        %add3A_1335 = arith.addf %get3A_1327, %get3A_1334 : vector<16xf32>
        %add3A_1336 = arith.constant 128 : i32
        %add3A_1337 = arith.addi %add3A_1336, %scan3A_1288 : i32
        %get3A_1338 = arith.constant 0 : i32
        %get3A_1339 = arith.index_cast %get3A_1338 : i32 to index
        %get3A_1340 = arith.index_cast %add3A_1337 : i32 to index
        %get3A_1341 = arith.constant 16 : index
        %get3A_1342 = tpu.vector_load %arg6[%get3A_1339, %get3A_1340, %get3A_1341] {strides = array<i32>} : memref<2x512x64xf32, #tpu.memory_space<vmem>>, vector<16xf32>,
        %add3A_1343 = arith.addf %add3A_1335, %get3A_1342 : vector<16xf32>
        %add3A_1344 = arith.constant 256 : i32
        %add3A_1345 = arith.addi %add3A_1344, %scan3A_1288 : i32
        %get3A_1346 = arith.constant 0 : i32
        %get3A_1347 = arith.index_cast %get3A_1346 : i32 to index
        %get3A_1348 = arith.index_cast %add3A_1345 : i32 to index
        %get3A_1349 = arith.constant 16 : index
        %get3A_1350 = tpu.vector_load %arg6[%get3A_1347, %get3A_1348, %get3A_1349] {strides = array<i32>} : memref<2x512x64xf32, #tpu.memory_space<vmem>>, vector<16xf32>,
        %add3A_1351 = arith.addf %add3A_1343, %get3A_1350 : vector<16xf32>
        %add3A_1352 = arith.constant 384 : i32
        %add3A_1353 = arith.addi %add3A_1352, %scan3A_1288 : i32
        %get3A_1354 = arith.constant 0 : i32
        %get3A_1355 = arith.index_cast %get3A_1354 : i32 to index
        %get3A_1356 = arith.index_cast %add3A_1353 : i32 to index
        %get3A_1357 = arith.constant 16 : index
        %get3A_1358 = tpu.vector_load %arg6[%get3A_1355, %get3A_1356, %get3A_1357] {strides = array<i32>} : memref<2x512x64xf32, #tpu.memory_space<vmem>>, vector<16xf32>,
        %add3A_1359 = arith.addf %add3A_1351, %get3A_1358 : vector<16xf32>
        %swap3A_1360 = arith.index_cast %scan3A_1288 : i32 to index
        %swap3A_1361 = arith.constant 16 : index
        %swap3A_1362 = tpu.vector_load %arg7[%swap3A_1360, %swap3A_1361] {strides = array<i32>} : memref<128x64xf32, #tpu.memory_space<vmem>>, vector<16xf32>,
        tpu.vector_store %arg7[%swap3A_1360, %swap3A_1361], %add3A_1359 {strides = array<i32>} : memref<128x64xf32, #tpu.memory_space<vmem>>, vector<16xf32>,
        %get3A_1363 = arith.index_cast %scan3A_1288 : i32 to index
        %get3A_1364 = arith.constant 32 : index
        %get3A_1365 = tpu.vector_load %arg7[%get3A_1363, %get3A_1364] {strides = array<i32>} : memref<128x64xf32, #tpu.memory_space<vmem>>, vector<16xf32>,
        %add3A_1366 = arith.constant 0 : i32
        %add3A_1367 = arith.addi %add3A_1366, %scan3A_1288 : i32
        %get3A_1368 = arith.constant 0 : i32
        %get3A_1369 = arith.index_cast %get3A_1368 : i32 to index
        %get3A_1370 = arith.index_cast %add3A_1367 : i32 to index
        %get3A_1371 = arith.constant 32 : index
        %get3A_1372 = tpu.vector_load %arg6[%get3A_1369, %get3A_1370, %get3A_1371] {strides = array<i32>} : memref<2x512x64xf32, #tpu.memory_space<vmem>>, vector<16xf32>,
        %add3A_1373 = arith.addf %get3A_1365, %get3A_1372 : vector<16xf32>
        %add3A_1374 = arith.constant 128 : i32
        %add3A_1375 = arith.addi %add3A_1374, %scan3A_1288 : i32
        %get3A_1376 = arith.constant 0 : i32
        %get3A_1377 = arith.index_cast %get3A_1376 : i32 to index
        %get3A_1378 = arith.index_cast %add3A_1375 : i32 to index
        %get3A_1379 = arith.constant 32 : index
        %get3A_1380 = tpu.vector_load %arg6[%get3A_1377, %get3A_1378, %get3A_1379] {strides = array<i32>} : memref<2x512x64xf32, #tpu.memory_space<vmem>>, vector<16xf32>,
        %add3A_1381 = arith.addf %add3A_1373, %get3A_1380 : vector<16xf32>
        %add3A_1382 = arith.constant 256 : i32
        %add3A_1383 = arith.addi %add3A_1382, %scan3A_1288 : i32
        %get3A_1384 = arith.constant 0 : i32
        %get3A_1385 = arith.index_cast %get3A_1384 : i32 to index
        %get3A_1386 = arith.index_cast %add3A_1383 : i32 to index
        %get3A_1387 = arith.constant 32 : index
        %get3A_1388 = tpu.vector_load %arg6[%get3A_1385, %get3A_1386, %get3A_1387] {strides = array<i32>} : memref<2x512x64xf32, #tpu.memory_space<vmem>>, vector<16xf32>,
        %add3A_1389 = arith.addf %add3A_1381, %get3A_1388 : vector<16xf32>
        %add3A_1390 = arith.constant 384 : i32
        %add3A_1391 = arith.addi %add3A_1390, %scan3A_1288 : i32
        %get3A_1392 = arith.constant 0 : i32
        %get3A_1393 = arith.index_cast %get3A_1392 : i32 to index
        %get3A_1394 = arith.index_cast %add3A_1391 : i32 to index
        %get3A_1395 = arith.constant 32 : index
        %get3A_1396 = tpu.vector_load %arg6[%get3A_1393, %get3A_1394, %get3A_1395] {strides = array<i32>} : memref<2x512x64xf32, #tpu.memory_space<vmem>>, vector<16xf32>,
        %add3A_1397 = arith.addf %add3A_1389, %get3A_1396 : vector<16xf32>
        %swap3A_1398 = arith.index_cast %scan3A_1288 : i32 to index
        %swap3A_1399 = arith.constant 32 : index
        %swap3A_1400 = tpu.vector_load %arg7[%swap3A_1398, %swap3A_1399] {strides = array<i32>} : memref<128x64xf32, #tpu.memory_space<vmem>>, vector<16xf32>,
        tpu.vector_store %arg7[%swap3A_1398, %swap3A_1399], %add3A_1397 {strides = array<i32>} : memref<128x64xf32, #tpu.memory_space<vmem>>, vector<16xf32>,
        %get3A_1401 = arith.index_cast %scan3A_1288 : i32 to index
        %get3A_1402 = arith.constant 48 : index
        %get3A_1403 = tpu.vector_load %arg7[%get3A_1401, %get3A_1402] {strides = array<i32>} : memref<128x64xf32, #tpu.memory_space<vmem>>, vector<16xf32>,
        %add3A_1404 = arith.constant 0 : i32
        %add3A_1405 = arith.addi %add3A_1404, %scan3A_1288 : i32
        %get3A_1406 = arith.constant 0 : i32
        %get3A_1407 = arith.index_cast %get3A_1406 : i32 to index
        %get3A_1408 = arith.index_cast %add3A_1405 : i32 to index
        %get3A_1409 = arith.constant 48 : index
        %get3A_1410 = tpu.vector_load %arg6[%get3A_1407, %get3A_1408, %get3A_1409] {strides = array<i32>} : memref<2x512x64xf32, #tpu.memory_space<vmem>>, vector<16xf32>,
        %add3A_1411 = arith.addf %get3A_1403, %get3A_1410 : vector<16xf32>
        %add3A_1412 = arith.constant 128 : i32
        %add3A_1413 = arith.addi %add3A_1412, %scan3A_1288 : i32
        %get3A_1414 = arith.constant 0 : i32
        %get3A_1415 = arith.index_cast %get3A_1414 : i32 to index
        %get3A_1416 = arith.index_cast %add3A_1413 : i32 to index
        %get3A_1417 = arith.constant 48 : index
        %get3A_1418 = tpu.vector_load %arg6[%get3A_1415, %get3A_1416, %get3A_1417] {strides = array<i32>} : memref<2x512x64xf32, #tpu.memory_space<vmem>>, vector<16xf32>,
        %add3A_1419 = arith.addf %add3A_1411, %get3A_1418 : vector<16xf32>
        %add3A_1420 = arith.constant 256 : i32
        %add3A_1421 = arith.addi %add3A_1420, %scan3A_1288 : i32
        %get3A_1422 = arith.constant 0 : i32
        %get3A_1423 = arith.index_cast %get3A_1422 : i32 to index
        %get3A_1424 = arith.index_cast %add3A_1421 : i32 to index
        %get3A_1425 = arith.constant 48 : index
        %get3A_1426 = tpu.vector_load %arg6[%get3A_1423, %get3A_1424, %get3A_1425] {strides = array<i32>} : memref<2x512x64xf32, #tpu.memory_space<vmem>>, vector<16xf32>,
        %add3A_1427 = arith.addf %add3A_1419, %get3A_1426 : vector<16xf32>
        %add3A_1428 = arith.constant 384 : i32
        %add3A_1429 = arith.addi %add3A_1428, %scan3A_1288 : i32
        %get3A_1430 = arith.constant 0 : i32
        %get3A_1431 = arith.index_cast %get3A_1430 : i32 to index
        %get3A_1432 = arith.index_cast %add3A_1429 : i32 to index
        %get3A_1433 = arith.constant 48 : index
        %get3A_1434 = tpu.vector_load %arg6[%get3A_1431, %get3A_1432, %get3A_1433] {strides = array<i32>} : memref<2x512x64xf32, #tpu.memory_space<vmem>>, vector<16xf32>,
        %add3A_1435 = arith.addf %add3A_1427, %get3A_1434 : vector<16xf32>
        %swap3A_1436 = arith.index_cast %scan3A_1288 : i32 to index
        %swap3A_1437 = arith.constant 48 : index
        %swap3A_1438 = tpu.vector_load %arg7[%swap3A_1436, %swap3A_1437] {strides = array<i32>} : memref<128x64xf32, #tpu.memory_space<vmem>>, vector<16xf32>,
        tpu.vector_store %arg7[%swap3A_1436, %swap3A_1437], %add3A_1435 {strides = array<i32>} : memref<128x64xf32, #tpu.memory_space<vmem>>, vector<16xf32>,
      }
      %scan3A_1134 = arith.constant 128 : i32
      %jit3A_1135 = arith.constant 50 : i32
      %eq3A_1136 = arith.constant 0 : i32
      %eq3A_1137 = arith.cmpi eq, %jit3A_1135, %eq3A_1136 : i32
      %jit3A_1138 = arith.constant 1 : i32
      %select_n3A_1139 = arith.select %eq3A_1137, %jit3A_1138, %jit3A_1135 : i32
      %rem3A_1140 = arith.remsi %add3A_1085, %select_n3A_1139 : i32
      %ne3A_1141 = arith.constant 0 : i32
      %ne3A_1142 = arith.cmpi ne, %rem3A_1140, %ne3A_1141 : i32
      %lt3A_1143 = arith.constant 0 : i32
      %lt3A_1144 = arith.cmpi slt, %rem3A_1140, %lt3A_1143 : i32
      %lt3A_1145 = arith.constant 0 : i32
      %lt3A_1146 = arith.cmpi slt, %select_n3A_1139, %lt3A_1145 : i32
      %ne3A_1147 = arith.xori %lt3A_1144, %lt3A_1146 : i1
      %and3A_1148 = arith.andi %ne3A_1147, %ne3A_1142 : i1
      %add3A_1149 = arith.addi %rem3A_1140, %select_n3A_1139 : i32
      %select_n3A_1150 = arith.select %and3A_1148, %add3A_1149, %rem3A_1140 : i32
      %eq3A_1151 = arith.constant 49 : i32
      %eq3A_1152 = arith.cmpi eq, %select_n3A_1150, %eq3A_1151 : i32
      %gt3A_1153 = arith.constant 50 : i32
      %gt3A_1154 = arith.cmpi sgt, %add3A_1085, %gt3A_1153 : i32
      %and3A_1155 = arith.andi %eq3A_1152, %gt3A_1154 : i1
      %convert_element_type3A_1156 = arith.extui %and3A_1155 : i1 to i32
      %cond3A_1157 = arith.constant 0 : i32
      %cond3A_1158 = arith.cmpi ne, %convert_element_type3A_1156, %cond3A_1157 : i32
      scf.if %cond3A_1158 {
        %sub3A_1288 = arith.constant 50 : i32
        %sub3A_1289 = arith.subi %add3A_1085, %sub3A_1288 : i32
        %jit3A_1290 = arith.constant 50 : i32
        %div3A_1291 = arith.divsi %sub3A_1289, %jit3A_1290 : i32
        %sign3A_1292 = arith.constant 0 : i32
        %sign3A_1293 = arith.cmpi sgt, %sub3A_1289, %sign3A_1292 : i32
        %sign3A_1294 = arith.extui %sign3A_1293 : i1 to i32
        %sign3A_1295 = arith.constant 0 : i32
        %sign3A_1296 = arith.cmpi slt, %sub3A_1289, %sign3A_1295 : i32
        %sign3A_1297 = arith.extui %sign3A_1296 : i1 to i32
        %sign3A_1298 = arith.subi %sign3A_1294, %sign3A_1297 : i32
        %sign3A_1299 = arith.constant 0 : i32
        %sign3A_1300 = arith.cmpi sgt, %jit3A_1290, %sign3A_1299 : i32
        %sign3A_1301 = arith.extui %sign3A_1300 : i1 to i32
        %sign3A_1302 = arith.constant 0 : i32
        %sign3A_1303 = arith.cmpi slt, %jit3A_1290, %sign3A_1302 : i32
        %sign3A_1304 = arith.extui %sign3A_1303 : i1 to i32
        %sign3A_1305 = arith.subi %sign3A_1301, %sign3A_1304 : i32
        %ne3A_1306 = arith.cmpi ne, %sign3A_1298, %sign3A_1305 : i32
        %rem3A_1307 = arith.remsi %sub3A_1289, %jit3A_1290 : i32
        %ne3A_1308 = arith.constant 0 : i32
        %ne3A_1309 = arith.cmpi ne, %rem3A_1307, %ne3A_1308 : i32
        %and3A_1310 = arith.andi %ne3A_1306, %ne3A_1309 : i1
        %sub3A_1311 = arith.constant 1 : i32
        %sub3A_1312 = arith.subi %div3A_1291, %sub3A_1311 : i32
        %select_n3A_1313 = arith.select %and3A_1310, %sub3A_1312, %div3A_1291 : i32
        %mul3A_1314 = arith.constant 128 : i32
        %mul3A_1315 = arith.muli %select_n3A_1313, %mul3A_1314 : i32
        %add3A_1316 = arith.addi %mul3A_2, %mul3A_1315 : i32
        %dma_wait3A_1317 = arith.constant 0 : i32
        %dma_wait3A_1318 = tpu.memref_slice %arg4[%add3A_1316, %dma_wait3A_1317] : memref<16384x64xf32, #tpu.memory_space<hbm>> -> memref<128x64xf32, #tpu.memory_space<hbm>>
        %dma_wait3A_1319 = arith.constant 0 : i32
        %dma_wait3A_1320 = tpu.memref_slice %arg4[%add3A_1316, %dma_wait3A_1319] : memref<16384x64xf32, #tpu.memory_space<hbm>> -> memref<128x64xf32, #tpu.memory_space<hbm>>
        tpu.wait_dma2 semaphore(%arg15 : memref<!tpu.dma_semaphore, #tpu.memory_space<semaphore_mem>>) src(%arg8 : memref<128x64xf32, #tpu.memory_space<vmem>>) dst(%dma_wait3A_1320 : memref<128x64xf32, #tpu.memory_space<hbm>>)
      } else {
      }
      %jit3A_1159 = arith.constant 50 : i32
      %eq3A_1160 = arith.constant 0 : i32
      %eq3A_1161 = arith.cmpi eq, %jit3A_1159, %eq3A_1160 : i32
      %jit3A_1162 = arith.constant 1 : i32
      %select_n3A_1163 = arith.select %eq3A_1161, %jit3A_1162, %jit3A_1159 : i32
      %rem3A_1164 = arith.remsi %add3A_1085, %select_n3A_1163 : i32
      %ne3A_1165 = arith.constant 0 : i32
      %ne3A_1166 = arith.cmpi ne, %rem3A_1164, %ne3A_1165 : i32
      %lt3A_1167 = arith.constant 0 : i32
      %lt3A_1168 = arith.cmpi slt, %rem3A_1164, %lt3A_1167 : i32
      %lt3A_1169 = arith.constant 0 : i32
      %lt3A_1170 = arith.cmpi slt, %select_n3A_1163, %lt3A_1169 : i32
      %ne3A_1171 = arith.xori %lt3A_1168, %lt3A_1170 : i1
      %and3A_1172 = arith.andi %ne3A_1171, %ne3A_1166 : i1
      %add3A_1173 = arith.addi %rem3A_1164, %select_n3A_1163 : i32
      %select_n3A_1174 = arith.select %and3A_1172, %add3A_1173, %rem3A_1164 : i32
      %eq3A_1175 = arith.constant 49 : i32
      %eq3A_1176 = arith.cmpi eq, %select_n3A_1174, %eq3A_1175 : i32
      %convert_element_type3A_1177 = arith.extui %eq3A_1176 : i1 to i32
      %cond3A_1178 = arith.constant 0 : i32
      %cond3A_1179 = arith.cmpi ne, %convert_element_type3A_1177, %cond3A_1178 : i32
      scf.if %cond3A_1179 {
        %scan3A_1288 = arith.constant 0 : i32
        %scan3A_1289 = arith.constant 0 : i32
        %scan3A_1290 = arith.constant 128 : i32
        %scan3A_1291 = arith.addi %scan3A_1289, %scan3A_1290 : i32
        %scan3A_1292 = arith.constant 1 : i32
        scf.for %scan3A_1325 = %scan3A_1289 to %scan3A_1291 step %scan3A_1292  : i32 {
          %get3A = arith.index_cast %scan3A_1325 : i32 to index
          %get3A_1326 = arith.constant 0 : index
          %get3A_1327 = tpu.vector_load %arg7[%get3A, %get3A_1326] {strides = array<i32>} : memref<128x64xf32, #tpu.memory_space<vmem>>, vector<16xf32>,
          %mul3A_1328 = vector.broadcast %scan3A_113 : f32 to vector<16xf32>
          %mul3A_1329 = arith.mulf %get3A_1327, %mul3A_1328 : vector<16xf32>
          %swap3A = arith.index_cast %scan3A_1325 : i32 to index
          %swap3A_1330 = arith.constant 0 : index
          %swap3A_1331 = tpu.vector_load %arg8[%swap3A, %swap3A_1330] {strides = array<i32>} : memref<128x64xf32, #tpu.memory_space<vmem>>, vector<16xf32>,
          tpu.vector_store %arg8[%swap3A, %swap3A_1330], %mul3A_1329 {strides = array<i32>} : memref<128x64xf32, #tpu.memory_space<vmem>>, vector<16xf32>,
          %get3A_1332 = arith.index_cast %scan3A_1325 : i32 to index
          %get3A_1333 = arith.constant 16 : index
          %get3A_1334 = tpu.vector_load %arg7[%get3A_1332, %get3A_1333] {strides = array<i32>} : memref<128x64xf32, #tpu.memory_space<vmem>>, vector<16xf32>,
          %mul3A_1335 = vector.broadcast %scan3A_113 : f32 to vector<16xf32>
          %mul3A_1336 = arith.mulf %get3A_1334, %mul3A_1335 : vector<16xf32>
          %swap3A_1337 = arith.index_cast %scan3A_1325 : i32 to index
          %swap3A_1338 = arith.constant 16 : index
          %swap3A_1339 = tpu.vector_load %arg8[%swap3A_1337, %swap3A_1338] {strides = array<i32>} : memref<128x64xf32, #tpu.memory_space<vmem>>, vector<16xf32>,
          tpu.vector_store %arg8[%swap3A_1337, %swap3A_1338], %mul3A_1336 {strides = array<i32>} : memref<128x64xf32, #tpu.memory_space<vmem>>, vector<16xf32>,
          %get3A_1340 = arith.index_cast %scan3A_1325 : i32 to index
          %get3A_1341 = arith.constant 32 : index
          %get3A_1342 = tpu.vector_load %arg7[%get3A_1340, %get3A_1341] {strides = array<i32>} : memref<128x64xf32, #tpu.memory_space<vmem>>, vector<16xf32>,
          %mul3A_1343 = vector.broadcast %scan3A_113 : f32 to vector<16xf32>
          %mul3A_1344 = arith.mulf %get3A_1342, %mul3A_1343 : vector<16xf32>
          %swap3A_1345 = arith.index_cast %scan3A_1325 : i32 to index
          %swap3A_1346 = arith.constant 32 : index
          %swap3A_1347 = tpu.vector_load %arg8[%swap3A_1345, %swap3A_1346] {strides = array<i32>} : memref<128x64xf32, #tpu.memory_space<vmem>>, vector<16xf32>,
          tpu.vector_store %arg8[%swap3A_1345, %swap3A_1346], %mul3A_1344 {strides = array<i32>} : memref<128x64xf32, #tpu.memory_space<vmem>>, vector<16xf32>,
          %get3A_1348 = arith.index_cast %scan3A_1325 : i32 to index
          %get3A_1349 = arith.constant 48 : index
          %get3A_1350 = tpu.vector_load %arg7[%get3A_1348, %get3A_1349] {strides = array<i32>} : memref<128x64xf32, #tpu.memory_space<vmem>>, vector<16xf32>,
          %mul3A_1351 = vector.broadcast %scan3A_113 : f32 to vector<16xf32>
          %mul3A_1352 = arith.mulf %get3A_1350, %mul3A_1351 : vector<16xf32>
          %swap3A_1353 = arith.index_cast %scan3A_1325 : i32 to index
          %swap3A_1354 = arith.constant 48 : index
          %swap3A_1355 = tpu.vector_load %arg8[%swap3A_1353, %swap3A_1354] {strides = array<i32>} : memref<128x64xf32, #tpu.memory_space<vmem>>, vector<16xf32>,
          tpu.vector_store %arg8[%swap3A_1353, %swap3A_1354], %mul3A_1352 {strides = array<i32>} : memref<128x64xf32, #tpu.memory_space<vmem>>, vector<16xf32>,
        }
        %scan3A_1293 = arith.constant 128 : i32
        %jit3A_1294 = arith.constant 50 : i32
        %div3A_1295 = arith.divsi %add3A_1085, %jit3A_1294 : i32
        %sign3A_1296 = arith.constant 0 : i32
        %sign3A_1297 = arith.cmpi sgt, %add3A_1085, %sign3A_1296 : i32
        %sign3A_1298 = arith.extui %sign3A_1297 : i1 to i32
        %sign3A_1299 = arith.constant 0 : i32
        %sign3A_1300 = arith.cmpi slt, %add3A_1085, %sign3A_1299 : i32
        %sign3A_1301 = arith.extui %sign3A_1300 : i1 to i32
        %sign3A_1302 = arith.subi %sign3A_1298, %sign3A_1301 : i32
        %sign3A_1303 = arith.constant 0 : i32
        %sign3A_1304 = arith.cmpi sgt, %jit3A_1294, %sign3A_1303 : i32
        %sign3A_1305 = arith.extui %sign3A_1304 : i1 to i32
        %sign3A_1306 = arith.constant 0 : i32
        %sign3A_1307 = arith.cmpi slt, %jit3A_1294, %sign3A_1306 : i32
        %sign3A_1308 = arith.extui %sign3A_1307 : i1 to i32
        %sign3A_1309 = arith.subi %sign3A_1305, %sign3A_1308 : i32
        %ne3A_1310 = arith.cmpi ne, %sign3A_1302, %sign3A_1309 : i32
        %rem3A_1311 = arith.remsi %add3A_1085, %jit3A_1294 : i32
        %ne3A_1312 = arith.constant 0 : i32
        %ne3A_1313 = arith.cmpi ne, %rem3A_1311, %ne3A_1312 : i32
        %and3A_1314 = arith.andi %ne3A_1310, %ne3A_1313 : i1
        %sub3A_1315 = arith.constant 1 : i32
        %sub3A_1316 = arith.subi %div3A_1295, %sub3A_1315 : i32
        %select_n3A_1317 = arith.select %and3A_1314, %sub3A_1316, %div3A_1295 : i32
        %mul3A_1318 = arith.constant 128 : i32
        %mul3A_1319 = arith.muli %select_n3A_1317, %mul3A_1318 : i32
        %add3A_1320 = arith.addi %mul3A_2, %mul3A_1319 : i32
        %dma_start3A_1321 = arith.constant 0 : i32
        %dma_start3A_1322 = tpu.memref_slice %arg4[%add3A_1320, %dma_start3A_1321] : memref<16384x64xf32, #tpu.memory_space<hbm>> -> memref<128x64xf32, #tpu.memory_space<hbm>>
        %dma_start3A_1323 = arith.constant 0 : i32
        %dma_start3A_1324 = tpu.memref_slice %arg4[%add3A_1320, %dma_start3A_1323] : memref<16384x64xf32, #tpu.memory_space<hbm>> -> memref<128x64xf32, #tpu.memory_space<hbm>>
        tpu.enqueue_dma source(%arg8 : memref<128x64xf32, #tpu.memory_space<vmem>>) target(%dma_start3A_1324 : memref<128x64xf32, #tpu.memory_space<hbm>>) target_semaphore(%arg15 : memref<!tpu.dma_semaphore, #tpu.memory_space<semaphore_mem>>)
      } else {
      }
      %lt3A_1180 = arith.constant 24 : i32
      %lt3A_1181 = arith.cmpi slt, %scan3A_125, %lt3A_1180 : i32
      %convert_element_type3A_1182 = arith.extui %lt3A_1181 : i1 to i32
      %cond3A_1183 = arith.constant 0 : i32
      %cond3A_1184 = arith.cmpi ne, %convert_element_type3A_1182, %cond3A_1183 : i32
      scf.if %cond3A_1184 {
        %jit3A_1288 = arith.constant 25 : i32
        %eq3A_1289 = arith.constant 0 : i32
        %eq3A_1290 = arith.cmpi eq, %jit3A_1288, %eq3A_1289 : i32
        %jit3A_1291 = arith.constant 1 : i32
        %select_n3A_1292 = arith.select %eq3A_1290, %jit3A_1291, %jit3A_1288 : i32
        %rem3A_1293 = arith.remsi %add3A_1089, %select_n3A_1292 : i32
        %ne3A_1294 = arith.constant 0 : i32
        %ne3A_1295 = arith.cmpi ne, %rem3A_1293, %ne3A_1294 : i32
        %lt3A_1296 = arith.constant 0 : i32
        %lt3A_1297 = arith.cmpi slt, %rem3A_1293, %lt3A_1296 : i32
        %lt3A_1298 = arith.constant 0 : i32
        %lt3A_1299 = arith.cmpi slt, %select_n3A_1292, %lt3A_1298 : i32
        %ne3A_1300 = arith.xori %lt3A_1297, %lt3A_1299 : i1
        %and3A_1301 = arith.andi %ne3A_1300, %ne3A_1295 : i1
        %add3A_1302 = arith.addi %rem3A_1293, %select_n3A_1292 : i32
        %select_n3A_1303 = arith.select %and3A_1301, %add3A_1302, %rem3A_1293 : i32
        %jit3A_1304 = arith.constant 25 : i32
        %div3A_1305 = arith.divsi %add3A_1089, %jit3A_1304 : i32
        %sign3A_1306 = arith.constant 0 : i32
        %sign3A_1307 = arith.cmpi sgt, %add3A_1089, %sign3A_1306 : i32
        %sign3A_1308 = arith.extui %sign3A_1307 : i1 to i32
        %sign3A_1309 = arith.constant 0 : i32
        %sign3A_1310 = arith.cmpi slt, %add3A_1089, %sign3A_1309 : i32
        %sign3A_1311 = arith.extui %sign3A_1310 : i1 to i32
        %sign3A_1312 = arith.subi %sign3A_1308, %sign3A_1311 : i32
        %sign3A_1313 = arith.constant 0 : i32
        %sign3A_1314 = arith.cmpi sgt, %jit3A_1304, %sign3A_1313 : i32
        %sign3A_1315 = arith.extui %sign3A_1314 : i1 to i32
        %sign3A_1316 = arith.constant 0 : i32
        %sign3A_1317 = arith.cmpi slt, %jit3A_1304, %sign3A_1316 : i32
        %sign3A_1318 = arith.extui %sign3A_1317 : i1 to i32
        %sign3A_1319 = arith.subi %sign3A_1315, %sign3A_1318 : i32
        %ne3A_1320 = arith.cmpi ne, %sign3A_1312, %sign3A_1319 : i32
        %rem3A_1321 = arith.remsi %add3A_1089, %jit3A_1304 : i32
        %ne3A_1322 = arith.constant 0 : i32
        %ne3A_1323 = arith.cmpi ne, %rem3A_1321, %ne3A_1322 : i32
        %and3A_1324 = arith.andi %ne3A_1320, %ne3A_1323 : i1
        %sub3A_1325 = arith.constant 1 : i32
        %sub3A_1326 = arith.subi %div3A_1305, %sub3A_1325 : i32
        %select_n3A_1327 = arith.select %and3A_1324, %sub3A_1326, %div3A_1305 : i32
        %add3A_1328 = arith.addi %mul3A_4, %select_n3A_1327 : i32
        %dma_wait3A_1329 = arith.constant 0 : i32
        %dma_wait3A_1330 = arith.constant 0 : i32
        %dma_wait3A_1331 = tpu.memref_slice %arg5[%dma_wait3A_1329, %dma_wait3A_1330] : memref<4x1024xi32, #tpu.memory_space<vmem>> -> memref<1x1024xi32, #tpu.memory_space<vmem>>
        %dma_wait3A_1332 = tpu.memref_squeeze %dma_wait3A_1331 : memref<1x1024xi32, #tpu.memory_space<vmem>> -> memref<1024xi32, #tpu.memory_space<vmem>>
        %dma_wait3A_1333 = arith.constant 0 : i32
        %dma_wait3A_1334 = tpu.memref_slice %arg2[%select_n3A_1303, %add3A_1328, %dma_wait3A_1333] : memref<25x128x1024xi32, #tpu.memory_space<hbm>> -> memref<1x1x1024xi32, #tpu.memory_space<hbm>>
        %dma_wait3A_1335 = tpu.memref_squeeze %dma_wait3A_1334 : memref<1x1x1024xi32, #tpu.memory_space<hbm>> -> memref<1024xi32, #tpu.memory_space<hbm>>
        %dma_wait3A_1336 = arith.constant 0 : i32
        %dma_wait3A_1337 = tpu.memref_slice %arg5[%dma_wait3A_1329, %dma_wait3A_1336] : memref<4x1024xi32, #tpu.memory_space<vmem>> -> memref<1x1024xi32, #tpu.memory_space<vmem>>
        %dma_wait3A_1338 = tpu.memref_squeeze %dma_wait3A_1337 : memref<1x1024xi32, #tpu.memory_space<vmem>> -> memref<1024xi32, #tpu.memory_space<vmem>>
        %dma_wait3A_1339 = arith.constant 0 : i32
        %dma_wait3A_1340 = tpu.memref_slice %arg2[%select_n3A_1303, %add3A_1328, %dma_wait3A_1339] : memref<25x128x1024xi32, #tpu.memory_space<hbm>> -> memref<1x1x1024xi32, #tpu.memory_space<hbm>>
        %dma_wait3A_1341 = tpu.memref_squeeze %dma_wait3A_1340 : memref<1x1x1024xi32, #tpu.memory_space<hbm>> -> memref<1024xi32, #tpu.memory_space<hbm>>
        tpu.wait_dma2 semaphore(%arg9 : memref<!tpu.dma_semaphore, #tpu.memory_space<semaphore_mem>>) src(%dma_wait3A_1341 : memref<1024xi32, #tpu.memory_space<hbm>>) dst(%dma_wait3A_1338 : memref<1024xi32, #tpu.memory_space<vmem>>)
        %scan3A_1342 = arith.constant 0 : i32
        %scan3A_1343 = arith.constant 0 : i32
        %scan3A_1344 = arith.constant 64 : i32
        %scan3A_1345 = arith.addi %scan3A_1343, %scan3A_1344 : i32
        %scan3A_1346 = arith.constant 1 : i32
        scf.for %scan3A_1379 = %scan3A_1343 to %scan3A_1345 step %scan3A_1346  : i32 {
          %mul3A_1380 = arith.constant 16 : i32
          %mul3A_1381 = arith.muli %scan3A_1379, %mul3A_1380 : i32
          %get3A = arith.constant 0 : i32
          %get3A_1382 = arith.index_cast %get3A : i32 to index
          %get3A_1383 = arith.index_cast %mul3A_1381 : i32 to index
          %get3A_1384 = tpu.vector_load %arg5[%get3A_1382, %get3A_1383] {strides = array<i32>} : memref<4x1024xi32, #tpu.memory_space<vmem>>, vector<16xi32>,
          %add3A_1385 = arith.addi %get3A_1384, %get3A_1384 : vector<16xi32>
          %mul3A_1386 = arith.constant 16 : i32
          %mul3A_1387 = arith.muli %scan3A_1379, %mul3A_1386 : i32
          %swap3A = arith.constant 0 : i32
          %swap3A_1388 = arith.index_cast %swap3A : i32 to index
          %swap3A_1389 = arith.index_cast %mul3A_1387 : i32 to index
          %swap3A_1390 = tpu.vector_load %arg5[%swap3A_1388, %swap3A_1389] {strides = array<i32>} : memref<4x1024xi32, #tpu.memory_space<vmem>>, vector<16xi32>,
          tpu.vector_store %arg5[%swap3A_1388, %swap3A_1389], %add3A_1385 {strides = array<i32>} : memref<4x1024xi32, #tpu.memory_space<vmem>>, vector<16xi32>,
        }
        %scan3A_1347 = arith.constant 64 : i32
        %add3A_1348 = arith.constant 2 : i32
        %add3A_1349 = arith.addi %add3A_1085, %add3A_1348 : i32
        %jit3A_1350 = arith.constant 2 : i32
        %eq3A_1351 = arith.constant 0 : i32
        %eq3A_1352 = arith.cmpi eq, %jit3A_1350, %eq3A_1351 : i32
        %jit3A_1353 = arith.constant 1 : i32
        %select_n3A_1354 = arith.select %eq3A_1352, %jit3A_1353, %jit3A_1350 : i32
        %rem3A_1355 = arith.remsi %add3A_1349, %select_n3A_1354 : i32
        %ne3A_1356 = arith.constant 0 : i32
        %ne3A_1357 = arith.cmpi ne, %rem3A_1355, %ne3A_1356 : i32
        %lt3A_1358 = arith.constant 0 : i32
        %lt3A_1359 = arith.cmpi slt, %rem3A_1355, %lt3A_1358 : i32
        %lt3A_1360 = arith.constant 0 : i32
        %lt3A_1361 = arith.cmpi slt, %select_n3A_1354, %lt3A_1360 : i32
        %ne3A_1362 = arith.xori %lt3A_1359, %lt3A_1361 : i1
        %and3A_1363 = arith.andi %ne3A_1362, %ne3A_1357 : i1
        %add3A_1364 = arith.addi %rem3A_1355, %select_n3A_1354 : i32
        %select_n3A_1365 = arith.select %and3A_1363, %add3A_1364, %rem3A_1355 : i32
        %mul3A_1366 = arith.constant 512 : i32
        %mul3A_1367 = arith.muli %mul3A_1366, %select_n3A_1365 : i32
        %dma_start3A_1368 = arith.constant 0 : i32
        %dma_start3A_1369 = arith.constant 0 : i32
        %dma_start3A_1370 = arith.constant 0 : i32
        %dma_start3A_1371 = arith.constant 0 : i32
        %dma_start3A_1372 = tpu.memref_slice %arg6[%dma_start3A_1369, %dma_start3A_1370, %dma_start3A_1371] : memref<2x512x64xf32, #tpu.memory_space<vmem>> -> memref<1x512x64xf32, #tpu.memory_space<vmem>>
        %dma_start3A_1373 = tpu.memref_squeeze %dma_start3A_1372 : memref<1x512x64xf32, #tpu.memory_space<vmem>> -> memref<512x64xf32, #tpu.memory_space<vmem>>
        %dma_start3A_1374 = tpu.memref_slice %arg5[%dma_start3A_1368, %mul3A_1367] : memref<4x1024xi32, #tpu.memory_space<vmem>> -> memref<1x512xi32, #tpu.memory_space<vmem>>
        %dma_start3A_1375 = tpu.memref_squeeze %dma_start3A_1374 : memref<1x512xi32, #tpu.memory_space<vmem>> -> memref<512xi32, #tpu.memory_space<vmem>>
        %dma_start3A_1376 = arith.constant 0 : i32
        %dma_start3A_1377 = arith.constant 0 : i32
        %dma_start3A_1378 = tpu.memref_slice %arg3[%dma_start3A_1376, %dma_start3A_1377] : memref<2000000x64xf32, #tpu.memory_space<hbm>> -> memref<2000000x64xf32, #tpu.memory_space<hbm>>
        tpu.enqueue_indirect_dma source(%dma_start3A_1378 : memref<2000000x64xf32, #tpu.memory_space<hbm>>) target(%dma_start3A_1373 : memref<512x64xf32, #tpu.memory_space<vmem>>) offsets(%dma_start3A_1375 : memref<512xi32, #tpu.memory_space<vmem>>) semaphore(%arg13 : memref<!tpu.dma_semaphore, #tpu.memory_space<semaphore_mem>>)
      } else {
      }
      %mul3A_1185 = arith.constant 8 : i32
      %mul3A_1186 = arith.muli %mul3A_1185, %scan3A_125 : i32
      %add3A_1187 = arith.constant 7 : i32
      %add3A_1188 = arith.addi %mul3A_1186, %add3A_1187 : i32
      %mul3A_1189 = arith.constant 4 : i32
      %mul3A_1190 = arith.muli %mul3A_1189, %scan3A_125 : i32
      %add3A_1191 = arith.constant 4 : i32
      %add3A_1192 = arith.addi %mul3A_1190, %add3A_1191 : i32
      %mul3A_1193 = arith.constant 4 : i32
      %mul3A_1194 = arith.muli %mul3A_1193, %scan3A_125 : i32
      %add3A_1195 = arith.constant 3 : i32
      %add3A_1196 = arith.addi %mul3A_1194, %add3A_1195 : i32
      %add3A_1197 = arith.constant 2 : i32
      %add3A_1198 = arith.addi %add3A_1196, %add3A_1197 : i32
      %dma_wait3A_1199 = arith.constant 3 : i32
      %dma_wait3A_1200 = arith.constant 1 : i32
      %dma_wait3A_1201 = arith.constant 0 : i32
      %dma_wait3A_1202 = arith.constant 0 : i32
      %dma_wait3A_1203 = tpu.memref_slice %arg6[%dma_wait3A_1200, %dma_wait3A_1201, %dma_wait3A_1202] : memref<2x512x64xf32, #tpu.memory_space<vmem>> -> memref<1x512x64xf32, #tpu.memory_space<vmem>>
      %dma_wait3A_1204 = tpu.memref_squeeze %dma_wait3A_1203 : memref<1x512x64xf32, #tpu.memory_space<vmem>> -> memref<512x64xf32, #tpu.memory_space<vmem>>
      %dma_wait3A_1205 = arith.constant 0 : i32
      %dma_wait3A_1206 = tpu.memref_slice %arg5[%dma_wait3A_1199, %dma_wait3A_1205] : memref<4x1024xi32, #tpu.memory_space<vmem>> -> memref<1x512xi32, #tpu.memory_space<vmem>>
      %dma_wait3A_1207 = tpu.memref_squeeze %dma_wait3A_1206 : memref<1x512xi32, #tpu.memory_space<vmem>> -> memref<512xi32, #tpu.memory_space<vmem>>
      %dma_wait3A_1208 = arith.constant 0 : i32
      %dma_wait3A_1209 = arith.constant 0 : i32
      %dma_wait3A_1210 = tpu.memref_slice %arg3[%dma_wait3A_1208, %dma_wait3A_1209] : memref<2000000x64xf32, #tpu.memory_space<hbm>> -> memref<2000000x64xf32, #tpu.memory_space<hbm>>
      tpu.wait_indirect_dma semaphore(%arg14 : memref<!tpu.dma_semaphore, #tpu.memory_space<semaphore_mem>>) src(%dma_wait3A_1210 : memref<2000000x64xf32, #tpu.memory_space<hbm>>) dst(%dma_wait3A_1204 : memref<512x64xf32, #tpu.memory_space<vmem>>)
      %jit3A_1211 = arith.constant 50 : i32
      %eq3A_1212 = arith.constant 0 : i32
      %eq3A_1213 = arith.cmpi eq, %jit3A_1211, %eq3A_1212 : i32
      %jit3A_1214 = arith.constant 1 : i32
      %select_n3A_1215 = arith.select %eq3A_1213, %jit3A_1214, %jit3A_1211 : i32
      %rem3A_1216 = arith.remsi %add3A_1188, %select_n3A_1215 : i32
      %ne3A_1217 = arith.constant 0 : i32
      %ne3A_1218 = arith.cmpi ne, %rem3A_1216, %ne3A_1217 : i32
      %lt3A_1219 = arith.constant 0 : i32
      %lt3A_1220 = arith.cmpi slt, %rem3A_1216, %lt3A_1219 : i32
      %lt3A_1221 = arith.constant 0 : i32
      %lt3A_1222 = arith.cmpi slt, %select_n3A_1215, %lt3A_1221 : i32
      %ne3A_1223 = arith.xori %lt3A_1220, %lt3A_1222 : i1
      %and3A_1224 = arith.andi %ne3A_1223, %ne3A_1218 : i1
      %add3A_1225 = arith.addi %rem3A_1216, %select_n3A_1215 : i32
      %select_n3A_1226 = arith.select %and3A_1224, %add3A_1225, %rem3A_1216 : i32
      %eq3A_1227 = arith.constant 0 : i32
      %eq3A_1228 = arith.cmpi eq, %select_n3A_1226, %eq3A_1227 : i32
      %convert_element_type3A_1229 = arith.extui %eq3A_1228 : i1 to i32
      %cond3A_1230 = arith.constant 0 : i32
      %cond3A_1231 = arith.cmpi ne, %convert_element_type3A_1229, %cond3A_1230 : i32
      scf.if %cond3A_1231 {
        %broadcast_in_dim3A = arith.constant 0.000000e+00 : f32
        %broadcast_in_dim3A_1288 = vector.broadcast %broadcast_in_dim3A : f32 to vector<16xf32>
        %scan3A_1289 = arith.constant 0 : i32
        %scan3A_1290 = arith.constant 0 : i32
        %scan3A_1291 = arith.constant 128 : i32
        %scan3A_1292 = arith.addi %scan3A_1290, %scan3A_1291 : i32
        %scan3A_1293 = arith.constant 1 : i32
        scf.for %scan3A_1295 = %scan3A_1290 to %scan3A_1292 step %scan3A_1293  : i32 {
          %swap3A = arith.index_cast %scan3A_1295 : i32 to index
          %swap3A_1296 = arith.constant 0 : index
          %swap3A_1297 = tpu.vector_load %arg7[%swap3A, %swap3A_1296] {strides = array<i32>} : memref<128x64xf32, #tpu.memory_space<vmem>>, vector<16xf32>,
          tpu.vector_store %arg7[%swap3A, %swap3A_1296], %broadcast_in_dim3A_1288 {strides = array<i32>} : memref<128x64xf32, #tpu.memory_space<vmem>>, vector<16xf32>,
          %swap3A_1298 = arith.index_cast %scan3A_1295 : i32 to index
          %swap3A_1299 = arith.constant 16 : index
          %swap3A_1300 = tpu.vector_load %arg7[%swap3A_1298, %swap3A_1299] {strides = array<i32>} : memref<128x64xf32, #tpu.memory_space<vmem>>, vector<16xf32>,
          tpu.vector_store %arg7[%swap3A_1298, %swap3A_1299], %broadcast_in_dim3A_1288 {strides = array<i32>} : memref<128x64xf32, #tpu.memory_space<vmem>>, vector<16xf32>,
          %swap3A_1301 = arith.index_cast %scan3A_1295 : i32 to index
          %swap3A_1302 = arith.constant 32 : index
          %swap3A_1303 = tpu.vector_load %arg7[%swap3A_1301, %swap3A_1302] {strides = array<i32>} : memref<128x64xf32, #tpu.memory_space<vmem>>, vector<16xf32>,
          tpu.vector_store %arg7[%swap3A_1301, %swap3A_1302], %broadcast_in_dim3A_1288 {strides = array<i32>} : memref<128x64xf32, #tpu.memory_space<vmem>>, vector<16xf32>,
          %swap3A_1304 = arith.index_cast %scan3A_1295 : i32 to index
          %swap3A_1305 = arith.constant 48 : index
          %swap3A_1306 = tpu.vector_load %arg7[%swap3A_1304, %swap3A_1305] {strides = array<i32>} : memref<128x64xf32, #tpu.memory_space<vmem>>, vector<16xf32>,
          tpu.vector_store %arg7[%swap3A_1304, %swap3A_1305], %broadcast_in_dim3A_1288 {strides = array<i32>} : memref<128x64xf32, #tpu.memory_space<vmem>>, vector<16xf32>,
        }
        %scan3A_1294 = arith.constant 128 : i32
      } else {
      }
      %scan3A_1232 = arith.constant 0 : i32
      %scan3A_1233 = arith.constant 0 : i32
      %scan3A_1234 = arith.constant 128 : i32
      %scan3A_1235 = arith.addi %scan3A_1233, %scan3A_1234 : i32
      %scan3A_1236 = arith.constant 1 : i32
      scf.for %scan3A_1288 = %scan3A_1233 to %scan3A_1235 step %scan3A_1236  : i32 {
        %get3A = arith.index_cast %scan3A_1288 : i32 to index
        %get3A_1289 = arith.constant 0 : index
        %get3A_1290 = tpu.vector_load %arg7[%get3A, %get3A_1289] {strides = array<i32>} : memref<128x64xf32, #tpu.memory_space<vmem>>, vector<16xf32>,
        %add3A_1291 = arith.constant 0 : i32
        %add3A_1292 = arith.addi %add3A_1291, %scan3A_1288 : i32
        %get3A_1293 = arith.constant 1 : i32
        %get3A_1294 = arith.index_cast %get3A_1293 : i32 to index
        %get3A_1295 = arith.index_cast %add3A_1292 : i32 to index
        %get3A_1296 = arith.constant 0 : index
        %get3A_1297 = tpu.vector_load %arg6[%get3A_1294, %get3A_1295, %get3A_1296] {strides = array<i32>} : memref<2x512x64xf32, #tpu.memory_space<vmem>>, vector<16xf32>,
        %add3A_1298 = arith.addf %get3A_1290, %get3A_1297 : vector<16xf32>
        %add3A_1299 = arith.constant 128 : i32
        %add3A_1300 = arith.addi %add3A_1299, %scan3A_1288 : i32
        %get3A_1301 = arith.constant 1 : i32
        %get3A_1302 = arith.index_cast %get3A_1301 : i32 to index
        %get3A_1303 = arith.index_cast %add3A_1300 : i32 to index
        %get3A_1304 = arith.constant 0 : index
        %get3A_1305 = tpu.vector_load %arg6[%get3A_1302, %get3A_1303, %get3A_1304] {strides = array<i32>} : memref<2x512x64xf32, #tpu.memory_space<vmem>>, vector<16xf32>,
        %add3A_1306 = arith.addf %add3A_1298, %get3A_1305 : vector<16xf32>
        %add3A_1307 = arith.constant 256 : i32
        %add3A_1308 = arith.addi %add3A_1307, %scan3A_1288 : i32
        %get3A_1309 = arith.constant 1 : i32
        %get3A_1310 = arith.index_cast %get3A_1309 : i32 to index
        %get3A_1311 = arith.index_cast %add3A_1308 : i32 to index
        %get3A_1312 = arith.constant 0 : index
        %get3A_1313 = tpu.vector_load %arg6[%get3A_1310, %get3A_1311, %get3A_1312] {strides = array<i32>} : memref<2x512x64xf32, #tpu.memory_space<vmem>>, vector<16xf32>,
        %add3A_1314 = arith.addf %add3A_1306, %get3A_1313 : vector<16xf32>
        %add3A_1315 = arith.constant 384 : i32
        %add3A_1316 = arith.addi %add3A_1315, %scan3A_1288 : i32
        %get3A_1317 = arith.constant 1 : i32
        %get3A_1318 = arith.index_cast %get3A_1317 : i32 to index
        %get3A_1319 = arith.index_cast %add3A_1316 : i32 to index
        %get3A_1320 = arith.constant 0 : index
        %get3A_1321 = tpu.vector_load %arg6[%get3A_1318, %get3A_1319, %get3A_1320] {strides = array<i32>} : memref<2x512x64xf32, #tpu.memory_space<vmem>>, vector<16xf32>,
        %add3A_1322 = arith.addf %add3A_1314, %get3A_1321 : vector<16xf32>
        %swap3A = arith.index_cast %scan3A_1288 : i32 to index
        %swap3A_1323 = arith.constant 0 : index
        %swap3A_1324 = tpu.vector_load %arg7[%swap3A, %swap3A_1323] {strides = array<i32>} : memref<128x64xf32, #tpu.memory_space<vmem>>, vector<16xf32>,
        tpu.vector_store %arg7[%swap3A, %swap3A_1323], %add3A_1322 {strides = array<i32>} : memref<128x64xf32, #tpu.memory_space<vmem>>, vector<16xf32>,
        %get3A_1325 = arith.index_cast %scan3A_1288 : i32 to index
        %get3A_1326 = arith.constant 16 : index
        %get3A_1327 = tpu.vector_load %arg7[%get3A_1325, %get3A_1326] {strides = array<i32>} : memref<128x64xf32, #tpu.memory_space<vmem>>, vector<16xf32>,
        %add3A_1328 = arith.constant 0 : i32
        %add3A_1329 = arith.addi %add3A_1328, %scan3A_1288 : i32
        %get3A_1330 = arith.constant 1 : i32
        %get3A_1331 = arith.index_cast %get3A_1330 : i32 to index
        %get3A_1332 = arith.index_cast %add3A_1329 : i32 to index
        %get3A_1333 = arith.constant 16 : index
        %get3A_1334 = tpu.vector_load %arg6[%get3A_1331, %get3A_1332, %get3A_1333] {strides = array<i32>} : memref<2x512x64xf32, #tpu.memory_space<vmem>>, vector<16xf32>,
        %add3A_1335 = arith.addf %get3A_1327, %get3A_1334 : vector<16xf32>
        %add3A_1336 = arith.constant 128 : i32
        %add3A_1337 = arith.addi %add3A_1336, %scan3A_1288 : i32
        %get3A_1338 = arith.constant 1 : i32
        %get3A_1339 = arith.index_cast %get3A_1338 : i32 to index
        %get3A_1340 = arith.index_cast %add3A_1337 : i32 to index
        %get3A_1341 = arith.constant 16 : index
        %get3A_1342 = tpu.vector_load %arg6[%get3A_1339, %get3A_1340, %get3A_1341] {strides = array<i32>} : memref<2x512x64xf32, #tpu.memory_space<vmem>>, vector<16xf32>,
        %add3A_1343 = arith.addf %add3A_1335, %get3A_1342 : vector<16xf32>
        %add3A_1344 = arith.constant 256 : i32
        %add3A_1345 = arith.addi %add3A_1344, %scan3A_1288 : i32
        %get3A_1346 = arith.constant 1 : i32
        %get3A_1347 = arith.index_cast %get3A_1346 : i32 to index
        %get3A_1348 = arith.index_cast %add3A_1345 : i32 to index
        %get3A_1349 = arith.constant 16 : index
        %get3A_1350 = tpu.vector_load %arg6[%get3A_1347, %get3A_1348, %get3A_1349] {strides = array<i32>} : memref<2x512x64xf32, #tpu.memory_space<vmem>>, vector<16xf32>,
        %add3A_1351 = arith.addf %add3A_1343, %get3A_1350 : vector<16xf32>
        %add3A_1352 = arith.constant 384 : i32
        %add3A_1353 = arith.addi %add3A_1352, %scan3A_1288 : i32
        %get3A_1354 = arith.constant 1 : i32
        %get3A_1355 = arith.index_cast %get3A_1354 : i32 to index
        %get3A_1356 = arith.index_cast %add3A_1353 : i32 to index
        %get3A_1357 = arith.constant 16 : index
        %get3A_1358 = tpu.vector_load %arg6[%get3A_1355, %get3A_1356, %get3A_1357] {strides = array<i32>} : memref<2x512x64xf32, #tpu.memory_space<vmem>>, vector<16xf32>,
        %add3A_1359 = arith.addf %add3A_1351, %get3A_1358 : vector<16xf32>
        %swap3A_1360 = arith.index_cast %scan3A_1288 : i32 to index
        %swap3A_1361 = arith.constant 16 : index
        %swap3A_1362 = tpu.vector_load %arg7[%swap3A_1360, %swap3A_1361] {strides = array<i32>} : memref<128x64xf32, #tpu.memory_space<vmem>>, vector<16xf32>,
        tpu.vector_store %arg7[%swap3A_1360, %swap3A_1361], %add3A_1359 {strides = array<i32>} : memref<128x64xf32, #tpu.memory_space<vmem>>, vector<16xf32>,
        %get3A_1363 = arith.index_cast %scan3A_1288 : i32 to index
        %get3A_1364 = arith.constant 32 : index
        %get3A_1365 = tpu.vector_load %arg7[%get3A_1363, %get3A_1364] {strides = array<i32>} : memref<128x64xf32, #tpu.memory_space<vmem>>, vector<16xf32>,
        %add3A_1366 = arith.constant 0 : i32
        %add3A_1367 = arith.addi %add3A_1366, %scan3A_1288 : i32
        %get3A_1368 = arith.constant 1 : i32
        %get3A_1369 = arith.index_cast %get3A_1368 : i32 to index
        %get3A_1370 = arith.index_cast %add3A_1367 : i32 to index
        %get3A_1371 = arith.constant 32 : index
        %get3A_1372 = tpu.vector_load %arg6[%get3A_1369, %get3A_1370, %get3A_1371] {strides = array<i32>} : memref<2x512x64xf32, #tpu.memory_space<vmem>>, vector<16xf32>,
        %add3A_1373 = arith.addf %get3A_1365, %get3A_1372 : vector<16xf32>
        %add3A_1374 = arith.constant 128 : i32
        %add3A_1375 = arith.addi %add3A_1374, %scan3A_1288 : i32
        %get3A_1376 = arith.constant 1 : i32
        %get3A_1377 = arith.index_cast %get3A_1376 : i32 to index
        %get3A_1378 = arith.index_cast %add3A_1375 : i32 to index
        %get3A_1379 = arith.constant 32 : index
        %get3A_1380 = tpu.vector_load %arg6[%get3A_1377, %get3A_1378, %get3A_1379] {strides = array<i32>} : memref<2x512x64xf32, #tpu.memory_space<vmem>>, vector<16xf32>,
        %add3A_1381 = arith.addf %add3A_1373, %get3A_1380 : vector<16xf32>
        %add3A_1382 = arith.constant 256 : i32
        %add3A_1383 = arith.addi %add3A_1382, %scan3A_1288 : i32
        %get3A_1384 = arith.constant 1 : i32
        %get3A_1385 = arith.index_cast %get3A_1384 : i32 to index
        %get3A_1386 = arith.index_cast %add3A_1383 : i32 to index
        %get3A_1387 = arith.constant 32 : index
        %get3A_1388 = tpu.vector_load %arg6[%get3A_1385, %get3A_1386, %get3A_1387] {strides = array<i32>} : memref<2x512x64xf32, #tpu.memory_space<vmem>>, vector<16xf32>,
        %add3A_1389 = arith.addf %add3A_1381, %get3A_1388 : vector<16xf32>
        %add3A_1390 = arith.constant 384 : i32
        %add3A_1391 = arith.addi %add3A_1390, %scan3A_1288 : i32
        %get3A_1392 = arith.constant 1 : i32
        %get3A_1393 = arith.index_cast %get3A_1392 : i32 to index
        %get3A_1394 = arith.index_cast %add3A_1391 : i32 to index
        %get3A_1395 = arith.constant 32 : index
        %get3A_1396 = tpu.vector_load %arg6[%get3A_1393, %get3A_1394, %get3A_1395] {strides = array<i32>} : memref<2x512x64xf32, #tpu.memory_space<vmem>>, vector<16xf32>,
        %add3A_1397 = arith.addf %add3A_1389, %get3A_1396 : vector<16xf32>
        %swap3A_1398 = arith.index_cast %scan3A_1288 : i32 to index
        %swap3A_1399 = arith.constant 32 : index
        %swap3A_1400 = tpu.vector_load %arg7[%swap3A_1398, %swap3A_1399] {strides = array<i32>} : memref<128x64xf32, #tpu.memory_space<vmem>>, vector<16xf32>,
        tpu.vector_store %arg7[%swap3A_1398, %swap3A_1399], %add3A_1397 {strides = array<i32>} : memref<128x64xf32, #tpu.memory_space<vmem>>, vector<16xf32>,
        %get3A_1401 = arith.index_cast %scan3A_1288 : i32 to index
        %get3A_1402 = arith.constant 48 : index
        %get3A_1403 = tpu.vector_load %arg7[%get3A_1401, %get3A_1402] {strides = array<i32>} : memref<128x64xf32, #tpu.memory_space<vmem>>, vector<16xf32>,
        %add3A_1404 = arith.constant 0 : i32
        %add3A_1405 = arith.addi %add3A_1404, %scan3A_1288 : i32
        %get3A_1406 = arith.constant 1 : i32
        %get3A_1407 = arith.index_cast %get3A_1406 : i32 to index
        %get3A_1408 = arith.index_cast %add3A_1405 : i32 to index
        %get3A_1409 = arith.constant 48 : index
        %get3A_1410 = tpu.vector_load %arg6[%get3A_1407, %get3A_1408, %get3A_1409] {strides = array<i32>} : memref<2x512x64xf32, #tpu.memory_space<vmem>>, vector<16xf32>,
        %add3A_1411 = arith.addf %get3A_1403, %get3A_1410 : vector<16xf32>
        %add3A_1412 = arith.constant 128 : i32
        %add3A_1413 = arith.addi %add3A_1412, %scan3A_1288 : i32
        %get3A_1414 = arith.constant 1 : i32
        %get3A_1415 = arith.index_cast %get3A_1414 : i32 to index
        %get3A_1416 = arith.index_cast %add3A_1413 : i32 to index
        %get3A_1417 = arith.constant 48 : index
        %get3A_1418 = tpu.vector_load %arg6[%get3A_1415, %get3A_1416, %get3A_1417] {strides = array<i32>} : memref<2x512x64xf32, #tpu.memory_space<vmem>>, vector<16xf32>,
        %add3A_1419 = arith.addf %add3A_1411, %get3A_1418 : vector<16xf32>
        %add3A_1420 = arith.constant 256 : i32
        %add3A_1421 = arith.addi %add3A_1420, %scan3A_1288 : i32
        %get3A_1422 = arith.constant 1 : i32
        %get3A_1423 = arith.index_cast %get3A_1422 : i32 to index
        %get3A_1424 = arith.index_cast %add3A_1421 : i32 to index
        %get3A_1425 = arith.constant 48 : index
        %get3A_1426 = tpu.vector_load %arg6[%get3A_1423, %get3A_1424, %get3A_1425] {strides = array<i32>} : memref<2x512x64xf32, #tpu.memory_space<vmem>>, vector<16xf32>,
        %add3A_1427 = arith.addf %add3A_1419, %get3A_1426 : vector<16xf32>
        %add3A_1428 = arith.constant 384 : i32
        %add3A_1429 = arith.addi %add3A_1428, %scan3A_1288 : i32
        %get3A_1430 = arith.constant 1 : i32
        %get3A_1431 = arith.index_cast %get3A_1430 : i32 to index
        %get3A_1432 = arith.index_cast %add3A_1429 : i32 to index
        %get3A_1433 = arith.constant 48 : index
        %get3A_1434 = tpu.vector_load %arg6[%get3A_1431, %get3A_1432, %get3A_1433] {strides = array<i32>} : memref<2x512x64xf32, #tpu.memory_space<vmem>>, vector<16xf32>,
        %add3A_1435 = arith.addf %add3A_1427, %get3A_1434 : vector<16xf32>
        %swap3A_1436 = arith.index_cast %scan3A_1288 : i32 to index
        %swap3A_1437 = arith.constant 48 : index
        %swap3A_1438 = tpu.vector_load %arg7[%swap3A_1436, %swap3A_1437] {strides = array<i32>} : memref<128x64xf32, #tpu.memory_space<vmem>>, vector<16xf32>,
        tpu.vector_store %arg7[%swap3A_1436, %swap3A_1437], %add3A_1435 {strides = array<i32>} : memref<128x64xf32, #tpu.memory_space<vmem>>, vector<16xf32>,
      }
      %scan3A_1237 = arith.constant 128 : i32
      %jit3A_1238 = arith.constant 50 : i32
      %eq3A_1239 = arith.constant 0 : i32
      %eq3A_1240 = arith.cmpi eq, %jit3A_1238, %eq3A_1239 : i32
      %jit3A_1241 = arith.constant 1 : i32
      %select_n3A_1242 = arith.select %eq3A_1240, %jit3A_1241, %jit3A_1238 : i32
      %rem3A_1243 = arith.remsi %add3A_1188, %select_n3A_1242 : i32
      %ne3A_1244 = arith.constant 0 : i32
      %ne3A_1245 = arith.cmpi ne, %rem3A_1243, %ne3A_1244 : i32
      %lt3A_1246 = arith.constant 0 : i32
      %lt3A_1247 = arith.cmpi slt, %rem3A_1243, %lt3A_1246 : i32
      %lt3A_1248 = arith.constant 0 : i32
      %lt3A_1249 = arith.cmpi slt, %select_n3A_1242, %lt3A_1248 : i32
      %ne3A_1250 = arith.xori %lt3A_1247, %lt3A_1249 : i1
      %and3A_1251 = arith.andi %ne3A_1250, %ne3A_1245 : i1
      %add3A_1252 = arith.addi %rem3A_1243, %select_n3A_1242 : i32
      %select_n3A_1253 = arith.select %and3A_1251, %add3A_1252, %rem3A_1243 : i32
      %eq3A_1254 = arith.constant 49 : i32
      %eq3A_1255 = arith.cmpi eq, %select_n3A_1253, %eq3A_1254 : i32
      %gt3A_1256 = arith.constant 50 : i32
      %gt3A_1257 = arith.cmpi sgt, %add3A_1188, %gt3A_1256 : i32
      %and3A_1258 = arith.andi %eq3A_1255, %gt3A_1257 : i1
      %convert_element_type3A_1259 = arith.extui %and3A_1258 : i1 to i32
      %cond3A_1260 = arith.constant 0 : i32
      %cond3A_1261 = arith.cmpi ne, %convert_element_type3A_1259, %cond3A_1260 : i32
      scf.if %cond3A_1261 {
        %sub3A_1288 = arith.constant 50 : i32
        %sub3A_1289 = arith.subi %add3A_1188, %sub3A_1288 : i32
        %jit3A_1290 = arith.constant 50 : i32
        %div3A_1291 = arith.divsi %sub3A_1289, %jit3A_1290 : i32
        %sign3A_1292 = arith.constant 0 : i32
        %sign3A_1293 = arith.cmpi sgt, %sub3A_1289, %sign3A_1292 : i32
        %sign3A_1294 = arith.extui %sign3A_1293 : i1 to i32
        %sign3A_1295 = arith.constant 0 : i32
        %sign3A_1296 = arith.cmpi slt, %sub3A_1289, %sign3A_1295 : i32
        %sign3A_1297 = arith.extui %sign3A_1296 : i1 to i32
        %sign3A_1298 = arith.subi %sign3A_1294, %sign3A_1297 : i32
        %sign3A_1299 = arith.constant 0 : i32
        %sign3A_1300 = arith.cmpi sgt, %jit3A_1290, %sign3A_1299 : i32
        %sign3A_1301 = arith.extui %sign3A_1300 : i1 to i32
        %sign3A_1302 = arith.constant 0 : i32
        %sign3A_1303 = arith.cmpi slt, %jit3A_1290, %sign3A_1302 : i32
        %sign3A_1304 = arith.extui %sign3A_1303 : i1 to i32
        %sign3A_1305 = arith.subi %sign3A_1301, %sign3A_1304 : i32
        %ne3A_1306 = arith.cmpi ne, %sign3A_1298, %sign3A_1305 : i32
        %rem3A_1307 = arith.remsi %sub3A_1289, %jit3A_1290 : i32
        %ne3A_1308 = arith.constant 0 : i32
        %ne3A_1309 = arith.cmpi ne, %rem3A_1307, %ne3A_1308 : i32
        %and3A_1310 = arith.andi %ne3A_1306, %ne3A_1309 : i1
        %sub3A_1311 = arith.constant 1 : i32
        %sub3A_1312 = arith.subi %div3A_1291, %sub3A_1311 : i32
        %select_n3A_1313 = arith.select %and3A_1310, %sub3A_1312, %div3A_1291 : i32
        %mul3A_1314 = arith.constant 128 : i32
        %mul3A_1315 = arith.muli %select_n3A_1313, %mul3A_1314 : i32
        %add3A_1316 = arith.addi %mul3A_2, %mul3A_1315 : i32
        %dma_wait3A_1317 = arith.constant 0 : i32
        %dma_wait3A_1318 = tpu.memref_slice %arg4[%add3A_1316, %dma_wait3A_1317] : memref<16384x64xf32, #tpu.memory_space<hbm>> -> memref<128x64xf32, #tpu.memory_space<hbm>>
        %dma_wait3A_1319 = arith.constant 0 : i32
        %dma_wait3A_1320 = tpu.memref_slice %arg4[%add3A_1316, %dma_wait3A_1319] : memref<16384x64xf32, #tpu.memory_space<hbm>> -> memref<128x64xf32, #tpu.memory_space<hbm>>
        tpu.wait_dma2 semaphore(%arg15 : memref<!tpu.dma_semaphore, #tpu.memory_space<semaphore_mem>>) src(%arg8 : memref<128x64xf32, #tpu.memory_space<vmem>>) dst(%dma_wait3A_1320 : memref<128x64xf32, #tpu.memory_space<hbm>>)
      } else {
      }
      %jit3A_1262 = arith.constant 50 : i32
      %eq3A_1263 = arith.constant 0 : i32
      %eq3A_1264 = arith.cmpi eq, %jit3A_1262, %eq3A_1263 : i32
      %jit3A_1265 = arith.constant 1 : i32
      %select_n3A_1266 = arith.select %eq3A_1264, %jit3A_1265, %jit3A_1262 : i32
      %rem3A_1267 = arith.remsi %add3A_1188, %select_n3A_1266 : i32
      %ne3A_1268 = arith.constant 0 : i32
      %ne3A_1269 = arith.cmpi ne, %rem3A_1267, %ne3A_1268 : i32
      %lt3A_1270 = arith.constant 0 : i32
      %lt3A_1271 = arith.cmpi slt, %rem3A_1267, %lt3A_1270 : i32
      %lt3A_1272 = arith.constant 0 : i32
      %lt3A_1273 = arith.cmpi slt, %select_n3A_1266, %lt3A_1272 : i32
      %ne3A_1274 = arith.xori %lt3A_1271, %lt3A_1273 : i1
      %and3A_1275 = arith.andi %ne3A_1274, %ne3A_1269 : i1
      %add3A_1276 = arith.addi %rem3A_1267, %select_n3A_1266 : i32
      %select_n3A_1277 = arith.select %and3A_1275, %add3A_1276, %rem3A_1267 : i32
      %eq3A_1278 = arith.constant 49 : i32
      %eq3A_1279 = arith.cmpi eq, %select_n3A_1277, %eq3A_1278 : i32
      %convert_element_type3A_1280 = arith.extui %eq3A_1279 : i1 to i32
      %cond3A_1281 = arith.constant 0 : i32
      %cond3A_1282 = arith.cmpi ne, %convert_element_type3A_1280, %cond3A_1281 : i32
      scf.if %cond3A_1282 {
        %scan3A_1288 = arith.constant 0 : i32
        %scan3A_1289 = arith.constant 0 : i32
        %scan3A_1290 = arith.constant 128 : i32
        %scan3A_1291 = arith.addi %scan3A_1289, %scan3A_1290 : i32
        %scan3A_1292 = arith.constant 1 : i32
        scf.for %scan3A_1325 = %scan3A_1289 to %scan3A_1291 step %scan3A_1292  : i32 {
          %get3A = arith.index_cast %scan3A_1325 : i32 to index
          %get3A_1326 = arith.constant 0 : index
          %get3A_1327 = tpu.vector_load %arg7[%get3A, %get3A_1326] {strides = array<i32>} : memref<128x64xf32, #tpu.memory_space<vmem>>, vector<16xf32>,
          %mul3A_1328 = vector.broadcast %scan3A_113 : f32 to vector<16xf32>
          %mul3A_1329 = arith.mulf %get3A_1327, %mul3A_1328 : vector<16xf32>
          %swap3A = arith.index_cast %scan3A_1325 : i32 to index
          %swap3A_1330 = arith.constant 0 : index
          %swap3A_1331 = tpu.vector_load %arg8[%swap3A, %swap3A_1330] {strides = array<i32>} : memref<128x64xf32, #tpu.memory_space<vmem>>, vector<16xf32>,
          tpu.vector_store %arg8[%swap3A, %swap3A_1330], %mul3A_1329 {strides = array<i32>} : memref<128x64xf32, #tpu.memory_space<vmem>>, vector<16xf32>,
          %get3A_1332 = arith.index_cast %scan3A_1325 : i32 to index
          %get3A_1333 = arith.constant 16 : index
          %get3A_1334 = tpu.vector_load %arg7[%get3A_1332, %get3A_1333] {strides = array<i32>} : memref<128x64xf32, #tpu.memory_space<vmem>>, vector<16xf32>,
          %mul3A_1335 = vector.broadcast %scan3A_113 : f32 to vector<16xf32>
          %mul3A_1336 = arith.mulf %get3A_1334, %mul3A_1335 : vector<16xf32>
          %swap3A_1337 = arith.index_cast %scan3A_1325 : i32 to index
          %swap3A_1338 = arith.constant 16 : index
          %swap3A_1339 = tpu.vector_load %arg8[%swap3A_1337, %swap3A_1338] {strides = array<i32>} : memref<128x64xf32, #tpu.memory_space<vmem>>, vector<16xf32>,
          tpu.vector_store %arg8[%swap3A_1337, %swap3A_1338], %mul3A_1336 {strides = array<i32>} : memref<128x64xf32, #tpu.memory_space<vmem>>, vector<16xf32>,
          %get3A_1340 = arith.index_cast %scan3A_1325 : i32 to index
          %get3A_1341 = arith.constant 32 : index
          %get3A_1342 = tpu.vector_load %arg7[%get3A_1340, %get3A_1341] {strides = array<i32>} : memref<128x64xf32, #tpu.memory_space<vmem>>, vector<16xf32>,
          %mul3A_1343 = vector.broadcast %scan3A_113 : f32 to vector<16xf32>
          %mul3A_1344 = arith.mulf %get3A_1342, %mul3A_1343 : vector<16xf32>
          %swap3A_1345 = arith.index_cast %scan3A_1325 : i32 to index
          %swap3A_1346 = arith.constant 32 : index
          %swap3A_1347 = tpu.vector_load %arg8[%swap3A_1345, %swap3A_1346] {strides = array<i32>} : memref<128x64xf32, #tpu.memory_space<vmem>>, vector<16xf32>,
          tpu.vector_store %arg8[%swap3A_1345, %swap3A_1346], %mul3A_1344 {strides = array<i32>} : memref<128x64xf32, #tpu.memory_space<vmem>>, vector<16xf32>,
          %get3A_1348 = arith.index_cast %scan3A_1325 : i32 to index
          %get3A_1349 = arith.constant 48 : index
          %get3A_1350 = tpu.vector_load %arg7[%get3A_1348, %get3A_1349] {strides = array<i32>} : memref<128x64xf32, #tpu.memory_space<vmem>>, vector<16xf32>,
          %mul3A_1351 = vector.broadcast %scan3A_113 : f32 to vector<16xf32>
          %mul3A_1352 = arith.mulf %get3A_1350, %mul3A_1351 : vector<16xf32>
          %swap3A_1353 = arith.index_cast %scan3A_1325 : i32 to index
          %swap3A_1354 = arith.constant 48 : index
          %swap3A_1355 = tpu.vector_load %arg8[%swap3A_1353, %swap3A_1354] {strides = array<i32>} : memref<128x64xf32, #tpu.memory_space<vmem>>, vector<16xf32>,
          tpu.vector_store %arg8[%swap3A_1353, %swap3A_1354], %mul3A_1352 {strides = array<i32>} : memref<128x64xf32, #tpu.memory_space<vmem>>, vector<16xf32>,
        }
        %scan3A_1293 = arith.constant 128 : i32
        %jit3A_1294 = arith.constant 50 : i32
        %div3A_1295 = arith.divsi %add3A_1188, %jit3A_1294 : i32
        %sign3A_1296 = arith.constant 0 : i32
        %sign3A_1297 = arith.cmpi sgt, %add3A_1188, %sign3A_1296 : i32
        %sign3A_1298 = arith.extui %sign3A_1297 : i1 to i32
        %sign3A_1299 = arith.constant 0 : i32
        %sign3A_1300 = arith.cmpi slt, %add3A_1188, %sign3A_1299 : i32
        %sign3A_1301 = arith.extui %sign3A_1300 : i1 to i32
        %sign3A_1302 = arith.subi %sign3A_1298, %sign3A_1301 : i32
        %sign3A_1303 = arith.constant 0 : i32
        %sign3A_1304 = arith.cmpi sgt, %jit3A_1294, %sign3A_1303 : i32
        %sign3A_1305 = arith.extui %sign3A_1304 : i1 to i32
        %sign3A_1306 = arith.constant 0 : i32
        %sign3A_1307 = arith.cmpi slt, %jit3A_1294, %sign3A_1306 : i32
        %sign3A_1308 = arith.extui %sign3A_1307 : i1 to i32
        %sign3A_1309 = arith.subi %sign3A_1305, %sign3A_1308 : i32
        %ne3A_1310 = arith.cmpi ne, %sign3A_1302, %sign3A_1309 : i32
        %rem3A_1311 = arith.remsi %add3A_1188, %jit3A_1294 : i32
        %ne3A_1312 = arith.constant 0 : i32
        %ne3A_1313 = arith.cmpi ne, %rem3A_1311, %ne3A_1312 : i32
        %and3A_1314 = arith.andi %ne3A_1310, %ne3A_1313 : i1
        %sub3A_1315 = arith.constant 1 : i32
        %sub3A_1316 = arith.subi %div3A_1295, %sub3A_1315 : i32
        %select_n3A_1317 = arith.select %and3A_1314, %sub3A_1316, %div3A_1295 : i32
        %mul3A_1318 = arith.constant 128 : i32
        %mul3A_1319 = arith.muli %select_n3A_1317, %mul3A_1318 : i32
        %add3A_1320 = arith.addi %mul3A_2, %mul3A_1319 : i32
        %dma_start3A_1321 = arith.constant 0 : i32
        %dma_start3A_1322 = tpu.memref_slice %arg4[%add3A_1320, %dma_start3A_1321] : memref<16384x64xf32, #tpu.memory_space<hbm>> -> memref<128x64xf32, #tpu.memory_space<hbm>>
        %dma_start3A_1323 = arith.constant 0 : i32
        %dma_start3A_1324 = tpu.memref_slice %arg4[%add3A_1320, %dma_start3A_1323] : memref<16384x64xf32, #tpu.memory_space<hbm>> -> memref<128x64xf32, #tpu.memory_space<hbm>>
        tpu.enqueue_dma source(%arg8 : memref<128x64xf32, #tpu.memory_space<vmem>>) target(%dma_start3A_1324 : memref<128x64xf32, #tpu.memory_space<hbm>>) target_semaphore(%arg15 : memref<!tpu.dma_semaphore, #tpu.memory_space<semaphore_mem>>)
      } else {
      }
      %lt3A_1283 = arith.constant 24 : i32
      %lt3A_1284 = arith.cmpi slt, %scan3A_125, %lt3A_1283 : i32
      %convert_element_type3A_1285 = arith.extui %lt3A_1284 : i1 to i32
      %cond3A_1286 = arith.constant 0 : i32
      %cond3A_1287 = arith.cmpi ne, %convert_element_type3A_1285, %cond3A_1286 : i32
      scf.if %cond3A_1287 {
        %add3A_1288 = arith.constant 2 : i32
        %add3A_1289 = arith.addi %add3A_1188, %add3A_1288 : i32
        %jit3A_1290 = arith.constant 2 : i32
        %eq3A_1291 = arith.constant 0 : i32
        %eq3A_1292 = arith.cmpi eq, %jit3A_1290, %eq3A_1291 : i32
        %jit3A_1293 = arith.constant 1 : i32
        %select_n3A_1294 = arith.select %eq3A_1292, %jit3A_1293, %jit3A_1290 : i32
        %rem3A_1295 = arith.remsi %add3A_1289, %select_n3A_1294 : i32
        %ne3A_1296 = arith.constant 0 : i32
        %ne3A_1297 = arith.cmpi ne, %rem3A_1295, %ne3A_1296 : i32
        %lt3A_1298 = arith.constant 0 : i32
        %lt3A_1299 = arith.cmpi slt, %rem3A_1295, %lt3A_1298 : i32
        %lt3A_1300 = arith.constant 0 : i32
        %lt3A_1301 = arith.cmpi slt, %select_n3A_1294, %lt3A_1300 : i32
        %ne3A_1302 = arith.xori %lt3A_1299, %lt3A_1301 : i1
        %and3A_1303 = arith.andi %ne3A_1302, %ne3A_1297 : i1
        %add3A_1304 = arith.addi %rem3A_1295, %select_n3A_1294 : i32
        %select_n3A_1305 = arith.select %and3A_1303, %add3A_1304, %rem3A_1295 : i32
        %mul3A_1306 = arith.constant 512 : i32
        %mul3A_1307 = arith.muli %mul3A_1306, %select_n3A_1305 : i32
        %dma_start3A_1308 = arith.constant 0 : i32
        %dma_start3A_1309 = arith.constant 1 : i32
        %dma_start3A_1310 = arith.constant 0 : i32
        %dma_start3A_1311 = arith.constant 0 : i32
        %dma_start3A_1312 = tpu.memref_slice %arg6[%dma_start3A_1309, %dma_start3A_1310, %dma_start3A_1311] : memref<2x512x64xf32, #tpu.memory_space<vmem>> -> memref<1x512x64xf32, #tpu.memory_space<vmem>>
        %dma_start3A_1313 = tpu.memref_squeeze %dma_start3A_1312 : memref<1x512x64xf32, #tpu.memory_space<vmem>> -> memref<512x64xf32, #tpu.memory_space<vmem>>
        %dma_start3A_1314 = tpu.memref_slice %arg5[%dma_start3A_1308, %mul3A_1307] : memref<4x1024xi32, #tpu.memory_space<vmem>> -> memref<1x512xi32, #tpu.memory_space<vmem>>
        %dma_start3A_1315 = tpu.memref_squeeze %dma_start3A_1314 : memref<1x512xi32, #tpu.memory_space<vmem>> -> memref<512xi32, #tpu.memory_space<vmem>>
        %dma_start3A_1316 = arith.constant 0 : i32
        %dma_start3A_1317 = arith.constant 0 : i32
        %dma_start3A_1318 = tpu.memref_slice %arg3[%dma_start3A_1316, %dma_start3A_1317] : memref<2000000x64xf32, #tpu.memory_space<hbm>> -> memref<2000000x64xf32, #tpu.memory_space<hbm>>
        tpu.enqueue_indirect_dma source(%dma_start3A_1318 : memref<2000000x64xf32, #tpu.memory_space<hbm>>) target(%dma_start3A_1313 : memref<512x64xf32, #tpu.memory_space<vmem>>) offsets(%dma_start3A_1315 : memref<512xi32, #tpu.memory_space<vmem>>) semaphore(%arg14 : memref<!tpu.dma_semaphore, #tpu.memory_space<semaphore_mem>>)
        %jit3A_1319 = arith.constant 25 : i32
        %eq3A_1320 = arith.constant 0 : i32
        %eq3A_1321 = arith.cmpi eq, %jit3A_1319, %eq3A_1320 : i32
        %jit3A_1322 = arith.constant 1 : i32
        %select_n3A_1323 = arith.select %eq3A_1321, %jit3A_1322, %jit3A_1319 : i32
        %rem3A_1324 = arith.remsi %add3A_1198, %select_n3A_1323 : i32
        %ne3A_1325 = arith.constant 0 : i32
        %ne3A_1326 = arith.cmpi ne, %rem3A_1324, %ne3A_1325 : i32
        %lt3A_1327 = arith.constant 0 : i32
        %lt3A_1328 = arith.cmpi slt, %rem3A_1324, %lt3A_1327 : i32
        %lt3A_1329 = arith.constant 0 : i32
        %lt3A_1330 = arith.cmpi slt, %select_n3A_1323, %lt3A_1329 : i32
        %ne3A_1331 = arith.xori %lt3A_1328, %lt3A_1330 : i1
        %and3A_1332 = arith.andi %ne3A_1331, %ne3A_1326 : i1
        %add3A_1333 = arith.addi %rem3A_1324, %select_n3A_1323 : i32
        %select_n3A_1334 = arith.select %and3A_1332, %add3A_1333, %rem3A_1324 : i32
        %jit3A_1335 = arith.constant 25 : i32
        %div3A_1336 = arith.divsi %add3A_1198, %jit3A_1335 : i32
        %sign3A_1337 = arith.constant 0 : i32
        %sign3A_1338 = arith.cmpi sgt, %add3A_1198, %sign3A_1337 : i32
        %sign3A_1339 = arith.extui %sign3A_1338 : i1 to i32
        %sign3A_1340 = arith.constant 0 : i32
        %sign3A_1341 = arith.cmpi slt, %add3A_1198, %sign3A_1340 : i32
        %sign3A_1342 = arith.extui %sign3A_1341 : i1 to i32
        %sign3A_1343 = arith.subi %sign3A_1339, %sign3A_1342 : i32
        %sign3A_1344 = arith.constant 0 : i32
        %sign3A_1345 = arith.cmpi sgt, %jit3A_1335, %sign3A_1344 : i32
        %sign3A_1346 = arith.extui %sign3A_1345 : i1 to i32
        %sign3A_1347 = arith.constant 0 : i32
        %sign3A_1348 = arith.cmpi slt, %jit3A_1335, %sign3A_1347 : i32
        %sign3A_1349 = arith.extui %sign3A_1348 : i1 to i32
        %sign3A_1350 = arith.subi %sign3A_1346, %sign3A_1349 : i32
        %ne3A_1351 = arith.cmpi ne, %sign3A_1343, %sign3A_1350 : i32
        %rem3A_1352 = arith.remsi %add3A_1198, %jit3A_1335 : i32
        %ne3A_1353 = arith.constant 0 : i32
        %ne3A_1354 = arith.cmpi ne, %rem3A_1352, %ne3A_1353 : i32
        %and3A_1355 = arith.andi %ne3A_1351, %ne3A_1354 : i1
        %sub3A_1356 = arith.constant 1 : i32
        %sub3A_1357 = arith.subi %div3A_1336, %sub3A_1356 : i32
        %select_n3A_1358 = arith.select %and3A_1355, %sub3A_1357, %div3A_1336 : i32
        %add3A_1359 = arith.addi %mul3A_4, %select_n3A_1358 : i32
        %dma_start3A_1360 = arith.constant 1 : i32
        %dma_start3A_1361 = arith.constant 0 : i32
        %dma_start3A_1362 = tpu.memref_slice %arg5[%dma_start3A_1360, %dma_start3A_1361] : memref<4x1024xi32, #tpu.memory_space<vmem>> -> memref<1x1024xi32, #tpu.memory_space<vmem>>
        %dma_start3A_1363 = tpu.memref_squeeze %dma_start3A_1362 : memref<1x1024xi32, #tpu.memory_space<vmem>> -> memref<1024xi32, #tpu.memory_space<vmem>>
        %dma_start3A_1364 = arith.constant 0 : i32
        %dma_start3A_1365 = tpu.memref_slice %arg2[%select_n3A_1334, %add3A_1359, %dma_start3A_1364] : memref<25x128x1024xi32, #tpu.memory_space<hbm>> -> memref<1x1x1024xi32, #tpu.memory_space<hbm>>
        %dma_start3A_1366 = tpu.memref_squeeze %dma_start3A_1365 : memref<1x1x1024xi32, #tpu.memory_space<hbm>> -> memref<1024xi32, #tpu.memory_space<hbm>>
        %dma_start3A_1367 = arith.constant 0 : i32
        %dma_start3A_1368 = tpu.memref_slice %arg5[%dma_start3A_1360, %dma_start3A_1367] : memref<4x1024xi32, #tpu.memory_space<vmem>> -> memref<1x1024xi32, #tpu.memory_space<vmem>>
        %dma_start3A_1369 = tpu.memref_squeeze %dma_start3A_1368 : memref<1x1024xi32, #tpu.memory_space<vmem>> -> memref<1024xi32, #tpu.memory_space<vmem>>
        %dma_start3A_1370 = arith.constant 0 : i32
        %dma_start3A_1371 = tpu.memref_slice %arg2[%select_n3A_1334, %add3A_1359, %dma_start3A_1370] : memref<25x128x1024xi32, #tpu.memory_space<hbm>> -> memref<1x1x1024xi32, #tpu.memory_space<hbm>>
        %dma_start3A_1372 = tpu.memref_squeeze %dma_start3A_1371 : memref<1x1x1024xi32, #tpu.memory_space<hbm>> -> memref<1024xi32, #tpu.memory_space<hbm>>
        tpu.enqueue_dma source(%dma_start3A_1372 : memref<1024xi32, #tpu.memory_space<hbm>>) target(%dma_start3A_1369 : memref<1024xi32, #tpu.memory_space<vmem>>) target_semaphore(%arg10 : memref<!tpu.dma_semaphore, #tpu.memory_space<semaphore_mem>>)
      } else {
      }
    }
    %scan3A_118 = arith.constant 25 : i32
    %add3A_119 = arith.constant 384 : i32
    %add3A_120 = arith.addi %mul3A_2, %add3A_119 : i32
    %dma_wait3A_121 = arith.constant 0 : i32
    %dma_wait3A_122 = tpu.memref_slice %arg4[%add3A_120, %dma_wait3A_121] : memref<16384x64xf32, #tpu.memory_space<hbm>> -> memref<128x64xf32, #tpu.memory_space<hbm>>
    %dma_wait3A_123 = arith.constant 0 : i32
    %dma_wait3A_124 = tpu.memref_slice %arg4[%add3A_120, %dma_wait3A_123] : memref<16384x64xf32, #tpu.memory_space<hbm>> -> memref<128x64xf32, #tpu.memory_space<hbm>>
    tpu.wait_dma2 semaphore(%arg15 : memref<!tpu.dma_semaphore, #tpu.memory_space<semaphore_mem>>) src(%arg8 : memref<128x64xf32, #tpu.memory_space<vmem>>) dst(%dma_wait3A_124 : memref<128x64xf32, #tpu.memory_space<hbm>>)
    return
  }
}

</mosaic_0001>

<sc_bundles>
// kernel: kernel.3.cloned.1.call-start
scs
__scs_entry_jumppad:
0x0: {  	(pc) =	sbr.rel $0x88, $3  }
0x1: {  	(tag) =	ssettag $0x0;
	lr =	simm.s32 $0x1  }
0x2: {  	[smem:$0x3F9F] =	sst lr;
	_ =	strace $0xD0000000  }
0x3: {  	_ = 	snop  }
0x4: {  	_ = 	snop  }
0x5: {  	_ = 	snop  }
0x6: {  	_ = 	snop  }
0x7: {  	_ = 	snop  }
__scs_overlays_trampoline_lowered:
0x8: {  	[smem:$0x3FAE] =	sst s0  }
0x9: {  	[smem:$0x3FAF] =	sst s1  }
0xa: {  	[smem:$0x3FB0] =	sst s2  }
0xb: {  	[smem:$0x3FB1] =	sst s3  }
0xc: {  	[smem:$0x3FB2] =	sst s4  }
0xd: {  	[smem:$0x3FB3] =	sst s5  }
0xe: {  	[smem:$0x3FB4] =	sst s6  }
0xf: {  	[smem:$0x3FB5] =	sst s7  }
0x10: {  	[smem:$0x3FB6] =	sst s8  }
0x11: {  	[smem:$0x3FB7] =	sst s9;
	s0 =	simm.s32 @!p0 $0x0  }
0x12: {  	s1 =	sld [smem:$0x3F9D];
	s0 =	simm.s32 @p0 $0x1  }
0x13: {  	[smem:$0x3FB8] =	sst s0;
	s0 =	simm.s32 @!p1 $0x0  }
0x14: {  	s2 =	sld [smem:$0x3F9C];
	s0 =	simm.s32 @p1 $0x1  }
0x15: {  	[smem:$0x3FB9] =	sst s0;
	s0 =	simm.s32 @!p2 $0x0  }
0x16: {  	s3 =	sld [smem:$0x3FDB];
	s0 =	simm.s32 @p2 $0x1  }
0x17: {  	s4 =	simm.s32 $0x1BF5;
	[smem:$0x3FBB] =	sst s0  }
0x18: {  	s0 =	sld [smem:$0x3F9E];
	_ =	swait.ge [sflag:s4], $0x0  }
0x19: {  	s7 =	sld [smem:$0x3F9F]  }
0x1a: {  	s8 =	sadd.s32 $0xFFFFE003, lr  }
0x1b: {  	s9 =	sadd.s32 $0xFFFFFEF7, lr;
	s5 =	simm.s32 $0xFFFFFFFF;
	p2 =	slt.u32 s8, $0xFFFFF086  }
0x1c: {  	p1 =	slt.u32 s9, $0xF7A;
	s5 =	simm.s32 @!p2 $0x0  }
0x1d: {  	s5 =	simm.s32 @p1 $0x1;
	p0 =	seq.s32 s7, s2  }
0x1e: {  	s7 =	smul.u32 @!p0 $0xF7A, s2;
	p2 =	seq.s32 @!p0 s5, $0x0  }
0x1f: {  	s9 =	smul.u32 $0xF7A, s1;
	s8 =	simm.s32 @!p0 $0x1BF5;
	p2 =	por !p2, p0  }
0x20: {  	[sflag:s8] =	ssyncset.s32 @!p0 $0xFFFFF086;
	s6 =	sadd.s32 @!p0 s3, s7;
	s7 =	simm.s32 @!p0 $0x108  }
0x21: {  	s3 =	sadd.s32 s3, s9;
	s6 =	sadd.s32 @!p0 $0x88, s6;
	s7 =	simm.s32 @p2 $0x1082  }
0x22: {  	[simem:s7], [sflag:s8] =	dma.local @!p0 [hbm:s6], $0xF7A  }
0x23: {  	s9 =	sor.u32 $0xD0000000, s2;
	s6 =	simm.s32 $0x108;
	_ =	swait.ge @!p0 [sflag:s8], $0x0  }
0x24: {  	s3 =	sadd.s32 $0x88, s3;
	s6 =	simm.s32 @!p1 $0x1082;
	[sflag:s4] =	ssyncset.s32 $0xFFFFF086  }
0x25: {  	[simem:s6], [sflag:s4] =	dma.local [hbm:s3], $0xF7A  }
0x26: {  	[smem:$0x3F9F] =	sst s1;
	(tag) =	ssettag s2;
	_ =	strace s9  }
0x27: {  	s1 =	sld [smem:$0x3FAF]  }
0x28: {  	s2 =	sld [smem:$0x3FB0]  }
0x29: {  	s4 =	sld [smem:$0x3FB2]  }
0x2a: {  	p0 =	seq.s32 s5, $0x0;
	s5 =	sld [smem:$0x3FB3]  }
0x2b: {  	s6 =	sld [smem:$0x3FB4]  }
0x2c: {  	s7 =	sld [smem:$0x3FB5]  }
0x2d: {  	s3 =	simm.s32 $0x108;
	s8 =	sld [smem:$0x3FB6]  }
0x2e: {  	s3 =	simm.s32 @!p0 $0x1082;
	s9 =	sld [smem:$0x3FB7]  }
0x2f: {  	lr =	sadd.s32 s0, s3;
	s0 =	sld [smem:$0x3FAE]  }
0x30: {  	s3 =	sld [smem:$0x3FB1]  }
0x31: {  	[smem:$0x3FBA] =	sst s10  }
0x32: {  	s10 =	sld [smem:$0x3FB8];
	_ =	sdelay $0x3  }
0x33: {  	p0 =	seq.s32 s10, $0x1;
	s10 =	sld [smem:$0x3FBA];
	_ =	sdelay $0x3  }
0x34: {  	[smem:$0x3FBA] =	sst s10  }
0x35: {  	s10 =	sld [smem:$0x3FB9];
	_ =	sdelay $0x3  }
0x36: {  	p1 =	seq.s32 s10, $0x1;
	s10 =	sld [smem:$0x3FBA];
	_ =	sdelay $0x3  }
0x37: {  	[smem:$0x3FBA] =	sst s10  }
0x38: {  	s10 =	sld [smem:$0x3FBB]  }
0x39: {  	_ = 	snop;
	(pc) =	sbr.ind lr, $3  }
0x3a: {  	_ = 	snop  }
0x3b: {  	_ = 	snop  }
0x3c: {  	p2 =	seq.s32 s10, $0x1;
	s10 =	sld [smem:$0x3FBA]  }
0x3d: {  	_ =	shalt  }
0x3e: {  	_ =	shalt  }
0x3f: {  	_ =	shalt  }
0x40: {  	_ =	shalt  }
0x41: {  	_ =	shalt  }
0x42: {  	_ =	shalt  }
0x43: {  	_ =	shalt  }
0x44: {  	_ =	shalt  }
0x45: {  	_ =	shalt  }
0x46: {  	_ =	shalt  }
0x47: {  	_ =	shalt  }
0x48: {  	_ =	shalt  }
0x49: {  	_ =	shalt  }
0x4a: {  	_ =	shalt  }
0x4b: {  	_ =	shalt  }
0x4c: {  	_ =	shalt  }
0x4d: {  	_ =	shalt  }
0x4e: {  	_ =	shalt  }
0x4f: {  	_ =	shalt  }
0x50: {  	_ =	shalt  }
0x51: {  	_ =	shalt  }
0x52: {  	_ =	shalt  }
0x53: {  	_ =	shalt  }
0x54: {  	_ =	shalt  }
0x55: {  	_ =	shalt  }
0x56: {  	_ =	shalt  }
0x57: {  	_ =	shalt  }
0x58: {  	_ =	shalt  }
0x59: {  	_ =	shalt  }
0x5a: {  	_ =	shalt  }
0x5b: {  	_ =	shalt  }
0x5c: {  	_ =	shalt  }
0x5d: {  	_ =	shalt  }
0x5e: {  	_ =	shalt  }
0x5f: {  	_ =	shalt  }
0x60: {  	_ =	shalt  }
0x61: {  	_ =	shalt  }
0x62: {  	_ =	shalt  }
0x63: {  	_ =	shalt  }
0x64: {  	_ =	shalt  }
0x65: {  	_ =	shalt  }
0x66: {  	_ =	shalt  }
0x67: {  	_ =	shalt  }
0x68: {  	_ =	shalt  }
0x69: {  	_ =	shalt  }
0x6a: {  	_ =	shalt  }
0x6b: {  	_ =	shalt  }
0x6c: {  	_ =	shalt  }
0x6d: {  	_ =	shalt  }
0x6e: {  	_ =	shalt  }
0x6f: {  	_ =	shalt  }
0x70: {  	_ =	shalt  }
0x71: {  	_ =	shalt  }
0x72: {  	_ =	shalt  }
0x73: {  	_ =	shalt  }
0x74: {  	_ =	shalt  }
0x75: {  	_ =	shalt  }
0x76: {  	_ =	shalt  }
0x77: {  	_ =	shalt  }
0x78: {  	_ =	shalt  }
0x79: {  	_ =	shalt  }
0x7a: {  	_ =	shalt  }
0x7b: {  	_ =	shalt  }
0x7c: {  	_ =	shalt  }
0x7d: {  	_ =	shalt  }
0x7e: {  	_ =	shalt  }
0x7f: {  	_ =	shalt  }
0x80: {  	_ =	shalt  }
0x81: {  	_ =	shalt  }
0x82: {  	_ =	shalt  }
0x83: {  	_ =	shalt  }
0x84: {  	_ =	shalt  }
0x85: {  	_ =	shalt  }
0x86: {  	_ =	shalt  }
0x87: {  	_ =	shalt  }
.Lfunc_end0:
.L_simem_size_0:
called_computation.1_lowered:
.L_overlay_start_0:
0x88: {  	s2 =	sld [smem:$0x3FD9]  }
0x89: {  	s3 =	sld [smem:$0x3FFE];
	_ =	sdelay $0x1  }
0x8a: {  	s1 =	srdreg.scid  }
0x8b: {  	s0 =	sand.u32 $0x1, s1  }
0x8c: {  	s17 =	sshll.u32 s0, $0xA;
	s2 =	sadd.s32 s3, s2  }
0x8d: {  	s2 =	sadd.s32 s2, s17  }
0x8e: {  	[smem:$0x3FC6] =	sst s2  }
0x8f: {  	_ = 	snop  }
0x90: {  	s2 =	sld [smem:$0x3FC9]  }
0x91: {  	s18 =	sld [smem:$0x3FD0];
	(tm) =	ssettm $0x1  }
0x92: {  	s4 =	sld [smem:$0x3FFB];
	_ =	sdelay $0x3  }
0x93: {  	_ =	strace s4  }
0x94: {  	s4 =	sld [smem:$0x3FFC];
	_ =	sdelay $0x3  }
0x95: {  	_ =	strace s4  }
0x96: {  	s4 =	sld [smem:$0x3FFD];
	_ =	sdelay $0x3  }
0x97: {  	_ =	strace s4  }
0x98: {  	_ =	strace $0x8FFFFFFF  }
0x99: {  	s19 =	sld [smem:$0x3FDB];
	_ =	sdelay $0x1  }
0x9a: {  	s5 =	simm.s32 $_scs_section_size  }
0x9b: {  	s6 =	simm.s32 $_size__tile_overlayer_lowered;
	s7 =	simm.s32 $_tile_overlayer_lowered  }
0x9c: {  	s22 =	simm.s32 $0x1BFF;
	s21 =	sshll.u32 s7, $0x1;
	s4 =	sadd.s32 s5, s19  }
0x9d: {  	s8 =	simm.s32 $0x0;
	s20 =	sshll.u32 s6, $0x1;
	s6 =	sadd.s32 s21, s4  }
0x9e: {  	[timem:s8], [sflag:s22] =	dma.local [hbm:s6], s20  }
0x9f: {  	_ =	swait.ge [sflag:s22], s20  }
0xa0: {  	s5 =	ssub.s32 $0x0, s20;
	[sflag:s22] =	ssyncset.done $0x0  }
0xa1: {  	[sflag:s22] =	ssyncadd.s32 s5;
	_ =	sdelay $0x1  }
0xa2: {  	s23 =	simm.s32 $0x1B8B  }
0xa3: {  	_ =	swait.ge [sflag:s23], $0x1  }
0xa4: {  	[sflag:s23] =	ssyncset.done $0x0  }
0xa5: {  	s25 =	simm.s32 $0x1B8E;
	s24 =	sld [smem:$0x3FFE];
	[sflag:s23] =	ssyncadd.s32 $0xFFFFFFFF  }
0xa6: {  	s26 =	simm.s32 $execute0_lowered;
	[smem:$0x3FD2] =	sst s25  }
0xa7: {  	s6 =	sshll.u32 s26, $0x1;
	_ =	strace $0x80000049;
	[dreg:$0x1] =	wrdreg $0xFFFFFFFF  }
0xa8: {  	s28 =	simm.s32 $_size_execute0_lowered;
	s4 =	sadd.s32 s4, s6;
	[dreg:$0x0] =	wrdreg $0x0  }
0xa9: {  	s6 =	sshll.u32 s28, $0x1;
	[dreg:$0x2] =	wrdreg s4  }
0xaa: {  	[dreg:$0x3] =	wrdreg s6  }
0xab: {  	[dreg:$0x4] =	wrdreg $0xC0  }
0xac: {  	_ =	task [dreg:s8], $0x5FFFF  }
0xad: {  	[dreg:$0x1] =	wrdreg $0xFFFFFFFF  }
0xae: {  	[dreg:$0x0] =	wrdreg $0x60  }
0xaf: {  	[dreg:$0x2] =	wrdreg s2  }
0xb0: {  	[dreg:$0x3] =	wrdreg s24  }
0xb1: {  	[dreg:$0x4] =	wrdreg s18  }
0xb2: {  	[dreg:$0x5] =	wrdreg $0x9  }
0xb3: {  	_ =	task.clear_ibuf [dreg:s8], $0x6FFFF;
	_ =	strace $0x90000049  }
0xb4: {  	s29 =	simm.s32 $0x9;
	_ =	strace $0x8000004B  }
0xb5: {  	_ =	swait.ge [sflag:s29], $0x1  }
0xb6: {  	[sflag:s29] =	ssyncadd.s32 $0xFFFFFFFF  }
0xb7: {  	_ =	strace $0x9000004B  }
0xb8: {  	_ =	sfence  }
0xb9: {  	s30 =	sld [smem:$0x0];
	_ =	sdelay $0x2  }
0xba: {  	s31 =	sshll.u32 s1, $0xD;
	s1 =	sshrl.u32 s1, $0x2  }
0xbb: {  	s3 =	sand.u32 $0x4000, s31;
	s1 =	sadd.s32 s1, s30  }
0xbc: {  	s0 =	sor.u32 s3, s0;
	s1 =	sshll.u32 s1, $0x11  }
0xbd: {  	s0 =	sor.u32 s1, s0  }
0xbe: {  	s0 =	sadd.s32 $0x8F2B, s0  }
0xbf: {  	[sflag:s0] =	ssyncadd.remote.s32 $0x1  }
0xc0: {  	_ =	sfence.sel $0xFFFF  }
0xc1: {  	[dreg:$0x0] =	wrdreg $0xFFFFFFFF;
	(pc) =	sbr.abs _section_cstart, $3  }
0xc2: {  	[dreg:$0x1] =	wrdreg $0xFFFFFFFF  }
0xc3: {  	_ =	task.clear_ibuf [dreg:s8], $0x2FFFF;
	_ =	strace $0x9FFFFFFF  }
0xc4: {  	(tm) =	ssettm $0x7FFFFFFF  }
0xc5: {  	_ =	shalt  }
tec
execute0_lowered:
.L_overlay_start_1:
0x0: {  	(tag) =	ssettag $0x1  }
0x1: {  	s1 =	rddreg [dreg:$0x0]  }
0x2: {  	s0 =	rddreg [dreg:$0x1]  }
0x3: {  	s2 =	rddreg [dreg:$0x2];
	s3 =	simm.s32 $0x0;
	s4 =	srdreg.scid  }
0x4: {  	s5 =	stileid.u32;
	s12 =	simm.s32 $0x400;
	s13 =	simm.s32 $0x800  }
0x5: {  	s14 =	simm.s32 $0xC00;
	s15 =	simm.s32 $0x1;
	s16 =	simm.s32 $0x200  }
0x6: {  	s17 =	simm.s32 $0x1000;
	s18 =	simm.s32 $0x9000;
	s19 =	simm.s32 $0x5  }
0x7: {  	s20 =	simm.s32 $0x2;
	s21 =	simm.s32 $0x6;
	s22 =	simm.s32 $0x7  }
0x8: {  	s23 =	simm.s32 $0x13000;
	s28 =	simm.s32 $0x4;
	s29 =	simm.s32 $0xE00  }
0x9: {  	[smem:$0x7FF] =	sst s3;
	s4 =	sand.u32 $0x1, s4;
	s5 =	sshll.u32 s5, $0x1  }
0xa: {  	s30 =	simm.s32 $0x0;
	_ =	strace $0x8000004A;
	s7 =	sor.u32 s4, s5  }
0xb: {  	s6 =	ssub.s32 $0x2, s4;
	s4 =	sadd.s32 $0xF42C00, s0;
	s5 =	sshll.u32 s7, $0x9  }
0xc: {  	s24 =	sshrl.u32 s6, $0x1;
	s8 =	sshll.u32 s7, $0xC;
	s5 =	sadd.s32 s1, s5  }
.Ltmp0:
0xd: {  	s0 =	ssub.s32 s6, s24;
	s25 =	sadd.s32 $0x4000, s5;
	(pc) =	sbr.rel .LBB2_1-.Ltmp0, $4  }
0xe: {  	s6 =	sshll.u32 s7, $0x2;
	s26 =	sadd.s32 $0x8000, s5;
	[dreg:$0x4] =	wrdreg s25  }
0xf: {  	s10 =	sadd.s32 s2, s8;
	s31 =	sadd.s32 $0xC000, s5;
	[dreg:$0x5] =	wrdreg s26  }
0x10: {  	s24 =	simm.s32 $0x600;
	s0 =	smax.u32 s0, $0x1;
	[dreg:$0x6] =	wrdreg s31  }
0x11: {  	v0 =	vimm.f32 $0.0e+00;
	[dreg:$0x7] =	wrdreg s0;
	s25 =	simm.s32 $0x3;
	s26 =	simm.s32 $0xA00  }
.LBB2_72:
0x12: {  	_ =	swait.ge [sflag:s22], $0x2000  }
0x13: {  	s30 =	sadd.s32 $0x1, s30;
	s0 =	rddreg [dreg:$0x7]  }
0x14: {  	p0 =	sne.s32 s30, s0  }
.Ltmp1:
0x15: {  	_ = 	snop;
	(pc) =	sbr.rel @!p0 .LBB2_73-.Ltmp1, $3  }
0x16: {  	_ =	sdelay $0x1  }
0x17: {  	[sflag:s22] =	ssyncset.done $0x0  }
0x18: {  	[sflag:s22] =	ssyncadd.s32 $0xFFFFE000  }
.LBB2_1:
0x19: {  	[tilespmem:s3], [sflag:$0x1] =	stream.linear.gather [hbm4b:s5+s3], $0x400, $0x38;
	[tilespmem:$0x15000] =	vst v63  }
0x1a: {  	s0 =	rddreg [dreg:$0x4]  }
0x1b: {  	[tilespmem:s12], [sflag:$0x2] =	stream.linear.gather [hbm4b:s0+s3], $0x400, $0x38;
	[tilespmem:$0x15000] =	vst v63  }
0x1c: {  	s11 =	rddreg [dreg:$0x5]  }
0x1d: {  	[tilespmem:s13], [sflag:$0x3] =	stream.linear.gather [hbm4b:s11+s3], $0x400, $0x38;
	[tilespmem:$0x15000] =	vst v63  }
0x1e: {  	s31 =	rddreg [dreg:$0x6]  }
0x1f: {  	[tilespmem:s14], [sflag:$0x4] =	stream.linear.gather [hbm4b:s31+s3], $0x400, $0x38;
	[tilespmem:$0x15000] =	vst v63  }
0x20: {  	_ =	swait.ge [sflag:s15], $0x400  }
0x21: {  	[sflag:s15] =	ssyncset.done $0x0  }
0x22: {  	s2 =	simm.s32 $0x40;
	s0 =	simm.s32 $0x0;
	[sflag:s15] =	ssyncadd.s32 $0xFFFFFC00  }
.LBB2_2:
0x23: {  	p0 =	sne.s32 s2, $0xFC0;
	v1 =	vld [tilespmem:s0+$0x0];
	_ =	sdelay $0x1  }
.Ltmp2:
0x24: {  	(pc) =	sbr.rel @p0 .LBB2_2-.Ltmp2, $3  }
0x25: {  	_ =	sdelay $0x1  }
0x26: {  	v1 =	vshll.u32 v1, $0x1  }
0x27: {  	[tilespmem:s0+$0x0] =	vst v1;
	s0 =	sshra.s32 s2, $0x2;
	s2 =	sadd.s32 $0x40, s2  }
0x28: {  	v1 =	vld [tilespmem:s0+$0x0];
	_ =	sdelay $0x4  }
0x29: {  	v1 =	vshll.u32 v1, $0x1  }
0x2a: {  	s31 =	simm.s32 $0x0;
	[tilespmem:s0+$0x0] =	vst v1  }
0x2b: {  	[tilespmem:s17], [sflag:$0x5] =	stream.indirect.gather [hbm4b:s4+s16], $0x40, s31, s16, $0xb8;
	[tilespmem:$0x15000] =	vst v63  }
0x2c: {  	_ = 	snop  }
0x2d: {  	[tilespmem:s18], [sflag:$0x6] =	stream.indirect.gather [hbm4b:s4+s16], $0x40, s16, s16, $0xb8;
	[tilespmem:$0x15000] =	vst v63  }
.LBB2_4:
0x2e: {  	s0 =	smul.u32 $0x148, s31;
	_ =	sdelay $0x1  }
0x2f: {  	s0 =	sand.u32 $0xF8, s0  }
0x30: {  	s0 =	sshrl.u32 s0, $0x1  }
0x31: {  	p0 =	sgt.u32 s0, $0x5  }
.Ltmp3:
0x32: {  	_ = 	snop;
	(pc) =	sbr.rel @p0 .LBB2_8-.Ltmp3, $4  }
0x33: {  	_ = 	snop  }
0x34: {  	_ =	swait.ge [sflag:s19], $0x8000  }
0x35: {  	[sflag:s19] =	ssyncset.done $0x0  }
0x36: {  	[sflag:s19] =	ssyncadd.s32 $0xFFFF8000  }
0x37: {  	s2 =	simm.s32 $0x100;
	s0 =	simm.s32 $0x0  }
.LBB2_6:
0x38: {  	p0 =	sne.s32 s2, $0x7F00;
	[tilespmem:s0+$0x11030] =	vst v0;
	s7 =	smov.u32 s2;
	s2 =	sadd.s32 $0x100, s2  }
.Ltmp4:
0x39: {  	[tilespmem:s0+$0x11020] =	vst v0;
	(pc) =	sbr.rel @p0 .LBB2_6-.Ltmp4, $3  }
0x3a: {  	[tilespmem:s0+$0x11000] =	vst v0  }
0x3b: {  	[tilespmem:s0+$0x11010] =	vst v0;
	_ =	sdelay $0x1  }
0x3c: {  	s0 =	sshra.s32 s7, $0x2  }
0x3d: {  	[tilespmem:s0+$0x11030] =	vst v0  }
0x3e: {  	[tilespmem:s0+$0x11020] =	vst v0  }
0x3f: {  	[tilespmem:s0+$0x11000] =	vst v0  }
0x40: {  	[tilespmem:s0+$0x11010] =	vst v0  }
.LBB2_8:
0x41: {  	s7 =	simm.s32 $0x0  }
0x42: {  	v3 =	vld [tilespmem:s7+$0x7000]  }
0x43: {  	v1 =	vld [tilespmem:s7+$0x7010]  }
0x44: {  	v4 =	vld [tilespmem:s7+$0x5000]  }
0x45: {  	v2 =	vld [tilespmem:s7+$0x5010]  }
0x46: {  	v6 =	vld [tilespmem:s7+$0x3000]  }
0x47: {  	v5 =	vld [tilespmem:s7+$0x3010]  }
0x48: {  	v9 =	vld [tilespmem:s7+$0x1000]  }
0x49: {  	v10 =	vld [tilespmem:s7+$0x1010]  }
0x4a: {  	v8 =	vld [tilespmem:s7+$0x1020]  }
0x4b: {  	v7 =	vld [tilespmem:s7+$0x1030]  }
0x4c: {  	v13 =	vld [tilespmem:s7+$0x11000]  }
0x4d: {  	v12 =	vld [tilespmem:s7+$0x11010]  }
0x4e: {  	s2 =	sshll.u32 s31, $0x3;
	s0 =	sshll.u32 s31, $0x2;
	s8 =	simm.s32 $0x100;
	v11 =	vld [tilespmem:s7+$0x11020]  }
.LBB2_9:
0x4f: {  	p0 =	sne.s32 s8, $0x7F00;
	v14 =	vld [tilespmem:s7+$0x11030]  }
0x50: {  	v15 =	vld [tilespmem:s7+$0x3020]  }
0x51: {  	v9 =	vadd.f32 v9, v13;
	v13 =	vld [tilespmem:s7+$0x3030]  }
0x52: {  	v10 =	vadd.f32 v10, v12;
	v12 =	vld [tilespmem:s7+$0x5020]  }
0x53: {  	v6 =	vadd.f32 v6, v9;
	v8 =	vadd.f32 v8, v11;
	v9 =	vld [tilespmem:s7+$0x5030]  }
0x54: {  	v5 =	vadd.f32 v5, v10;
	v10 =	vld [tilespmem:s7+$0x7020];
	v7 =	vadd.f32 v7, v14  }
0x55: {  	s9 =	sshra.s32 s8, $0x2;
	v4 =	vadd.f32 v4, v6;
	v6 =	vadd.f32 v15, v8;
	v8 =	vld [tilespmem:s7+$0x7030]  }
0x56: {  	v11 =	vld [tilespmem:s9+$0x7000];
	v2 =	vadd.f32 v2, v5;
	v5 =	vadd.f32 v13, v7  }
0x57: {  	v7 =	vld [tilespmem:s9+$0x7010];
	v3 =	vadd.f32 v3, v4;
	v6 =	vadd.f32 v12, v6  }
0x58: {  	v4 =	vld [tilespmem:s9+$0x5000];
	v1 =	vadd.f32 v1, v2;
	v5 =	vadd.f32 v9, v5  }
0x59: {  	v2 =	vld [tilespmem:s9+$0x5010];
	[tilespmem:s7+$0x11000] =	vst v3;
	v9 =	vadd.f32 v10, v6  }
0x5a: {  	v6 =	vld [tilespmem:s9+$0x3000];
	[tilespmem:s7+$0x11010] =	vst v1;
	v8 =	vadd.f32 v8, v5  }
0x5b: {  	v5 =	vld [tilespmem:s9+$0x3010];
	[tilespmem:s7+$0x11020] =	vst v9;
	v3 =	vmov v11  }
0x5c: {  	v9 =	vld [tilespmem:s9+$0x1000];
	[tilespmem:s7+$0x11030] =	vst v8;
	v1 =	vmov v7;
	s7 =	smov.u32 s9  }
0x5d: {  	v10 =	vld [tilespmem:s7+$0x1010]  }
.Ltmp5:
0x5e: {  	v8 =	vld [tilespmem:s7+$0x1020];
	(pc) =	sbr.rel @p0 .LBB2_9-.Ltmp5, $4  }
0x5f: {  	v7 =	vld [tilespmem:s7+$0x1030]  }
0x60: {  	v13 =	vld [tilespmem:s7+$0x11000]  }
0x61: {  	v12 =	vld [tilespmem:s7+$0x11010]  }
0x62: {  	s8 =	sadd.s32 $0x100, s8;
	v11 =	vld [tilespmem:s7+$0x11020]  }
0x63: {  	v14 =	vld [tilespmem:s7+$0x11030]  }
0x64: {  	v15 =	vld [tilespmem:s7+$0x3020]  }
0x65: {  	v56 =	vld [tilespmem:s7+$0x3030];
	v9 =	vadd.f32 v9, v13  }
0x66: {  	v57 =	vld [tilespmem:s7+$0x5020];
	v10 =	vadd.f32 v10, v12  }
0x67: {  	v58 =	vld [tilespmem:s7+$0x5030];
	v6 =	vadd.f32 v6, v9;
	v8 =	vadd.f32 v8, v11  }
0x68: {  	v59 =	vld [tilespmem:s7+$0x7020];
	v5 =	vadd.f32 v5, v10;
	v7 =	vadd.f32 v7, v14  }
0x69: {  	v61 =	vld [tilespmem:s7+$0x7030];
	v4 =	vadd.f32 v4, v6;
	v60 =	vadd.f32 v15, v8  }
0x6a: {  	v2 =	vadd.f32 v2, v5;
	v62 =	vadd.f32 v56, v7  }
0x6b: {  	v3 =	vadd.f32 v3, v4;
	v63 =	vadd.f32 v57, v60  }
0x6c: {  	v1 =	vadd.f32 v1, v2;
	v2 =	vadd.f32 v58, v62  }
0x6d: {  	[tilespmem:s7+$0x11000] =	vst v3;
	v3 =	vadd.f32 v59, v63  }
0x6e: {  	[tilespmem:s7+$0x11010] =	vst v1;
	v1 =	vadd.f32 v61, v2  }
0x6f: {  	[tilespmem:s7+$0x11020] =	vst v3  }
0x70: {  	[tilespmem:s7+$0x11030] =	vst v1  }
0x71: {  	_ =	swait.ge [sflag:s20], $0x400  }
0x72: {  	[sflag:s20] =	ssyncset.done $0x0  }
0x73: {  	s8 =	simm.s32 $0x40;
	s7 =	simm.s32 $0x0;
	[sflag:s20] =	ssyncadd.s32 $0xFFFFFC00  }
.LBB2_11:
0x74: {  	p0 =	sne.s32 s8, $0xFC0;
	v1 =	vld [tilespmem:s7+$0x400];
	_ =	sdelay $0x1  }
.Ltmp6:
0x75: {  	(pc) =	sbr.rel @p0 .LBB2_11-.Ltmp6, $3  }
0x76: {  	_ =	sdelay $0x1  }
0x77: {  	v1 =	vshll.u32 v1, $0x1  }
0x78: {  	[tilespmem:s7+$0x400] =	vst v1;
	s7 =	sshra.s32 s8, $0x2;
	s8 =	sadd.s32 $0x40, s8  }
0x79: {  	v1 =	vld [tilespmem:s7+$0x400];
	_ =	sdelay $0x4  }
0x7a: {  	v1 =	vshll.u32 v1, $0x1  }
0x7b: {  	[tilespmem:s7+$0x400] =	vst v1  }
0x7c: {  	[tilespmem:s17], [sflag:$0x5] =	stream.indirect.gather [hbm4b:s4+s16], $0x40, s12, s16, $0xb8;
	[tilespmem:$0x15000] =	vst v63  }
0x7d: {  	_ =	swait.ge [sflag:s21], $0x8000  }
0x7e: {  	[sflag:s21] =	ssyncset.done $0x0  }
0x7f: {  	s7 =	simm.s32 $0x0;
	[sflag:s21] =	ssyncadd.s32 $0xFFFF8000  }
0x80: {  	v2 =	vld [tilespmem:s7+$0xF000]  }
0x81: {  	v1 =	vld [tilespmem:s7+$0xF010]  }
0x82: {  	v4 =	vld [tilespmem:s7+$0xD000]  }
0x83: {  	v3 =	vld [tilespmem:s7+$0xD010]  }
0x84: {  	v6 =	vld [tilespmem:s7+$0xB000]  }
0x85: {  	v5 =	vld [tilespmem:s7+$0xB010]  }
0x86: {  	v9 =	vld [tilespmem:s7+$0x9000]  }
0x87: {  	v10 =	vld [tilespmem:s7+$0x9010]  }
0x88: {  	v8 =	vld [tilespmem:s7+$0x9020]  }
0x89: {  	v7 =	vld [tilespmem:s7+$0x9030]  }
0x8a: {  	v13 =	vld [tilespmem:s7+$0x11000]  }
0x8b: {  	v12 =	vld [tilespmem:s7+$0x11010]  }
0x8c: {  	s8 =	simm.s32 $0x100;
	v11 =	vld [tilespmem:s7+$0x11020]  }
.LBB2_13:
0x8d: {  	p0 =	sne.s32 s8, $0x7F00;
	v14 =	vld [tilespmem:s7+$0x11030]  }
0x8e: {  	v15 =	vld [tilespmem:s7+$0xB020]  }
0x8f: {  	v9 =	vadd.f32 v9, v13;
	v13 =	vld [tilespmem:s7+$0xB030]  }
0x90: {  	v10 =	vadd.f32 v10, v12;
	v12 =	vld [tilespmem:s7+$0xD020]  }
0x91: {  	v6 =	vadd.f32 v6, v9;
	v8 =	vadd.f32 v8, v11;
	v9 =	vld [tilespmem:s7+$0xD030]  }
0x92: {  	v5 =	vadd.f32 v5, v10;
	v10 =	vld [tilespmem:s7+$0xF020];
	v7 =	vadd.f32 v7, v14  }
0x93: {  	s9 =	sshra.s32 s8, $0x2;
	v4 =	vadd.f32 v4, v6;
	v6 =	vadd.f32 v15, v8;
	v8 =	vld [tilespmem:s7+$0xF030]  }
0x94: {  	v11 =	vld [tilespmem:s9+$0xF000];
	v3 =	vadd.f32 v3, v5;
	v5 =	vadd.f32 v13, v7  }
0x95: {  	v7 =	vld [tilespmem:s9+$0xF010];
	v2 =	vadd.f32 v2, v4;
	v6 =	vadd.f32 v12, v6  }
0x96: {  	v4 =	vld [tilespmem:s9+$0xD000];
	v1 =	vadd.f32 v1, v3;
	v5 =	vadd.f32 v9, v5  }
0x97: {  	v3 =	vld [tilespmem:s9+$0xD010];
	[tilespmem:s7+$0x11000] =	vst v2;
	v9 =	vadd.f32 v10, v6  }
0x98: {  	v6 =	vld [tilespmem:s9+$0xB000];
	[tilespmem:s7+$0x11010] =	vst v1;
	v8 =	vadd.f32 v8, v5  }
0x99: {  	v5 =	vld [tilespmem:s9+$0xB010];
	[tilespmem:s7+$0x11020] =	vst v9;
	v2 =	vmov v11  }
0x9a: {  	v9 =	vld [tilespmem:s9+$0x9000];
	[tilespmem:s7+$0x11030] =	vst v8;
	v1 =	vmov v7;
	s7 =	smov.u32 s9  }
0x9b: {  	v10 =	vld [tilespmem:s7+$0x9010]  }
.Ltmp7:
0x9c: {  	v8 =	vld [tilespmem:s7+$0x9020];
	(pc) =	sbr.rel @p0 .LBB2_13-.Ltmp7, $4  }
0x9d: {  	v7 =	vld [tilespmem:s7+$0x9030]  }
0x9e: {  	v13 =	vld [tilespmem:s7+$0x11000]  }
0x9f: {  	v12 =	vld [tilespmem:s7+$0x11010]  }
0xa0: {  	s8 =	sadd.s32 $0x100, s8;
	v11 =	vld [tilespmem:s7+$0x11020]  }
0xa1: {  	v14 =	vld [tilespmem:s7+$0x11030];
	s8 =	sor.u32 $0x1, s2  }
0xa2: {  	v15 =	vld [tilespmem:s7+$0xB020];
	s9 =	smulhi.u32 $0x51EB851F, s8  }
0xa3: {  	v56 =	vld [tilespmem:s7+$0xB030];
	v9 =	vadd.f32 v9, v13  }
0xa4: {  	v57 =	vld [tilespmem:s7+$0xD020];
	v10 =	vadd.f32 v10, v12;
	s9 =	sshrl.u32 s9, $0x4  }
0xa5: {  	v58 =	vld [tilespmem:s7+$0xD030];
	v6 =	vadd.f32 v6, v9;
	v8 =	vadd.f32 v8, v11;
	s9 =	smul.u32 $0x32, s9  }
0xa6: {  	v59 =	vld [tilespmem:s7+$0xF020];
	v5 =	vadd.f32 v5, v10;
	v7 =	vadd.f32 v7, v14  }
0xa7: {  	v61 =	vld [tilespmem:s7+$0xF030];
	p0 =	slt.u32 s31, $0x7;
	v4 =	vadd.f32 v4, v6;
	v60 =	vadd.f32 v15, v8;
	s8 =	ssub.s32 s8, s9  }
0xa8: {  	v3 =	vadd.f32 v3, v5;
	v62 =	vadd.f32 v56, v7;
	p1 =	sne.s32 @!p0 s8, $0x31  }
0xa9: {  	v2 =	vadd.f32 v2, v4;
	v63 =	vadd.f32 v57, v60;
	p0 =	por p0, p1  }
.Ltmp8:
0xaa: {  	v1 =	vadd.f32 v1, v3;
	v3 =	vadd.f32 v58, v62;
	(pc) =	sbr.rel @p0 .LBB2_16-.Ltmp8, $4  }
0xab: {  	[tilespmem:s7+$0x11000] =	vst v2;
	v2 =	vadd.f32 v59, v63  }
0xac: {  	[tilespmem:s7+$0x11010] =	vst v1;
	v1 =	vadd.f32 v61, v3  }
0xad: {  	[tilespmem:s7+$0x11020] =	vst v2  }
0xae: {  	[tilespmem:s7+$0x11030] =	vst v1  }
0xaf: {  	_ =	swait.ge [sflag:s22], $0x2000  }
0xb0: {  	[sflag:s22] =	ssyncset.done $0x0  }
0xb1: {  	[sflag:s22] =	ssyncadd.s32 $0xFFFFE000  }
.LBB2_17:
0xb2: {  	s7 =	simm.s32 $0x0  }
0xb3: {  	v2 =	vld [tilespmem:s7+$0x11030]  }
0xb4: {  	v3 =	vld [tilespmem:s7+$0x11000]  }
0xb5: {  	v4 =	vld [tilespmem:s7+$0x11010]  }
0xb6: {  	v1 =	vld [tilespmem:s7+$0x11020]  }
0xb7: {  	s8 =	simm.s32 $0x100  }
.LBB2_18:
0xb8: {  	s9 =	sshra.s32 s8, $0x2;
	p0 =	sne.s32 s8, $0x7F00;
	s8 =	sadd.s32 $0x100, s8;
	v5 =	vmul.f32 $4.999999890e-03, v2  }
.Ltmp9:
0xb9: {  	v2 =	vld [tilespmem:s9+$0x11030];
	v6 =	vmul.f32 $4.999999890e-03, v3;
	(pc) =	sbr.rel @p0 .LBB2_18-.Ltmp9, $4  }
0xba: {  	v3 =	vld [tilespmem:s9+$0x11000];
	v7 =	vmul.f32 $4.999999890e-03, v4;
	[tilespmem:s7+$0x13030] =	vst v5  }
0xbb: {  	v4 =	vld [tilespmem:s9+$0x11010];
	[tilespmem:s7+$0x13000] =	vst v6;
	v5 =	vmul.f32 $4.999999890e-03, v1  }
0xbc: {  	v1 =	vld [tilespmem:s9+$0x11020];
	[tilespmem:s7+$0x13010] =	vst v7  }
0xbd: {  	[tilespmem:s7+$0x13020] =	vst v5;
	s7 =	smov.u32 s9  }
0xbe: {  	v2 =	vmul.f32 $4.999999890e-03, v2  }
0xbf: {  	s8 =	smulhi.u32 $0x51EB851F, s2;
	v3 =	vmul.f32 $4.999999890e-03, v3  }
0xc0: {  	v4 =	vmul.f32 $4.999999890e-03, v4;
	[tilespmem:s7+$0x13030] =	vst v2  }
0xc1: {  	s8 =	sshll.u32 s8, $0x6;
	[tilespmem:s7+$0x13000] =	vst v3;
	v1 =	vmul.f32 $4.999999890e-03, v1  }
0xc2: {  	s8 =	sand.u32 $0xFFFFFC00, s8;
	[tilespmem:s7+$0x13010] =	vst v4  }
0xc3: {  	s11 =	sadd.s32 s8, s10;
	[tilespmem:s7+$0x13020] =	vst v1  }
0xc4: {  	[hbm4b:s11+s3] =	stream.linear.scatter [tilespmem:s23], [sflag:$0x7], $0x2000, $0x38;
	[tilespmem:$0x15000] =	vst v63  }
.LBB2_20:
0xc5: {  	s7 =	sor.u32 $0x2, s0;
	p0 =	seq.s32 s31, $0x0  }
0xc6: {  	s8 =	smulhi.u32 @!p0 $0x51EB851F, s7;
	_ =	sdelay $0x1  }
0xc7: {  	s8 =	sshrl.u32 @!p0 s8, $0x3  }
0xc8: {  	s9 =	smul.u32 @!p0 $0x19, s8  }
0xc9: {  	[tilespmem:s18], [sflag:$0x6] =	stream.indirect.gather [hbm4b:s4+s16], $0x40, s24, s16, $0xb8;
	[tilespmem:$0x15000] =	vst v63  }
0xca: {  	s7 =	ssub.s32 @!p0 s7, s9  }
0xcb: {  	s11 =	simm.s32 @!p0 $0x800;
	s8 =	sadd.s32 @!p0 s6, s8;
	s7 =	sshll.u32 @!p0 s7, $0xE  }
0xcc: {  	s8 =	sshll.u32 @!p0 s8, $0x7;
	s9 =	sor.u32 $0x2, s2;
	s7 =	sadd.s32 @!p0 s1, s7  }
0xcd: {  	s9 =	smul.u32 $0xC28F5C29, s9;
	s7 =	sadd.s32 @!p0 s8, s7;
	s8 =	simm.s32 @!p0 $0x0  }
0xce: {  	[tilespmem:s11], [sflag:$0x3] =	stream.linear.gather @!p0 [hbm4b:s7+s8], $0x400, $0x38;
	[tilespmem:$0x15000] =	vst v63  }
0xcf: {  	s8 =	sshll.u32 s9, $0x1F;
	s11 =	sshrl.u32 s9, $0x1  }
0xd0: {  	s7 =	sor.u32 s8, s11  }
0xd1: {  	p1 =	sgt.u32 s7, $0x51EB851  }
.Ltmp10:
0xd2: {  	_ = 	snop;
	(pc) =	sbr.rel @p1 .LBB2_24-.Ltmp10, $4  }
0xd3: {  	_ = 	snop  }
0xd4: {  	_ =	swait.ge [sflag:s19], $0x8000  }
0xd5: {  	[sflag:s19] =	ssyncset.done $0x0  }
0xd6: {  	[sflag:s19] =	ssyncadd.s32 $0xFFFF8000  }
0xd7: {  	s8 =	simm.s32 $0x100;
	s7 =	simm.s32 $0x0  }
.LBB2_22:
0xd8: {  	p1 =	sne.s32 s8, $0x7F00;
	[tilespmem:s7+$0x11030] =	vst v0;
	s9 =	smov.u32 s8;
	s8 =	sadd.s32 $0x100, s8  }
.Ltmp11:
0xd9: {  	[tilespmem:s7+$0x11020] =	vst v0;
	(pc) =	sbr.rel @p1 .LBB2_22-.Ltmp11, $3  }
0xda: {  	[tilespmem:s7+$0x11000] =	vst v0  }
0xdb: {  	[tilespmem:s7+$0x11010] =	vst v0;
	_ =	sdelay $0x1  }
0xdc: {  	s7 =	sshra.s32 s9, $0x2  }
0xdd: {  	[tilespmem:s7+$0x11030] =	vst v0  }
0xde: {  	[tilespmem:s7+$0x11020] =	vst v0  }
0xdf: {  	[tilespmem:s7+$0x11000] =	vst v0  }
0xe0: {  	[tilespmem:s7+$0x11010] =	vst v0  }
.LBB2_24:
0xe1: {  	s8 =	simm.s32 $0x0  }
0xe2: {  	v3 =	vld [tilespmem:s8+$0x7000]  }
0xe3: {  	v1 =	vld [tilespmem:s8+$0x7010]  }
0xe4: {  	v4 =	vld [tilespmem:s8+$0x5000]  }
0xe5: {  	v2 =	vld [tilespmem:s8+$0x5010]  }
0xe6: {  	v6 =	vld [tilespmem:s8+$0x3000]  }
0xe7: {  	v5 =	vld [tilespmem:s8+$0x3010]  }
0xe8: {  	v9 =	vld [tilespmem:s8+$0x1000]  }
0xe9: {  	v10 =	vld [tilespmem:s8+$0x1010]  }
0xea: {  	v8 =	vld [tilespmem:s8+$0x1020]  }
0xeb: {  	v7 =	vld [tilespmem:s8+$0x1030]  }
0xec: {  	v13 =	vld [tilespmem:s8+$0x11000]  }
0xed: {  	v12 =	vld [tilespmem:s8+$0x11010]  }
0xee: {  	s7 =	sor.u32 $0x3, s2;
	s9 =	simm.s32 $0x100;
	v11 =	vld [tilespmem:s8+$0x11020]  }
.LBB2_25:
0xef: {  	p1 =	sne.s32 s9, $0x7F00;
	v14 =	vld [tilespmem:s8+$0x11030]  }
0xf0: {  	v15 =	vld [tilespmem:s8+$0x3020]  }
0xf1: {  	v9 =	vadd.f32 v9, v13;
	v13 =	vld [tilespmem:s8+$0x3030]  }
0xf2: {  	v10 =	vadd.f32 v10, v12;
	v12 =	vld [tilespmem:s8+$0x5020]  }
0xf3: {  	v6 =	vadd.f32 v6, v9;
	v8 =	vadd.f32 v8, v11;
	v9 =	vld [tilespmem:s8+$0x5030]  }
0xf4: {  	v5 =	vadd.f32 v5, v10;
	v10 =	vld [tilespmem:s8+$0x7020];
	v7 =	vadd.f32 v7, v14  }
0xf5: {  	s11 =	sshra.s32 s9, $0x2;
	v4 =	vadd.f32 v4, v6;
	v6 =	vadd.f32 v15, v8;
	v8 =	vld [tilespmem:s8+$0x7030]  }
0xf6: {  	v11 =	vld [tilespmem:s11+$0x7000];
	v2 =	vadd.f32 v2, v5;
	v5 =	vadd.f32 v13, v7  }
0xf7: {  	v7 =	vld [tilespmem:s11+$0x7010];
	v3 =	vadd.f32 v3, v4;
	v6 =	vadd.f32 v12, v6  }
0xf8: {  	v4 =	vld [tilespmem:s11+$0x5000];
	v1 =	vadd.f32 v1, v2;
	v5 =	vadd.f32 v9, v5  }
0xf9: {  	v2 =	vld [tilespmem:s11+$0x5010];
	[tilespmem:s8+$0x11000] =	vst v3;
	v9 =	vadd.f32 v10, v6  }
0xfa: {  	v6 =	vld [tilespmem:s11+$0x3000];
	[tilespmem:s8+$0x11010] =	vst v1;
	v8 =	vadd.f32 v8, v5  }
0xfb: {  	v5 =	vld [tilespmem:s11+$0x3010];
	[tilespmem:s8+$0x11020] =	vst v9;
	v3 =	vmov v11  }
0xfc: {  	v9 =	vld [tilespmem:s11+$0x1000];
	[tilespmem:s8+$0x11030] =	vst v8;
	v1 =	vmov v7;
	s8 =	smov.u32 s11  }
0xfd: {  	v10 =	vld [tilespmem:s8+$0x1010]  }
.Ltmp12:
0xfe: {  	v8 =	vld [tilespmem:s8+$0x1020];
	(pc) =	sbr.rel @p1 .LBB2_25-.Ltmp12, $4  }
0xff: {  	v7 =	vld [tilespmem:s8+$0x1030]  }
0x100: {  	v13 =	vld [tilespmem:s8+$0x11000]  }
0x101: {  	v12 =	vld [tilespmem:s8+$0x11010]  }
0x102: {  	s9 =	sadd.s32 $0x100, s9;
	v11 =	vld [tilespmem:s8+$0x11020]  }
0x103: {  	v14 =	vld [tilespmem:s8+$0x11030]  }
0x104: {  	v15 =	vld [tilespmem:s8+$0x3020]  }
0x105: {  	v56 =	vld [tilespmem:s8+$0x3030];
	v9 =	vadd.f32 v9, v13  }
0x106: {  	v57 =	vld [tilespmem:s8+$0x5020];
	v10 =	vadd.f32 v10, v12  }
0x107: {  	v58 =	vld [tilespmem:s8+$0x5030];
	v6 =	vadd.f32 v6, v9;
	v8 =	vadd.f32 v8, v11  }
0x108: {  	v59 =	vld [tilespmem:s8+$0x7020];
	v5 =	vadd.f32 v5, v10;
	v7 =	vadd.f32 v7, v14  }
0x109: {  	v61 =	vld [tilespmem:s8+$0x7030];
	v4 =	vadd.f32 v4, v6;
	v60 =	vadd.f32 v15, v8  }
0x10a: {  	v2 =	vadd.f32 v2, v5;
	v62 =	vadd.f32 v56, v7  }
0x10b: {  	v3 =	vadd.f32 v3, v4;
	v63 =	vadd.f32 v57, v60  }
0x10c: {  	v1 =	vadd.f32 v1, v2;
	v2 =	vadd.f32 v58, v62  }
0x10d: {  	[tilespmem:s8+$0x11000] =	vst v3;
	v3 =	vadd.f32 v59, v63  }
0x10e: {  	[tilespmem:s8+$0x11010] =	vst v1;
	v1 =	vadd.f32 v61, v2  }
0x10f: {  	[tilespmem:s8+$0x11020] =	vst v3  }
0x110: {  	[tilespmem:s8+$0x11030] =	vst v1  }
0x111: {  	_ =	swait.ge [sflag:s25], $0x400  }
0x112: {  	[sflag:s25] =	ssyncset.done $0x0  }
0x113: {  	s9 =	simm.s32 $0x40;
	s8 =	simm.s32 $0x0;
	[sflag:s25] =	ssyncadd.s32 $0xFFFFFC00  }
.LBB2_27:
0x114: {  	p1 =	sne.s32 s9, $0xFC0;
	v1 =	vld [tilespmem:s8+$0x800];
	_ =	sdelay $0x1  }
.Ltmp13:
0x115: {  	(pc) =	sbr.rel @p1 .LBB2_27-.Ltmp13, $3  }
0x116: {  	_ =	sdelay $0x1  }
0x117: {  	v1 =	vshll.u32 v1, $0x1  }
0x118: {  	[tilespmem:s8+$0x800] =	vst v1;
	s8 =	sshra.s32 s9, $0x2;
	s9 =	sadd.s32 $0x40, s9  }
0x119: {  	v1 =	vld [tilespmem:s8+$0x800];
	_ =	sdelay $0x4  }
0x11a: {  	v1 =	vshll.u32 v1, $0x1  }
0x11b: {  	[tilespmem:s8+$0x800] =	vst v1  }
0x11c: {  	[tilespmem:s17], [sflag:$0x5] =	stream.indirect.gather [hbm4b:s4+s16], $0x40, s13, s16, $0xb8;
	[tilespmem:$0x15000] =	vst v63  }
0x11d: {  	_ =	swait.ge [sflag:s21], $0x8000  }
0x11e: {  	[sflag:s21] =	ssyncset.done $0x0  }
0x11f: {  	s8 =	simm.s32 $0x0;
	[sflag:s21] =	ssyncadd.s32 $0xFFFF8000  }
0x120: {  	v2 =	vld [tilespmem:s8+$0xF000]  }
0x121: {  	v1 =	vld [tilespmem:s8+$0xF010]  }
0x122: {  	v4 =	vld [tilespmem:s8+$0xD000]  }
0x123: {  	v3 =	vld [tilespmem:s8+$0xD010]  }
0x124: {  	v6 =	vld [tilespmem:s8+$0xB000]  }
0x125: {  	v5 =	vld [tilespmem:s8+$0xB010]  }
0x126: {  	v9 =	vld [tilespmem:s8+$0x9000]  }
0x127: {  	v10 =	vld [tilespmem:s8+$0x9010]  }
0x128: {  	v8 =	vld [tilespmem:s8+$0x9020]  }
0x129: {  	v7 =	vld [tilespmem:s8+$0x9030]  }
0x12a: {  	v13 =	vld [tilespmem:s8+$0x11000]  }
0x12b: {  	v12 =	vld [tilespmem:s8+$0x11010]  }
0x12c: {  	s9 =	simm.s32 $0x100;
	v11 =	vld [tilespmem:s8+$0x11020]  }
.LBB2_29:
0x12d: {  	p1 =	sne.s32 s9, $0x7F00;
	v14 =	vld [tilespmem:s8+$0x11030]  }
0x12e: {  	v15 =	vld [tilespmem:s8+$0xB020]  }
0x12f: {  	v9 =	vadd.f32 v9, v13;
	v13 =	vld [tilespmem:s8+$0xB030]  }
0x130: {  	v10 =	vadd.f32 v10, v12;
	v12 =	vld [tilespmem:s8+$0xD020]  }
0x131: {  	v6 =	vadd.f32 v6, v9;
	v8 =	vadd.f32 v8, v11;
	v9 =	vld [tilespmem:s8+$0xD030]  }
0x132: {  	v5 =	vadd.f32 v5, v10;
	v10 =	vld [tilespmem:s8+$0xF020];
	v7 =	vadd.f32 v7, v14  }
0x133: {  	s11 =	sshra.s32 s9, $0x2;
	v4 =	vadd.f32 v4, v6;
	v6 =	vadd.f32 v15, v8;
	v8 =	vld [tilespmem:s8+$0xF030]  }
0x134: {  	v11 =	vld [tilespmem:s11+$0xF000];
	v3 =	vadd.f32 v3, v5;
	v5 =	vadd.f32 v13, v7  }
0x135: {  	v7 =	vld [tilespmem:s11+$0xF010];
	v2 =	vadd.f32 v2, v4;
	v6 =	vadd.f32 v12, v6  }
0x136: {  	v4 =	vld [tilespmem:s11+$0xD000];
	v1 =	vadd.f32 v1, v3;
	v5 =	vadd.f32 v9, v5  }
0x137: {  	v3 =	vld [tilespmem:s11+$0xD010];
	[tilespmem:s8+$0x11000] =	vst v2;
	v9 =	vadd.f32 v10, v6  }
0x138: {  	v6 =	vld [tilespmem:s11+$0xB000];
	[tilespmem:s8+$0x11010] =	vst v1;
	v8 =	vadd.f32 v8, v5  }
0x139: {  	v5 =	vld [tilespmem:s11+$0xB010];
	[tilespmem:s8+$0x11020] =	vst v9;
	v2 =	vmov v11  }
0x13a: {  	v9 =	vld [tilespmem:s11+$0x9000];
	[tilespmem:s8+$0x11030] =	vst v8;
	v1 =	vmov v7;
	s8 =	smov.u32 s11  }
0x13b: {  	v10 =	vld [tilespmem:s8+$0x9010]  }
.Ltmp14:
0x13c: {  	v8 =	vld [tilespmem:s8+$0x9020];
	(pc) =	sbr.rel @p1 .LBB2_29-.Ltmp14, $4  }
0x13d: {  	v7 =	vld [tilespmem:s8+$0x9030]  }
0x13e: {  	v13 =	vld [tilespmem:s8+$0x11000]  }
0x13f: {  	v12 =	vld [tilespmem:s8+$0x11010]  }
0x140: {  	s9 =	sadd.s32 $0x100, s9;
	v11 =	vld [tilespmem:s8+$0x11020]  }
0x141: {  	v14 =	vld [tilespmem:s8+$0x11030]  }
0x142: {  	v15 =	vld [tilespmem:s8+$0xB020];
	s9 =	smulhi.u32 $0x51EB851F, s7  }
0x143: {  	v56 =	vld [tilespmem:s8+$0xB030];
	v9 =	vadd.f32 v9, v13  }
0x144: {  	v57 =	vld [tilespmem:s8+$0xD020];
	s9 =	sshrl.u32 s9, $0x4;
	v10 =	vadd.f32 v10, v12  }
0x145: {  	v58 =	vld [tilespmem:s8+$0xD030];
	s11 =	smul.u32 $0x32, s9;
	v6 =	vadd.f32 v6, v9;
	v8 =	vadd.f32 v8, v11  }
0x146: {  	v59 =	vld [tilespmem:s8+$0xF020];
	v5 =	vadd.f32 v5, v10;
	v7 =	vadd.f32 v7, v14  }
0x147: {  	v61 =	vld [tilespmem:s8+$0xF030];
	p1 =	slt.u32 s7, $0x33;
	s11 =	ssub.s32 s7, s11;
	v4 =	vadd.f32 v4, v6;
	v60 =	vadd.f32 v15, v8  }
0x148: {  	p2 =	sne.s32 @!p1 s11, $0x31;
	v3 =	vadd.f32 v3, v5;
	v62 =	vadd.f32 v56, v7  }
0x149: {  	p1 =	por p1, p2;
	v2 =	vadd.f32 v2, v4;
	v63 =	vadd.f32 v57, v60  }
.Ltmp15:
0x14a: {  	v1 =	vadd.f32 v1, v3;
	v3 =	vadd.f32 v58, v62;
	(pc) =	sbr.rel @p1 .LBB2_32-.Ltmp15, $4  }
0x14b: {  	[tilespmem:s8+$0x11000] =	vst v2;
	v2 =	vadd.f32 v59, v63  }
0x14c: {  	[tilespmem:s8+$0x11010] =	vst v1;
	v1 =	vadd.f32 v61, v3  }
0x14d: {  	[tilespmem:s8+$0x11020] =	vst v2  }
0x14e: {  	[tilespmem:s8+$0x11030] =	vst v1  }
0x14f: {  	_ =	swait.ge [sflag:s22], $0x2000  }
0x150: {  	[sflag:s22] =	ssyncset.done $0x0  }
0x151: {  	[sflag:s22] =	ssyncadd.s32 $0xFFFFE000  }
.LBB2_33:
0x152: {  	s7 =	simm.s32 $0x0  }
0x153: {  	v2 =	vld [tilespmem:s7+$0x11030]  }
0x154: {  	v3 =	vld [tilespmem:s7+$0x11000]  }
0x155: {  	v4 =	vld [tilespmem:s7+$0x11010]  }
0x156: {  	v1 =	vld [tilespmem:s7+$0x11020]  }
0x157: {  	s8 =	simm.s32 $0x100  }
.LBB2_34:
0x158: {  	s11 =	sshra.s32 s8, $0x2;
	p1 =	sne.s32 s8, $0x7F00;
	s8 =	sadd.s32 $0x100, s8;
	v5 =	vmul.f32 $4.999999890e-03, v2  }
.Ltmp16:
0x159: {  	v2 =	vld [tilespmem:s11+$0x11030];
	v6 =	vmul.f32 $4.999999890e-03, v3;
	(pc) =	sbr.rel @p1 .LBB2_34-.Ltmp16, $4  }
0x15a: {  	v3 =	vld [tilespmem:s11+$0x11000];
	v7 =	vmul.f32 $4.999999890e-03, v4;
	[tilespmem:s7+$0x13030] =	vst v5  }
0x15b: {  	v4 =	vld [tilespmem:s11+$0x11010];
	[tilespmem:s7+$0x13000] =	vst v6;
	v5 =	vmul.f32 $4.999999890e-03, v1  }
0x15c: {  	v1 =	vld [tilespmem:s11+$0x11020];
	[tilespmem:s7+$0x13010] =	vst v7  }
0x15d: {  	[tilespmem:s7+$0x13020] =	vst v5;
	s7 =	smov.u32 s11  }
0x15e: {  	v2 =	vmul.f32 $4.999999890e-03, v2  }
0x15f: {  	v3 =	vmul.f32 $4.999999890e-03, v3  }
0x160: {  	v4 =	vmul.f32 $4.999999890e-03, v4;
	[tilespmem:s7+$0x13030] =	vst v2  }
0x161: {  	[tilespmem:s7+$0x13000] =	vst v3;
	v1 =	vmul.f32 $4.999999890e-03, v1  }
0x162: {  	s8 =	sshll.u32 s9, $0xA;
	[tilespmem:s7+$0x13010] =	vst v4  }
0x163: {  	s11 =	sadd.s32 s8, s10;
	[tilespmem:s7+$0x13020] =	vst v1  }
0x164: {  	[hbm4b:s11+s3] =	stream.linear.scatter [tilespmem:s23], [sflag:$0x7], $0x2000, $0x38;
	[tilespmem:$0x15000] =	vst v63  }
.LBB2_36:
0x165: {  	s7 =	sor.u32 $0x3, s0  }
0x166: {  	s8 =	smulhi.u32 @!p0 $0x51EB851F, s7;
	_ =	sdelay $0x1  }
0x167: {  	s8 =	sshrl.u32 @!p0 s8, $0x3  }
0x168: {  	s9 =	smul.u32 @!p0 $0x19, s8  }
0x169: {  	[tilespmem:s18], [sflag:$0x6] =	stream.indirect.gather [hbm4b:s4+s16], $0x40, s26, s16, $0xb8;
	[tilespmem:$0x15000] =	vst v63  }
0x16a: {  	s7 =	ssub.s32 @!p0 s7, s9  }
0x16b: {  	s11 =	simm.s32 @!p0 $0xC00;
	s8 =	sadd.s32 @!p0 s6, s8;
	s7 =	sshll.u32 @!p0 s7, $0xE  }
0x16c: {  	s8 =	sshll.u32 @!p0 s8, $0x7;
	s9 =	sor.u32 $0x4, s2;
	s7 =	sadd.s32 @!p0 s1, s7  }
0x16d: {  	s9 =	smul.u32 $0xC28F5C29, s9;
	s7 =	sadd.s32 @!p0 s8, s7;
	s8 =	simm.s32 @!p0 $0x0  }
0x16e: {  	[tilespmem:s11], [sflag:$0x4] =	stream.linear.gather @!p0 [hbm4b:s7+s8], $0x400, $0x38;
	[tilespmem:$0x15000] =	vst v63  }
0x16f: {  	s8 =	sshll.u32 s9, $0x1F;
	s11 =	sshrl.u32 s9, $0x1  }
0x170: {  	s7 =	sor.u32 s8, s11  }
0x171: {  	p0 =	sgt.u32 s7, $0x51EB851  }
.Ltmp17:
0x172: {  	_ = 	snop;
	(pc) =	sbr.rel @p0 .LBB2_40-.Ltmp17, $4  }
0x173: {  	_ = 	snop  }
0x174: {  	_ =	swait.ge [sflag:s19], $0x8000  }
0x175: {  	[sflag:s19] =	ssyncset.done $0x0  }
0x176: {  	[sflag:s19] =	ssyncadd.s32 $0xFFFF8000  }
0x177: {  	s8 =	simm.s32 $0x100;
	s7 =	simm.s32 $0x0  }
.LBB2_38:
0x178: {  	p0 =	sne.s32 s8, $0x7F00;
	[tilespmem:s7+$0x11030] =	vst v0;
	s9 =	smov.u32 s8;
	s8 =	sadd.s32 $0x100, s8  }
.Ltmp18:
0x179: {  	[tilespmem:s7+$0x11020] =	vst v0;
	(pc) =	sbr.rel @p0 .LBB2_38-.Ltmp18, $3  }
0x17a: {  	[tilespmem:s7+$0x11000] =	vst v0  }
0x17b: {  	[tilespmem:s7+$0x11010] =	vst v0;
	_ =	sdelay $0x1  }
0x17c: {  	s7 =	sshra.s32 s9, $0x2  }
0x17d: {  	[tilespmem:s7+$0x11030] =	vst v0  }
0x17e: {  	[tilespmem:s7+$0x11020] =	vst v0  }
0x17f: {  	[tilespmem:s7+$0x11000] =	vst v0  }
0x180: {  	[tilespmem:s7+$0x11010] =	vst v0  }
.LBB2_40:
0x181: {  	s8 =	simm.s32 $0x0  }
0x182: {  	v3 =	vld [tilespmem:s8+$0x7000]  }
0x183: {  	v1 =	vld [tilespmem:s8+$0x7010]  }
0x184: {  	v4 =	vld [tilespmem:s8+$0x5000]  }
0x185: {  	v2 =	vld [tilespmem:s8+$0x5010]  }
0x186: {  	v6 =	vld [tilespmem:s8+$0x3000]  }
0x187: {  	v5 =	vld [tilespmem:s8+$0x3010]  }
0x188: {  	v9 =	vld [tilespmem:s8+$0x1000]  }
0x189: {  	v10 =	vld [tilespmem:s8+$0x1010]  }
0x18a: {  	v8 =	vld [tilespmem:s8+$0x1020]  }
0x18b: {  	v7 =	vld [tilespmem:s8+$0x1030]  }
0x18c: {  	v13 =	vld [tilespmem:s8+$0x11000]  }
0x18d: {  	v12 =	vld [tilespmem:s8+$0x11010]  }
0x18e: {  	s7 =	sor.u32 $0x5, s2;
	s9 =	simm.s32 $0x100;
	v11 =	vld [tilespmem:s8+$0x11020]  }
.LBB2_41:
0x18f: {  	p0 =	sne.s32 s9, $0x7F00;
	v14 =	vld [tilespmem:s8+$0x11030]  }
0x190: {  	v15 =	vld [tilespmem:s8+$0x3020]  }
0x191: {  	v9 =	vadd.f32 v9, v13;
	v13 =	vld [tilespmem:s8+$0x3030]  }
0x192: {  	v10 =	vadd.f32 v10, v12;
	v12 =	vld [tilespmem:s8+$0x5020]  }
0x193: {  	v6 =	vadd.f32 v6, v9;
	v8 =	vadd.f32 v8, v11;
	v9 =	vld [tilespmem:s8+$0x5030]  }
0x194: {  	v5 =	vadd.f32 v5, v10;
	v10 =	vld [tilespmem:s8+$0x7020];
	v7 =	vadd.f32 v7, v14  }
0x195: {  	s11 =	sshra.s32 s9, $0x2;
	v4 =	vadd.f32 v4, v6;
	v6 =	vadd.f32 v15, v8;
	v8 =	vld [tilespmem:s8+$0x7030]  }
0x196: {  	v11 =	vld [tilespmem:s11+$0x7000];
	v2 =	vadd.f32 v2, v5;
	v5 =	vadd.f32 v13, v7  }
0x197: {  	v7 =	vld [tilespmem:s11+$0x7010];
	v3 =	vadd.f32 v3, v4;
	v6 =	vadd.f32 v12, v6  }
0x198: {  	v4 =	vld [tilespmem:s11+$0x5000];
	v1 =	vadd.f32 v1, v2;
	v5 =	vadd.f32 v9, v5  }
0x199: {  	v2 =	vld [tilespmem:s11+$0x5010];
	[tilespmem:s8+$0x11000] =	vst v3;
	v9 =	vadd.f32 v10, v6  }
0x19a: {  	v6 =	vld [tilespmem:s11+$0x3000];
	[tilespmem:s8+$0x11010] =	vst v1;
	v8 =	vadd.f32 v8, v5  }
0x19b: {  	v5 =	vld [tilespmem:s11+$0x3010];
	[tilespmem:s8+$0x11020] =	vst v9;
	v3 =	vmov v11  }
0x19c: {  	v9 =	vld [tilespmem:s11+$0x1000];
	[tilespmem:s8+$0x11030] =	vst v8;
	v1 =	vmov v7;
	s8 =	smov.u32 s11  }
0x19d: {  	v10 =	vld [tilespmem:s8+$0x1010]  }
.Ltmp19:
0x19e: {  	v8 =	vld [tilespmem:s8+$0x1020];
	(pc) =	sbr.rel @p0 .LBB2_41-.Ltmp19, $4  }
0x19f: {  	v7 =	vld [tilespmem:s8+$0x1030]  }
0x1a0: {  	v13 =	vld [tilespmem:s8+$0x11000]  }
0x1a1: {  	v12 =	vld [tilespmem:s8+$0x11010]  }
0x1a2: {  	s9 =	sadd.s32 $0x100, s9;
	v11 =	vld [tilespmem:s8+$0x11020]  }
0x1a3: {  	v14 =	vld [tilespmem:s8+$0x11030]  }
0x1a4: {  	v15 =	vld [tilespmem:s8+$0x3020]  }
0x1a5: {  	v56 =	vld [tilespmem:s8+$0x3030];
	v9 =	vadd.f32 v9, v13  }
0x1a6: {  	v57 =	vld [tilespmem:s8+$0x5020];
	v10 =	vadd.f32 v10, v12  }
0x1a7: {  	v58 =	vld [tilespmem:s8+$0x5030];
	v6 =	vadd.f32 v6, v9;
	v8 =	vadd.f32 v8, v11  }
0x1a8: {  	v59 =	vld [tilespmem:s8+$0x7020];
	v5 =	vadd.f32 v5, v10;
	v7 =	vadd.f32 v7, v14  }
0x1a9: {  	v61 =	vld [tilespmem:s8+$0x7030];
	v4 =	vadd.f32 v4, v6;
	v60 =	vadd.f32 v15, v8  }
0x1aa: {  	v2 =	vadd.f32 v2, v5;
	v62 =	vadd.f32 v56, v7  }
0x1ab: {  	v3 =	vadd.f32 v3, v4;
	v63 =	vadd.f32 v57, v60  }
0x1ac: {  	v1 =	vadd.f32 v1, v2;
	v2 =	vadd.f32 v58, v62  }
0x1ad: {  	[tilespmem:s8+$0x11000] =	vst v3;
	v3 =	vadd.f32 v59, v63  }
0x1ae: {  	[tilespmem:s8+$0x11010] =	vst v1;
	v1 =	vadd.f32 v61, v2  }
0x1af: {  	[tilespmem:s8+$0x11020] =	vst v3  }
0x1b0: {  	[tilespmem:s8+$0x11030] =	vst v1  }
0x1b1: {  	_ =	swait.ge [sflag:s28], $0x400  }
0x1b2: {  	[sflag:s28] =	ssyncset.done $0x0  }
0x1b3: {  	s9 =	simm.s32 $0x40;
	s8 =	simm.s32 $0x0;
	[sflag:s28] =	ssyncadd.s32 $0xFFFFFC00  }
.LBB2_43:
0x1b4: {  	p0 =	sne.s32 s9, $0xFC0;
	v1 =	vld [tilespmem:s8+$0xC00];
	_ =	sdelay $0x1  }
.Ltmp20:
0x1b5: {  	(pc) =	sbr.rel @p0 .LBB2_43-.Ltmp20, $3  }
0x1b6: {  	_ =	sdelay $0x1  }
0x1b7: {  	v1 =	vshll.u32 v1, $0x1  }
0x1b8: {  	[tilespmem:s8+$0xC00] =	vst v1;
	s8 =	sshra.s32 s9, $0x2;
	s9 =	sadd.s32 $0x40, s9  }
0x1b9: {  	v1 =	vld [tilespmem:s8+$0xC00];
	_ =	sdelay $0x4  }
0x1ba: {  	v1 =	vshll.u32 v1, $0x1  }
0x1bb: {  	[tilespmem:s8+$0xC00] =	vst v1  }
0x1bc: {  	[tilespmem:s17], [sflag:$0x5] =	stream.indirect.gather [hbm4b:s4+s16], $0x40, s14, s16, $0xb8;
	[tilespmem:$0x15000] =	vst v63  }
0x1bd: {  	_ =	swait.ge [sflag:s21], $0x8000  }
0x1be: {  	[sflag:s21] =	ssyncset.done $0x0  }
0x1bf: {  	s8 =	simm.s32 $0x0;
	[sflag:s21] =	ssyncadd.s32 $0xFFFF8000  }
0x1c0: {  	v2 =	vld [tilespmem:s8+$0xF000]  }
0x1c1: {  	v1 =	vld [tilespmem:s8+$0xF010]  }
0x1c2: {  	v4 =	vld [tilespmem:s8+$0xD000]  }
0x1c3: {  	v3 =	vld [tilespmem:s8+$0xD010]  }
0x1c4: {  	v6 =	vld [tilespmem:s8+$0xB000]  }
0x1c5: {  	v5 =	vld [tilespmem:s8+$0xB010]  }
0x1c6: {  	v9 =	vld [tilespmem:s8+$0x9000]  }
0x1c7: {  	v10 =	vld [tilespmem:s8+$0x9010]  }
0x1c8: {  	v8 =	vld [tilespmem:s8+$0x9020]  }
0x1c9: {  	v7 =	vld [tilespmem:s8+$0x9030]  }
0x1ca: {  	v13 =	vld [tilespmem:s8+$0x11000]  }
0x1cb: {  	v12 =	vld [tilespmem:s8+$0x11010]  }
0x1cc: {  	s9 =	simm.s32 $0x100;
	v11 =	vld [tilespmem:s8+$0x11020]  }
.LBB2_45:
0x1cd: {  	p0 =	sne.s32 s9, $0x7F00;
	v14 =	vld [tilespmem:s8+$0x11030]  }
0x1ce: {  	v15 =	vld [tilespmem:s8+$0xB020]  }
0x1cf: {  	v9 =	vadd.f32 v9, v13;
	v13 =	vld [tilespmem:s8+$0xB030]  }
0x1d0: {  	v10 =	vadd.f32 v10, v12;
	v12 =	vld [tilespmem:s8+$0xD020]  }
0x1d1: {  	v6 =	vadd.f32 v6, v9;
	v8 =	vadd.f32 v8, v11;
	v9 =	vld [tilespmem:s8+$0xD030]  }
0x1d2: {  	v5 =	vadd.f32 v5, v10;
	v10 =	vld [tilespmem:s8+$0xF020];
	v7 =	vadd.f32 v7, v14  }
0x1d3: {  	s11 =	sshra.s32 s9, $0x2;
	v4 =	vadd.f32 v4, v6;
	v6 =	vadd.f32 v15, v8;
	v8 =	vld [tilespmem:s8+$0xF030]  }
0x1d4: {  	v11 =	vld [tilespmem:s11+$0xF000];
	v3 =	vadd.f32 v3, v5;
	v5 =	vadd.f32 v13, v7  }
0x1d5: {  	v7 =	vld [tilespmem:s11+$0xF010];
	v2 =	vadd.f32 v2, v4;
	v6 =	vadd.f32 v12, v6  }
0x1d6: {  	v4 =	vld [tilespmem:s11+$0xD000];
	v1 =	vadd.f32 v1, v3;
	v5 =	vadd.f32 v9, v5  }
0x1d7: {  	v3 =	vld [tilespmem:s11+$0xD010];
	[tilespmem:s8+$0x11000] =	vst v2;
	v9 =	vadd.f32 v10, v6  }
0x1d8: {  	v6 =	vld [tilespmem:s11+$0xB000];
	[tilespmem:s8+$0x11010] =	vst v1;
	v8 =	vadd.f32 v8, v5  }
0x1d9: {  	v5 =	vld [tilespmem:s11+$0xB010];
	[tilespmem:s8+$0x11020] =	vst v9;
	v2 =	vmov v11  }
0x1da: {  	v9 =	vld [tilespmem:s11+$0x9000];
	[tilespmem:s8+$0x11030] =	vst v8;
	v1 =	vmov v7;
	s8 =	smov.u32 s11  }
0x1db: {  	v10 =	vld [tilespmem:s8+$0x9010]  }
.Ltmp21:
0x1dc: {  	v8 =	vld [tilespmem:s8+$0x9020];
	(pc) =	sbr.rel @p0 .LBB2_45-.Ltmp21, $4  }
0x1dd: {  	v7 =	vld [tilespmem:s8+$0x9030]  }
0x1de: {  	v13 =	vld [tilespmem:s8+$0x11000]  }
0x1df: {  	v12 =	vld [tilespmem:s8+$0x11010]  }
0x1e0: {  	s9 =	sadd.s32 $0x100, s9;
	v11 =	vld [tilespmem:s8+$0x11020]  }
0x1e1: {  	v14 =	vld [tilespmem:s8+$0x11030]  }
0x1e2: {  	v15 =	vld [tilespmem:s8+$0xB020];
	s9 =	smulhi.u32 $0x51EB851F, s7  }
0x1e3: {  	v56 =	vld [tilespmem:s8+$0xB030];
	v9 =	vadd.f32 v9, v13  }
0x1e4: {  	v57 =	vld [tilespmem:s8+$0xD020];
	s9 =	sshrl.u32 s9, $0x4;
	v10 =	vadd.f32 v10, v12  }
0x1e5: {  	v58 =	vld [tilespmem:s8+$0xD030];
	s11 =	smul.u32 $0x32, s9;
	v6 =	vadd.f32 v6, v9;
	v8 =	vadd.f32 v8, v11  }
0x1e6: {  	v59 =	vld [tilespmem:s8+$0xF020];
	v5 =	vadd.f32 v5, v10;
	v7 =	vadd.f32 v7, v14  }
0x1e7: {  	v61 =	vld [tilespmem:s8+$0xF030];
	p0 =	slt.u32 s7, $0x33;
	s11 =	ssub.s32 s7, s11;
	v4 =	vadd.f32 v4, v6;
	v60 =	vadd.f32 v15, v8  }
0x1e8: {  	p1 =	sne.s32 @!p0 s11, $0x31;
	v3 =	vadd.f32 v3, v5;
	v62 =	vadd.f32 v56, v7  }
0x1e9: {  	p0 =	por p0, p1;
	v2 =	vadd.f32 v2, v4;
	v63 =	vadd.f32 v57, v60  }
.Ltmp22:
0x1ea: {  	v1 =	vadd.f32 v1, v3;
	v3 =	vadd.f32 v58, v62;
	(pc) =	sbr.rel @p0 .LBB2_48-.Ltmp22, $4  }
0x1eb: {  	[tilespmem:s8+$0x11000] =	vst v2;
	v2 =	vadd.f32 v59, v63  }
0x1ec: {  	[tilespmem:s8+$0x11010] =	vst v1;
	v1 =	vadd.f32 v61, v3  }
0x1ed: {  	[tilespmem:s8+$0x11020] =	vst v2  }
0x1ee: {  	[tilespmem:s8+$0x11030] =	vst v1  }
0x1ef: {  	_ =	swait.ge [sflag:s22], $0x2000  }
0x1f0: {  	[sflag:s22] =	ssyncset.done $0x0  }
0x1f1: {  	[sflag:s22] =	ssyncadd.s32 $0xFFFFE000  }
.LBB2_49:
0x1f2: {  	s7 =	simm.s32 $0x0  }
0x1f3: {  	v2 =	vld [tilespmem:s7+$0x11030]  }
0x1f4: {  	v3 =	vld [tilespmem:s7+$0x11000]  }
0x1f5: {  	v4 =	vld [tilespmem:s7+$0x11010]  }
0x1f6: {  	v1 =	vld [tilespmem:s7+$0x11020]  }
0x1f7: {  	s8 =	simm.s32 $0x100  }
.LBB2_50:
0x1f8: {  	s11 =	sshra.s32 s8, $0x2;
	p0 =	sne.s32 s8, $0x7F00;
	s8 =	sadd.s32 $0x100, s8;
	v5 =	vmul.f32 $4.999999890e-03, v2  }
.Ltmp23:
0x1f9: {  	v2 =	vld [tilespmem:s11+$0x11030];
	v6 =	vmul.f32 $4.999999890e-03, v3;
	(pc) =	sbr.rel @p0 .LBB2_50-.Ltmp23, $4  }
0x1fa: {  	v3 =	vld [tilespmem:s11+$0x11000];
	v7 =	vmul.f32 $4.999999890e-03, v4;
	[tilespmem:s7+$0x13030] =	vst v5  }
0x1fb: {  	v4 =	vld [tilespmem:s11+$0x11010];
	[tilespmem:s7+$0x13000] =	vst v6;
	v5 =	vmul.f32 $4.999999890e-03, v1  }
0x1fc: {  	v1 =	vld [tilespmem:s11+$0x11020];
	[tilespmem:s7+$0x13010] =	vst v7  }
0x1fd: {  	[tilespmem:s7+$0x13020] =	vst v5;
	s7 =	smov.u32 s11  }
0x1fe: {  	v2 =	vmul.f32 $4.999999890e-03, v2  }
0x1ff: {  	v3 =	vmul.f32 $4.999999890e-03, v3  }
0x200: {  	v4 =	vmul.f32 $4.999999890e-03, v4;
	[tilespmem:s7+$0x13030] =	vst v2  }
0x201: {  	[tilespmem:s7+$0x13000] =	vst v3;
	v1 =	vmul.f32 $4.999999890e-03, v1  }
0x202: {  	s8 =	sshll.u32 s9, $0xA;
	[tilespmem:s7+$0x13010] =	vst v4  }
0x203: {  	s11 =	sadd.s32 s8, s10;
	[tilespmem:s7+$0x13020] =	vst v1  }
0x204: {  	[hbm4b:s11+s3] =	stream.linear.scatter [tilespmem:s23], [sflag:$0x7], $0x2000, $0x38;
	[tilespmem:$0x15000] =	vst v63  }
.LBB2_52:
0x205: {  	s7 =	sadd.s32 $0x4, s0;
	p0 =	seq.s32 s31, $0x18  }
0x206: {  	s8 =	smulhi.u32 @!p0 $0x51EB851F, s7;
	_ =	sdelay $0x1  }
0x207: {  	s8 =	sshrl.u32 @!p0 s8, $0x3  }
0x208: {  	s9 =	smul.u32 @!p0 $0x19, s8  }
0x209: {  	[tilespmem:s18], [sflag:$0x6] =	stream.indirect.gather [hbm4b:s4+s16], $0x40, s29, s16, $0xb8;
	[tilespmem:$0x15000] =	vst v63  }
0x20a: {  	s7 =	ssub.s32 @!p0 s7, s9  }
0x20b: {  	s8 =	sadd.s32 @!p0 s6, s8;
	s7 =	sshll.u32 @!p0 s7, $0xE  }
0x20c: {  	s11 =	sor.u32 $0x6, s2;
	s8 =	sshll.u32 @!p0 s8, $0x7;
	s7 =	sadd.s32 @!p0 s1, s7  }
0x20d: {  	s9 =	smul.u32 $0xC28F5C29, s11;
	s7 =	sadd.s32 @!p0 s8, s7;
	s8 =	simm.s32 @!p0 $0x0  }
0x20e: {  	[tilespmem:s8], [sflag:$0x1] =	stream.linear.gather @!p0 [hbm4b:s7+s8], $0x400, $0x38;
	[tilespmem:$0x15000] =	vst v63  }
0x20f: {  	s11 =	sshrl.u32 s9, $0x1;
	s8 =	sshll.u32 s9, $0x1F  }
0x210: {  	s7 =	sor.u32 s8, s11  }
0x211: {  	p1 =	sgt.u32 s7, $0x51EB851  }
.Ltmp24:
0x212: {  	_ = 	snop;
	(pc) =	sbr.rel @p1 .LBB2_56-.Ltmp24, $4  }
0x213: {  	_ = 	snop  }
0x214: {  	_ =	swait.ge [sflag:s19], $0x8000  }
0x215: {  	[sflag:s19] =	ssyncset.done $0x0  }
0x216: {  	[sflag:s19] =	ssyncadd.s32 $0xFFFF8000  }
0x217: {  	s8 =	simm.s32 $0x100;
	s7 =	simm.s32 $0x0  }
.LBB2_54:
0x218: {  	p1 =	sne.s32 s8, $0x7F00;
	[tilespmem:s7+$0x11030] =	vst v0;
	s9 =	smov.u32 s8;
	s8 =	sadd.s32 $0x100, s8  }
.Ltmp25:
0x219: {  	[tilespmem:s7+$0x11020] =	vst v0;
	(pc) =	sbr.rel @p1 .LBB2_54-.Ltmp25, $3  }
0x21a: {  	[tilespmem:s7+$0x11000] =	vst v0  }
0x21b: {  	[tilespmem:s7+$0x11010] =	vst v0;
	_ =	sdelay $0x1  }
0x21c: {  	s7 =	sshra.s32 s9, $0x2  }
0x21d: {  	[tilespmem:s7+$0x11030] =	vst v0  }
0x21e: {  	[tilespmem:s7+$0x11020] =	vst v0  }
0x21f: {  	[tilespmem:s7+$0x11000] =	vst v0  }
0x220: {  	[tilespmem:s7+$0x11010] =	vst v0  }
.LBB2_56:
0x221: {  	s7 =	simm.s32 $0x0  }
0x222: {  	v3 =	vld [tilespmem:s7+$0x7000]  }
0x223: {  	v1 =	vld [tilespmem:s7+$0x7010]  }
0x224: {  	v4 =	vld [tilespmem:s7+$0x5000]  }
0x225: {  	v2 =	vld [tilespmem:s7+$0x5010]  }
0x226: {  	v6 =	vld [tilespmem:s7+$0x3000]  }
0x227: {  	v5 =	vld [tilespmem:s7+$0x3010]  }
0x228: {  	v9 =	vld [tilespmem:s7+$0x1000]  }
0x229: {  	v10 =	vld [tilespmem:s7+$0x1010]  }
0x22a: {  	v8 =	vld [tilespmem:s7+$0x1020]  }
0x22b: {  	v7 =	vld [tilespmem:s7+$0x1030]  }
0x22c: {  	v13 =	vld [tilespmem:s7+$0x11000]  }
0x22d: {  	v12 =	vld [tilespmem:s7+$0x11010]  }
0x22e: {  	s2 =	sor.u32 $0x7, s2;
	s8 =	simm.s32 $0x100;
	v11 =	vld [tilespmem:s7+$0x11020]  }
.LBB2_57:
0x22f: {  	p1 =	sne.s32 s8, $0x7F00;
	v14 =	vld [tilespmem:s7+$0x11030]  }
0x230: {  	v15 =	vld [tilespmem:s7+$0x3020]  }
0x231: {  	v9 =	vadd.f32 v9, v13;
	v13 =	vld [tilespmem:s7+$0x3030]  }
0x232: {  	v10 =	vadd.f32 v10, v12;
	v12 =	vld [tilespmem:s7+$0x5020]  }
0x233: {  	v6 =	vadd.f32 v6, v9;
	v8 =	vadd.f32 v8, v11;
	v9 =	vld [tilespmem:s7+$0x5030]  }
0x234: {  	v5 =	vadd.f32 v5, v10;
	v10 =	vld [tilespmem:s7+$0x7020];
	v7 =	vadd.f32 v7, v14  }
0x235: {  	s9 =	sshra.s32 s8, $0x2;
	v4 =	vadd.f32 v4, v6;
	v6 =	vadd.f32 v15, v8;
	v8 =	vld [tilespmem:s7+$0x7030]  }
0x236: {  	v11 =	vld [tilespmem:s9+$0x7000];
	v2 =	vadd.f32 v2, v5;
	v5 =	vadd.f32 v13, v7  }
0x237: {  	v7 =	vld [tilespmem:s9+$0x7010];
	v3 =	vadd.f32 v3, v4;
	v6 =	vadd.f32 v12, v6  }
0x238: {  	v4 =	vld [tilespmem:s9+$0x5000];
	v1 =	vadd.f32 v1, v2;
	v5 =	vadd.f32 v9, v5  }
0x239: {  	v2 =	vld [tilespmem:s9+$0x5010];
	[tilespmem:s7+$0x11000] =	vst v3;
	v9 =	vadd.f32 v10, v6  }
0x23a: {  	v6 =	vld [tilespmem:s9+$0x3000];
	[tilespmem:s7+$0x11010] =	vst v1;
	v8 =	vadd.f32 v8, v5  }
0x23b: {  	v5 =	vld [tilespmem:s9+$0x3010];
	[tilespmem:s7+$0x11020] =	vst v9;
	v3 =	vmov v11  }
0x23c: {  	v9 =	vld [tilespmem:s9+$0x1000];
	[tilespmem:s7+$0x11030] =	vst v8;
	v1 =	vmov v7;
	s7 =	smov.u32 s9  }
0x23d: {  	v10 =	vld [tilespmem:s7+$0x1010]  }
.Ltmp26:
0x23e: {  	v8 =	vld [tilespmem:s7+$0x1020];
	(pc) =	sbr.rel @p1 .LBB2_57-.Ltmp26, $4  }
0x23f: {  	v7 =	vld [tilespmem:s7+$0x1030]  }
0x240: {  	v13 =	vld [tilespmem:s7+$0x11000]  }
0x241: {  	v12 =	vld [tilespmem:s7+$0x11010]  }
0x242: {  	s8 =	sadd.s32 $0x100, s8;
	v11 =	vld [tilespmem:s7+$0x11020]  }
0x243: {  	v14 =	vld [tilespmem:s7+$0x11030]  }
0x244: {  	v15 =	vld [tilespmem:s7+$0x3020]  }
0x245: {  	v56 =	vld [tilespmem:s7+$0x3030];
	v9 =	vadd.f32 v9, v13  }
0x246: {  	v57 =	vld [tilespmem:s7+$0x5020];
	v10 =	vadd.f32 v10, v12  }
0x247: {  	v58 =	vld [tilespmem:s7+$0x5030];
	v6 =	vadd.f32 v6, v9;
	v8 =	vadd.f32 v8, v11  }
0x248: {  	v59 =	vld [tilespmem:s7+$0x7020];
	v5 =	vadd.f32 v5, v10;
	v7 =	vadd.f32 v7, v14  }
0x249: {  	v61 =	vld [tilespmem:s7+$0x7030];
	v4 =	vadd.f32 v4, v6;
	v60 =	vadd.f32 v15, v8  }
0x24a: {  	v2 =	vadd.f32 v2, v5;
	v62 =	vadd.f32 v56, v7  }
0x24b: {  	v3 =	vadd.f32 v3, v4;
	v63 =	vadd.f32 v57, v60  }
.Ltmp27:
0x24c: {  	v1 =	vadd.f32 v1, v2;
	v2 =	vadd.f32 v58, v62;
	(pc) =	sbr.rel @p0 .LBB2_62-.Ltmp27, $4  }
0x24d: {  	[tilespmem:s7+$0x11000] =	vst v3;
	v3 =	vadd.f32 v59, v63  }
0x24e: {  	[tilespmem:s7+$0x11010] =	vst v1;
	v1 =	vadd.f32 v61, v2  }
0x24f: {  	[tilespmem:s7+$0x11020] =	vst v3  }
0x250: {  	[tilespmem:s7+$0x11030] =	vst v1  }
0x251: {  	_ =	swait.ge [sflag:s15], $0x400  }
0x252: {  	[sflag:s15] =	ssyncset.done $0x0  }
0x253: {  	s7 =	simm.s32 $0x0;
	s8 =	simm.s32 $0x40;
	[sflag:s15] =	ssyncadd.s32 $0xFFFFFC00  }
.LBB2_60:
0x254: {  	p1 =	sne.s32 s8, $0xFC0;
	v1 =	vld [tilespmem:s7+$0x0];
	_ =	sdelay $0x1  }
.Ltmp28:
0x255: {  	(pc) =	sbr.rel @p1 .LBB2_60-.Ltmp28, $3  }
0x256: {  	_ =	sdelay $0x1  }
0x257: {  	v1 =	vshll.u32 v1, $0x1  }
0x258: {  	[tilespmem:s7+$0x0] =	vst v1;
	s7 =	sshra.s32 s8, $0x2;
	s8 =	sadd.s32 $0x40, s8  }
0x259: {  	v1 =	vld [tilespmem:s7+$0x0];
	_ =	sdelay $0x4  }
0x25a: {  	v1 =	vshll.u32 v1, $0x1  }
0x25b: {  	[tilespmem:s7+$0x0] =	vst v1  }
0x25c: {  	[tilespmem:s17], [sflag:$0x5] =	stream.indirect.gather [hbm4b:s4+s16], $0x40, s3, s16, $0xb8;
	[tilespmem:$0x15000] =	vst v63  }
.LBB2_62:
0x25d: {  	_ =	swait.ge [sflag:s21], $0x8000  }
0x25e: {  	[sflag:s21] =	ssyncset.done $0x0  }
0x25f: {  	s7 =	simm.s32 $0x0;
	[sflag:s21] =	ssyncadd.s32 $0xFFFF8000  }
0x260: {  	v2 =	vld [tilespmem:s7+$0xF000]  }
0x261: {  	v1 =	vld [tilespmem:s7+$0xF010]  }
0x262: {  	v4 =	vld [tilespmem:s7+$0xD000]  }
0x263: {  	v3 =	vld [tilespmem:s7+$0xD010]  }
0x264: {  	v6 =	vld [tilespmem:s7+$0xB000]  }
0x265: {  	v5 =	vld [tilespmem:s7+$0xB010]  }
0x266: {  	v9 =	vld [tilespmem:s7+$0x9000]  }
0x267: {  	v10 =	vld [tilespmem:s7+$0x9010]  }
0x268: {  	v8 =	vld [tilespmem:s7+$0x9020]  }
0x269: {  	v7 =	vld [tilespmem:s7+$0x9030]  }
0x26a: {  	v13 =	vld [tilespmem:s7+$0x11000]  }
0x26b: {  	v12 =	vld [tilespmem:s7+$0x11010]  }
0x26c: {  	s8 =	simm.s32 $0x100;
	v11 =	vld [tilespmem:s7+$0x11020]  }
.LBB2_63:
0x26d: {  	p1 =	sne.s32 s8, $0x7F00;
	v14 =	vld [tilespmem:s7+$0x11030]  }
0x26e: {  	v15 =	vld [tilespmem:s7+$0xB020]  }
0x26f: {  	v9 =	vadd.f32 v9, v13;
	v13 =	vld [tilespmem:s7+$0xB030]  }
0x270: {  	v10 =	vadd.f32 v10, v12;
	v12 =	vld [tilespmem:s7+$0xD020]  }
0x271: {  	v6 =	vadd.f32 v6, v9;
	v8 =	vadd.f32 v8, v11;
	v9 =	vld [tilespmem:s7+$0xD030]  }
0x272: {  	v5 =	vadd.f32 v5, v10;
	v10 =	vld [tilespmem:s7+$0xF020];
	v7 =	vadd.f32 v7, v14  }
0x273: {  	s9 =	sshra.s32 s8, $0x2;
	v4 =	vadd.f32 v4, v6;
	v6 =	vadd.f32 v15, v8;
	v8 =	vld [tilespmem:s7+$0xF030]  }
0x274: {  	v11 =	vld [tilespmem:s9+$0xF000];
	v3 =	vadd.f32 v3, v5;
	v5 =	vadd.f32 v13, v7  }
0x275: {  	v7 =	vld [tilespmem:s9+$0xF010];
	v2 =	vadd.f32 v2, v4;
	v6 =	vadd.f32 v12, v6  }
0x276: {  	v4 =	vld [tilespmem:s9+$0xD000];
	v1 =	vadd.f32 v1, v3;
	v5 =	vadd.f32 v9, v5  }
0x277: {  	v3 =	vld [tilespmem:s9+$0xD010];
	[tilespmem:s7+$0x11000] =	vst v2;
	v9 =	vadd.f32 v10, v6  }
0x278: {  	v6 =	vld [tilespmem:s9+$0xB000];
	[tilespmem:s7+$0x11010] =	vst v1;
	v8 =	vadd.f32 v8, v5  }
0x279: {  	v5 =	vld [tilespmem:s9+$0xB010];
	[tilespmem:s7+$0x11020] =	vst v9;
	v2 =	vmov v11  }
0x27a: {  	v9 =	vld [tilespmem:s9+$0x9000];
	[tilespmem:s7+$0x11030] =	vst v8;
	v1 =	vmov v7;
	s7 =	smov.u32 s9  }
0x27b: {  	v10 =	vld [tilespmem:s7+$0x9010]  }
.Ltmp29:
0x27c: {  	v8 =	vld [tilespmem:s7+$0x9020];
	(pc) =	sbr.rel @p1 .LBB2_63-.Ltmp29, $4  }
0x27d: {  	v7 =	vld [tilespmem:s7+$0x9030]  }
0x27e: {  	v13 =	vld [tilespmem:s7+$0x11000]  }
0x27f: {  	v12 =	vld [tilespmem:s7+$0x11010]  }
0x280: {  	s8 =	sadd.s32 $0x100, s8;
	v11 =	vld [tilespmem:s7+$0x11020]  }
0x281: {  	v14 =	vld [tilespmem:s7+$0x11030]  }
0x282: {  	v15 =	vld [tilespmem:s7+$0xB020];
	s8 =	smulhi.u32 $0x51EB851F, s2  }
0x283: {  	v56 =	vld [tilespmem:s7+$0xB030];
	v9 =	vadd.f32 v9, v13  }
0x284: {  	v57 =	vld [tilespmem:s7+$0xD020];
	s8 =	sshrl.u32 s8, $0x4;
	v10 =	vadd.f32 v10, v12  }
0x285: {  	v58 =	vld [tilespmem:s7+$0xD030];
	s9 =	smul.u32 $0x32, s8;
	v6 =	vadd.f32 v6, v9;
	v8 =	vadd.f32 v8, v11  }
0x286: {  	v59 =	vld [tilespmem:s7+$0xF020];
	v5 =	vadd.f32 v5, v10;
	v7 =	vadd.f32 v7, v14  }
0x287: {  	v61 =	vld [tilespmem:s7+$0xF030];
	p1 =	slt.u32 s2, $0x33;
	s9 =	ssub.s32 s2, s9;
	v4 =	vadd.f32 v4, v6;
	v60 =	vadd.f32 v15, v8  }
0x288: {  	p2 =	sne.s32 @!p1 s9, $0x31;
	v3 =	vadd.f32 v3, v5;
	v62 =	vadd.f32 v56, v7  }
0x289: {  	p1 =	por p1, p2;
	v2 =	vadd.f32 v2, v4;
	v63 =	vadd.f32 v57, v60  }
.Ltmp30:
0x28a: {  	v1 =	vadd.f32 v1, v3;
	v3 =	vadd.f32 v58, v62;
	(pc) =	sbr.rel @p1 .LBB2_66-.Ltmp30, $4  }
0x28b: {  	[tilespmem:s7+$0x11000] =	vst v2;
	v2 =	vadd.f32 v59, v63  }
0x28c: {  	[tilespmem:s7+$0x11010] =	vst v1;
	v1 =	vadd.f32 v61, v3  }
0x28d: {  	[tilespmem:s7+$0x11020] =	vst v2  }
0x28e: {  	[tilespmem:s7+$0x11030] =	vst v1  }
0x28f: {  	_ =	swait.ge [sflag:s22], $0x2000  }
0x290: {  	[sflag:s22] =	ssyncset.done $0x0  }
0x291: {  	[sflag:s22] =	ssyncadd.s32 $0xFFFFE000  }
.LBB2_67:
0x292: {  	s2 =	simm.s32 $0x0  }
0x293: {  	v2 =	vld [tilespmem:s2+$0x11030]  }
0x294: {  	v3 =	vld [tilespmem:s2+$0x11000]  }
0x295: {  	v4 =	vld [tilespmem:s2+$0x11010]  }
0x296: {  	v1 =	vld [tilespmem:s2+$0x11020]  }
0x297: {  	s7 =	simm.s32 $0x100  }
.LBB2_68:
0x298: {  	s9 =	sshra.s32 s7, $0x2;
	p1 =	sne.s32 s7, $0x7F00;
	s7 =	sadd.s32 $0x100, s7;
	v5 =	vmul.f32 $4.999999890e-03, v2  }
.Ltmp31:
0x299: {  	v2 =	vld [tilespmem:s9+$0x11030];
	v6 =	vmul.f32 $4.999999890e-03, v3;
	(pc) =	sbr.rel @p1 .LBB2_68-.Ltmp31, $4  }
0x29a: {  	v3 =	vld [tilespmem:s9+$0x11000];
	v7 =	vmul.f32 $4.999999890e-03, v4;
	[tilespmem:s2+$0x13030] =	vst v5  }
0x29b: {  	v4 =	vld [tilespmem:s9+$0x11010];
	[tilespmem:s2+$0x13000] =	vst v6;
	v5 =	vmul.f32 $4.999999890e-03, v1  }
0x29c: {  	v1 =	vld [tilespmem:s9+$0x11020];
	[tilespmem:s2+$0x13010] =	vst v7  }
0x29d: {  	[tilespmem:s2+$0x13020] =	vst v5;
	s2 =	smov.u32 s9  }
0x29e: {  	v2 =	vmul.f32 $4.999999890e-03, v2  }
0x29f: {  	v3 =	vmul.f32 $4.999999890e-03, v3  }
0x2a0: {  	v4 =	vmul.f32 $4.999999890e-03, v4;
	[tilespmem:s2+$0x13030] =	vst v2  }
0x2a1: {  	[tilespmem:s2+$0x13000] =	vst v3;
	v1 =	vmul.f32 $4.999999890e-03, v1  }
0x2a2: {  	s7 =	sshll.u32 s8, $0xA;
	[tilespmem:s2+$0x13010] =	vst v4  }
0x2a3: {  	s11 =	sadd.s32 s7, s10;
	[tilespmem:s2+$0x13020] =	vst v1  }
0x2a4: {  	[hbm4b:s11+s3] =	stream.linear.scatter [tilespmem:s23], [sflag:$0x7], $0x2000, $0x38;
	[tilespmem:$0x15000] =	vst v63  }
.LBB2_70:
.Ltmp32:
0x2a5: {  	(pc) =	sbr.rel @p0 .LBB2_72-.Ltmp32, $1  }
0x2a6: {  	_ =	sdelay $0x3  }
0x2a7: {  	s0 =	sadd.s32 $0x5, s0  }
0x2a8: {  	s2 =	smulhi.u32 $0x51EB851F, s0;
	_ =	sdelay $0x1  }
0x2a9: {  	s2 =	sshrl.u32 s2, $0x3  }
0x2aa: {  	s7 =	smul.u32 $0x19, s2  }
0x2ab: {  	[tilespmem:s18], [sflag:$0x6] =	stream.indirect.gather [hbm4b:s4+s16], $0x40, s16, s16, $0xb8;
	[tilespmem:$0x15000] =	vst v63  }
.Ltmp33:
0x2ac: {  	s0 =	ssub.s32 s0, s7;
	(pc) =	sbr.rel .LBB2_4-.Ltmp33, $4  }
0x2ad: {  	s2 =	sadd.s32 s6, s2;
	s0 =	sshll.u32 s0, $0xE  }
0x2ae: {  	s2 =	sshll.u32 s2, $0x7;
	s0 =	sadd.s32 s1, s0  }
0x2af: {  	s31 =	sadd.s32 $0x1, s31;
	s0 =	sadd.s32 s2, s0  }
0x2b0: {  	[tilespmem:s12], [sflag:$0x2] =	stream.linear.gather [hbm4b:s0+s3], $0x400, $0x38;
	[tilespmem:$0x15000] =	vst v63  }
.LBB2_16:
0x2b1: {  	p0 =	sne.s32 s8, $0x31  }
.Ltmp34:
0x2b2: {  	_ = 	snop;
	(pc) =	sbr.rel @p0 .LBB2_20-.Ltmp34, $4  }
.Ltmp35:
0x2b3: {  	_ = 	snop;
	(pc) =	sbr.rel @!p0 .LBB2_17-.Ltmp35, $4  }
0x2b4: {  	_ = 	snop  }
0x2b5: {  	_ = 	snop  }
0x2b6: {  	_ = 	snop  }
0x2b7: {  	_ = 	snop  }
.LBB2_32:
0x2b8: {  	p1 =	sne.s32 s11, $0x31  }
.Ltmp36:
0x2b9: {  	_ = 	snop;
	(pc) =	sbr.rel @p1 .LBB2_36-.Ltmp36, $4  }
.Ltmp37:
0x2ba: {  	_ = 	snop;
	(pc) =	sbr.rel @!p1 .LBB2_33-.Ltmp37, $4  }
0x2bb: {  	_ = 	snop  }
0x2bc: {  	_ = 	snop  }
0x2bd: {  	_ = 	snop  }
0x2be: {  	_ = 	snop  }
.LBB2_48:
0x2bf: {  	p0 =	sne.s32 s11, $0x31  }
.Ltmp38:
0x2c0: {  	_ = 	snop;
	(pc) =	sbr.rel @p0 .LBB2_52-.Ltmp38, $4  }
.Ltmp39:
0x2c1: {  	_ = 	snop;
	(pc) =	sbr.rel @!p0 .LBB2_49-.Ltmp39, $4  }
0x2c2: {  	_ = 	snop  }
0x2c3: {  	_ = 	snop  }
0x2c4: {  	_ = 	snop  }
0x2c5: {  	_ = 	snop  }
.LBB2_66:
0x2c6: {  	p1 =	sne.s32 s9, $0x31  }
.Ltmp40:
0x2c7: {  	_ = 	snop;
	(pc) =	sbr.rel @p1 .LBB2_70-.Ltmp40, $4  }
.Ltmp41:
0x2c8: {  	_ = 	snop;
	(pc) =	sbr.rel @!p1 .LBB2_67-.Ltmp41, $4  }
0x2c9: {  	_ = 	snop  }
0x2ca: {  	_ = 	snop  }
0x2cb: {  	_ = 	snop  }
0x2cc: {  	_ = 	snop  }
.LBB2_73:
0x2cd: {  	_ =	sfence.sel $0x180000  }
0x2ce: {  	[bflag:$0x0] =	sbarrier.arrive $0xFFFF  }
0x2cf: {  	_ =	strace $0x9000004A  }
0x2d0: {  	s0 =	stileid.u32;
	[bflag:$0x2] =	sbarrier.arrive $0xFFFF  }
0x2d1: {  	p0 =	sne.s32 s0, $0x0;
	s0 =	rddreg [dreg:$0x3]  }
0x2d2: {  	s0 =	sadd.s32 @!p0 $0x100000, s0  }
0x2d3: {  	[sflag:s0] =	ssyncadd.tile.s32 @!p0 $0x1;
	_ =	shalt  }
.Lfunc_end2:
_tile_overlayer_lowered:
.L_overlay_start_2:
0x2d4: {  	(tag) =	ssettag $0x2  }
0x2d5: {  	s0 =	rddreg [dreg:$0x0];
	s2 =	stileid.u32  }
0x2d6: {  	s1 =	rddreg [dreg:$0x1];
	p0 =	sne.s32 s2, $0x0  }
0x2d7: {  	s3 =	rddreg [dreg:$0x2];
	[bflag:$0x3] =	sbarrier.arrive $0xFFFF;
	s2 =	simm.s32 @!p0 $0x1C08  }
0x2d8: {  	[timem:s3], [sflag:s2] =	dma.local @!p0 [hbm:s0], s1  }
0x2d9: {  	s0 =	simm.s32 @!p0 $0x8  }
0x2da: {  	_ =	swait.ge @!p0 [sflag:s0], s1  }
0x2db: {  	s1 =	ssub.s32 @!p0 $0x0, s1;
	[sflag:s0] =	ssyncset.done @!p0 $0x0  }
0x2dc: {  	[sflag:s0] =	ssyncadd.s32 @!p0 s1  }
0x2dd: {  	[bflag:$0x3] =	sbarrier.arrive $0xFFFF  }
0x2de: {  	_ =	shalt  }

// kernel: sparse-core-data-format-call.cloned.1.call-start
scs
called_computation_lowered:
.L_overlay_start_0:
0x0: {  	s2 =	sld [smem:$0x3FD9]  }
0x1: {  	s3 =	sld [smem:$0x3FFE];
	_ =	sdelay $0x1  }
0x2: {  	s1 =	srdreg.scid  }
0x3: {  	s0 =	sand.u32 $0x1, s1  }
0x4: {  	s18 =	sshll.u32 s0, $0xA;
	s2 =	sadd.s32 s3, s2  }
0x5: {  	s2 =	sadd.s32 s2, s18  }
0x6: {  	[smem:$0x3FC6] =	sst s2  }
0x7: {  	_ = 	snop  }
0x8: {  	s2 =	sld [smem:$0x3FC8];
	(tm) =	ssettm $0x1  }
0x9: {  	s19 =	sld [smem:$0x3FFB];
	_ =	sdelay $0x3  }
0xa: {  	_ =	strace s19  }
0xb: {  	s3 =	sld [smem:$0x3FFC];
	_ =	sdelay $0x3  }
0xc: {  	_ =	strace s3  }
0xd: {  	s3 =	sld [smem:$0x3FFD];
	_ =	sdelay $0x3  }
0xe: {  	_ =	strace s3  }
0xf: {  	_ =	strace $0x8FFFFFFF  }
0x10: {  	s20 =	sld [smem:$0x3FDB];
	_ =	sdelay $0x1  }
0x11: {  	s4 =	simm.s32 $_scs_section_size  }
0x12: {  	s5 =	simm.s32 $_size__tile_overlayer_lowered;
	s6 =	simm.s32 $_tile_overlayer_lowered  }
0x13: {  	s23 =	simm.s32 $0x1BFF;
	s22 =	sshll.u32 s6, $0x1;
	s3 =	sadd.s32 s4, s20  }
0x14: {  	s7 =	simm.s32 $0x0;
	s21 =	sshll.u32 s5, $0x1;
	s5 =	sadd.s32 s22, s3  }
0x15: {  	[timem:s7], [sflag:s23] =	dma.local [hbm:s5], s21  }
0x16: {  	_ =	swait.ge [sflag:s23], s21  }
0x17: {  	s4 =	ssub.s32 $0x0, s21;
	[sflag:s23] =	ssyncset.done $0x0  }
0x18: {  	[sflag:s23] =	ssyncadd.s32 s4;
	_ =	sdelay $0x1  }
0x19: {  	s24 =	simm.s32 $0x1B8B  }
0x1a: {  	_ =	swait.ge [sflag:s24], $0x1  }
0x1b: {  	[sflag:s24] =	ssyncset.done $0x0  }
0x1c: {  	s26 =	simm.s32 $0x1B8E;
	s25 =	sld [smem:$0x3FFE];
	[sflag:s24] =	ssyncadd.s32 $0xFFFFFFFF  }
0x1d: {  	s27 =	simm.s32 $execute0_lowered;
	[smem:$0x3FD2] =	sst s26  }
0x1e: {  	s5 =	sshll.u32 s27, $0x1;
	_ =	strace $0x80000046;
	[dreg:$0x1] =	wrdreg $0xFFFFFFFF  }
0x1f: {  	s28 =	simm.s32 $_size_execute0_lowered;
	s3 =	sadd.s32 s3, s5;
	[dreg:$0x0] =	wrdreg $0x0  }
0x20: {  	s5 =	sshll.u32 s28, $0x1;
	[dreg:$0x2] =	wrdreg s3  }
0x21: {  	[dreg:$0x3] =	wrdreg s5  }
0x22: {  	[dreg:$0x4] =	wrdreg $0xC0  }
0x23: {  	_ =	task [dreg:s7], $0x5FFFF  }
0x24: {  	[dreg:$0x1] =	wrdreg $0xFFFFFFFF  }
0x25: {  	[dreg:$0x0] =	wrdreg $0x60  }
0x26: {  	[dreg:$0x2] =	wrdreg s2  }
0x27: {  	[dreg:$0x3] =	wrdreg s25  }
0x28: {  	[dreg:$0x4] =	wrdreg $0x9  }
0x29: {  	_ =	task.clear_ibuf [dreg:s7], $0x5FFFF;
	_ =	strace $0x90000046  }
0x2a: {  	s29 =	simm.s32 $0x9;
	_ =	strace $0x80000048  }
0x2b: {  	_ =	swait.ge [sflag:s29], $0x1  }
0x2c: {  	[sflag:s29] =	ssyncadd.s32 $0xFFFFFFFF  }
0x2d: {  	_ =	strace $0x90000048  }
0x2e: {  	_ =	sfence  }
0x2f: {  	s30 =	sld [smem:$0x0];
	_ =	sdelay $0x2  }
0x30: {  	s31 =	sshll.u32 s1, $0xD;
	s1 =	sshrl.u32 s1, $0x2  }
0x31: {  	s3 =	sand.u32 $0x4000, s31;
	s1 =	sadd.s32 s1, s30  }
0x32: {  	s0 =	sor.u32 s3, s0;
	s1 =	sshll.u32 s1, $0x11  }
0x33: {  	s0 =	sor.u32 s1, s0  }
0x34: {  	s0 =	sadd.s32 $0x8F2B, s0  }
0x35: {  	[sflag:s0] =	ssyncadd.remote.s32 $0x1  }
0x36: {  	_ =	sfence.sel $0xFFFF  }
0x37: {  	[dreg:$0x0] =	wrdreg $0xFFFFFFFF;
	(pc) =	sbr.abs _section_cstart, $3  }
0x38: {  	[dreg:$0x1] =	wrdreg $0xFFFFFFFF  }
0x39: {  	_ =	task.clear_ibuf [dreg:s7], $0x2FFFF;
	_ =	strace $0x9FFFFFFF  }
0x3a: {  	(tm) =	ssettm $0x7FFFFFFF  }
0x3b: {  	_ =	shalt  }
tec
execute0_lowered:
.L_overlay_start_1:
0x0: {  	(tag) =	ssettag $0x1  }
0x1: {  	s0 =	srdreg.scid;
	s2 =	rddreg [dreg:$0x0]  }
0x2: {  	s5 =	rddreg [dreg:$0x1];
	s1 =	stileid.u32  }
0x3: {  	s4 =	simm.s32 $0x1;
	s6 =	simm.s32 $0x2;
	s15 =	simm.s32 $0x0  }
0x4: {  	p0 =	por $0x0, $0x0;
	s8 =	simm.s32 $0x80;
	s0 =	sshll.u32 s0, $0x4  }
0x5: {  	s14 =	simm.s32 $0x0;
	s9 =	simm.s32 $0x0;
	s3 =	sand.u32 $0x10, s0  }
.Ltmp0:
0x6: {  	s10 =	simm.s32 $0x0;
	s3 =	sor.u32 s1, s3;
	(pc) =	sbr.rel .LBB1_1-.Ltmp0, $4  }
0x7: {  	s0 =	rddreg [dreg:$0x2];
	_ =	strace $0x80000047;
	s3 =	sshll.u32 s3, $0x7  }
0x8: {  	s12 =	simm.s32 $0x0;
	[sflag:s4] =	ssyncpa.u1 $0x0;
	s7 =	ssub.s32 $0xF4200, s3  }
0x9: {  	s13 =	simm.s32 $0x0;
	[sflag:s6] =	ssyncpa.u1 $0x0;
	s6 =	sshrl.u32 s7, $0xC  }
0xa: {  	s5 =	sadd.s32 $0x800, s5;
	s11 =	smov.u32 s3;
	s7 =	sadd.s32 $0x2, s6  }
.LBB1_5:
0xb: {  	p1 =	slt.u32 s13, $0x2  }
0xc: {  	s17 =	smov.u32 s15;
	p2 =	sgt.s32 @!p1 s15, $0xF41C0;
	s16 =	sshra.s32 @!p1 s15, $0x1F  }
0xd: {  	p3 =	sgt.s32 @!p1 s14, $0x40;
	s18 =	sshra.s32 @!p1 s14, $0x1F;
	p2 =	por !p2, p1  }
0xe: {  	s15 =	sand.u32 @!p1 s16, s15;
	p3 =	por !p3, p1;
	s16 =	smov.u32 s14  }
0xf: {  	s14 =	sand.u32 @!p1 s18, s14;
	s17 =	simm.s32 @p2 $0xF41C0;
	s16 =	simm.s32 @p3 $0x40  }
0x10: {  	s15 =	ssub.s32 @!p1 s17, s15;
	s14 =	ssub.s32 @!p1 s16, s14  }
0x11: {  	s18 =	smov.u32 s12;
	s16 =	sadd.s32 @!p1 $0xFFF0BE40, s15;
	s17 =	sadd.s32 @!p1 $0xFFFFFFC0, s14  }
0x12: {  	s15 =	ssub.s32 @!p1 $0xF4240, s15;
	p2 =	sgt.s32 @!p1 s16, $0x7F;
	p3 =	sgt.s32 @!p1 s17, $0x3F  }
0x13: {  	s14 =	ssub.s32 @!p1 $0x80, s14;
	p2 =	por !p2, p1;
	p3 =	por !p3, p1  }
0x14: {  	s16 =	sadd.s32 $0x1000, s11;
	s15 =	simm.s32 @!p2 $0x0;
	s14 =	simm.s32 @!p3 $0x0  }
0x15: {  	p2 =	sgt.s32 s16, $0xF423F;
	s14 =	smul.u32 @!p1 s14, s15;
	s15 =	sadd.s32 $0x40, s12  }
0x16: {  	s18 =	smov.u32 @p2 s15  }
0x17: {  	s16 =	smov.u32 @p2 s3;
	p2 =	sgt.s32 s18, $0x3F  }
0x18: {  	s18 =	simm.s32 @p2 $0x0;
	p2 =	sne.s32 s13, s7  }
.Ltmp1:
0x19: {  	p0 =	por !p0, !p0;
	s17 =	simm.s32 @!p1 $0x2;
	(pc) =	sbr.rel @!p2 .LBB1_6-.Ltmp1, $4  }
0x1a: {  	s15 =	smov.u32 s9;
	s9 =	smov.u32 s11;
	s14 =	sand.u32 @!p1 $0x3FFFFFFF, s14  }
0x1b: {  	s11 =	smov.u32 s16;
	_ =	swait.ge @!p1 [sflag:s17], s14;
	s19 =	ssub.s32 @!p1 $0x0, s14  }
0x1c: {  	s14 =	smov.u32 s10;
	s13 =	sadd.s32 $0x1, s13;
	[sflag:s17] =	ssyncset.done @!p1 $0x0  }
0x1d: {  	s10 =	smov.u32 s12;
	s12 =	smov.u32 s18;
	[sflag:s17] =	ssyncadd.s32 @!p1 s19  }
.LBB1_1:
0x1e: {  	p1 =	sgt.u32 s13, s6  }
0x1f: {  	s16 =	sshrl.u32 @!p1 s12, $0x3  }
0x20: {  	s17 =	sshll.u32 @!p1 s11, $0x3;
	s16 =	smul.u32 @!p1 $0x7A1400, s16  }
0x21: {  	s18 =	sshll.u32 @!p1 s12, $0x7;
	s17 =	sand.u32 @!p1 $0xFFFFFC00, s17  }
0x22: {  	s16 =	sadd.s32 @!p1 s16, s17;
	s17 =	sand.u32 @!p1 $0x380, s18  }
0x23: {  	s18 =	sand.u32 @!p1 $0x7F, s11;
	s16 =	sor.u32 @!p1 s17, s16  }
0x24: {  	s17 =	sor.u32 @!p1 s18, s16  }
0x25: {  	s18 =	smulhi.u32 @!p1 $0x218D6287, s17;
	_ =	sdelay $0x1  }
0x26: {  	s16 =	smulhi.u32 @!p1 $0x218D6287, s16;
	s18 =	sshrl.u32 @!p1 s18, $0x11  }
0x27: {  	s18 =	smul.u32 @!p1 $0xF4280, s18  }
0x28: {  	s19 =	sxor.u32 @!p1 $0xFFFFFFFF, s13;
	s16 =	sshrl.u32 @!p1 s16, $0x11  }
0x29: {  	s19 =	sshll.u32 @!p1 s19, $0xD;
	s16 =	sand.u32 @!p1 $0x3F, s16;
	s17 =	ssub.s32 @!p1 s17, s18  }
0x2a: {  	s16 =	smul.u32 @!p1 $0x1E850, s16;
	s18 =	sshrl.u32 @!p1 s17, $0x3;
	s17 =	sand.u32 @!p1 $0x7, s17  }
0x2b: {  	s19 =	sand.u32 @!p1 $0x2000, s19;
	s18 =	sadd.s32 @!p1 s2, s18;
	s17 =	sshll.u32 @!p1 s17, $0x12  }
0x2c: {  	s16 =	sadd.s32 @!p1 s16, s18;
	s17 =	sor.u32 @!p1 $0x400, s17;
	s18 =	simm.s32 @!p1 $0x7A1400  }
0x2d: {  	[tilespmem:s19], [sflag:$0x1] =	stream.strided.gather @!p1 [hbm4b:s16+s17], $0x2000, s18, s17, $0x38;
	[tilespmem:$0x8100] =	vst v63  }
0x2e: {  	p1 =	seq.s32 s13, $0x0  }
0x2f: {  	p2 =	sge.u32 @!p1 s13, s7  }
0x30: {  	p1 =	por p1, p2  }
.Ltmp2:
0x31: {  	_ = 	snop;
	(pc) =	sbr.rel @p1 .LBB1_5-.Ltmp2, $1  }
0x32: {  	_ =	sdelay $0x3  }
0x33: {  	s16 =	simm.s32 $0x1  }
0x34: {  	_ =	swait.ge [sflag:s4], $0x2000;
	s16 =	simm.s32 @!p0 $0x0  }
0x35: {  	[sflag:s4] =	ssyncset.done $0x0;
	s17 =	sshll.u32 s16, $0xD  }
0x36: {  	[sflag:s4] =	ssyncadd.s32 $0xFFFFE000;
	s17 =	sor.u32 $0x40, s17  }
0x37: {  	s16 =	smul.u32 $0x8200, s16;
	v0 =	vld [tilespmem:s17+$0x30]  }
0x38: {  	v1 =	vld [tilespmem:s17+$0xFFFFFFD0]  }
0x39: {  	s16 =	sshrl.u32 s16, $0x2;
	v5 =	vld [tilespmem:s17+$0xFFFFFFE0]  }
0x3a: {  	v6 =	vld [tilespmem:s17+$0xFFFFFFF0];
	s19 =	sor.u32 $0x4000, s16  }
0x3b: {  	s31 =	sand.u32 $0x1, s13;
	v4 =	vld [tilespmem:s17+$0x0];
	s18 =	sadd.s32 $0x0, s19  }
0x3c: {  	v3 =	vld [tilespmem:s17+$0x10];
	s16 =	smul.u32 $0x8200, s31;
	[tilespmem:s18+$0x1C70 ss:$0x41] =	vst.msk $0xffff, v0  }
0x3d: {  	v2 =	vld [tilespmem:s17+$0x20];
	[tilespmem:s18+$0x410 ss:$0x41] =	vst.msk $0xffff, v1  }
0x3e: {  	s16 =	sshrl.u32 s16, $0x2;
	v1 =	vld [tilespmem:s17+$0xFFFFFFC0];
	[tilespmem:s18+$0x820 ss:$0x41] =	vst.msk $0xffff, v5;
	s17 =	sadd.s32 $0x80, s17  }
0x3f: {  	s20 =	simm.s32 $0x4;
	s21 =	simm.s32 $0x8;
	s16 =	sor.u32 $0x4000, s16;
	[tilespmem:s18+$0xC30 ss:$0x41] =	vst.msk $0xffff, v6;
	v0 =	vld [tilespmem:s17+$0x30]  }
.LBB1_3:
0x40: {  	p1 =	sne.s32 s21, $0xFC;
	v5 =	vld [tilespmem:s17+$0xFFFFFFD0];
	[tilespmem:s18+$0x1040 ss:$0x41] =	vst.msk $0xffff, v4  }
0x41: {  	v6 =	vld [tilespmem:s17+$0xFFFFFFE0];
	[tilespmem:s18+$0x1450 ss:$0x41] =	vst.msk $0xffff, v3  }
0x42: {  	s22 =	sshra.s32 s20, $0x2;
	s20 =	smov.u32 s21;
	v7 =	vld [tilespmem:s17+$0xFFFFFFF0];
	[tilespmem:s18+$0x1860 ss:$0x41] =	vst.msk $0xffff, v2  }
.Ltmp3:
0x43: {  	v4 =	vld [tilespmem:s17+$0x0];
	[tilespmem:s18+$0x0 ss:$0x41] =	vst.msk $0xffff, v1;
	s18 =	sadd.s32 s22, s19;
	(pc) =	sbr.rel @p1 .LBB1_3-.Ltmp3, $4  }
0x44: {  	v3 =	vld [tilespmem:s17+$0x10];
	[tilespmem:s18+$0x1C70 ss:$0x41] =	vst.msk $0xffff, v0  }
0x45: {  	[tilespmem:s18+$0x410 ss:$0x41] =	vst.msk $0xffff, v5;
	v2 =	vld [tilespmem:s17+$0x20]  }
0x46: {  	v1 =	vld [tilespmem:s17+$0xFFFFFFC0];
	[tilespmem:s18+$0x820 ss:$0x41] =	vst.msk $0xffff, v6;
	s17 =	sadd.s32 $0x80, s17  }
0x47: {  	s21 =	sadd.s32 $0x4, s21;
	v0 =	vld [tilespmem:s17+$0x30];
	[tilespmem:s18+$0xC30 ss:$0x41] =	vst.msk $0xffff, v7  }
0x48: {  	s21 =	sshll.u32 s9, $0x7;
	s22 =	sshll.u32 s10, $0x3;
	s20 =	sshra.s32 s20, $0x2  }
0x49: {  	p1 =	sgt.s32 s9, $0xF41C0;
	s30 =	sshra.s32 s9, $0x1F;
	s25 =	sshra.s32 s10, $0x1F  }
0x4a: {  	v5 =	vld [tilespmem:s17+$0xFFFFFFD0];
	s28 =	sshrl.u32 s10, $0x3;
	s23 =	sand.u32 $0xFFFFFC00, s21;
	s22 =	sand.u32 $0xFFFFFC00, s22  }
0x4b: {  	[tilespmem:s18+$0x1040 ss:$0x41] =	vst.msk $0xffff, v4;
	v58 =	vld [tilespmem:s17+$0xFFFFFFE0];
	s21 =	sand.u32 $0x380, s21;
	s19 =	sadd.s32 s20, s19;
	s22 =	sadd.s32 s22, s23  }
0x4c: {  	v59 =	vld [tilespmem:s17+$0xFFFFFFF0];
	[tilespmem:s18+$0x1450 ss:$0x41] =	vst.msk $0xffff, v3;
	s29 =	sor.u32 s21, s22;
	s21 =	smov.u32 s9;
	s22 =	sand.u32 s30, s9  }
0x4d: {  	v60 =	vld [tilespmem:s17+$0x0];
	[tilespmem:s18+$0x1860 ss:$0x41] =	vst.msk $0xffff, v2;
	s30 =	sand.u32 $0x7, s10;
	s20 =	sshrl.u32 s29, $0x7;
	s21 =	simm.s32 @!p1 $0xF41C0  }
0x4e: {  	v61 =	vld [tilespmem:s17+$0x10];
	[tilespmem:s18+$0x0 ss:$0x41] =	vst.msk $0xffff, v1;
	p1 =	sgt.s32 s10, $0x40;
	s24 =	ssub.s32 s21, s22;
	s21 =	smov.u32 s10  }
0x4f: {  	v62 =	vld [tilespmem:s17+$0x20];
	[tilespmem:s19+$0x1C70 ss:$0x41] =	vst.msk $0xffff, v0;
	s31 =	smulhi.u32 $0x218DEF5, s20;
	s22 =	sand.u32 s25, s10;
	s21 =	simm.s32 @!p1 $0x40  }
0x50: {  	v63 =	vld [tilespmem:s17+$0xFFFFFFC0];
	[tilespmem:s19+$0x410 ss:$0x41] =	vst.msk $0xffff, v5;
	s26 =	sadd.s32 $0xFFF0BE40, s24;
	s17 =	ssub.s32 $0xF4240, s24;
	s21 =	ssub.s32 s21, s22  }
0x51: {  	[tilespmem:s19+$0x820 ss:$0x41] =	vst.msk $0xffff, v58;
	s23 =	sshrl.u32 s31, $0xD;
	p1 =	sgt.s32 s26, $0x7F;
	s27 =	sadd.s32 $0xFFFFFFC0, s21  }
0x52: {  	[tilespmem:s19+$0xC30 ss:$0x41] =	vst.msk $0xffff, v59;
	s23 =	smul.u32 $0xF4240, s23;
	s18 =	ssub.s32 $0x80, s21;
	p2 =	sgt.s32 s27, $0x3F  }
.Ltmp4:
0x53: {  	[tilespmem:s19+$0x1040 ss:$0x41] =	vst.msk $0xffff, v60;
	s17 =	simm.s32 @p1 $0x0;
	s18 =	simm.s32 @p2 $0x0;
	(pc) =	sbr.rel .LBB1_5-.Ltmp4, $4  }
0x54: {  	s29 =	sand.u32 $0xF, s28;
	[tilespmem:s19+$0x1450 ss:$0x41] =	vst.msk $0xffff, v61;
	s20 =	ssub.s32 s20, s23;
	s17 =	smul.u32 s18, s17  }
0x55: {  	[tilespmem:s19+$0x1860 ss:$0x41] =	vst.msk $0xffff, v62;
	s21 =	sshll.u32 s30, $0x12;
	s20 =	sshll.u32 s20, $0x4;
	s18 =	sadd.s32 s5, s29  }
0x56: {  	[tilespmem:s19+$0x0 ss:$0x41] =	vst.msk $0xffff, v63;
	s31 =	sor.u32 $0x40, s21;
	s18 =	sadd.s32 s20, s18;
	s17 =	sand.u32 $0x3FFFFFFF, s17  }
0x57: {  	[hbm4b:s18+s31] =	stream.strided.scatter [tilespmem:s16], [sflag:$0x2], s17, s8, s31, $0x18;
	[tilespmem:$0x8100] =	vst v63  }
.LBB1_6:
0x58: {  	_ =	sfence.sel $0x180000  }
0x59: {  	s2 =	simm.s32 $0x1;
	[bflag:$0x0] =	sbarrier.arrive $0xFFFF  }
0x5a: {  	s31 =	simm.s32 $0x2;
	[sflag:s2] =	ssyncpa.u1 $0x1  }
0x5b: {  	[sflag:s31] =	ssyncpa.u1 $0x1  }
0x5c: {  	p0 =	sne.s32 s1, $0x0;
	_ =	strace $0x90000047  }
0x5d: {  	s0 =	sadd.s32 @!p0 $0x100000, s0;
	[bflag:$0x2] =	sbarrier.arrive $0xFFFF  }
0x5e: {  	[sflag:s0] =	ssyncadd.tile.s32 @!p0 $0x1;
	_ =	shalt  }
.Lfunc_end1:
_tile_overlayer_lowered:
.L_overlay_start_2:
0x5f: {  	(tag) =	ssettag $0x2  }
0x60: {  	s0 =	rddreg [dreg:$0x0];
	s2 =	stileid.u32  }
0x61: {  	s1 =	rddreg [dreg:$0x1];
	p0 =	sne.s32 s2, $0x0  }
0x62: {  	s3 =	rddreg [dreg:$0x2];
	[bflag:$0x3] =	sbarrier.arrive $0xFFFF;
	s2 =	simm.s32 @!p0 $0x1C01  }
0x63: {  	[timem:s3], [sflag:s2] =	dma.local @!p0 [hbm:s0], s1  }
0x64: {  	s0 =	simm.s32 @!p0 $0x1  }
0x65: {  	_ =	swait.ge @!p0 [sflag:s0], s1  }
0x66: {  	s1 =	ssub.s32 @!p0 $0x0, s1;
	[sflag:s0] =	ssyncset.done @!p0 $0x0  }
0x67: {  	[sflag:s0] =	ssyncadd.s32 @!p0 s1  }
0x68: {  	[bflag:$0x3] =	sbarrier.arrive $0xFFFF  }
0x69: {  	_ =	shalt  }

</sc_bundles>
